<compile_context>
chip_gen: v7x
topology: tpu7x:2x2x1
jax: 0.10.2.dev20260603
libtpu: 0.0.44.dev20260713+nightly
codegen_flags: <defaults>
</compile_context>

<pallas_src>
import jax
import jax.numpy as jnp
from jax import lax
from jax.experimental import pallas as pl
from jax.experimental.pallas import tpu as pltpu
from jax.experimental.pallas import tpu_sc as plsc

H = 128
HA = 144
NC = 2
NS = 16
NW = NC * NS
CH = 100

NEG_SLOPE = (1.0 / 8.0 + 1.0 / 3.0) / 2.0



def _norm_body(x_ref, wl_ref, o_ref, lm_ref):
    x = x_ref[...]
    nrm = jnp.sqrt(jnp.sum(x * x, axis=1, keepdims=True))
    xn = x / jnp.maximum(nrm, 1e-12)
    o_ref[...] = jnp.concatenate(
        [xn, jnp.ones((xn.shape[0], HA - H), jnp.float32)], axis=1)
    dn = (((1,), (0,)), ((), ()))
    lm_ref[...] = lax.dot_general(xn, wl_ref[...], dn,
                                  preferred_element_type=jnp.float32)


def _normalize_rows(x, wl):
    n, h = x.shape
    blk = 2000
    return pl.pallas_call(
        _norm_body,
        out_shape=(jax.ShapeDtypeStruct((n, HA), jnp.float32),
                   jax.ShapeDtypeStruct((n, H), jnp.float32)),
        grid=(n // blk,),
        in_specs=[pl.BlockSpec((blk, h), lambda i: (i, 0)),
                  pl.BlockSpec((H, H), lambda i: (0, 0))],
        out_specs=(pl.BlockSpec((blk, HA), lambda i: (i, 0)),
                   pl.BlockSpec((blk, H), lambda i: (i, 0))),
    )(x, wl)



NP = 10000
RP = 400
NB = 5
BC = 20
IB = 10


def _sc_pass1_body(src_hbm, dst_hbm, et_hbm, haug_hbm, z_hbm, a_out, r_out,
                   sh_a, sh_r, sidx0, sidx1, didx0, didx1, eidx0, eidx1,
                   rows0, rows1,
                   isem, gsem0, gsem1, asem0, asem1, rsem0, rsem1):
    cid = lax.axis_index("c")
    sid = lax.axis_index("s")
    wid = sid * NC + cid

    rows = (rows0, rows1)
    gsem = (gsem0, gsem1)
    asem = (asem0, asem1)
    rsem = (rsem0, rsem1)
    ib0 = (sidx0, didx0, eidx0)
    ib1 = (sidx1, didx1, eidx1)
    hbm = (src_hbm, dst_hbm, et_hbm)

    def idxrow(j, i):
        return (ib0 if i < IB else ib1)[j].at[i % IB]

    za = pltpu.async_copy(z_hbm.at[pl.ds(sid * (NP // NS), NP // NS)],
                          sh_a.at[pl.ds(sid * (NP // NS), NP // NS)], asem0)
    zr = pltpu.async_copy(z_hbm.at[pl.ds(0, RP // NS)],
                          sh_r.at[pl.ds(sid * (RP // NS), RP // NS)], rsem0)

    for j in range(3):
        pltpu.sync_copy(hbm[j].at[pl.ds(wid * NB * BC, IB)], ib0[j])
    za.wait()
    zr.wait()
    plsc.subcore_barrier()
    pltpu.async_copy(haug_hbm.at[ib0[0].at[0]], rows0, gsem0)

    nrows_total = 320000 // CH

    def block(t, _):
        base = (wid * NB + t) * BC
        nxt = jnp.minimum((wid * NB + t + 1) * BC, nrows_total - IB)
        i1d = [pltpu.async_copy(hbm[j].at[pl.ds(base + IB, IB)], ib1[j],
                                isem) for j in range(3)]
        n0d = None
        gd = [None, None]
        sd = [None, None]
        gd[0] = pltpu.make_async_copy(haug_hbm.at[idxrow(0, 0)], rows[0],
                                      gsem[0])
        for i in range(BC):
            b = i % 2
            if i + 1 < BC:
                nb = 1 - b
                if i >= 1:
                    sd[nb][0].wait()
                    sd[nb][1].wait()
                if i + 1 == IB:
                    for d in i1d:
                        d.wait()
                gd[nb] = pltpu.async_copy(haug_hbm.at[idxrow(0, i + 1)],
                                          rows[nb], gsem[nb])
            gd[b].wait()
            if i == IB - 1:
                n0d = [pltpu.async_copy(hbm[j].at[pl.ds(nxt, IB)], ib0[j],
                                        isem) for j in range(3)]
            sd[b] = (
                pltpu.async_copy(rows[b], sh_a.at[idxrow(1, i)], asem[b],
                                 add=True),
                pltpu.async_copy(rows[b], sh_r.at[idxrow(2, i)], rsem[b],
                                 add=True),
            )
        sd[0][0].wait(); sd[0][1].wait()
        for d in n0d:
            d.wait()
        pltpu.async_copy(haug_hbm.at[idxrow(0, 0)], rows[0], gsem[0])
        sd[1][0].wait(); sd[1][1].wait()
        return 0
    lax.fori_loop(0, NB, block, 0)

    pltpu.make_async_copy(haug_hbm.at[ib0[0].at[0]], rows0, gsem0).wait()
    plsc.subcore_barrier()

    pltpu.sync_copy(sh_a.at[pl.ds(sid * (NP // NS), NP // NS)],
                    a_out.at[cid, pl.ds(sid * (NP // NS), NP // NS)])
    pltpu.sync_copy(sh_r.at[pl.ds(sid * (RP // NS), RP // NS)],
                    r_out.at[cid, pl.ds(sid * (RP // NS), RP // NS)])


def _sc_pass1(src, dst, et, haug, zeros):
    mesh = plsc.VectorSubcoreMesh(core_axis_name="c", subcore_axis_name="s",
                                  num_cores=NC, num_subcores=NS)
    return pl.kernel(
        _sc_pass1_body,
        out_type=(jax.ShapeDtypeStruct((NC, NP, HA), jnp.float32),
                  jax.ShapeDtypeStruct((NC, RP, HA), jnp.float32)),
        mesh=mesh,
        scratch_types=[
            pltpu.VMEM_SHARED((NP, HA), jnp.float32),
            pltpu.VMEM_SHARED((RP, HA), jnp.float32),
            pltpu.VMEM((IB, CH), jnp.int32),
            pltpu.VMEM((IB, CH), jnp.int32),
            pltpu.VMEM((IB, CH), jnp.int32),
            pltpu.VMEM((IB, CH), jnp.int32),
            pltpu.VMEM((IB, CH), jnp.int32),
            pltpu.VMEM((IB, CH), jnp.int32),
            pltpu.VMEM((CH, HA), jnp.float32),
            pltpu.VMEM((CH, HA), jnp.float32),
            pltpu.SemaphoreType.DMA,
            pltpu.SemaphoreType.DMA,
            pltpu.SemaphoreType.DMA,
            pltpu.SemaphoreType.DMA,
            pltpu.SemaphoreType.DMA,
            pltpu.SemaphoreType.DMA,
            pltpu.SemaphoreType.DMA,
        ],
        compiler_params=pltpu.CompilerParams(use_tc_tiling_on_sc=False),
    )(src, dst, et, haug, zeros)



def _sc_pass2_body(dst_hbm, et_hbm, rel_hbm, z_hbm, b_out,
                   sh_b, sh_t, didx0, didx1, eidx0, eidx1, rows0, rows1,
                   isem, gsem0, gsem1, asem0, asem1):
    cid = lax.axis_index("c")
    sid = lax.axis_index("s")
    wid = sid * NC + cid

    rows = (rows0, rows1)
    gsem = (gsem0, gsem1)
    asem = (asem0, asem1)
    ib0 = (didx0, eidx0)
    ib1 = (didx1, eidx1)
    hbm = (dst_hbm, et_hbm)

    def idxrow(j, i):
        return (ib0 if i < IB else ib1)[j].at[i % IB]

    zt = pltpu.async_copy(rel_hbm.at[pl.ds(sid * (RP // NS), RP // NS)],
                          sh_t.at[pl.ds(sid * (RP // NS), RP // NS)], gsem0)
    zb = pltpu.async_copy(z_hbm.at[pl.ds(sid * (NP // NS), NP // NS)],
                          sh_b.at[pl.ds(sid * (NP // NS), NP // NS)], asem0)

    for j in range(2):
        pltpu.sync_copy(hbm[j].at[pl.ds(wid * NB * BC, IB)], ib0[j])
    zt.wait()
    zb.wait()
    plsc.subcore_barrier()
    pltpu.async_copy(sh_t.at[ib0[1].at[0]], rows0, gsem0)

    nrows_total = 320000 // CH

    def block(t, _):
        base = (wid * NB + t) * BC
        nxt = jnp.minimum((wid * NB + t + 1) * BC, nrows_total - IB)
        i1d = [pltpu.async_copy(hbm[j].at[pl.ds(base + IB, IB)], ib1[j],
                                isem) for j in range(2)]
        n0d = None
        gd = [None, None]
        sd = [None, None]
        gd[0] = pltpu.make_async_copy(sh_t.at[idxrow(1, 0)], rows[0],
                                      gsem[0])
        for i in range(BC):
            b = i % 2
            if i + 1 < BC:
                nb = 1 - b
                if i >= 1:
                    sd[nb].wait()
                if i + 1 == IB:
                    for d in i1d:
                        d.wait()
                gd[nb] = pltpu.async_copy(sh_t.at[idxrow(1, i + 1)],
                                          rows[nb], gsem[nb])
            gd[b].wait()
            if i == IB - 1:
                n0d = [pltpu.async_copy(hbm[j].at[pl.ds(nxt, IB)], ib0[j],
                                        isem) for j in range(2)]
            sd[b] = pltpu.async_copy(rows[b], sh_b.at[idxrow(0, i)],
                                     asem[b], add=True)
        sd[0].wait()
        for d in n0d:
            d.wait()
        pltpu.async_copy(sh_t.at[idxrow(1, 0)], rows[0], gsem[0])
        sd[1].wait()
        return 0
    lax.fori_loop(0, NB, block, 0)

    pltpu.make_async_copy(sh_t.at[ib0[1].at[0]], rows0, gsem0).wait()
    plsc.subcore_barrier()
    pltpu.sync_copy(sh_b.at[pl.ds(sid * (NP // NS), NP // NS)],
                    b_out.at[cid, pl.ds(sid * (NP // NS), NP // NS)])


def _sc_pass2(dst, et, rel_ev, zeros):
    mesh = plsc.VectorSubcoreMesh(core_axis_name="c", subcore_axis_name="s",
                                  num_cores=NC, num_subcores=NS)
    return pl.kernel(
        _sc_pass2_body,
        out_type=jax.ShapeDtypeStruct((NC, NP, H), jnp.float32),
        mesh=mesh,
        scratch_types=[
            pltpu.VMEM_SHARED((NP, H), jnp.float32),
            pltpu.VMEM_SHARED((RP, H), jnp.float32),
            pltpu.VMEM((IB, CH), jnp.int32),
            pltpu.VMEM((IB, CH), jnp.int32),
            pltpu.VMEM((IB, CH), jnp.int32),
            pltpu.VMEM((IB, CH), jnp.int32),
            pltpu.VMEM((CH, H), jnp.float32),
            pltpu.VMEM((CH, H), jnp.float32),
            pltpu.SemaphoreType.DMA,
            pltpu.SemaphoreType.DMA,
            pltpu.SemaphoreType.DMA,
            pltpu.SemaphoreType.DMA,
            pltpu.SemaphoreType.DMA,
        ],
        compiler_params=pltpu.CompilerParams(use_tc_tiling_on_sc=False),
    )(dst, et, rel_ev, zeros)



def _gru_body(emb_ref, r_ref, wih_ref, whh_ref, bih_ref, bhh_ref,
              o_ref):
    emb = emb_ref[...]
    r0 = r_ref[0]
    r1 = r_ref[1]
    rel_sum = r0[:, :H] + r1[:, :H]
    cnt = r0[:, H:H + 1] + r1[:, H:H + 1]
    x_mean = rel_sum / jnp.maximum(cnt, 1.0)

    wih = wih_ref[...]
    whh = whh_ref[...]
    dn = (((1,), (1,)), ((), ()))
    gi = (lax.dot_general(emb, wih[:, :H], dn,
                          preferred_element_type=jnp.float32)
          + lax.dot_general(x_mean, wih[:, H:], dn,
                            preferred_element_type=jnp.float32)
          + bih_ref[...])
    gh = lax.dot_general(emb, whh, dn,
                         preferred_element_type=jnp.float32) + bhh_ref[...]
    r = jax.nn.sigmoid(gi[:, :H] + gh[:, :H])
    z = jax.nn.sigmoid(gi[:, H:2 * H] + gh[:, H:2 * H])
    n = jnp.tanh(gi[:, 2 * H:] + r * gh[:, 2 * H:])
    o_ref[...] = (1.0 - z) * n + z * emb


def _gru(emb_rel, r, w_ih, w_hh, b_ih, b_hh):
    return pl.pallas_call(
        _gru_body,
        out_shape=jax.ShapeDtypeStruct(emb_rel.shape, jnp.float32),
    )(emb_rel, r, w_ih, w_hh, b_ih.reshape(1, -1), b_hh.reshape(1, -1))



def _final_body(a_ref, b_ref, haug_ref, lm_ref, wn_ref,
                wt_ref, bt_ref, o_ref):
    a0 = a_ref[0]
    a1 = a_ref[1]
    h = haug_ref[:, :H]
    asub = (a0[:, :H] + a1[:, :H]) - (b_ref[0] + b_ref[1])
    deg = a0[:, H:H + 1] + a1[:, H:H + 1]
    dn = (((1,), (0,)), ((), ()))
    agg = lax.dot_general(asub, wn_ref[...], dn,
                          preferred_element_type=jnp.float32)
    agg = agg / jnp.maximum(deg, 1.0)
    pre = agg + lm_ref[...]
    cur = jnp.where(pre >= 0, pre, NEG_SLOPE * pre)
    nrm = jnp.sqrt(jnp.sum(cur * cur, axis=1, keepdims=True))
    cur = cur / jnp.maximum(nrm, 1e-12)
    tw = jax.nn.sigmoid(
        lax.dot_general(cur, wt_ref[...], dn,
                        preferred_element_type=jnp.float32) + bt_ref[...])
    o_ref[...] = tw * cur + (1.0 - tw) * h


def _final(a, b, haug, lm, w_n, w_t, b_t):
    n = haug.shape[0]
    blk = 2000
    w_spec = pl.BlockSpec((H, H), lambda i: (0, 0))
    return pl.pallas_call(
        _final_body,
        out_shape=jax.ShapeDtypeStruct((n, H), jnp.float32),
        grid=(n // blk,),
        in_specs=[
            pl.BlockSpec((NC, blk, HA), lambda i: (0, i, 0)),
            pl.BlockSpec((NC, blk, H), lambda i: (0, i, 0)),
            pl.BlockSpec((blk, HA), lambda i: (i, 0)),
            pl.BlockSpec((blk, H), lambda i: (i, 0)),
            w_spec, w_spec,
            pl.BlockSpec((1, H), lambda i: (0, 0)),
        ],
        out_specs=pl.BlockSpec((blk, H), lambda i: (i, 0)),
    )(a, b, haug, lm, w_n, w_t, b_t.reshape(1, -1))



def kernel(edge_index, edge_type, dynamic_emb, emb_rel, weight_neighbor,
           loop_weight, time_gate_weight, time_gate_bias, W_ih, W_hh,
           b_ih, b_hh):
    src = edge_index[0].reshape(-1, CH)
    dst = edge_index[1].reshape(-1, CH)
    et = edge_type.reshape(-1, CH)

    haug, lm = _normalize_rows(dynamic_emb, loop_weight)
    zeros = jnp.zeros((NP, HA), jnp.float32)
    a, r = _sc_pass1(src, dst, et, haug, zeros)
    rel_ev = _gru(emb_rel, r, W_ih, W_hh, b_ih, b_hh)
    b = _sc_pass2(dst, et, rel_ev, zeros[:, :H])
    return _final(a, b, haug, lm, weight_neighbor, time_gate_weight,
                  time_gate_bias)

# --- scband reference (transcript-rebuilt; emitter-appended) ---
"""Pipeline reference for scband-recurrent-rgcn-48215302865400 (READ-ONLY COPY).

The authoritative reference and input builder live on the scoring server;
editing this copy changes nothing except your own understanding.
"""

import jax, jax.numpy as jnp
import numpy as np

NUM_ENTS = 10000
NUM_RELS = 200
H = 128
E = 320000


def setup_inputs(seed: int = 0):
    key = jax.random.key(seed)
    ks = jax.random.split(key, 12)
    s = 1.0 / np.sqrt(H)
    inp = {}
    inp['edge_index'] = jax.random.randint(ks[0], (2, E), 0, NUM_ENTS)
    inp['edge_type'] = jax.random.randint(ks[1], (E,), 0, 2 * NUM_RELS)
    inp['dynamic_emb'] = jax.random.normal(ks[2], (NUM_ENTS, H), dtype=jnp.float32)
    inp['emb_rel'] = jax.random.normal(ks[3], (2 * NUM_RELS, H), dtype=jnp.float32) * s
    inp['weight_neighbor'] = jax.random.normal(ks[4], (H, H), dtype=jnp.float32) * s
    inp['loop_weight'] = jax.random.normal(ks[5], (H, H), dtype=jnp.float32) * s
    inp['time_gate_weight'] = jax.random.normal(ks[6], (H, H), dtype=jnp.float32) * s
    inp['time_gate_bias'] = jnp.zeros((H,), dtype=jnp.float32)
    inp['W_ih'] = jax.random.normal(ks[7], (3 * H, 2 * H), dtype=jnp.float32) * s
    inp['W_hh'] = jax.random.normal(ks[8], (3 * H, H), dtype=jnp.float32) * s
    inp['b_ih'] = jnp.zeros((3 * H,), dtype=jnp.float32)
    inp['b_hh'] = jnp.zeros((3 * H,), dtype=jnp.float32)
    return inp


def _normalize(x):
    return x / jnp.maximum(jnp.linalg.norm(x, axis=-1, keepdims=True), 1e-12)


def reference(edge_index, edge_type, dynamic_emb, emb_rel, weight_neighbor, loop_weight, time_gate_weight, time_gate_bias, W_ih, W_hh, b_ih, b_hh):
    num_ents = dynamic_emb.shape[0]
    num_rel2 = emb_rel.shape[0]
    src = edge_index[0]
    dst = edge_index[1]

    # self.h = F.normalize(self.dynamic_emb) (layer_norm=True)
    h = _normalize(dynamic_emb)

    # relation evolution: per-relation mean of embeddings of incident entities
    # (mirrors the r_to_e / r_len / uniq_r per-relation mean loop)
    ones = jnp.ones((src.shape[0],), dtype=jnp.float32)
    rel_sums = jax.ops.segment_sum(h[src], edge_type, num_segments=num_rel2)
    rel_cnts = jax.ops.segment_sum(ones, edge_type, num_segments=num_rel2)
    x_mean = rel_sums / jnp.maximum(rel_cnts, 1.0)[:, None]
    # i == 0 path: x_input = cat(emb_rel, x_mean); GRUCell(x_input, emb_rel)
    x_input = jnp.concatenate([emb_rel, x_mean], axis=1)
    gi = x_input @ W_ih.T + b_ih
    gh = emb_rel @ W_hh.T + b_hh
    i_r, i_z, i_n = jnp.split(gi, 3, axis=1)
    h_r, h_z, h_n = jnp.split(gh, 3, axis=1)
    r = jax.nn.sigmoid(i_r + h_r)
    z = jax.nn.sigmoid(i_z + h_z)
    n = jnp.tanh(i_n + r * h_n)
    r_emb = (1.0 - z) * n + z * emb_rel  # evolved relation embedding h_0

    # UnionRGCNLayer (opn='sub'): msg = (h_src - rel[etype]) @ weight_neighbor
    msg = (h[src] - r_emb[edge_type]) @ weight_neighbor
    agg = jax.ops.segment_sum(msg, dst, num_segments=num_ents)
    in_deg = jax.ops.segment_sum(ones, dst, num_segments=num_ents)
    agg = agg / jnp.maximum(in_deg, 1.0)[:, None]
    # self loop
    loop_msg = h @ loop_weight
    pre = agg + loop_msg
    # F.rrelu in eval mode == leaky relu with slope (1/8 + 1/3)/2
    neg_slope = (1.0 / 8.0 + 1.0 / 3.0) / 2.0
    cur_h = jnp.where(pre >= 0, pre, neg_slope * pre)
    cur_h = _normalize(cur_h)  # layer_norm

    # time gate recurrence
    tw = jax.nn.sigmoid(cur_h @ time_gate_weight + time_gate_bias)
    h_out = tw * cur_h + (1.0 - tw) * h
    return h_out

if __name__ == "__main__":
    import jax
    _d = setup_inputs()
    print(jax.jit(kernel)(*tuple(_d.values())))

</pallas_src>

<mosaic_0001>
#map = affine_map<(d0, d1) -> (0, 0)>
#map1 = affine_map<(d0, d1) -> (0, 0, 0)>
module attributes {stable_mosaic.version = 14 : i64} {
  func.func @_sc_pass1_body(%arg0: i32, %arg1: i32, %arg2: memref<3200x100xi32, #tpu.memory_space<hbm>>, %arg3: memref<3200x100xi32, #tpu.memory_space<hbm>>, %arg4: memref<3200x100xi32, #tpu.memory_space<hbm>>, %arg5: memref<10000x144xf32, #tpu.memory_space<hbm>>, %arg6: memref<10000x144xf32, #tpu.memory_space<hbm>>, %arg7: memref<2x10000x144xf32, #tpu.memory_space<hbm>>, %arg8: memref<2x400x144xf32, #tpu.memory_space<hbm>>, %arg9: memref<10000x144xf32, #tpu.memory_space<vmem_shared>>, %arg10: memref<400x144xf32, #tpu.memory_space<vmem_shared>>, %arg11: memref<10x100xi32, #tpu.memory_space<vmem>>, %arg12: memref<10x100xi32, #tpu.memory_space<vmem>>, %arg13: memref<10x100xi32, #tpu.memory_space<vmem>>, %arg14: memref<10x100xi32, #tpu.memory_space<vmem>>, %arg15: memref<10x100xi32, #tpu.memory_space<vmem>>, %arg16: memref<10x100xi32, #tpu.memory_space<vmem>>, %arg17: memref<100x144xf32, #tpu.memory_space<vmem>>, %arg18: memref<100x144xf32, #tpu.memory_space<vmem>>, %arg19: memref<!tpu.dma_semaphore, #tpu.memory_space<semaphore_mem>>, %arg20: memref<!tpu.dma_semaphore, #tpu.memory_space<semaphore_mem>>, %arg21: memref<!tpu.dma_semaphore, #tpu.memory_space<semaphore_mem>>, %arg22: memref<!tpu.dma_semaphore, #tpu.memory_space<semaphore_mem>>, %arg23: memref<!tpu.dma_semaphore, #tpu.memory_space<semaphore_mem>>, %arg24: memref<!tpu.dma_semaphore, #tpu.memory_space<semaphore_mem>>, %arg25: memref<!tpu.dma_semaphore, #tpu.memory_space<semaphore_mem>>) attributes {dimension_semantics = [#tpu.dimension_semantics<core_parallel>, #tpu.dimension_semantics<subcore_parallel>], iteration_bounds = array<i64: 2, 16>, scalar_prefetch = 0 : i64, scratch_operands = 17 : i64, tpu.core_type = #tpu.core_type<sc_vector_subcore>, window_params = [{transform_indices = #map}, {transform_indices = #map}, {transform_indices = #map}, {transform_indices = #map}, {transform_indices = #map}, {transform_indices = #map1}, {transform_indices = #map1}]} {
    %mul3A = arith.constant 2 : i32
    %mul3A_0 = arith.muli %arg1, %mul3A : i32
    %add3A = arith.addi %mul3A_0, %arg0 : i32
    %mul3A_1 = arith.constant 625 : i32
    %mul3A_2 = arith.muli %arg1, %mul3A_1 : i32
    %mul3A_3 = arith.constant 625 : i32
    %mul3A_4 = arith.muli %arg1, %mul3A_3 : i32
    %dma_start3A = arith.constant 0 : i32
    %dma_start3A_5 = tpu.memref_slice %arg9[%mul3A_4, %dma_start3A] : memref<10000x144xf32, #tpu.memory_space<vmem_shared>> -> memref<625x144xf32, #tpu.memory_space<vmem_shared>>
    %dma_start3A_6 = arith.constant 0 : i32
    %dma_start3A_7 = tpu.memref_slice %arg6[%mul3A_2, %dma_start3A_6] : memref<10000x144xf32, #tpu.memory_space<hbm>> -> memref<625x144xf32, #tpu.memory_space<hbm>>
    tpu.enqueue_dma source(%dma_start3A_7 : memref<625x144xf32, #tpu.memory_space<hbm>>) target(%dma_start3A_5 : memref<625x144xf32, #tpu.memory_space<vmem_shared>>) target_semaphore(%arg22 : memref<!tpu.dma_semaphore, #tpu.memory_space<semaphore_mem>>)
    %mul3A_8 = arith.constant 25 : i32
    %mul3A_9 = arith.muli %arg1, %mul3A_8 : i32
    %dma_start3A_10 = arith.constant 0 : i32
    %dma_start3A_11 = tpu.memref_slice %arg10[%mul3A_9, %dma_start3A_10] : memref<400x144xf32, #tpu.memory_space<vmem_shared>> -> memref<25x144xf32, #tpu.memory_space<vmem_shared>>
    %dma_start3A_12 = arith.constant 0 : i32
    %dma_start3A_13 = arith.constant 0 : i32
    %dma_start3A_14 = tpu.memref_slice %arg6[%dma_start3A_12, %dma_start3A_13] : memref<10000x144xf32, #tpu.memory_space<hbm>> -> memref<25x144xf32, #tpu.memory_space<hbm>>
    tpu.enqueue_dma source(%dma_start3A_14 : memref<25x144xf32, #tpu.memory_space<hbm>>) target(%dma_start3A_11 : memref<25x144xf32, #tpu.memory_space<vmem_shared>>) target_semaphore(%arg24 : memref<!tpu.dma_semaphore, #tpu.memory_space<semaphore_mem>>)
    %mul3A_15 = arith.constant 5 : i32
    %mul3A_16 = arith.muli %add3A, %mul3A_15 : i32
    %mul3A_17 = arith.constant 20 : i32
    %mul3A_18 = arith.muli %mul3A_16, %mul3A_17 : i32
    "tpu.region"() ({
      %run_scoped3A = tpu.sem_alloc : memref<!tpu.dma_semaphore, #tpu.memory_space<semaphore_mem>>
      %dma_start3A_64 = arith.constant 0 : i32
      %dma_start3A_65 = tpu.memref_slice %arg2[%mul3A_18, %dma_start3A_64] : memref<3200x100xi32, #tpu.memory_space<hbm>> -> memref<10x100xi32, #tpu.memory_space<hbm>>
      %dma_start3A_66 = arith.constant 0 : i32
      %dma_start3A_67 = tpu.memref_slice %arg2[%mul3A_18, %dma_start3A_66] : memref<3200x100xi32, #tpu.memory_space<hbm>> -> memref<10x100xi32, #tpu.memory_space<hbm>>
      tpu.enqueue_dma source(%dma_start3A_67 : memref<10x100xi32, #tpu.memory_space<hbm>>) target(%arg11 : memref<10x100xi32, #tpu.memory_space<vmem>>) target_semaphore(%run_scoped3A : memref<!tpu.dma_semaphore, #tpu.memory_space<semaphore_mem>>)
      %dma_wait3A_68 = arith.constant 0 : i32
      %dma_wait3A_69 = tpu.memref_slice %arg2[%mul3A_18, %dma_wait3A_68] : memref<3200x100xi32, #tpu.memory_space<hbm>> -> memref<10x100xi32, #tpu.memory_space<hbm>>
      %dma_wait3A_70 = arith.constant 0 : i32
      %dma_wait3A_71 = tpu.memref_slice %arg2[%mul3A_18, %dma_wait3A_70] : memref<3200x100xi32, #tpu.memory_space<hbm>> -> memref<10x100xi32, #tpu.memory_space<hbm>>
      tpu.wait_dma2 semaphore(%run_scoped3A : memref<!tpu.dma_semaphore, #tpu.memory_space<semaphore_mem>>) src(%dma_wait3A_71 : memref<10x100xi32, #tpu.memory_space<hbm>>) dst(%arg11 : memref<10x100xi32, #tpu.memory_space<vmem>>)
      tpu.yield
    }) : () -> ()
    %mul3A_19 = arith.constant 5 : i32
    %mul3A_20 = arith.muli %add3A, %mul3A_19 : i32
    %mul3A_21 = arith.constant 20 : i32
    %mul3A_22 = arith.muli %mul3A_20, %mul3A_21 : i32
    "tpu.region"() ({
      %run_scoped3A = tpu.sem_alloc : memref<!tpu.dma_semaphore, #tpu.memory_space<semaphore_mem>>
      %dma_start3A_64 = arith.constant 0 : i32
      %dma_start3A_65 = tpu.memref_slice %arg3[%mul3A_22, %dma_start3A_64] : memref<3200x100xi32, #tpu.memory_space<hbm>> -> memref<10x100xi32, #tpu.memory_space<hbm>>
      %dma_start3A_66 = arith.constant 0 : i32
      %dma_start3A_67 = tpu.memref_slice %arg3[%mul3A_22, %dma_start3A_66] : memref<3200x100xi32, #tpu.memory_space<hbm>> -> memref<10x100xi32, #tpu.memory_space<hbm>>
      tpu.enqueue_dma source(%dma_start3A_67 : memref<10x100xi32, #tpu.memory_space<hbm>>) target(%arg13 : memref<10x100xi32, #tpu.memory_space<vmem>>) target_semaphore(%run_scoped3A : memref<!tpu.dma_semaphore, #tpu.memory_space<semaphore_mem>>)
      %dma_wait3A_68 = arith.constant 0 : i32
      %dma_wait3A_69 = tpu.memref_slice %arg3[%mul3A_22, %dma_wait3A_68] : memref<3200x100xi32, #tpu.memory_space<hbm>> -> memref<10x100xi32, #tpu.memory_space<hbm>>
      %dma_wait3A_70 = arith.constant 0 : i32
      %dma_wait3A_71 = tpu.memref_slice %arg3[%mul3A_22, %dma_wait3A_70] : memref<3200x100xi32, #tpu.memory_space<hbm>> -> memref<10x100xi32, #tpu.memory_space<hbm>>
      tpu.wait_dma2 semaphore(%run_scoped3A : memref<!tpu.dma_semaphore, #tpu.memory_space<semaphore_mem>>) src(%dma_wait3A_71 : memref<10x100xi32, #tpu.memory_space<hbm>>) dst(%arg13 : memref<10x100xi32, #tpu.memory_space<vmem>>)
      tpu.yield
    }) : () -> ()
    %mul3A_23 = arith.constant 5 : i32
    %mul3A_24 = arith.muli %add3A, %mul3A_23 : i32
    %mul3A_25 = arith.constant 20 : i32
    %mul3A_26 = arith.muli %mul3A_24, %mul3A_25 : i32
    "tpu.region"() ({
      %run_scoped3A = tpu.sem_alloc : memref<!tpu.dma_semaphore, #tpu.memory_space<semaphore_mem>>
      %dma_start3A_64 = arith.constant 0 : i32
      %dma_start3A_65 = tpu.memref_slice %arg4[%mul3A_26, %dma_start3A_64] : memref<3200x100xi32, #tpu.memory_space<hbm>> -> memref<10x100xi32, #tpu.memory_space<hbm>>
      %dma_start3A_66 = arith.constant 0 : i32
      %dma_start3A_67 = tpu.memref_slice %arg4[%mul3A_26, %dma_start3A_66] : memref<3200x100xi32, #tpu.memory_space<hbm>> -> memref<10x100xi32, #tpu.memory_space<hbm>>
      tpu.enqueue_dma source(%dma_start3A_67 : memref<10x100xi32, #tpu.memory_space<hbm>>) target(%arg15 : memref<10x100xi32, #tpu.memory_space<vmem>>) target_semaphore(%run_scoped3A : memref<!tpu.dma_semaphore, #tpu.memory_space<semaphore_mem>>)
      %dma_wait3A_68 = arith.constant 0 : i32
      %dma_wait3A_69 = tpu.memref_slice %arg4[%mul3A_26, %dma_wait3A_68] : memref<3200x100xi32, #tpu.memory_space<hbm>> -> memref<10x100xi32, #tpu.memory_space<hbm>>
      %dma_wait3A_70 = arith.constant 0 : i32
      %dma_wait3A_71 = tpu.memref_slice %arg4[%mul3A_26, %dma_wait3A_70] : memref<3200x100xi32, #tpu.memory_space<hbm>> -> memref<10x100xi32, #tpu.memory_space<hbm>>
      tpu.wait_dma2 semaphore(%run_scoped3A : memref<!tpu.dma_semaphore, #tpu.memory_space<semaphore_mem>>) src(%dma_wait3A_71 : memref<10x100xi32, #tpu.memory_space<hbm>>) dst(%arg15 : memref<10x100xi32, #tpu.memory_space<vmem>>)
      tpu.yield
    }) : () -> ()
    %dma_wait3A = arith.constant 0 : i32
    %dma_wait3A_27 = tpu.memref_slice %arg9[%mul3A_4, %dma_wait3A] : memref<10000x144xf32, #tpu.memory_space<vmem_shared>> -> memref<625x144xf32, #tpu.memory_space<vmem_shared>>
    %dma_wait3A_28 = arith.constant 0 : i32
    %dma_wait3A_29 = tpu.memref_slice %arg6[%mul3A_2, %dma_wait3A_28] : memref<10000x144xf32, #tpu.memory_space<hbm>> -> memref<625x144xf32, #tpu.memory_space<hbm>>
    tpu.wait_dma2 semaphore(%arg22 : memref<!tpu.dma_semaphore, #tpu.memory_space<semaphore_mem>>) src(%dma_wait3A_29 : memref<625x144xf32, #tpu.memory_space<hbm>>) dst(%dma_wait3A_27 : memref<625x144xf32, #tpu.memory_space<vmem_shared>>)
    %dma_wait3A_30 = arith.constant 0 : i32
    %dma_wait3A_31 = tpu.memref_slice %arg10[%mul3A_9, %dma_wait3A_30] : memref<400x144xf32, #tpu.memory_space<vmem_shared>> -> memref<25x144xf32, #tpu.memory_space<vmem_shared>>
    %dma_wait3A_32 = arith.constant 0 : i32
    %dma_wait3A_33 = arith.constant 0 : i32
    %dma_wait3A_34 = tpu.memref_slice %arg6[%dma_wait3A_32, %dma_wait3A_33] : memref<10000x144xf32, #tpu.memory_space<hbm>> -> memref<25x144xf32, #tpu.memory_space<hbm>>
    tpu.wait_dma2 semaphore(%arg24 : memref<!tpu.dma_semaphore, #tpu.memory_space<semaphore_mem>>) src(%dma_wait3A_34 : memref<25x144xf32, #tpu.memory_space<hbm>>) dst(%dma_wait3A_31 : memref<25x144xf32, #tpu.memory_space<vmem_shared>>)
    %barrier3A = arith.constant 0 : index
    tpu.barrier barrier_id(%barrier3A)
    %dma_start3A_35 = arith.constant 0 : i32
    %dma_start3A_36 = arith.constant 0 : i32
    %dma_start3A_37 = tpu.memref_slice %arg11[%dma_start3A_35, %dma_start3A_36] : memref<10x100xi32, #tpu.memory_space<vmem>> -> memref<1x100xi32, #tpu.memory_space<vmem>>
    %dma_start3A_38 = tpu.memref_squeeze %dma_start3A_37 : memref<1x100xi32, #tpu.memory_space<vmem>> -> memref<100xi32, #tpu.memory_space<vmem>>
    %dma_start3A_39 = arith.constant 0 : i32
    %dma_start3A_40 = arith.constant 0 : i32
    %dma_start3A_41 = tpu.memref_slice %arg5[%dma_start3A_39, %dma_start3A_40] : memref<10000x144xf32, #tpu.memory_space<hbm>> -> memref<10000x144xf32, #tpu.memory_space<hbm>>
    tpu.enqueue_indirect_dma source(%dma_start3A_41 : memref<10000x144xf32, #tpu.memory_space<hbm>>) target(%arg17 : memref<100x144xf32, #tpu.memory_space<vmem>>) offsets(%dma_start3A_38 : memref<100xi32, #tpu.memory_space<vmem>>) semaphore(%arg20 : memref<!tpu.dma_semaphore, #tpu.memory_space<semaphore_mem>>)
    %scan3A = arith.constant 0 : i32
    %scan3A_42 = arith.constant 0 : i32
    %scan3A_43 = arith.constant 5 : i32
    %scan3A_44 = arith.addi %scan3A_42, %scan3A_43 : i32
    %scan3A_45 = arith.constant 1 : i32
    %scan3A_46 = scf.for %scan3A_64 = %scan3A_42 to %scan3A_44 step %scan3A_45 iter_args(%scan3A_65 = %scan3A) -> (i32)  : i32 {
      %mul3A_66 = arith.constant 5 : i32
      %mul3A_67 = arith.muli %add3A, %mul3A_66 : i32
      %add3A_68 = arith.addi %mul3A_67, %scan3A_64 : i32
      %mul3A_69 = arith.constant 20 : i32
      %mul3A_70 = arith.muli %add3A_68, %mul3A_69 : i32
      %mul3A_71 = arith.constant 5 : i32
      %mul3A_72 = arith.muli %add3A, %mul3A_71 : i32
      %add3A_73 = arith.addi %mul3A_72, %scan3A_64 : i32
      %add3A_74 = arith.constant 1 : i32
      %add3A_75 = arith.addi %add3A_73, %add3A_74 : i32
      %mul3A_76 = arith.constant 20 : i32
      %mul3A_77 = arith.muli %add3A_75, %mul3A_76 : i32
      %min3A = arith.constant 3190 : i32
      %min3A_78 = arith.minsi %mul3A_77, %min3A : i32
      %add3A_79 = arith.constant 10 : i32
      %add3A_80 = arith.addi %mul3A_70, %add3A_79 : i32
      %dma_start3A_81 = arith.constant 0 : i32
      %dma_start3A_82 = tpu.memref_slice %arg2[%add3A_80, %dma_start3A_81] : memref<3200x100xi32, #tpu.memory_space<hbm>> -> memref<10x100xi32, #tpu.memory_space<hbm>>
      %dma_start3A_83 = arith.constant 0 : i32
      %dma_start3A_84 = tpu.memref_slice %arg2[%add3A_80, %dma_start3A_83] : memref<3200x100xi32, #tpu.memory_space<hbm>> -> memref<10x100xi32, #tpu.memory_space<hbm>>
      tpu.enqueue_dma source(%dma_start3A_84 : memref<10x100xi32, #tpu.memory_space<hbm>>) target(%arg12 : memref<10x100xi32, #tpu.memory_space<vmem>>) target_semaphore(%arg19 : memref<!tpu.dma_semaphore, #tpu.memory_space<semaphore_mem>>)
      %add3A_85 = arith.constant 10 : i32
      %add3A_86 = arith.addi %mul3A_70, %add3A_85 : i32
      %dma_start3A_87 = arith.constant 0 : i32
      %dma_start3A_88 = tpu.memref_slice %arg3[%add3A_86, %dma_start3A_87] : memref<3200x100xi32, #tpu.memory_space<hbm>> -> memref<10x100xi32, #tpu.memory_space<hbm>>
      %dma_start3A_89 = arith.constant 0 : i32
      %dma_start3A_90 = tpu.memref_slice %arg3[%add3A_86, %dma_start3A_89] : memref<3200x100xi32, #tpu.memory_space<hbm>> -> memref<10x100xi32, #tpu.memory_space<hbm>>
      tpu.enqueue_dma source(%dma_start3A_90 : memref<10x100xi32, #tpu.memory_space<hbm>>) target(%arg14 : memref<10x100xi32, #tpu.memory_space<vmem>>) target_semaphore(%arg19 : memref<!tpu.dma_semaphore, #tpu.memory_space<semaphore_mem>>)
      %add3A_91 = arith.constant 10 : i32
      %add3A_92 = arith.addi %mul3A_70, %add3A_91 : i32
      %dma_start3A_93 = arith.constant 0 : i32
      %dma_start3A_94 = tpu.memref_slice %arg4[%add3A_92, %dma_start3A_93] : memref<3200x100xi32, #tpu.memory_space<hbm>> -> memref<10x100xi32, #tpu.memory_space<hbm>>
      %dma_start3A_95 = arith.constant 0 : i32
      %dma_start3A_96 = tpu.memref_slice %arg4[%add3A_92, %dma_start3A_95] : memref<3200x100xi32, #tpu.memory_space<hbm>> -> memref<10x100xi32, #tpu.memory_space<hbm>>
      tpu.enqueue_dma source(%dma_start3A_96 : memref<10x100xi32, #tpu.memory_space<hbm>>) target(%arg16 : memref<10x100xi32, #tpu.memory_space<vmem>>) target_semaphore(%arg19 : memref<!tpu.dma_semaphore, #tpu.memory_space<semaphore_mem>>)
      %dma_start3A_97 = arith.constant 1 : i32
      %dma_start3A_98 = arith.constant 0 : i32
      %dma_start3A_99 = tpu.memref_slice %arg11[%dma_start3A_97, %dma_start3A_98] : memref<10x100xi32, #tpu.memory_space<vmem>> -> memref<1x100xi32, #tpu.memory_space<vmem>>
      %dma_start3A_100 = tpu.memref_squeeze %dma_start3A_99 : memref<1x100xi32, #tpu.memory_space<vmem>> -> memref<100xi32, #tpu.memory_space<vmem>>
      %dma_start3A_101 = arith.constant 0 : i32
      %dma_start3A_102 = arith.constant 0 : i32
      %dma_start3A_103 = tpu.memref_slice %arg5[%dma_start3A_101, %dma_start3A_102] : memref<10000x144xf32, #tpu.memory_space<hbm>> -> memref<10000x144xf32, #tpu.memory_space<hbm>>
      tpu.enqueue_indirect_dma source(%dma_start3A_103 : memref<10000x144xf32, #tpu.memory_space<hbm>>) target(%arg18 : memref<100x144xf32, #tpu.memory_space<vmem>>) offsets(%dma_start3A_100 : memref<100xi32, #tpu.memory_space<vmem>>) semaphore(%arg21 : memref<!tpu.dma_semaphore, #tpu.memory_space<semaphore_mem>>)
      %dma_wait3A_104 = arith.constant 0 : i32
      %dma_wait3A_105 = arith.constant 0 : i32
      %dma_wait3A_106 = tpu.memref_slice %arg11[%dma_wait3A_104, %dma_wait3A_105] : memref<10x100xi32, #tpu.memory_space<vmem>> -> memref<1x100xi32, #tpu.memory_space<vmem>>
      %dma_wait3A_107 = tpu.memref_squeeze %dma_wait3A_106 : memref<1x100xi32, #tpu.memory_space<vmem>> -> memref<100xi32, #tpu.memory_space<vmem>>
      %dma_wait3A_108 = arith.constant 0 : i32
      %dma_wait3A_109 = arith.constant 0 : i32
      %dma_wait3A_110 = tpu.memref_slice %arg5[%dma_wait3A_108, %dma_wait3A_109] : memref<10000x144xf32, #tpu.memory_space<hbm>> -> memref<10000x144xf32, #tpu.memory_space<hbm>>
      tpu.wait_indirect_dma semaphore(%arg20 : memref<!tpu.dma_semaphore, #tpu.memory_space<semaphore_mem>>) src(%dma_wait3A_110 : memref<10000x144xf32, #tpu.memory_space<hbm>>) dst(%arg17 : memref<100x144xf32, #tpu.memory_space<vmem>>)
      %dma_start3A_111 = arith.constant 0 : i32
      %dma_start3A_112 = arith.constant 0 : i32
      %dma_start3A_113 = tpu.memref_slice %arg13[%dma_start3A_111, %dma_start3A_112] : memref<10x100xi32, #tpu.memory_space<vmem>> -> memref<1x100xi32, #tpu.memory_space<vmem>>
      %dma_start3A_114 = tpu.memref_squeeze %dma_start3A_113 : memref<1x100xi32, #tpu.memory_space<vmem>> -> memref<100xi32, #tpu.memory_space<vmem>>
      %dma_start3A_115 = arith.constant 0 : i32
      %dma_start3A_116 = arith.constant 0 : i32
      %dma_start3A_117 = tpu.memref_slice %arg9[%dma_start3A_115, %dma_start3A_116] : memref<10000x144xf32, #tpu.memory_space<vmem_shared>> -> memref<10000x144xf32, #tpu.memory_space<vmem_shared>>
      tpu.enqueue_indirect_dma source(%arg17 : memref<100x144xf32, #tpu.memory_space<vmem>>) target(%dma_start3A_117 : memref<10000x144xf32, #tpu.memory_space<vmem_shared>>) offsets(%dma_start3A_114 : memref<100xi32, #tpu.memory_space<vmem>>) semaphore(%arg22 : memref<!tpu.dma_semaphore, #tpu.memory_space<semaphore_mem>>) {add = true}
      %dma_start3A_118 = arith.constant 0 : i32
      %dma_start3A_119 = arith.constant 0 : i32
      %dma_start3A_120 = tpu.memref_slice %arg15[%dma_start3A_118, %dma_start3A_119] : memref<10x100xi32, #tpu.memory_space<vmem>> -> memref<1x100xi32, #tpu.memory_space<vmem>>
      %dma_start3A_121 = tpu.memref_squeeze %dma_start3A_120 : memref<1x100xi32, #tpu.memory_space<vmem>> -> memref<100xi32, #tpu.memory_space<vmem>>
      %dma_start3A_122 = arith.constant 0 : i32
      %dma_start3A_123 = arith.constant 0 : i32
      %dma_start3A_124 = tpu.memref_slice %arg10[%dma_start3A_122, %dma_start3A_123] : memref<400x144xf32, #tpu.memory_space<vmem_shared>> -> memref<400x144xf32, #tpu.memory_space<vmem_shared>>
      tpu.enqueue_indirect_dma source(%arg17 : memref<100x144xf32, #tpu.memory_space<vmem>>) target(%dma_start3A_124 : memref<400x144xf32, #tpu.memory_space<vmem_shared>>) offsets(%dma_start3A_121 : memref<100xi32, #tpu.memory_space<vmem>>) semaphore(%arg24 : memref<!tpu.dma_semaphore, #tpu.memory_space<semaphore_mem>>) {add = true}
      %dma_wait3A_125 = arith.constant 0 : i32
      %dma_wait3A_126 = arith.constant 0 : i32
      %dma_wait3A_127 = tpu.memref_slice %arg13[%dma_wait3A_125, %dma_wait3A_126] : memref<10x100xi32, #tpu.memory_space<vmem>> -> memref<1x100xi32, #tpu.memory_space<vmem>>
      %dma_wait3A_128 = tpu.memref_squeeze %dma_wait3A_127 : memref<1x100xi32, #tpu.memory_space<vmem>> -> memref<100xi32, #tpu.memory_space<vmem>>
      %dma_wait3A_129 = arith.constant 0 : i32
      %dma_wait3A_130 = arith.constant 0 : i32
      %dma_wait3A_131 = tpu.memref_slice %arg9[%dma_wait3A_129, %dma_wait3A_130] : memref<10000x144xf32, #tpu.memory_space<vmem_shared>> -> memref<10000x144xf32, #tpu.memory_space<vmem_shared>>
      tpu.wait_indirect_dma semaphore(%arg22 : memref<!tpu.dma_semaphore, #tpu.memory_space<semaphore_mem>>) src(%arg17 : memref<100x144xf32, #tpu.memory_space<vmem>>) dst(%dma_wait3A_131 : memref<10000x144xf32, #tpu.memory_space<vmem_shared>>)
      %dma_wait3A_132 = arith.constant 0 : i32
      %dma_wait3A_133 = arith.constant 0 : i32
      %dma_wait3A_134 = tpu.memref_slice %arg15[%dma_wait3A_132, %dma_wait3A_133] : memref<10x100xi32, #tpu.memory_space<vmem>> -> memref<1x100xi32, #tpu.memory_space<vmem>>
      %dma_wait3A_135 = tpu.memref_squeeze %dma_wait3A_134 : memref<1x100xi32, #tpu.memory_space<vmem>> -> memref<100xi32, #tpu.memory_space<vmem>>
      %dma_wait3A_136 = arith.constant 0 : i32
      %dma_wait3A_137 = arith.constant 0 : i32
      %dma_wait3A_138 = tpu.memref_slice %arg10[%dma_wait3A_136, %dma_wait3A_137] : memref<400x144xf32, #tpu.memory_space<vmem_shared>> -> memref<400x144xf32, #tpu.memory_space<vmem_shared>>
      tpu.wait_indirect_dma semaphore(%arg24 : memref<!tpu.dma_semaphore, #tpu.memory_space<semaphore_mem>>) src(%arg17 : memref<100x144xf32, #tpu.memory_space<vmem>>) dst(%dma_wait3A_138 : memref<400x144xf32, #tpu.memory_space<vmem_shared>>)
      %dma_start3A_139 = arith.constant 2 : i32
      %dma_start3A_140 = arith.constant 0 : i32
      %dma_start3A_141 = tpu.memref_slice %arg11[%dma_start3A_139, %dma_start3A_140] : memref<10x100xi32, #tpu.memory_space<vmem>> -> memref<1x100xi32, #tpu.memory_space<vmem>>
      %dma_start3A_142 = tpu.memref_squeeze %dma_start3A_141 : memref<1x100xi32, #tpu.memory_space<vmem>> -> memref<100xi32, #tpu.memory_space<vmem>>
      %dma_start3A_143 = arith.constant 0 : i32
      %dma_start3A_144 = arith.constant 0 : i32
      %dma_start3A_145 = tpu.memref_slice %arg5[%dma_start3A_143, %dma_start3A_144] : memref<10000x144xf32, #tpu.memory_space<hbm>> -> memref<10000x144xf32, #tpu.memory_space<hbm>>
      tpu.enqueue_indirect_dma source(%dma_start3A_145 : memref<10000x144xf32, #tpu.memory_space<hbm>>) target(%arg17 : memref<100x144xf32, #tpu.memory_space<vmem>>) offsets(%dma_start3A_142 : memref<100xi32, #tpu.memory_space<vmem>>) semaphore(%arg20 : memref<!tpu.dma_semaphore, #tpu.memory_space<semaphore_mem>>)
      %dma_wait3A_146 = arith.constant 1 : i32
      %dma_wait3A_147 = arith.constant 0 : i32
      %dma_wait3A_148 = tpu.memref_slice %arg11[%dma_wait3A_146, %dma_wait3A_147] : memref<10x100xi32, #tpu.memory_space<vmem>> -> memref<1x100xi32, #tpu.memory_space<vmem>>
      %dma_wait3A_149 = tpu.memref_squeeze %dma_wait3A_148 : memref<1x100xi32, #tpu.memory_space<vmem>> -> memref<100xi32, #tpu.memory_space<vmem>>
      %dma_wait3A_150 = arith.constant 0 : i32
      %dma_wait3A_151 = arith.constant 0 : i32
      %dma_wait3A_152 = tpu.memref_slice %arg5[%dma_wait3A_150, %dma_wait3A_151] : memref<10000x144xf32, #tpu.memory_space<hbm>> -> memref<10000x144xf32, #tpu.memory_space<hbm>>
      tpu.wait_indirect_dma semaphore(%arg21 : memref<!tpu.dma_semaphore, #tpu.memory_space<semaphore_mem>>) src(%dma_wait3A_152 : memref<10000x144xf32, #tpu.memory_space<hbm>>) dst(%arg18 : memref<100x144xf32, #tpu.memory_space<vmem>>)
      %dma_start3A_153 = arith.constant 1 : i32
      %dma_start3A_154 = arith.constant 0 : i32
      %dma_start3A_155 = tpu.memref_slice %arg13[%dma_start3A_153, %dma_start3A_154] : memref<10x100xi32, #tpu.memory_space<vmem>> -> memref<1x100xi32, #tpu.memory_space<vmem>>
      %dma_start3A_156 = tpu.memref_squeeze %dma_start3A_155 : memref<1x100xi32, #tpu.memory_space<vmem>> -> memref<100xi32, #tpu.memory_space<vmem>>
      %dma_start3A_157 = arith.constant 0 : i32
      %dma_start3A_158 = arith.constant 0 : i32
      %dma_start3A_159 = tpu.memref_slice %arg9[%dma_start3A_157, %dma_start3A_158] : memref<10000x144xf32, #tpu.memory_space<vmem_shared>> -> memref<10000x144xf32, #tpu.memory_space<vmem_shared>>
      tpu.enqueue_indirect_dma source(%arg18 : memref<100x144xf32, #tpu.memory_space<vmem>>) target(%dma_start3A_159 : memref<10000x144xf32, #tpu.memory_space<vmem_shared>>) offsets(%dma_start3A_156 : memref<100xi32, #tpu.memory_space<vmem>>) semaphore(%arg23 : memref<!tpu.dma_semaphore, #tpu.memory_space<semaphore_mem>>) {add = true}
      %dma_start3A_160 = arith.constant 1 : i32
      %dma_start3A_161 = arith.constant 0 : i32
      %dma_start3A_162 = tpu.memref_slice %arg15[%dma_start3A_160, %dma_start3A_161] : memref<10x100xi32, #tpu.memory_space<vmem>> -> memref<1x100xi32, #tpu.memory_space<vmem>>
      %dma_start3A_163 = tpu.memref_squeeze %dma_start3A_162 : memref<1x100xi32, #tpu.memory_space<vmem>> -> memref<100xi32, #tpu.memory_space<vmem>>
      %dma_start3A_164 = arith.constant 0 : i32
      %dma_start3A_165 = arith.constant 0 : i32
      %dma_start3A_166 = tpu.memref_slice %arg10[%dma_start3A_164, %dma_start3A_165] : memref<400x144xf32, #tpu.memory_space<vmem_shared>> -> memref<400x144xf32, #tpu.memory_space<vmem_shared>>
      tpu.enqueue_indirect_dma source(%arg18 : memref<100x144xf32, #tpu.memory_space<vmem>>) target(%dma_start3A_166 : memref<400x144xf32, #tpu.memory_space<vmem_shared>>) offsets(%dma_start3A_163 : memref<100xi32, #tpu.memory_space<vmem>>) semaphore(%arg25 : memref<!tpu.dma_semaphore, #tpu.memory_space<semaphore_mem>>) {add = true}
      %dma_wait3A_167 = arith.constant 1 : i32
      %dma_wait3A_168 = arith.constant 0 : i32
      %dma_wait3A_169 = tpu.memref_slice %arg13[%dma_wait3A_167, %dma_wait3A_168] : memref<10x100xi32, #tpu.memory_space<vmem>> -> memref<1x100xi32, #tpu.memory_space<vmem>>
      %dma_wait3A_170 = tpu.memref_squeeze %dma_wait3A_169 : memref<1x100xi32, #tpu.memory_space<vmem>> -> memref<100xi32, #tpu.memory_space<vmem>>
      %dma_wait3A_171 = arith.constant 0 : i32
      %dma_wait3A_172 = arith.constant 0 : i32
      %dma_wait3A_173 = tpu.memref_slice %arg9[%dma_wait3A_171, %dma_wait3A_172] : memref<10000x144xf32, #tpu.memory_space<vmem_shared>> -> memref<10000x144xf32, #tpu.memory_space<vmem_shared>>
      tpu.wait_indirect_dma semaphore(%arg23 : memref<!tpu.dma_semaphore, #tpu.memory_space<semaphore_mem>>) src(%arg18 : memref<100x144xf32, #tpu.memory_space<vmem>>) dst(%dma_wait3A_173 : memref<10000x144xf32, #tpu.memory_space<vmem_shared>>)
      %dma_wait3A_174 = arith.constant 1 : i32
      %dma_wait3A_175 = arith.constant 0 : i32
      %dma_wait3A_176 = tpu.memref_slice %arg15[%dma_wait3A_174, %dma_wait3A_175] : memref<10x100xi32, #tpu.memory_space<vmem>> -> memref<1x100xi32, #tpu.memory_space<vmem>>
      %dma_wait3A_177 = tpu.memref_squeeze %dma_wait3A_176 : memref<1x100xi32, #tpu.memory_space<vmem>> -> memref<100xi32, #tpu.memory_space<vmem>>
      %dma_wait3A_178 = arith.constant 0 : i32
      %dma_wait3A_179 = arith.constant 0 : i32
      %dma_wait3A_180 = tpu.memref_slice %arg10[%dma_wait3A_178, %dma_wait3A_179] : memref<400x144xf32, #tpu.memory_space<vmem_shared>> -> memref<400x144xf32, #tpu.memory_space<vmem_shared>>
      tpu.wait_indirect_dma semaphore(%arg25 : memref<!tpu.dma_semaphore, #tpu.memory_space<semaphore_mem>>) src(%arg18 : memref<100x144xf32, #tpu.memory_space<vmem>>) dst(%dma_wait3A_180 : memref<400x144xf32, #tpu.memory_space<vmem_shared>>)
      %dma_start3A_181 = arith.constant 3 : i32
      %dma_start3A_182 = arith.constant 0 : i32
      %dma_start3A_183 = tpu.memref_slice %arg11[%dma_start3A_181, %dma_start3A_182] : memref<10x100xi32, #tpu.memory_space<vmem>> -> memref<1x100xi32, #tpu.memory_space<vmem>>
      %dma_start3A_184 = tpu.memref_squeeze %dma_start3A_183 : memref<1x100xi32, #tpu.memory_space<vmem>> -> memref<100xi32, #tpu.memory_space<vmem>>
      %dma_start3A_185 = arith.constant 0 : i32
      %dma_start3A_186 = arith.constant 0 : i32
      %dma_start3A_187 = tpu.memref_slice %arg5[%dma_start3A_185, %dma_start3A_186] : memref<10000x144xf32, #tpu.memory_space<hbm>> -> memref<10000x144xf32, #tpu.memory_space<hbm>>
      tpu.enqueue_indirect_dma source(%dma_start3A_187 : memref<10000x144xf32, #tpu.memory_space<hbm>>) target(%arg18 : memref<100x144xf32, #tpu.memory_space<vmem>>) offsets(%dma_start3A_184 : memref<100xi32, #tpu.memory_space<vmem>>) semaphore(%arg21 : memref<!tpu.dma_semaphore, #tpu.memory_space<semaphore_mem>>)
      %dma_wait3A_188 = arith.constant 2 : i32
      %dma_wait3A_189 = arith.constant 0 : i32
      %dma_wait3A_190 = tpu.memref_slice %arg11[%dma_wait3A_188, %dma_wait3A_189] : memref<10x100xi32, #tpu.memory_space<vmem>> -> memref<1x100xi32, #tpu.memory_space<vmem>>
      %dma_wait3A_191 = tpu.memref_squeeze %dma_wait3A_190 : memref<1x100xi32, #tpu.memory_space<vmem>> -> memref<100xi32, #tpu.memory_space<vmem>>
      %dma_wait3A_192 = arith.constant 0 : i32
      %dma_wait3A_193 = arith.constant 0 : i32
      %dma_wait3A_194 = tpu.memref_slice %arg5[%dma_wait3A_192, %dma_wait3A_193] : memref<10000x144xf32, #tpu.memory_space<hbm>> -> memref<10000x144xf32, #tpu.memory_space<hbm>>
      tpu.wait_indirect_dma semaphore(%arg20 : memref<!tpu.dma_semaphore, #tpu.memory_space<semaphore_mem>>) src(%dma_wait3A_194 : memref<10000x144xf32, #tpu.memory_space<hbm>>) dst(%arg17 : memref<100x144xf32, #tpu.memory_space<vmem>>)
      %dma_start3A_195 = arith.constant 2 : i32
      %dma_start3A_196 = arith.constant 0 : i32
      %dma_start3A_197 = tpu.memref_slice %arg13[%dma_start3A_195, %dma_start3A_196] : memref<10x100xi32, #tpu.memory_space<vmem>> -> memref<1x100xi32, #tpu.memory_space<vmem>>
      %dma_start3A_198 = tpu.memref_squeeze %dma_start3A_197 : memref<1x100xi32, #tpu.memory_space<vmem>> -> memref<100xi32, #tpu.memory_space<vmem>>
      %dma_start3A_199 = arith.constant 0 : i32
      %dma_start3A_200 = arith.constant 0 : i32
      %dma_start3A_201 = tpu.memref_slice %arg9[%dma_start3A_199, %dma_start3A_200] : memref<10000x144xf32, #tpu.memory_space<vmem_shared>> -> memref<10000x144xf32, #tpu.memory_space<vmem_shared>>
      tpu.enqueue_indirect_dma source(%arg17 : memref<100x144xf32, #tpu.memory_space<vmem>>) target(%dma_start3A_201 : memref<10000x144xf32, #tpu.memory_space<vmem_shared>>) offsets(%dma_start3A_198 : memref<100xi32, #tpu.memory_space<vmem>>) semaphore(%arg22 : memref<!tpu.dma_semaphore, #tpu.memory_space<semaphore_mem>>) {add = true}
      %dma_start3A_202 = arith.constant 2 : i32
      %dma_start3A_203 = arith.constant 0 : i32
      %dma_start3A_204 = tpu.memref_slice %arg15[%dma_start3A_202, %dma_start3A_203] : memref<10x100xi32, #tpu.memory_space<vmem>> -> memref<1x100xi32, #tpu.memory_space<vmem>>
      %dma_start3A_205 = tpu.memref_squeeze %dma_start3A_204 : memref<1x100xi32, #tpu.memory_space<vmem>> -> memref<100xi32, #tpu.memory_space<vmem>>
      %dma_start3A_206 = arith.constant 0 : i32
      %dma_start3A_207 = arith.constant 0 : i32
      %dma_start3A_208 = tpu.memref_slice %arg10[%dma_start3A_206, %dma_start3A_207] : memref<400x144xf32, #tpu.memory_space<vmem_shared>> -> memref<400x144xf32, #tpu.memory_space<vmem_shared>>
      tpu.enqueue_indirect_dma source(%arg17 : memref<100x144xf32, #tpu.memory_space<vmem>>) target(%dma_start3A_208 : memref<400x144xf32, #tpu.memory_space<vmem_shared>>) offsets(%dma_start3A_205 : memref<100xi32, #tpu.memory_space<vmem>>) semaphore(%arg24 : memref<!tpu.dma_semaphore, #tpu.memory_space<semaphore_mem>>) {add = true}
      %dma_wait3A_209 = arith.constant 2 : i32
      %dma_wait3A_210 = arith.constant 0 : i32
      %dma_wait3A_211 = tpu.memref_slice %arg13[%dma_wait3A_209, %dma_wait3A_210] : memref<10x100xi32, #tpu.memory_space<vmem>> -> memref<1x100xi32, #tpu.memory_space<vmem>>
      %dma_wait3A_212 = tpu.memref_squeeze %dma_wait3A_211 : memref<1x100xi32, #tpu.memory_space<vmem>> -> memref<100xi32, #tpu.memory_space<vmem>>
      %dma_wait3A_213 = arith.constant 0 : i32
      %dma_wait3A_214 = arith.constant 0 : i32
      %dma_wait3A_215 = tpu.memref_slice %arg9[%dma_wait3A_213, %dma_wait3A_214] : memref<10000x144xf32, #tpu.memory_space<vmem_shared>> -> memref<10000x144xf32, #tpu.memory_space<vmem_shared>>
      tpu.wait_indirect_dma semaphore(%arg22 : memref<!tpu.dma_semaphore, #tpu.memory_space<semaphore_mem>>) src(%arg17 : memref<100x144xf32, #tpu.memory_space<vmem>>) dst(%dma_wait3A_215 : memref<10000x144xf32, #tpu.memory_space<vmem_shared>>)
      %dma_wait3A_216 = arith.constant 2 : i32
      %dma_wait3A_217 = arith.constant 0 : i32
      %dma_wait3A_218 = tpu.memref_slice %arg15[%dma_wait3A_216, %dma_wait3A_217] : memref<10x100xi32, #tpu.memory_space<vmem>> -> memref<1x100xi32, #tpu.memory_space<vmem>>
      %dma_wait3A_219 = tpu.memref_squeeze %dma_wait3A_218 : memref<1x100xi32, #tpu.memory_space<vmem>> -> memref<100xi32, #tpu.memory_space<vmem>>
      %dma_wait3A_220 = arith.constant 0 : i32
      %dma_wait3A_221 = arith.constant 0 : i32
      %dma_wait3A_222 = tpu.memref_slice %arg10[%dma_wait3A_220, %dma_wait3A_221] : memref<400x144xf32, #tpu.memory_space<vmem_shared>> -> memref<400x144xf32, #tpu.memory_space<vmem_shared>>
      tpu.wait_indirect_dma semaphore(%arg24 : memref<!tpu.dma_semaphore, #tpu.memory_space<semaphore_mem>>) src(%arg17 : memref<100x144xf32, #tpu.memory_space<vmem>>) dst(%dma_wait3A_222 : memref<400x144xf32, #tpu.memory_space<vmem_shared>>)
      %dma_start3A_223 = arith.constant 4 : i32
      %dma_start3A_224 = arith.constant 0 : i32
      %dma_start3A_225 = tpu.memref_slice %arg11[%dma_start3A_223, %dma_start3A_224] : memref<10x100xi32, #tpu.memory_space<vmem>> -> memref<1x100xi32, #tpu.memory_space<vmem>>
      %dma_start3A_226 = tpu.memref_squeeze %dma_start3A_225 : memref<1x100xi32, #tpu.memory_space<vmem>> -> memref<100xi32, #tpu.memory_space<vmem>>
      %dma_start3A_227 = arith.constant 0 : i32
      %dma_start3A_228 = arith.constant 0 : i32
      %dma_start3A_229 = tpu.memref_slice %arg5[%dma_start3A_227, %dma_start3A_228] : memref<10000x144xf32, #tpu.memory_space<hbm>> -> memref<10000x144xf32, #tpu.memory_space<hbm>>
      tpu.enqueue_indirect_dma source(%dma_start3A_229 : memref<10000x144xf32, #tpu.memory_space<hbm>>) target(%arg17 : memref<100x144xf32, #tpu.memory_space<vmem>>) offsets(%dma_start3A_226 : memref<100xi32, #tpu.memory_space<vmem>>) semaphore(%arg20 : memref<!tpu.dma_semaphore, #tpu.memory_space<semaphore_mem>>)
      %dma_wait3A_230 = arith.constant 3 : i32
      %dma_wait3A_231 = arith.constant 0 : i32
      %dma_wait3A_232 = tpu.memref_slice %arg11[%dma_wait3A_230, %dma_wait3A_231] : memref<10x100xi32, #tpu.memory_space<vmem>> -> memref<1x100xi32, #tpu.memory_space<vmem>>
      %dma_wait3A_233 = tpu.memref_squeeze %dma_wait3A_232 : memref<1x100xi32, #tpu.memory_space<vmem>> -> memref<100xi32, #tpu.memory_space<vmem>>
      %dma_wait3A_234 = arith.constant 0 : i32
      %dma_wait3A_235 = arith.constant 0 : i32
      %dma_wait3A_236 = tpu.memref_slice %arg5[%dma_wait3A_234, %dma_wait3A_235] : memref<10000x144xf32, #tpu.memory_space<hbm>> -> memref<10000x144xf32, #tpu.memory_space<hbm>>
      tpu.wait_indirect_dma semaphore(%arg21 : memref<!tpu.dma_semaphore, #tpu.memory_space<semaphore_mem>>) src(%dma_wait3A_236 : memref<10000x144xf32, #tpu.memory_space<hbm>>) dst(%arg18 : memref<100x144xf32, #tpu.memory_space<vmem>>)
      %dma_start3A_237 = arith.constant 3 : i32
      %dma_start3A_238 = arith.constant 0 : i32
      %dma_start3A_239 = tpu.memref_slice %arg13[%dma_start3A_237, %dma_start3A_238] : memref<10x100xi32, #tpu.memory_space<vmem>> -> memref<1x100xi32, #tpu.memory_space<vmem>>
      %dma_start3A_240 = tpu.memref_squeeze %dma_start3A_239 : memref<1x100xi32, #tpu.memory_space<vmem>> -> memref<100xi32, #tpu.memory_space<vmem>>
      %dma_start3A_241 = arith.constant 0 : i32
      %dma_start3A_242 = arith.constant 0 : i32
      %dma_start3A_243 = tpu.memref_slice %arg9[%dma_start3A_241, %dma_start3A_242] : memref<10000x144xf32, #tpu.memory_space<vmem_shared>> -> memref<10000x144xf32, #tpu.memory_space<vmem_shared>>
      tpu.enqueue_indirect_dma source(%arg18 : memref<100x144xf32, #tpu.memory_space<vmem>>) target(%dma_start3A_243 : memref<10000x144xf32, #tpu.memory_space<vmem_shared>>) offsets(%dma_start3A_240 : memref<100xi32, #tpu.memory_space<vmem>>) semaphore(%arg23 : memref<!tpu.dma_semaphore, #tpu.memory_space<semaphore_mem>>) {add = true}
      %dma_start3A_244 = arith.constant 3 : i32
      %dma_start3A_245 = arith.constant 0 : i32
      %dma_start3A_246 = tpu.memref_slice %arg15[%dma_start3A_244, %dma_start3A_245] : memref<10x100xi32, #tpu.memory_space<vmem>> -> memref<1x100xi32, #tpu.memory_space<vmem>>
      %dma_start3A_247 = tpu.memref_squeeze %dma_start3A_246 : memref<1x100xi32, #tpu.memory_space<vmem>> -> memref<100xi32, #tpu.memory_space<vmem>>
      %dma_start3A_248 = arith.constant 0 : i32
      %dma_start3A_249 = arith.constant 0 : i32
      %dma_start3A_250 = tpu.memref_slice %arg10[%dma_start3A_248, %dma_start3A_249] : memref<400x144xf32, #tpu.memory_space<vmem_shared>> -> memref<400x144xf32, #tpu.memory_space<vmem_shared>>
      tpu.enqueue_indirect_dma source(%arg18 : memref<100x144xf32, #tpu.memory_space<vmem>>) target(%dma_start3A_250 : memref<400x144xf32, #tpu.memory_space<vmem_shared>>) offsets(%dma_start3A_247 : memref<100xi32, #tpu.memory_space<vmem>>) semaphore(%arg25 : memref<!tpu.dma_semaphore, #tpu.memory_space<semaphore_mem>>) {add = true}
      %dma_wait3A_251 = arith.constant 3 : i32
      %dma_wait3A_252 = arith.constant 0 : i32
      %dma_wait3A_253 = tpu.memref_slice %arg13[%dma_wait3A_251, %dma_wait3A_252] : memref<10x100xi32, #tpu.memory_space<vmem>> -> memref<1x100xi32, #tpu.memory_space<vmem>>
      %dma_wait3A_254 = tpu.memref_squeeze %dma_wait3A_253 : memref<1x100xi32, #tpu.memory_space<vmem>> -> memref<100xi32, #tpu.memory_space<vmem>>
      %dma_wait3A_255 = arith.constant 0 : i32
      %dma_wait3A_256 = arith.constant 0 : i32
      %dma_wait3A_257 = tpu.memref_slice %arg9[%dma_wait3A_255, %dma_wait3A_256] : memref<10000x144xf32, #tpu.memory_space<vmem_shared>> -> memref<10000x144xf32, #tpu.memory_space<vmem_shared>>
      tpu.wait_indirect_dma semaphore(%arg23 : memref<!tpu.dma_semaphore, #tpu.memory_space<semaphore_mem>>) src(%arg18 : memref<100x144xf32, #tpu.memory_space<vmem>>) dst(%dma_wait3A_257 : memref<10000x144xf32, #tpu.memory_space<vmem_shared>>)
      %dma_wait3A_258 = arith.constant 3 : i32
      %dma_wait3A_259 = arith.constant 0 : i32
      %dma_wait3A_260 = tpu.memref_slice %arg15[%dma_wait3A_258, %dma_wait3A_259] : memref<10x100xi32, #tpu.memory_space<vmem>> -> memref<1x100xi32, #tpu.memory_space<vmem>>
      %dma_wait3A_261 = tpu.memref_squeeze %dma_wait3A_260 : memref<1x100xi32, #tpu.memory_space<vmem>> -> memref<100xi32, #tpu.memory_space<vmem>>
      %dma_wait3A_262 = arith.constant 0 : i32
      %dma_wait3A_263 = arith.constant 0 : i32
      %dma_wait3A_264 = tpu.memref_slice %arg10[%dma_wait3A_262, %dma_wait3A_263] : memref<400x144xf32, #tpu.memory_space<vmem_shared>> -> memref<400x144xf32, #tpu.memory_space<vmem_shared>>
      tpu.wait_indirect_dma semaphore(%arg25 : memref<!tpu.dma_semaphore, #tpu.memory_space<semaphore_mem>>) src(%arg18 : memref<100x144xf32, #tpu.memory_space<vmem>>) dst(%dma_wait3A_264 : memref<400x144xf32, #tpu.memory_space<vmem_shared>>)
      %dma_start3A_265 = arith.constant 5 : i32
      %dma_start3A_266 = arith.constant 0 : i32
      %dma_start3A_267 = tpu.memref_slice %arg11[%dma_start3A_265, %dma_start3A_266] : memref<10x100xi32, #tpu.memory_space<vmem>> -> memref<1x100xi32, #tpu.memory_space<vmem>>
      %dma_start3A_268 = tpu.memref_squeeze %dma_start3A_267 : memref<1x100xi32, #tpu.memory_space<vmem>> -> memref<100xi32, #tpu.memory_space<vmem>>
      %dma_start3A_269 = arith.constant 0 : i32
      %dma_start3A_270 = arith.constant 0 : i32
      %dma_start3A_271 = tpu.memref_slice %arg5[%dma_start3A_269, %dma_start3A_270] : memref<10000x144xf32, #tpu.memory_space<hbm>> -> memref<10000x144xf32, #tpu.memory_space<hbm>>
      tpu.enqueue_indirect_dma source(%dma_start3A_271 : memref<10000x144xf32, #tpu.memory_space<hbm>>) target(%arg18 : memref<100x144xf32, #tpu.memory_space<vmem>>) offsets(%dma_start3A_268 : memref<100xi32, #tpu.memory_space<vmem>>) semaphore(%arg21 : memref<!tpu.dma_semaphore, #tpu.memory_space<semaphore_mem>>)
      %dma_wait3A_272 = arith.constant 4 : i32
      %dma_wait3A_273 = arith.constant 0 : i32
      %dma_wait3A_274 = tpu.memref_slice %arg11[%dma_wait3A_272, %dma_wait3A_273] : memref<10x100xi32, #tpu.memory_space<vmem>> -> memref<1x100xi32, #tpu.memory_space<vmem>>
      %dma_wait3A_275 = tpu.memref_squeeze %dma_wait3A_274 : memref<1x100xi32, #tpu.memory_space<vmem>> -> memref<100xi32, #tpu.memory_space<vmem>>
      %dma_wait3A_276 = arith.constant 0 : i32
      %dma_wait3A_277 = arith.constant 0 : i32
      %dma_wait3A_278 = tpu.memref_slice %arg5[%dma_wait3A_276, %dma_wait3A_277] : memref<10000x144xf32, #tpu.memory_space<hbm>> -> memref<10000x144xf32, #tpu.memory_space<hbm>>
      tpu.wait_indirect_dma semaphore(%arg20 : memref<!tpu.dma_semaphore, #tpu.memory_space<semaphore_mem>>) src(%dma_wait3A_278 : memref<10000x144xf32, #tpu.memory_space<hbm>>) dst(%arg17 : memref<100x144xf32, #tpu.memory_space<vmem>>)
      %dma_start3A_279 = arith.constant 4 : i32
      %dma_start3A_280 = arith.constant 0 : i32
      %dma_start3A_281 = tpu.memref_slice %arg13[%dma_start3A_279, %dma_start3A_280] : memref<10x100xi32, #tpu.memory_space<vmem>> -> memref<1x100xi32, #tpu.memory_space<vmem>>
      %dma_start3A_282 = tpu.memref_squeeze %dma_start3A_281 : memref<1x100xi32, #tpu.memory_space<vmem>> -> memref<100xi32, #tpu.memory_space<vmem>>
      %dma_start3A_283 = arith.constant 0 : i32
      %dma_start3A_284 = arith.constant 0 : i32
      %dma_start3A_285 = tpu.memref_slice %arg9[%dma_start3A_283, %dma_start3A_284] : memref<10000x144xf32, #tpu.memory_space<vmem_shared>> -> memref<10000x144xf32, #tpu.memory_space<vmem_shared>>
      tpu.enqueue_indirect_dma source(%arg17 : memref<100x144xf32, #tpu.memory_space<vmem>>) target(%dma_start3A_285 : memref<10000x144xf32, #tpu.memory_space<vmem_shared>>) offsets(%dma_start3A_282 : memref<100xi32, #tpu.memory_space<vmem>>) semaphore(%arg22 : memref<!tpu.dma_semaphore, #tpu.memory_space<semaphore_mem>>) {add = true}
      %dma_start3A_286 = arith.constant 4 : i32
      %dma_start3A_287 = arith.constant 0 : i32
      %dma_start3A_288 = tpu.memref_slice %arg15[%dma_start3A_286, %dma_start3A_287] : memref<10x100xi32, #tpu.memory_space<vmem>> -> memref<1x100xi32, #tpu.memory_space<vmem>>
      %dma_start3A_289 = tpu.memref_squeeze %dma_start3A_288 : memref<1x100xi32, #tpu.memory_space<vmem>> -> memref<100xi32, #tpu.memory_space<vmem>>
      %dma_start3A_290 = arith.constant 0 : i32
      %dma_start3A_291 = arith.constant 0 : i32
      %dma_start3A_292 = tpu.memref_slice %arg10[%dma_start3A_290, %dma_start3A_291] : memref<400x144xf32, #tpu.memory_space<vmem_shared>> -> memref<400x144xf32, #tpu.memory_space<vmem_shared>>
      tpu.enqueue_indirect_dma source(%arg17 : memref<100x144xf32, #tpu.memory_space<vmem>>) target(%dma_start3A_292 : memref<400x144xf32, #tpu.memory_space<vmem_shared>>) offsets(%dma_start3A_289 : memref<100xi32, #tpu.memory_space<vmem>>) semaphore(%arg24 : memref<!tpu.dma_semaphore, #tpu.memory_space<semaphore_mem>>) {add = true}
      %dma_wait3A_293 = arith.constant 4 : i32
      %dma_wait3A_294 = arith.constant 0 : i32
      %dma_wait3A_295 = tpu.memref_slice %arg13[%dma_wait3A_293, %dma_wait3A_294] : memref<10x100xi32, #tpu.memory_space<vmem>> -> memref<1x100xi32, #tpu.memory_space<vmem>>
      %dma_wait3A_296 = tpu.memref_squeeze %dma_wait3A_295 : memref<1x100xi32, #tpu.memory_space<vmem>> -> memref<100xi32, #tpu.memory_space<vmem>>
      %dma_wait3A_297 = arith.constant 0 : i32
      %dma_wait3A_298 = arith.constant 0 : i32
      %dma_wait3A_299 = tpu.memref_slice %arg9[%dma_wait3A_297, %dma_wait3A_298] : memref<10000x144xf32, #tpu.memory_space<vmem_shared>> -> memref<10000x144xf32, #tpu.memory_space<vmem_shared>>
      tpu.wait_indirect_dma semaphore(%arg22 : memref<!tpu.dma_semaphore, #tpu.memory_space<semaphore_mem>>) src(%arg17 : memref<100x144xf32, #tpu.memory_space<vmem>>) dst(%dma_wait3A_299 : memref<10000x144xf32, #tpu.memory_space<vmem_shared>>)
      %dma_wait3A_300 = arith.constant 4 : i32
      %dma_wait3A_301 = arith.constant 0 : i32
      %dma_wait3A_302 = tpu.memref_slice %arg15[%dma_wait3A_300, %dma_wait3A_301] : memref<10x100xi32, #tpu.memory_space<vmem>> -> memref<1x100xi32, #tpu.memory_space<vmem>>
      %dma_wait3A_303 = tpu.memref_squeeze %dma_wait3A_302 : memref<1x100xi32, #tpu.memory_space<vmem>> -> memref<100xi32, #tpu.memory_space<vmem>>
      %dma_wait3A_304 = arith.constant 0 : i32
      %dma_wait3A_305 = arith.constant 0 : i32
      %dma_wait3A_306 = tpu.memref_slice %arg10[%dma_wait3A_304, %dma_wait3A_305] : memref<400x144xf32, #tpu.memory_space<vmem_shared>> -> memref<400x144xf32, #tpu.memory_space<vmem_shared>>
      tpu.wait_indirect_dma semaphore(%arg24 : memref<!tpu.dma_semaphore, #tpu.memory_space<semaphore_mem>>) src(%arg17 : memref<100x144xf32, #tpu.memory_space<vmem>>) dst(%dma_wait3A_306 : memref<400x144xf32, #tpu.memory_space<vmem_shared>>)
      %dma_start3A_307 = arith.constant 6 : i32
      %dma_start3A_308 = arith.constant 0 : i32
      %dma_start3A_309 = tpu.memref_slice %arg11[%dma_start3A_307, %dma_start3A_308] : memref<10x100xi32, #tpu.memory_space<vmem>> -> memref<1x100xi32, #tpu.memory_space<vmem>>
      %dma_start3A_310 = tpu.memref_squeeze %dma_start3A_309 : memref<1x100xi32, #tpu.memory_space<vmem>> -> memref<100xi32, #tpu.memory_space<vmem>>
      %dma_start3A_311 = arith.constant 0 : i32
      %dma_start3A_312 = arith.constant 0 : i32
      %dma_start3A_313 = tpu.memref_slice %arg5[%dma_start3A_311, %dma_start3A_312] : memref<10000x144xf32, #tpu.memory_space<hbm>> -> memref<10000x144xf32, #tpu.memory_space<hbm>>
      tpu.enqueue_indirect_dma source(%dma_start3A_313 : memref<10000x144xf32, #tpu.memory_space<hbm>>) target(%arg17 : memref<100x144xf32, #tpu.memory_space<vmem>>) offsets(%dma_start3A_310 : memref<100xi32, #tpu.memory_space<vmem>>) semaphore(%arg20 : memref<!tpu.dma_semaphore, #tpu.memory_space<semaphore_mem>>)
      %dma_wait3A_314 = arith.constant 5 : i32
      %dma_wait3A_315 = arith.constant 0 : i32
      %dma_wait3A_316 = tpu.memref_slice %arg11[%dma_wait3A_314, %dma_wait3A_315] : memref<10x100xi32, #tpu.memory_space<vmem>> -> memref<1x100xi32, #tpu.memory_space<vmem>>
      %dma_wait3A_317 = tpu.memref_squeeze %dma_wait3A_316 : memref<1x100xi32, #tpu.memory_space<vmem>> -> memref<100xi32, #tpu.memory_space<vmem>>
      %dma_wait3A_318 = arith.constant 0 : i32
      %dma_wait3A_319 = arith.constant 0 : i32
      %dma_wait3A_320 = tpu.memref_slice %arg5[%dma_wait3A_318, %dma_wait3A_319] : memref<10000x144xf32, #tpu.memory_space<hbm>> -> memref<10000x144xf32, #tpu.memory_space<hbm>>
      tpu.wait_indirect_dma semaphore(%arg21 : memref<!tpu.dma_semaphore, #tpu.memory_space<semaphore_mem>>) src(%dma_wait3A_320 : memref<10000x144xf32, #tpu.memory_space<hbm>>) dst(%arg18 : memref<100x144xf32, #tpu.memory_space<vmem>>)
      %dma_start3A_321 = arith.constant 5 : i32
      %dma_start3A_322 = arith.constant 0 : i32
      %dma_start3A_323 = tpu.memref_slice %arg13[%dma_start3A_321, %dma_start3A_322] : memref<10x100xi32, #tpu.memory_space<vmem>> -> memref<1x100xi32, #tpu.memory_space<vmem>>
      %dma_start3A_324 = tpu.memref_squeeze %dma_start3A_323 : memref<1x100xi32, #tpu.memory_space<vmem>> -> memref<100xi32, #tpu.memory_space<vmem>>
      %dma_start3A_325 = arith.constant 0 : i32
      %dma_start3A_326 = arith.constant 0 : i32
      %dma_start3A_327 = tpu.memref_slice %arg9[%dma_start3A_325, %dma_start3A_326] : memref<10000x144xf32, #tpu.memory_space<vmem_shared>> -> memref<10000x144xf32, #tpu.memory_space<vmem_shared>>
      tpu.enqueue_indirect_dma source(%arg18 : memref<100x144xf32, #tpu.memory_space<vmem>>) target(%dma_start3A_327 : memref<10000x144xf32, #tpu.memory_space<vmem_shared>>) offsets(%dma_start3A_324 : memref<100xi32, #tpu.memory_space<vmem>>) semaphore(%arg23 : memref<!tpu.dma_semaphore, #tpu.memory_space<semaphore_mem>>) {add = true}
      %dma_start3A_328 = arith.constant 5 : i32
      %dma_start3A_329 = arith.constant 0 : i32
      %dma_start3A_330 = tpu.memref_slice %arg15[%dma_start3A_328, %dma_start3A_329] : memref<10x100xi32, #tpu.memory_space<vmem>> -> memref<1x100xi32, #tpu.memory_space<vmem>>
      %dma_start3A_331 = tpu.memref_squeeze %dma_start3A_330 : memref<1x100xi32, #tpu.memory_space<vmem>> -> memref<100xi32, #tpu.memory_space<vmem>>
      %dma_start3A_332 = arith.constant 0 : i32
      %dma_start3A_333 = arith.constant 0 : i32
      %dma_start3A_334 = tpu.memref_slice %arg10[%dma_start3A_332, %dma_start3A_333] : memref<400x144xf32, #tpu.memory_space<vmem_shared>> -> memref<400x144xf32, #tpu.memory_space<vmem_shared>>
      tpu.enqueue_indirect_dma source(%arg18 : memref<100x144xf32, #tpu.memory_space<vmem>>) target(%dma_start3A_334 : memref<400x144xf32, #tpu.memory_space<vmem_shared>>) offsets(%dma_start3A_331 : memref<100xi32, #tpu.memory_space<vmem>>) semaphore(%arg25 : memref<!tpu.dma_semaphore, #tpu.memory_space<semaphore_mem>>) {add = true}
      %dma_wait3A_335 = arith.constant 5 : i32
      %dma_wait3A_336 = arith.constant 0 : i32
      %dma_wait3A_337 = tpu.memref_slice %arg13[%dma_wait3A_335, %dma_wait3A_336] : memref<10x100xi32, #tpu.memory_space<vmem>> -> memref<1x100xi32, #tpu.memory_space<vmem>>
      %dma_wait3A_338 = tpu.memref_squeeze %dma_wait3A_337 : memref<1x100xi32, #tpu.memory_space<vmem>> -> memref<100xi32, #tpu.memory_space<vmem>>
      %dma_wait3A_339 = arith.constant 0 : i32
      %dma_wait3A_340 = arith.constant 0 : i32
      %dma_wait3A_341 = tpu.memref_slice %arg9[%dma_wait3A_339, %dma_wait3A_340] : memref<10000x144xf32, #tpu.memory_space<vmem_shared>> -> memref<10000x144xf32, #tpu.memory_space<vmem_shared>>
      tpu.wait_indirect_dma semaphore(%arg23 : memref<!tpu.dma_semaphore, #tpu.memory_space<semaphore_mem>>) src(%arg18 : memref<100x144xf32, #tpu.memory_space<vmem>>) dst(%dma_wait3A_341 : memref<10000x144xf32, #tpu.memory_space<vmem_shared>>)
      %dma_wait3A_342 = arith.constant 5 : i32
      %dma_wait3A_343 = arith.constant 0 : i32
      %dma_wait3A_344 = tpu.memref_slice %arg15[%dma_wait3A_342, %dma_wait3A_343] : memref<10x100xi32, #tpu.memory_space<vmem>> -> memref<1x100xi32, #tpu.memory_space<vmem>>
      %dma_wait3A_345 = tpu.memref_squeeze %dma_wait3A_344 : memref<1x100xi32, #tpu.memory_space<vmem>> -> memref<100xi32, #tpu.memory_space<vmem>>
      %dma_wait3A_346 = arith.constant 0 : i32
      %dma_wait3A_347 = arith.constant 0 : i32
      %dma_wait3A_348 = tpu.memref_slice %arg10[%dma_wait3A_346, %dma_wait3A_347] : memref<400x144xf32, #tpu.memory_space<vmem_shared>> -> memref<400x144xf32, #tpu.memory_space<vmem_shared>>
      tpu.wait_indirect_dma semaphore(%arg25 : memref<!tpu.dma_semaphore, #tpu.memory_space<semaphore_mem>>) src(%arg18 : memref<100x144xf32, #tpu.memory_space<vmem>>) dst(%dma_wait3A_348 : memref<400x144xf32, #tpu.memory_space<vmem_shared>>)
      %dma_start3A_349 = arith.constant 7 : i32
      %dma_start3A_350 = arith.constant 0 : i32
      %dma_start3A_351 = tpu.memref_slice %arg11[%dma_start3A_349, %dma_start3A_350] : memref<10x100xi32, #tpu.memory_space<vmem>> -> memref<1x100xi32, #tpu.memory_space<vmem>>
      %dma_start3A_352 = tpu.memref_squeeze %dma_start3A_351 : memref<1x100xi32, #tpu.memory_space<vmem>> -> memref<100xi32, #tpu.memory_space<vmem>>
      %dma_start3A_353 = arith.constant 0 : i32
      %dma_start3A_354 = arith.constant 0 : i32
      %dma_start3A_355 = tpu.memref_slice %arg5[%dma_start3A_353, %dma_start3A_354] : memref<10000x144xf32, #tpu.memory_space<hbm>> -> memref<10000x144xf32, #tpu.memory_space<hbm>>
      tpu.enqueue_indirect_dma source(%dma_start3A_355 : memref<10000x144xf32, #tpu.memory_space<hbm>>) target(%arg18 : memref<100x144xf32, #tpu.memory_space<vmem>>) offsets(%dma_start3A_352 : memref<100xi32, #tpu.memory_space<vmem>>) semaphore(%arg21 : memref<!tpu.dma_semaphore, #tpu.memory_space<semaphore_mem>>)
      %dma_wait3A_356 = arith.constant 6 : i32
      %dma_wait3A_357 = arith.constant 0 : i32
      %dma_wait3A_358 = tpu.memref_slice %arg11[%dma_wait3A_356, %dma_wait3A_357] : memref<10x100xi32, #tpu.memory_space<vmem>> -> memref<1x100xi32, #tpu.memory_space<vmem>>
      %dma_wait3A_359 = tpu.memref_squeeze %dma_wait3A_358 : memref<1x100xi32, #tpu.memory_space<vmem>> -> memref<100xi32, #tpu.memory_space<vmem>>
      %dma_wait3A_360 = arith.constant 0 : i32
      %dma_wait3A_361 = arith.constant 0 : i32
      %dma_wait3A_362 = tpu.memref_slice %arg5[%dma_wait3A_360, %dma_wait3A_361] : memref<10000x144xf32, #tpu.memory_space<hbm>> -> memref<10000x144xf32, #tpu.memory_space<hbm>>
      tpu.wait_indirect_dma semaphore(%arg20 : memref<!tpu.dma_semaphore, #tpu.memory_space<semaphore_mem>>) src(%dma_wait3A_362 : memref<10000x144xf32, #tpu.memory_space<hbm>>) dst(%arg17 : memref<100x144xf32, #tpu.memory_space<vmem>>)
      %dma_start3A_363 = arith.constant 6 : i32
      %dma_start3A_364 = arith.constant 0 : i32
      %dma_start3A_365 = tpu.memref_slice %arg13[%dma_start3A_363, %dma_start3A_364] : memref<10x100xi32, #tpu.memory_space<vmem>> -> memref<1x100xi32, #tpu.memory_space<vmem>>
      %dma_start3A_366 = tpu.memref_squeeze %dma_start3A_365 : memref<1x100xi32, #tpu.memory_space<vmem>> -> memref<100xi32, #tpu.memory_space<vmem>>
      %dma_start3A_367 = arith.constant 0 : i32
      %dma_start3A_368 = arith.constant 0 : i32
      %dma_start3A_369 = tpu.memref_slice %arg9[%dma_start3A_367, %dma_start3A_368] : memref<10000x144xf32, #tpu.memory_space<vmem_shared>> -> memref<10000x144xf32, #tpu.memory_space<vmem_shared>>
      tpu.enqueue_indirect_dma source(%arg17 : memref<100x144xf32, #tpu.memory_space<vmem>>) target(%dma_start3A_369 : memref<10000x144xf32, #tpu.memory_space<vmem_shared>>) offsets(%dma_start3A_366 : memref<100xi32, #tpu.memory_space<vmem>>) semaphore(%arg22 : memref<!tpu.dma_semaphore, #tpu.memory_space<semaphore_mem>>) {add = true}
      %dma_start3A_370 = arith.constant 6 : i32
      %dma_start3A_371 = arith.constant 0 : i32
      %dma_start3A_372 = tpu.memref_slice %arg15[%dma_start3A_370, %dma_start3A_371] : memref<10x100xi32, #tpu.memory_space<vmem>> -> memref<1x100xi32, #tpu.memory_space<vmem>>
      %dma_start3A_373 = tpu.memref_squeeze %dma_start3A_372 : memref<1x100xi32, #tpu.memory_space<vmem>> -> memref<100xi32, #tpu.memory_space<vmem>>
      %dma_start3A_374 = arith.constant 0 : i32
      %dma_start3A_375 = arith.constant 0 : i32
      %dma_start3A_376 = tpu.memref_slice %arg10[%dma_start3A_374, %dma_start3A_375] : memref<400x144xf32, #tpu.memory_space<vmem_shared>> -> memref<400x144xf32, #tpu.memory_space<vmem_shared>>
      tpu.enqueue_indirect_dma source(%arg17 : memref<100x144xf32, #tpu.memory_space<vmem>>) target(%dma_start3A_376 : memref<400x144xf32, #tpu.memory_space<vmem_shared>>) offsets(%dma_start3A_373 : memref<100xi32, #tpu.memory_space<vmem>>) semaphore(%arg24 : memref<!tpu.dma_semaphore, #tpu.memory_space<semaphore_mem>>) {add = true}
      %dma_wait3A_377 = arith.constant 6 : i32
      %dma_wait3A_378 = arith.constant 0 : i32
      %dma_wait3A_379 = tpu.memref_slice %arg13[%dma_wait3A_377, %dma_wait3A_378] : memref<10x100xi32, #tpu.memory_space<vmem>> -> memref<1x100xi32, #tpu.memory_space<vmem>>
      %dma_wait3A_380 = tpu.memref_squeeze %dma_wait3A_379 : memref<1x100xi32, #tpu.memory_space<vmem>> -> memref<100xi32, #tpu.memory_space<vmem>>
      %dma_wait3A_381 = arith.constant 0 : i32
      %dma_wait3A_382 = arith.constant 0 : i32
      %dma_wait3A_383 = tpu.memref_slice %arg9[%dma_wait3A_381, %dma_wait3A_382] : memref<10000x144xf32, #tpu.memory_space<vmem_shared>> -> memref<10000x144xf32, #tpu.memory_space<vmem_shared>>
      tpu.wait_indirect_dma semaphore(%arg22 : memref<!tpu.dma_semaphore, #tpu.memory_space<semaphore_mem>>) src(%arg17 : memref<100x144xf32, #tpu.memory_space<vmem>>) dst(%dma_wait3A_383 : memref<10000x144xf32, #tpu.memory_space<vmem_shared>>)
      %dma_wait3A_384 = arith.constant 6 : i32
      %dma_wait3A_385 = arith.constant 0 : i32
      %dma_wait3A_386 = tpu.memref_slice %arg15[%dma_wait3A_384, %dma_wait3A_385] : memref<10x100xi32, #tpu.memory_space<vmem>> -> memref<1x100xi32, #tpu.memory_space<vmem>>
      %dma_wait3A_387 = tpu.memref_squeeze %dma_wait3A_386 : memref<1x100xi32, #tpu.memory_space<vmem>> -> memref<100xi32, #tpu.memory_space<vmem>>
      %dma_wait3A_388 = arith.constant 0 : i32
      %dma_wait3A_389 = arith.constant 0 : i32
      %dma_wait3A_390 = tpu.memref_slice %arg10[%dma_wait3A_388, %dma_wait3A_389] : memref<400x144xf32, #tpu.memory_space<vmem_shared>> -> memref<400x144xf32, #tpu.memory_space<vmem_shared>>
      tpu.wait_indirect_dma semaphore(%arg24 : memref<!tpu.dma_semaphore, #tpu.memory_space<semaphore_mem>>) src(%arg17 : memref<100x144xf32, #tpu.memory_space<vmem>>) dst(%dma_wait3A_390 : memref<400x144xf32, #tpu.memory_space<vmem_shared>>)
      %dma_start3A_391 = arith.constant 8 : i32
      %dma_start3A_392 = arith.constant 0 : i32
      %dma_start3A_393 = tpu.memref_slice %arg11[%dma_start3A_391, %dma_start3A_392] : memref<10x100xi32, #tpu.memory_space<vmem>> -> memref<1x100xi32, #tpu.memory_space<vmem>>
      %dma_start3A_394 = tpu.memref_squeeze %dma_start3A_393 : memref<1x100xi32, #tpu.memory_space<vmem>> -> memref<100xi32, #tpu.memory_space<vmem>>
      %dma_start3A_395 = arith.constant 0 : i32
      %dma_start3A_396 = arith.constant 0 : i32
      %dma_start3A_397 = tpu.memref_slice %arg5[%dma_start3A_395, %dma_start3A_396] : memref<10000x144xf32, #tpu.memory_space<hbm>> -> memref<10000x144xf32, #tpu.memory_space<hbm>>
      tpu.enqueue_indirect_dma source(%dma_start3A_397 : memref<10000x144xf32, #tpu.memory_space<hbm>>) target(%arg17 : memref<100x144xf32, #tpu.memory_space<vmem>>) offsets(%dma_start3A_394 : memref<100xi32, #tpu.memory_space<vmem>>) semaphore(%arg20 : memref<!tpu.dma_semaphore, #tpu.memory_space<semaphore_mem>>)
      %dma_wait3A_398 = arith.constant 7 : i32
      %dma_wait3A_399 = arith.constant 0 : i32
      %dma_wait3A_400 = tpu.memref_slice %arg11[%dma_wait3A_398, %dma_wait3A_399] : memref<10x100xi32, #tpu.memory_space<vmem>> -> memref<1x100xi32, #tpu.memory_space<vmem>>
      %dma_wait3A_401 = tpu.memref_squeeze %dma_wait3A_400 : memref<1x100xi32, #tpu.memory_space<vmem>> -> memref<100xi32, #tpu.memory_space<vmem>>
      %dma_wait3A_402 = arith.constant 0 : i32
      %dma_wait3A_403 = arith.constant 0 : i32
      %dma_wait3A_404 = tpu.memref_slice %arg5[%dma_wait3A_402, %dma_wait3A_403] : memref<10000x144xf32, #tpu.memory_space<hbm>> -> memref<10000x144xf32, #tpu.memory_space<hbm>>
      tpu.wait_indirect_dma semaphore(%arg21 : memref<!tpu.dma_semaphore, #tpu.memory_space<semaphore_mem>>) src(%dma_wait3A_404 : memref<10000x144xf32, #tpu.memory_space<hbm>>) dst(%arg18 : memref<100x144xf32, #tpu.memory_space<vmem>>)
      %dma_start3A_405 = arith.constant 7 : i32
      %dma_start3A_406 = arith.constant 0 : i32
      %dma_start3A_407 = tpu.memref_slice %arg13[%dma_start3A_405, %dma_start3A_406] : memref<10x100xi32, #tpu.memory_space<vmem>> -> memref<1x100xi32, #tpu.memory_space<vmem>>
      %dma_start3A_408 = tpu.memref_squeeze %dma_start3A_407 : memref<1x100xi32, #tpu.memory_space<vmem>> -> memref<100xi32, #tpu.memory_space<vmem>>
      %dma_start3A_409 = arith.constant 0 : i32
      %dma_start3A_410 = arith.constant 0 : i32
      %dma_start3A_411 = tpu.memref_slice %arg9[%dma_start3A_409, %dma_start3A_410] : memref<10000x144xf32, #tpu.memory_space<vmem_shared>> -> memref<10000x144xf32, #tpu.memory_space<vmem_shared>>
      tpu.enqueue_indirect_dma source(%arg18 : memref<100x144xf32, #tpu.memory_space<vmem>>) target(%dma_start3A_411 : memref<10000x144xf32, #tpu.memory_space<vmem_shared>>) offsets(%dma_start3A_408 : memref<100xi32, #tpu.memory_space<vmem>>) semaphore(%arg23 : memref<!tpu.dma_semaphore, #tpu.memory_space<semaphore_mem>>) {add = true}
      %dma_start3A_412 = arith.constant 7 : i32
      %dma_start3A_413 = arith.constant 0 : i32
      %dma_start3A_414 = tpu.memref_slice %arg15[%dma_start3A_412, %dma_start3A_413] : memref<10x100xi32, #tpu.memory_space<vmem>> -> memref<1x100xi32, #tpu.memory_space<vmem>>
      %dma_start3A_415 = tpu.memref_squeeze %dma_start3A_414 : memref<1x100xi32, #tpu.memory_space<vmem>> -> memref<100xi32, #tpu.memory_space<vmem>>
      %dma_start3A_416 = arith.constant 0 : i32
      %dma_start3A_417 = arith.constant 0 : i32
      %dma_start3A_418 = tpu.memref_slice %arg10[%dma_start3A_416, %dma_start3A_417] : memref<400x144xf32, #tpu.memory_space<vmem_shared>> -> memref<400x144xf32, #tpu.memory_space<vmem_shared>>
      tpu.enqueue_indirect_dma source(%arg18 : memref<100x144xf32, #tpu.memory_space<vmem>>) target(%dma_start3A_418 : memref<400x144xf32, #tpu.memory_space<vmem_shared>>) offsets(%dma_start3A_415 : memref<100xi32, #tpu.memory_space<vmem>>) semaphore(%arg25 : memref<!tpu.dma_semaphore, #tpu.memory_space<semaphore_mem>>) {add = true}
      %dma_wait3A_419 = arith.constant 7 : i32
      %dma_wait3A_420 = arith.constant 0 : i32
      %dma_wait3A_421 = tpu.memref_slice %arg13[%dma_wait3A_419, %dma_wait3A_420] : memref<10x100xi32, #tpu.memory_space<vmem>> -> memref<1x100xi32, #tpu.memory_space<vmem>>
      %dma_wait3A_422 = tpu.memref_squeeze %dma_wait3A_421 : memref<1x100xi32, #tpu.memory_space<vmem>> -> memref<100xi32, #tpu.memory_space<vmem>>
      %dma_wait3A_423 = arith.constant 0 : i32
      %dma_wait3A_424 = arith.constant 0 : i32
      %dma_wait3A_425 = tpu.memref_slice %arg9[%dma_wait3A_423, %dma_wait3A_424] : memref<10000x144xf32, #tpu.memory_space<vmem_shared>> -> memref<10000x144xf32, #tpu.memory_space<vmem_shared>>
      tpu.wait_indirect_dma semaphore(%arg23 : memref<!tpu.dma_semaphore, #tpu.memory_space<semaphore_mem>>) src(%arg18 : memref<100x144xf32, #tpu.memory_space<vmem>>) dst(%dma_wait3A_425 : memref<10000x144xf32, #tpu.memory_space<vmem_shared>>)
      %dma_wait3A_426 = arith.constant 7 : i32
      %dma_wait3A_427 = arith.constant 0 : i32
      %dma_wait3A_428 = tpu.memref_slice %arg15[%dma_wait3A_426, %dma_wait3A_427] : memref<10x100xi32, #tpu.memory_space<vmem>> -> memref<1x100xi32, #tpu.memory_space<vmem>>
      %dma_wait3A_429 = tpu.memref_squeeze %dma_wait3A_428 : memref<1x100xi32, #tpu.memory_space<vmem>> -> memref<100xi32, #tpu.memory_space<vmem>>
      %dma_wait3A_430 = arith.constant 0 : i32
      %dma_wait3A_431 = arith.constant 0 : i32
      %dma_wait3A_432 = tpu.memref_slice %arg10[%dma_wait3A_430, %dma_wait3A_431] : memref<400x144xf32, #tpu.memory_space<vmem_shared>> -> memref<400x144xf32, #tpu.memory_space<vmem_shared>>
      tpu.wait_indirect_dma semaphore(%arg25 : memref<!tpu.dma_semaphore, #tpu.memory_space<semaphore_mem>>) src(%arg18 : memref<100x144xf32, #tpu.memory_space<vmem>>) dst(%dma_wait3A_432 : memref<400x144xf32, #tpu.memory_space<vmem_shared>>)
      %dma_start3A_433 = arith.constant 9 : i32
      %dma_start3A_434 = arith.constant 0 : i32
      %dma_start3A_435 = tpu.memref_slice %arg11[%dma_start3A_433, %dma_start3A_434] : memref<10x100xi32, #tpu.memory_space<vmem>> -> memref<1x100xi32, #tpu.memory_space<vmem>>
      %dma_start3A_436 = tpu.memref_squeeze %dma_start3A_435 : memref<1x100xi32, #tpu.memory_space<vmem>> -> memref<100xi32, #tpu.memory_space<vmem>>
      %dma_start3A_437 = arith.constant 0 : i32
      %dma_start3A_438 = arith.constant 0 : i32
      %dma_start3A_439 = tpu.memref_slice %arg5[%dma_start3A_437, %dma_start3A_438] : memref<10000x144xf32, #tpu.memory_space<hbm>> -> memref<10000x144xf32, #tpu.memory_space<hbm>>
      tpu.enqueue_indirect_dma source(%dma_start3A_439 : memref<10000x144xf32, #tpu.memory_space<hbm>>) target(%arg18 : memref<100x144xf32, #tpu.memory_space<vmem>>) offsets(%dma_start3A_436 : memref<100xi32, #tpu.memory_space<vmem>>) semaphore(%arg21 : memref<!tpu.dma_semaphore, #tpu.memory_space<semaphore_mem>>)
      %dma_wait3A_440 = arith.constant 8 : i32
      %dma_wait3A_441 = arith.constant 0 : i32
      %dma_wait3A_442 = tpu.memref_slice %arg11[%dma_wait3A_440, %dma_wait3A_441] : memref<10x100xi32, #tpu.memory_space<vmem>> -> memref<1x100xi32, #tpu.memory_space<vmem>>
      %dma_wait3A_443 = tpu.memref_squeeze %dma_wait3A_442 : memref<1x100xi32, #tpu.memory_space<vmem>> -> memref<100xi32, #tpu.memory_space<vmem>>
      %dma_wait3A_444 = arith.constant 0 : i32
      %dma_wait3A_445 = arith.constant 0 : i32
      %dma_wait3A_446 = tpu.memref_slice %arg5[%dma_wait3A_444, %dma_wait3A_445] : memref<10000x144xf32, #tpu.memory_space<hbm>> -> memref<10000x144xf32, #tpu.memory_space<hbm>>
      tpu.wait_indirect_dma semaphore(%arg20 : memref<!tpu.dma_semaphore, #tpu.memory_space<semaphore_mem>>) src(%dma_wait3A_446 : memref<10000x144xf32, #tpu.memory_space<hbm>>) dst(%arg17 : memref<100x144xf32, #tpu.memory_space<vmem>>)
      %dma_start3A_447 = arith.constant 8 : i32
      %dma_start3A_448 = arith.constant 0 : i32
      %dma_start3A_449 = tpu.memref_slice %arg13[%dma_start3A_447, %dma_start3A_448] : memref<10x100xi32, #tpu.memory_space<vmem>> -> memref<1x100xi32, #tpu.memory_space<vmem>>
      %dma_start3A_450 = tpu.memref_squeeze %dma_start3A_449 : memref<1x100xi32, #tpu.memory_space<vmem>> -> memref<100xi32, #tpu.memory_space<vmem>>
      %dma_start3A_451 = arith.constant 0 : i32
      %dma_start3A_452 = arith.constant 0 : i32
      %dma_start3A_453 = tpu.memref_slice %arg9[%dma_start3A_451, %dma_start3A_452] : memref<10000x144xf32, #tpu.memory_space<vmem_shared>> -> memref<10000x144xf32, #tpu.memory_space<vmem_shared>>
      tpu.enqueue_indirect_dma source(%arg17 : memref<100x144xf32, #tpu.memory_space<vmem>>) target(%dma_start3A_453 : memref<10000x144xf32, #tpu.memory_space<vmem_shared>>) offsets(%dma_start3A_450 : memref<100xi32, #tpu.memory_space<vmem>>) semaphore(%arg22 : memref<!tpu.dma_semaphore, #tpu.memory_space<semaphore_mem>>) {add = true}
      %dma_start3A_454 = arith.constant 8 : i32
      %dma_start3A_455 = arith.constant 0 : i32
      %dma_start3A_456 = tpu.memref_slice %arg15[%dma_start3A_454, %dma_start3A_455] : memref<10x100xi32, #tpu.memory_space<vmem>> -> memref<1x100xi32, #tpu.memory_space<vmem>>
      %dma_start3A_457 = tpu.memref_squeeze %dma_start3A_456 : memref<1x100xi32, #tpu.memory_space<vmem>> -> memref<100xi32, #tpu.memory_space<vmem>>
      %dma_start3A_458 = arith.constant 0 : i32
      %dma_start3A_459 = arith.constant 0 : i32
      %dma_start3A_460 = tpu.memref_slice %arg10[%dma_start3A_458, %dma_start3A_459] : memref<400x144xf32, #tpu.memory_space<vmem_shared>> -> memref<400x144xf32, #tpu.memory_space<vmem_shared>>
      tpu.enqueue_indirect_dma source(%arg17 : memref<100x144xf32, #tpu.memory_space<vmem>>) target(%dma_start3A_460 : memref<400x144xf32, #tpu.memory_space<vmem_shared>>) offsets(%dma_start3A_457 : memref<100xi32, #tpu.memory_space<vmem>>) semaphore(%arg24 : memref<!tpu.dma_semaphore, #tpu.memory_space<semaphore_mem>>) {add = true}
      %dma_wait3A_461 = arith.constant 8 : i32
      %dma_wait3A_462 = arith.constant 0 : i32
      %dma_wait3A_463 = tpu.memref_slice %arg13[%dma_wait3A_461, %dma_wait3A_462] : memref<10x100xi32, #tpu.memory_space<vmem>> -> memref<1x100xi32, #tpu.memory_space<vmem>>
      %dma_wait3A_464 = tpu.memref_squeeze %dma_wait3A_463 : memref<1x100xi32, #tpu.memory_space<vmem>> -> memref<100xi32, #tpu.memory_space<vmem>>
      %dma_wait3A_465 = arith.constant 0 : i32
      %dma_wait3A_466 = arith.constant 0 : i32
      %dma_wait3A_467 = tpu.memref_slice %arg9[%dma_wait3A_465, %dma_wait3A_466] : memref<10000x144xf32, #tpu.memory_space<vmem_shared>> -> memref<10000x144xf32, #tpu.memory_space<vmem_shared>>
      tpu.wait_indirect_dma semaphore(%arg22 : memref<!tpu.dma_semaphore, #tpu.memory_space<semaphore_mem>>) src(%arg17 : memref<100x144xf32, #tpu.memory_space<vmem>>) dst(%dma_wait3A_467 : memref<10000x144xf32, #tpu.memory_space<vmem_shared>>)
      %dma_wait3A_468 = arith.constant 8 : i32
      %dma_wait3A_469 = arith.constant 0 : i32
      %dma_wait3A_470 = tpu.memref_slice %arg15[%dma_wait3A_468, %dma_wait3A_469] : memref<10x100xi32, #tpu.memory_space<vmem>> -> memref<1x100xi32, #tpu.memory_space<vmem>>
      %dma_wait3A_471 = tpu.memref_squeeze %dma_wait3A_470 : memref<1x100xi32, #tpu.memory_space<vmem>> -> memref<100xi32, #tpu.memory_space<vmem>>
      %dma_wait3A_472 = arith.constant 0 : i32
      %dma_wait3A_473 = arith.constant 0 : i32
      %dma_wait3A_474 = tpu.memref_slice %arg10[%dma_wait3A_472, %dma_wait3A_473] : memref<400x144xf32, #tpu.memory_space<vmem_shared>> -> memref<400x144xf32, #tpu.memory_space<vmem_shared>>
      tpu.wait_indirect_dma semaphore(%arg24 : memref<!tpu.dma_semaphore, #tpu.memory_space<semaphore_mem>>) src(%arg17 : memref<100x144xf32, #tpu.memory_space<vmem>>) dst(%dma_wait3A_474 : memref<400x144xf32, #tpu.memory_space<vmem_shared>>)
      %dma_wait3A_475 = arith.constant 0 : i32
      %dma_wait3A_476 = tpu.memref_slice %arg2[%add3A_80, %dma_wait3A_475] : memref<3200x100xi32, #tpu.memory_space<hbm>> -> memref<10x100xi32, #tpu.memory_space<hbm>>
      %dma_wait3A_477 = arith.constant 0 : i32
      %dma_wait3A_478 = tpu.memref_slice %arg2[%add3A_80, %dma_wait3A_477] : memref<3200x100xi32, #tpu.memory_space<hbm>> -> memref<10x100xi32, #tpu.memory_space<hbm>>
      tpu.wait_dma2 semaphore(%arg19 : memref<!tpu.dma_semaphore, #tpu.memory_space<semaphore_mem>>) src(%dma_wait3A_478 : memref<10x100xi32, #tpu.memory_space<hbm>>) dst(%arg12 : memref<10x100xi32, #tpu.memory_space<vmem>>)
      %dma_wait3A_479 = arith.constant 0 : i32
      %dma_wait3A_480 = tpu.memref_slice %arg3[%add3A_86, %dma_wait3A_479] : memref<3200x100xi32, #tpu.memory_space<hbm>> -> memref<10x100xi32, #tpu.memory_space<hbm>>
      %dma_wait3A_481 = arith.constant 0 : i32
      %dma_wait3A_482 = tpu.memref_slice %arg3[%add3A_86, %dma_wait3A_481] : memref<3200x100xi32, #tpu.memory_space<hbm>> -> memref<10x100xi32, #tpu.memory_space<hbm>>
      tpu.wait_dma2 semaphore(%arg19 : memref<!tpu.dma_semaphore, #tpu.memory_space<semaphore_mem>>) src(%dma_wait3A_482 : memref<10x100xi32, #tpu.memory_space<hbm>>) dst(%arg14 : memref<10x100xi32, #tpu.memory_space<vmem>>)
      %dma_wait3A_483 = arith.constant 0 : i32
      %dma_wait3A_484 = tpu.memref_slice %arg4[%add3A_92, %dma_wait3A_483] : memref<3200x100xi32, #tpu.memory_space<hbm>> -> memref<10x100xi32, #tpu.memory_space<hbm>>
      %dma_wait3A_485 = arith.constant 0 : i32
      %dma_wait3A_486 = tpu.memref_slice %arg4[%add3A_92, %dma_wait3A_485] : memref<3200x100xi32, #tpu.memory_space<hbm>> -> memref<10x100xi32, #tpu.memory_space<hbm>>
      tpu.wait_dma2 semaphore(%arg19 : memref<!tpu.dma_semaphore, #tpu.memory_space<semaphore_mem>>) src(%dma_wait3A_486 : memref<10x100xi32, #tpu.memory_space<hbm>>) dst(%arg16 : memref<10x100xi32, #tpu.memory_space<vmem>>)
      %dma_start3A_487 = arith.constant 0 : i32
      %dma_start3A_488 = arith.constant 0 : i32
      %dma_start3A_489 = tpu.memref_slice %arg12[%dma_start3A_487, %dma_start3A_488] : memref<10x100xi32, #tpu.memory_space<vmem>> -> memref<1x100xi32, #tpu.memory_space<vmem>>
      %dma_start3A_490 = tpu.memref_squeeze %dma_start3A_489 : memref<1x100xi32, #tpu.memory_space<vmem>> -> memref<100xi32, #tpu.memory_space<vmem>>
      %dma_start3A_491 = arith.constant 0 : i32
      %dma_start3A_492 = arith.constant 0 : i32
      %dma_start3A_493 = tpu.memref_slice %arg5[%dma_start3A_491, %dma_start3A_492] : memref<10000x144xf32, #tpu.memory_space<hbm>> -> memref<10000x144xf32, #tpu.memory_space<hbm>>
      tpu.enqueue_indirect_dma source(%dma_start3A_493 : memref<10000x144xf32, #tpu.memory_space<hbm>>) target(%arg17 : memref<100x144xf32, #tpu.memory_space<vmem>>) offsets(%dma_start3A_490 : memref<100xi32, #tpu.memory_space<vmem>>) semaphore(%arg20 : memref<!tpu.dma_semaphore, #tpu.memory_space<semaphore_mem>>)
      %dma_wait3A_494 = arith.constant 9 : i32
      %dma_wait3A_495 = arith.constant 0 : i32
      %dma_wait3A_496 = tpu.memref_slice %arg11[%dma_wait3A_494, %dma_wait3A_495] : memref<10x100xi32, #tpu.memory_space<vmem>> -> memref<1x100xi32, #tpu.memory_space<vmem>>
      %dma_wait3A_497 = tpu.memref_squeeze %dma_wait3A_496 : memref<1x100xi32, #tpu.memory_space<vmem>> -> memref<100xi32, #tpu.memory_space<vmem>>
      %dma_wait3A_498 = arith.constant 0 : i32
      %dma_wait3A_499 = arith.constant 0 : i32
      %dma_wait3A_500 = tpu.memref_slice %arg5[%dma_wait3A_498, %dma_wait3A_499] : memref<10000x144xf32, #tpu.memory_space<hbm>> -> memref<10000x144xf32, #tpu.memory_space<hbm>>
      tpu.wait_indirect_dma semaphore(%arg21 : memref<!tpu.dma_semaphore, #tpu.memory_space<semaphore_mem>>) src(%dma_wait3A_500 : memref<10000x144xf32, #tpu.memory_space<hbm>>) dst(%arg18 : memref<100x144xf32, #tpu.memory_space<vmem>>)
      %dma_start3A_501 = arith.constant 0 : i32
      %dma_start3A_502 = tpu.memref_slice %arg2[%min3A_78, %dma_start3A_501] : memref<3200x100xi32, #tpu.memory_space<hbm>> -> memref<10x100xi32, #tpu.memory_space<hbm>>
      %dma_start3A_503 = arith.constant 0 : i32
      %dma_start3A_504 = tpu.memref_slice %arg2[%min3A_78, %dma_start3A_503] : memref<3200x100xi32, #tpu.memory_space<hbm>> -> memref<10x100xi32, #tpu.memory_space<hbm>>
      tpu.enqueue_dma source(%dma_start3A_504 : memref<10x100xi32, #tpu.memory_space<hbm>>) target(%arg11 : memref<10x100xi32, #tpu.memory_space<vmem>>) target_semaphore(%arg19 : memref<!tpu.dma_semaphore, #tpu.memory_space<semaphore_mem>>)
      %dma_start3A_505 = arith.constant 0 : i32
      %dma_start3A_506 = tpu.memref_slice %arg3[%min3A_78, %dma_start3A_505] : memref<3200x100xi32, #tpu.memory_space<hbm>> -> memref<10x100xi32, #tpu.memory_space<hbm>>
      %dma_start3A_507 = arith.constant 0 : i32
      %dma_start3A_508 = tpu.memref_slice %arg3[%min3A_78, %dma_start3A_507] : memref<3200x100xi32, #tpu.memory_space<hbm>> -> memref<10x100xi32, #tpu.memory_space<hbm>>
      tpu.enqueue_dma source(%dma_start3A_508 : memref<10x100xi32, #tpu.memory_space<hbm>>) target(%arg13 : memref<10x100xi32, #tpu.memory_space<vmem>>) target_semaphore(%arg19 : memref<!tpu.dma_semaphore, #tpu.memory_space<semaphore_mem>>)
      %dma_start3A_509 = arith.constant 0 : i32
      %dma_start3A_510 = tpu.memref_slice %arg4[%min3A_78, %dma_start3A_509] : memref<3200x100xi32, #tpu.memory_space<hbm>> -> memref<10x100xi32, #tpu.memory_space<hbm>>
      %dma_start3A_511 = arith.constant 0 : i32
      %dma_start3A_512 = tpu.memref_slice %arg4[%min3A_78, %dma_start3A_511] : memref<3200x100xi32, #tpu.memory_space<hbm>> -> memref<10x100xi32, #tpu.memory_space<hbm>>
      tpu.enqueue_dma source(%dma_start3A_512 : memref<10x100xi32, #tpu.memory_space<hbm>>) target(%arg15 : memref<10x100xi32, #tpu.memory_space<vmem>>) target_semaphore(%arg19 : memref<!tpu.dma_semaphore, #tpu.memory_space<semaphore_mem>>)
      %dma_start3A_513 = arith.constant 9 : i32
      %dma_start3A_514 = arith.constant 0 : i32
      %dma_start3A_515 = tpu.memref_slice %arg13[%dma_start3A_513, %dma_start3A_514] : memref<10x100xi32, #tpu.memory_space<vmem>> -> memref<1x100xi32, #tpu.memory_space<vmem>>
      %dma_start3A_516 = tpu.memref_squeeze %dma_start3A_515 : memref<1x100xi32, #tpu.memory_space<vmem>> -> memref<100xi32, #tpu.memory_space<vmem>>
      %dma_start3A_517 = arith.constant 0 : i32
      %dma_start3A_518 = arith.constant 0 : i32
      %dma_start3A_519 = tpu.memref_slice %arg9[%dma_start3A_517, %dma_start3A_518] : memref<10000x144xf32, #tpu.memory_space<vmem_shared>> -> memref<10000x144xf32, #tpu.memory_space<vmem_shared>>
      tpu.enqueue_indirect_dma source(%arg18 : memref<100x144xf32, #tpu.memory_space<vmem>>) target(%dma_start3A_519 : memref<10000x144xf32, #tpu.memory_space<vmem_shared>>) offsets(%dma_start3A_516 : memref<100xi32, #tpu.memory_space<vmem>>) semaphore(%arg23 : memref<!tpu.dma_semaphore, #tpu.memory_space<semaphore_mem>>) {add = true}
      %dma_start3A_520 = arith.constant 9 : i32
      %dma_start3A_521 = arith.constant 0 : i32
      %dma_start3A_522 = tpu.memref_slice %arg15[%dma_start3A_520, %dma_start3A_521] : memref<10x100xi32, #tpu.memory_space<vmem>> -> memref<1x100xi32, #tpu.memory_space<vmem>>
      %dma_start3A_523 = tpu.memref_squeeze %dma_start3A_522 : memref<1x100xi32, #tpu.memory_space<vmem>> -> memref<100xi32, #tpu.memory_space<vmem>>
      %dma_start3A_524 = arith.constant 0 : i32
      %dma_start3A_525 = arith.constant 0 : i32
      %dma_start3A_526 = tpu.memref_slice %arg10[%dma_start3A_524, %dma_start3A_525] : memref<400x144xf32, #tpu.memory_space<vmem_shared>> -> memref<400x144xf32, #tpu.memory_space<vmem_shared>>
      tpu.enqueue_indirect_dma source(%arg18 : memref<100x144xf32, #tpu.memory_space<vmem>>) target(%dma_start3A_526 : memref<400x144xf32, #tpu.memory_space<vmem_shared>>) offsets(%dma_start3A_523 : memref<100xi32, #tpu.memory_space<vmem>>) semaphore(%arg25 : memref<!tpu.dma_semaphore, #tpu.memory_space<semaphore_mem>>) {add = true}
      %dma_wait3A_527 = arith.constant 9 : i32
      %dma_wait3A_528 = arith.constant 0 : i32
      %dma_wait3A_529 = tpu.memref_slice %arg13[%dma_wait3A_527, %dma_wait3A_528] : memref<10x100xi32, #tpu.memory_space<vmem>> -> memref<1x100xi32, #tpu.memory_space<vmem>>
      %dma_wait3A_530 = tpu.memref_squeeze %dma_wait3A_529 : memref<1x100xi32, #tpu.memory_space<vmem>> -> memref<100xi32, #tpu.memory_space<vmem>>
      %dma_wait3A_531 = arith.constant 0 : i32
      %dma_wait3A_532 = arith.constant 0 : i32
      %dma_wait3A_533 = tpu.memref_slice %arg9[%dma_wait3A_531, %dma_wait3A_532] : memref<10000x144xf32, #tpu.memory_space<vmem_shared>> -> memref<10000x144xf32, #tpu.memory_space<vmem_shared>>
      tpu.wait_indirect_dma semaphore(%arg23 : memref<!tpu.dma_semaphore, #tpu.memory_space<semaphore_mem>>) src(%arg18 : memref<100x144xf32, #tpu.memory_space<vmem>>) dst(%dma_wait3A_533 : memref<10000x144xf32, #tpu.memory_space<vmem_shared>>)
      %dma_wait3A_534 = arith.constant 9 : i32
      %dma_wait3A_535 = arith.constant 0 : i32
      %dma_wait3A_536 = tpu.memref_slice %arg15[%dma_wait3A_534, %dma_wait3A_535] : memref<10x100xi32, #tpu.memory_space<vmem>> -> memref<1x100xi32, #tpu.memory_space<vmem>>
      %dma_wait3A_537 = tpu.memref_squeeze %dma_wait3A_536 : memref<1x100xi32, #tpu.memory_space<vmem>> -> memref<100xi32, #tpu.memory_space<vmem>>
      %dma_wait3A_538 = arith.constant 0 : i32
      %dma_wait3A_539 = arith.constant 0 : i32
      %dma_wait3A_540 = tpu.memref_slice %arg10[%dma_wait3A_538, %dma_wait3A_539] : memref<400x144xf32, #tpu.memory_space<vmem_shared>> -> memref<400x144xf32, #tpu.memory_space<vmem_shared>>
      tpu.wait_indirect_dma semaphore(%arg25 : memref<!tpu.dma_semaphore, #tpu.memory_space<semaphore_mem>>) src(%arg18 : memref<100x144xf32, #tpu.memory_space<vmem>>) dst(%dma_wait3A_540 : memref<400x144xf32, #tpu.memory_space<vmem_shared>>)
      %dma_start3A_541 = arith.constant 1 : i32
      %dma_start3A_542 = arith.constant 0 : i32
      %dma_start3A_543 = tpu.memref_slice %arg12[%dma_start3A_541, %dma_start3A_542] : memref<10x100xi32, #tpu.memory_space<vmem>> -> memref<1x100xi32, #tpu.memory_space<vmem>>
      %dma_start3A_544 = tpu.memref_squeeze %dma_start3A_543 : memref<1x100xi32, #tpu.memory_space<vmem>> -> memref<100xi32, #tpu.memory_space<vmem>>
      %dma_start3A_545 = arith.constant 0 : i32
      %dma_start3A_546 = arith.constant 0 : i32
      %dma_start3A_547 = tpu.memref_slice %arg5[%dma_start3A_545, %dma_start3A_546] : memref<10000x144xf32, #tpu.memory_space<hbm>> -> memref<10000x144xf32, #tpu.memory_space<hbm>>
      tpu.enqueue_indirect_dma source(%dma_start3A_547 : memref<10000x144xf32, #tpu.memory_space<hbm>>) target(%arg18 : memref<100x144xf32, #tpu.memory_space<vmem>>) offsets(%dma_start3A_544 : memref<100xi32, #tpu.memory_space<vmem>>) semaphore(%arg21 : memref<!tpu.dma_semaphore, #tpu.memory_space<semaphore_mem>>)
      %dma_wait3A_548 = arith.constant 0 : i32
      %dma_wait3A_549 = arith.constant 0 : i32
      %dma_wait3A_550 = tpu.memref_slice %arg12[%dma_wait3A_548, %dma_wait3A_549] : memref<10x100xi32, #tpu.memory_space<vmem>> -> memref<1x100xi32, #tpu.memory_space<vmem>>
      %dma_wait3A_551 = tpu.memref_squeeze %dma_wait3A_550 : memref<1x100xi32, #tpu.memory_space<vmem>> -> memref<100xi32, #tpu.memory_space<vmem>>
      %dma_wait3A_552 = arith.constant 0 : i32
      %dma_wait3A_553 = arith.constant 0 : i32
      %dma_wait3A_554 = tpu.memref_slice %arg5[%dma_wait3A_552, %dma_wait3A_553] : memref<10000x144xf32, #tpu.memory_space<hbm>> -> memref<10000x144xf32, #tpu.memory_space<hbm>>
      tpu.wait_indirect_dma semaphore(%arg20 : memref<!tpu.dma_semaphore, #tpu.memory_space<semaphore_mem>>) src(%dma_wait3A_554 : memref<10000x144xf32, #tpu.memory_space<hbm>>) dst(%arg17 : memref<100x144xf32, #tpu.memory_space<vmem>>)
      %dma_start3A_555 = arith.constant 0 : i32
      %dma_start3A_556 = arith.constant 0 : i32
      %dma_start3A_557 = tpu.memref_slice %arg14[%dma_start3A_555, %dma_start3A_556] : memref<10x100xi32, #tpu.memory_space<vmem>> -> memref<1x100xi32, #tpu.memory_space<vmem>>
      %dma_start3A_558 = tpu.memref_squeeze %dma_start3A_557 : memref<1x100xi32, #tpu.memory_space<vmem>> -> memref<100xi32, #tpu.memory_space<vmem>>
      %dma_start3A_559 = arith.constant 0 : i32
      %dma_start3A_560 = arith.constant 0 : i32
      %dma_start3A_561 = tpu.memref_slice %arg9[%dma_start3A_559, %dma_start3A_560] : memref<10000x144xf32, #tpu.memory_space<vmem_shared>> -> memref<10000x144xf32, #tpu.memory_space<vmem_shared>>
      tpu.enqueue_indirect_dma source(%arg17 : memref<100x144xf32, #tpu.memory_space<vmem>>) target(%dma_start3A_561 : memref<10000x144xf32, #tpu.memory_space<vmem_shared>>) offsets(%dma_start3A_558 : memref<100xi32, #tpu.memory_space<vmem>>) semaphore(%arg22 : memref<!tpu.dma_semaphore, #tpu.memory_space<semaphore_mem>>) {add = true}
      %dma_start3A_562 = arith.constant 0 : i32
      %dma_start3A_563 = arith.constant 0 : i32
      %dma_start3A_564 = tpu.memref_slice %arg16[%dma_start3A_562, %dma_start3A_563] : memref<10x100xi32, #tpu.memory_space<vmem>> -> memref<1x100xi32, #tpu.memory_space<vmem>>
      %dma_start3A_565 = tpu.memref_squeeze %dma_start3A_564 : memref<1x100xi32, #tpu.memory_space<vmem>> -> memref<100xi32, #tpu.memory_space<vmem>>
      %dma_start3A_566 = arith.constant 0 : i32
      %dma_start3A_567 = arith.constant 0 : i32
      %dma_start3A_568 = tpu.memref_slice %arg10[%dma_start3A_566, %dma_start3A_567] : memref<400x144xf32, #tpu.memory_space<vmem_shared>> -> memref<400x144xf32, #tpu.memory_space<vmem_shared>>
      tpu.enqueue_indirect_dma source(%arg17 : memref<100x144xf32, #tpu.memory_space<vmem>>) target(%dma_start3A_568 : memref<400x144xf32, #tpu.memory_space<vmem_shared>>) offsets(%dma_start3A_565 : memref<100xi32, #tpu.memory_space<vmem>>) semaphore(%arg24 : memref<!tpu.dma_semaphore, #tpu.memory_space<semaphore_mem>>) {add = true}
      %dma_wait3A_569 = arith.constant 0 : i32
      %dma_wait3A_570 = arith.constant 0 : i32
      %dma_wait3A_571 = tpu.memref_slice %arg14[%dma_wait3A_569, %dma_wait3A_570] : memref<10x100xi32, #tpu.memory_space<vmem>> -> memref<1x100xi32, #tpu.memory_space<vmem>>
      %dma_wait3A_572 = tpu.memref_squeeze %dma_wait3A_571 : memref<1x100xi32, #tpu.memory_space<vmem>> -> memref<100xi32, #tpu.memory_space<vmem>>
      %dma_wait3A_573 = arith.constant 0 : i32
      %dma_wait3A_574 = arith.constant 0 : i32
      %dma_wait3A_575 = tpu.memref_slice %arg9[%dma_wait3A_573, %dma_wait3A_574] : memref<10000x144xf32, #tpu.memory_space<vmem_shared>> -> memref<10000x144xf32, #tpu.memory_space<vmem_shared>>
      tpu.wait_indirect_dma semaphore(%arg22 : memref<!tpu.dma_semaphore, #tpu.memory_space<semaphore_mem>>) src(%arg17 : memref<100x144xf32, #tpu.memory_space<vmem>>) dst(%dma_wait3A_575 : memref<10000x144xf32, #tpu.memory_space<vmem_shared>>)
      %dma_wait3A_576 = arith.constant 0 : i32
      %dma_wait3A_577 = arith.constant 0 : i32
      %dma_wait3A_578 = tpu.memref_slice %arg16[%dma_wait3A_576, %dma_wait3A_577] : memref<10x100xi32, #tpu.memory_space<vmem>> -> memref<1x100xi32, #tpu.memory_space<vmem>>
      %dma_wait3A_579 = tpu.memref_squeeze %dma_wait3A_578 : memref<1x100xi32, #tpu.memory_space<vmem>> -> memref<100xi32, #tpu.memory_space<vmem>>
      %dma_wait3A_580 = arith.constant 0 : i32
      %dma_wait3A_581 = arith.constant 0 : i32
      %dma_wait3A_582 = tpu.memref_slice %arg10[%dma_wait3A_580, %dma_wait3A_581] : memref<400x144xf32, #tpu.memory_space<vmem_shared>> -> memref<400x144xf32, #tpu.memory_space<vmem_shared>>
      tpu.wait_indirect_dma semaphore(%arg24 : memref<!tpu.dma_semaphore, #tpu.memory_space<semaphore_mem>>) src(%arg17 : memref<100x144xf32, #tpu.memory_space<vmem>>) dst(%dma_wait3A_582 : memref<400x144xf32, #tpu.memory_space<vmem_shared>>)
      %dma_start3A_583 = arith.constant 2 : i32
      %dma_start3A_584 = arith.constant 0 : i32
      %dma_start3A_585 = tpu.memref_slice %arg12[%dma_start3A_583, %dma_start3A_584] : memref<10x100xi32, #tpu.memory_space<vmem>> -> memref<1x100xi32, #tpu.memory_space<vmem>>
      %dma_start3A_586 = tpu.memref_squeeze %dma_start3A_585 : memref<1x100xi32, #tpu.memory_space<vmem>> -> memref<100xi32, #tpu.memory_space<vmem>>
      %dma_start3A_587 = arith.constant 0 : i32
      %dma_start3A_588 = arith.constant 0 : i32
      %dma_start3A_589 = tpu.memref_slice %arg5[%dma_start3A_587, %dma_start3A_588] : memref<10000x144xf32, #tpu.memory_space<hbm>> -> memref<10000x144xf32, #tpu.memory_space<hbm>>
      tpu.enqueue_indirect_dma source(%dma_start3A_589 : memref<10000x144xf32, #tpu.memory_space<hbm>>) target(%arg17 : memref<100x144xf32, #tpu.memory_space<vmem>>) offsets(%dma_start3A_586 : memref<100xi32, #tpu.memory_space<vmem>>) semaphore(%arg20 : memref<!tpu.dma_semaphore, #tpu.memory_space<semaphore_mem>>)
      %dma_wait3A_590 = arith.constant 1 : i32
      %dma_wait3A_591 = arith.constant 0 : i32
      %dma_wait3A_592 = tpu.memref_slice %arg12[%dma_wait3A_590, %dma_wait3A_591] : memref<10x100xi32, #tpu.memory_space<vmem>> -> memref<1x100xi32, #tpu.memory_space<vmem>>
      %dma_wait3A_593 = tpu.memref_squeeze %dma_wait3A_592 : memref<1x100xi32, #tpu.memory_space<vmem>> -> memref<100xi32, #tpu.memory_space<vmem>>
      %dma_wait3A_594 = arith.constant 0 : i32
      %dma_wait3A_595 = arith.constant 0 : i32
      %dma_wait3A_596 = tpu.memref_slice %arg5[%dma_wait3A_594, %dma_wait3A_595] : memref<10000x144xf32, #tpu.memory_space<hbm>> -> memref<10000x144xf32, #tpu.memory_space<hbm>>
      tpu.wait_indirect_dma semaphore(%arg21 : memref<!tpu.dma_semaphore, #tpu.memory_space<semaphore_mem>>) src(%dma_wait3A_596 : memref<10000x144xf32, #tpu.memory_space<hbm>>) dst(%arg18 : memref<100x144xf32, #tpu.memory_space<vmem>>)
      %dma_start3A_597 = arith.constant 1 : i32
      %dma_start3A_598 = arith.constant 0 : i32
      %dma_start3A_599 = tpu.memref_slice %arg14[%dma_start3A_597, %dma_start3A_598] : memref<10x100xi32, #tpu.memory_space<vmem>> -> memref<1x100xi32, #tpu.memory_space<vmem>>
      %dma_start3A_600 = tpu.memref_squeeze %dma_start3A_599 : memref<1x100xi32, #tpu.memory_space<vmem>> -> memref<100xi32, #tpu.memory_space<vmem>>
      %dma_start3A_601 = arith.constant 0 : i32
      %dma_start3A_602 = arith.constant 0 : i32
      %dma_start3A_603 = tpu.memref_slice %arg9[%dma_start3A_601, %dma_start3A_602] : memref<10000x144xf32, #tpu.memory_space<vmem_shared>> -> memref<10000x144xf32, #tpu.memory_space<vmem_shared>>
      tpu.enqueue_indirect_dma source(%arg18 : memref<100x144xf32, #tpu.memory_space<vmem>>) target(%dma_start3A_603 : memref<10000x144xf32, #tpu.memory_space<vmem_shared>>) offsets(%dma_start3A_600 : memref<100xi32, #tpu.memory_space<vmem>>) semaphore(%arg23 : memref<!tpu.dma_semaphore, #tpu.memory_space<semaphore_mem>>) {add = true}
      %dma_start3A_604 = arith.constant 1 : i32
      %dma_start3A_605 = arith.constant 0 : i32
      %dma_start3A_606 = tpu.memref_slice %arg16[%dma_start3A_604, %dma_start3A_605] : memref<10x100xi32, #tpu.memory_space<vmem>> -> memref<1x100xi32, #tpu.memory_space<vmem>>
      %dma_start3A_607 = tpu.memref_squeeze %dma_start3A_606 : memref<1x100xi32, #tpu.memory_space<vmem>> -> memref<100xi32, #tpu.memory_space<vmem>>
      %dma_start3A_608 = arith.constant 0 : i32
      %dma_start3A_609 = arith.constant 0 : i32
      %dma_start3A_610 = tpu.memref_slice %arg10[%dma_start3A_608, %dma_start3A_609] : memref<400x144xf32, #tpu.memory_space<vmem_shared>> -> memref<400x144xf32, #tpu.memory_space<vmem_shared>>
      tpu.enqueue_indirect_dma source(%arg18 : memref<100x144xf32, #tpu.memory_space<vmem>>) target(%dma_start3A_610 : memref<400x144xf32, #tpu.memory_space<vmem_shared>>) offsets(%dma_start3A_607 : memref<100xi32, #tpu.memory_space<vmem>>) semaphore(%arg25 : memref<!tpu.dma_semaphore, #tpu.memory_space<semaphore_mem>>) {add = true}
      %dma_wait3A_611 = arith.constant 1 : i32
      %dma_wait3A_612 = arith.constant 0 : i32
      %dma_wait3A_613 = tpu.memref_slice %arg14[%dma_wait3A_611, %dma_wait3A_612] : memref<10x100xi32, #tpu.memory_space<vmem>> -> memref<1x100xi32, #tpu.memory_space<vmem>>
      %dma_wait3A_614 = tpu.memref_squeeze %dma_wait3A_613 : memref<1x100xi32, #tpu.memory_space<vmem>> -> memref<100xi32, #tpu.memory_space<vmem>>
      %dma_wait3A_615 = arith.constant 0 : i32
      %dma_wait3A_616 = arith.constant 0 : i32
      %dma_wait3A_617 = tpu.memref_slice %arg9[%dma_wait3A_615, %dma_wait3A_616] : memref<10000x144xf32, #tpu.memory_space<vmem_shared>> -> memref<10000x144xf32, #tpu.memory_space<vmem_shared>>
      tpu.wait_indirect_dma semaphore(%arg23 : memref<!tpu.dma_semaphore, #tpu.memory_space<semaphore_mem>>) src(%arg18 : memref<100x144xf32, #tpu.memory_space<vmem>>) dst(%dma_wait3A_617 : memref<10000x144xf32, #tpu.memory_space<vmem_shared>>)
      %dma_wait3A_618 = arith.constant 1 : i32
      %dma_wait3A_619 = arith.constant 0 : i32
      %dma_wait3A_620 = tpu.memref_slice %arg16[%dma_wait3A_618, %dma_wait3A_619] : memref<10x100xi32, #tpu.memory_space<vmem>> -> memref<1x100xi32, #tpu.memory_space<vmem>>
      %dma_wait3A_621 = tpu.memref_squeeze %dma_wait3A_620 : memref<1x100xi32, #tpu.memory_space<vmem>> -> memref<100xi32, #tpu.memory_space<vmem>>
      %dma_wait3A_622 = arith.constant 0 : i32
      %dma_wait3A_623 = arith.constant 0 : i32
      %dma_wait3A_624 = tpu.memref_slice %arg10[%dma_wait3A_622, %dma_wait3A_623] : memref<400x144xf32, #tpu.memory_space<vmem_shared>> -> memref<400x144xf32, #tpu.memory_space<vmem_shared>>
      tpu.wait_indirect_dma semaphore(%arg25 : memref<!tpu.dma_semaphore, #tpu.memory_space<semaphore_mem>>) src(%arg18 : memref<100x144xf32, #tpu.memory_space<vmem>>) dst(%dma_wait3A_624 : memref<400x144xf32, #tpu.memory_space<vmem_shared>>)
      %dma_start3A_625 = arith.constant 3 : i32
      %dma_start3A_626 = arith.constant 0 : i32
      %dma_start3A_627 = tpu.memref_slice %arg12[%dma_start3A_625, %dma_start3A_626] : memref<10x100xi32, #tpu.memory_space<vmem>> -> memref<1x100xi32, #tpu.memory_space<vmem>>
      %dma_start3A_628 = tpu.memref_squeeze %dma_start3A_627 : memref<1x100xi32, #tpu.memory_space<vmem>> -> memref<100xi32, #tpu.memory_space<vmem>>
      %dma_start3A_629 = arith.constant 0 : i32
      %dma_start3A_630 = arith.constant 0 : i32
      %dma_start3A_631 = tpu.memref_slice %arg5[%dma_start3A_629, %dma_start3A_630] : memref<10000x144xf32, #tpu.memory_space<hbm>> -> memref<10000x144xf32, #tpu.memory_space<hbm>>
      tpu.enqueue_indirect_dma source(%dma_start3A_631 : memref<10000x144xf32, #tpu.memory_space<hbm>>) target(%arg18 : memref<100x144xf32, #tpu.memory_space<vmem>>) offsets(%dma_start3A_628 : memref<100xi32, #tpu.memory_space<vmem>>) semaphore(%arg21 : memref<!tpu.dma_semaphore, #tpu.memory_space<semaphore_mem>>)
      %dma_wait3A_632 = arith.constant 2 : i32
      %dma_wait3A_633 = arith.constant 0 : i32
      %dma_wait3A_634 = tpu.memref_slice %arg12[%dma_wait3A_632, %dma_wait3A_633] : memref<10x100xi32, #tpu.memory_space<vmem>> -> memref<1x100xi32, #tpu.memory_space<vmem>>
      %dma_wait3A_635 = tpu.memref_squeeze %dma_wait3A_634 : memref<1x100xi32, #tpu.memory_space<vmem>> -> memref<100xi32, #tpu.memory_space<vmem>>
      %dma_wait3A_636 = arith.constant 0 : i32
      %dma_wait3A_637 = arith.constant 0 : i32
      %dma_wait3A_638 = tpu.memref_slice %arg5[%dma_wait3A_636, %dma_wait3A_637] : memref<10000x144xf32, #tpu.memory_space<hbm>> -> memref<10000x144xf32, #tpu.memory_space<hbm>>
      tpu.wait_indirect_dma semaphore(%arg20 : memref<!tpu.dma_semaphore, #tpu.memory_space<semaphore_mem>>) src(%dma_wait3A_638 : memref<10000x144xf32, #tpu.memory_space<hbm>>) dst(%arg17 : memref<100x144xf32, #tpu.memory_space<vmem>>)
      %dma_start3A_639 = arith.constant 2 : i32
      %dma_start3A_640 = arith.constant 0 : i32
      %dma_start3A_641 = tpu.memref_slice %arg14[%dma_start3A_639, %dma_start3A_640] : memref<10x100xi32, #tpu.memory_space<vmem>> -> memref<1x100xi32, #tpu.memory_space<vmem>>
      %dma_start3A_642 = tpu.memref_squeeze %dma_start3A_641 : memref<1x100xi32, #tpu.memory_space<vmem>> -> memref<100xi32, #tpu.memory_space<vmem>>
      %dma_start3A_643 = arith.constant 0 : i32
      %dma_start3A_644 = arith.constant 0 : i32
      %dma_start3A_645 = tpu.memref_slice %arg9[%dma_start3A_643, %dma_start3A_644] : memref<10000x144xf32, #tpu.memory_space<vmem_shared>> -> memref<10000x144xf32, #tpu.memory_space<vmem_shared>>
      tpu.enqueue_indirect_dma source(%arg17 : memref<100x144xf32, #tpu.memory_space<vmem>>) target(%dma_start3A_645 : memref<10000x144xf32, #tpu.memory_space<vmem_shared>>) offsets(%dma_start3A_642 : memref<100xi32, #tpu.memory_space<vmem>>) semaphore(%arg22 : memref<!tpu.dma_semaphore, #tpu.memory_space<semaphore_mem>>) {add = true}
      %dma_start3A_646 = arith.constant 2 : i32
      %dma_start3A_647 = arith.constant 0 : i32
      %dma_start3A_648 = tpu.memref_slice %arg16[%dma_start3A_646, %dma_start3A_647] : memref<10x100xi32, #tpu.memory_space<vmem>> -> memref<1x100xi32, #tpu.memory_space<vmem>>
      %dma_start3A_649 = tpu.memref_squeeze %dma_start3A_648 : memref<1x100xi32, #tpu.memory_space<vmem>> -> memref<100xi32, #tpu.memory_space<vmem>>
      %dma_start3A_650 = arith.constant 0 : i32
      %dma_start3A_651 = arith.constant 0 : i32
      %dma_start3A_652 = tpu.memref_slice %arg10[%dma_start3A_650, %dma_start3A_651] : memref<400x144xf32, #tpu.memory_space<vmem_shared>> -> memref<400x144xf32, #tpu.memory_space<vmem_shared>>
      tpu.enqueue_indirect_dma source(%arg17 : memref<100x144xf32, #tpu.memory_space<vmem>>) target(%dma_start3A_652 : memref<400x144xf32, #tpu.memory_space<vmem_shared>>) offsets(%dma_start3A_649 : memref<100xi32, #tpu.memory_space<vmem>>) semaphore(%arg24 : memref<!tpu.dma_semaphore, #tpu.memory_space<semaphore_mem>>) {add = true}
      %dma_wait3A_653 = arith.constant 2 : i32
      %dma_wait3A_654 = arith.constant 0 : i32
      %dma_wait3A_655 = tpu.memref_slice %arg14[%dma_wait3A_653, %dma_wait3A_654] : memref<10x100xi32, #tpu.memory_space<vmem>> -> memref<1x100xi32, #tpu.memory_space<vmem>>
      %dma_wait3A_656 = tpu.memref_squeeze %dma_wait3A_655 : memref<1x100xi32, #tpu.memory_space<vmem>> -> memref<100xi32, #tpu.memory_space<vmem>>
      %dma_wait3A_657 = arith.constant 0 : i32
      %dma_wait3A_658 = arith.constant 0 : i32
      %dma_wait3A_659 = tpu.memref_slice %arg9[%dma_wait3A_657, %dma_wait3A_658] : memref<10000x144xf32, #tpu.memory_space<vmem_shared>> -> memref<10000x144xf32, #tpu.memory_space<vmem_shared>>
      tpu.wait_indirect_dma semaphore(%arg22 : memref<!tpu.dma_semaphore, #tpu.memory_space<semaphore_mem>>) src(%arg17 : memref<100x144xf32, #tpu.memory_space<vmem>>) dst(%dma_wait3A_659 : memref<10000x144xf32, #tpu.memory_space<vmem_shared>>)
      %dma_wait3A_660 = arith.constant 2 : i32
      %dma_wait3A_661 = arith.constant 0 : i32
      %dma_wait3A_662 = tpu.memref_slice %arg16[%dma_wait3A_660, %dma_wait3A_661] : memref<10x100xi32, #tpu.memory_space<vmem>> -> memref<1x100xi32, #tpu.memory_space<vmem>>
      %dma_wait3A_663 = tpu.memref_squeeze %dma_wait3A_662 : memref<1x100xi32, #tpu.memory_space<vmem>> -> memref<100xi32, #tpu.memory_space<vmem>>
      %dma_wait3A_664 = arith.constant 0 : i32
      %dma_wait3A_665 = arith.constant 0 : i32
      %dma_wait3A_666 = tpu.memref_slice %arg10[%dma_wait3A_664, %dma_wait3A_665] : memref<400x144xf32, #tpu.memory_space<vmem_shared>> -> memref<400x144xf32, #tpu.memory_space<vmem_shared>>
      tpu.wait_indirect_dma semaphore(%arg24 : memref<!tpu.dma_semaphore, #tpu.memory_space<semaphore_mem>>) src(%arg17 : memref<100x144xf32, #tpu.memory_space<vmem>>) dst(%dma_wait3A_666 : memref<400x144xf32, #tpu.memory_space<vmem_shared>>)
      %dma_start3A_667 = arith.constant 4 : i32
      %dma_start3A_668 = arith.constant 0 : i32
      %dma_start3A_669 = tpu.memref_slice %arg12[%dma_start3A_667, %dma_start3A_668] : memref<10x100xi32, #tpu.memory_space<vmem>> -> memref<1x100xi32, #tpu.memory_space<vmem>>
      %dma_start3A_670 = tpu.memref_squeeze %dma_start3A_669 : memref<1x100xi32, #tpu.memory_space<vmem>> -> memref<100xi32, #tpu.memory_space<vmem>>
      %dma_start3A_671 = arith.constant 0 : i32
      %dma_start3A_672 = arith.constant 0 : i32
      %dma_start3A_673 = tpu.memref_slice %arg5[%dma_start3A_671, %dma_start3A_672] : memref<10000x144xf32, #tpu.memory_space<hbm>> -> memref<10000x144xf32, #tpu.memory_space<hbm>>
      tpu.enqueue_indirect_dma source(%dma_start3A_673 : memref<10000x144xf32, #tpu.memory_space<hbm>>) target(%arg17 : memref<100x144xf32, #tpu.memory_space<vmem>>) offsets(%dma_start3A_670 : memref<100xi32, #tpu.memory_space<vmem>>) semaphore(%arg20 : memref<!tpu.dma_semaphore, #tpu.memory_space<semaphore_mem>>)
      %dma_wait3A_674 = arith.constant 3 : i32
      %dma_wait3A_675 = arith.constant 0 : i32
      %dma_wait3A_676 = tpu.memref_slice %arg12[%dma_wait3A_674, %dma_wait3A_675] : memref<10x100xi32, #tpu.memory_space<vmem>> -> memref<1x100xi32, #tpu.memory_space<vmem>>
      %dma_wait3A_677 = tpu.memref_squeeze %dma_wait3A_676 : memref<1x100xi32, #tpu.memory_space<vmem>> -> memref<100xi32, #tpu.memory_space<vmem>>
      %dma_wait3A_678 = arith.constant 0 : i32
      %dma_wait3A_679 = arith.constant 0 : i32
      %dma_wait3A_680 = tpu.memref_slice %arg5[%dma_wait3A_678, %dma_wait3A_679] : memref<10000x144xf32, #tpu.memory_space<hbm>> -> memref<10000x144xf32, #tpu.memory_space<hbm>>
      tpu.wait_indirect_dma semaphore(%arg21 : memref<!tpu.dma_semaphore, #tpu.memory_space<semaphore_mem>>) src(%dma_wait3A_680 : memref<10000x144xf32, #tpu.memory_space<hbm>>) dst(%arg18 : memref<100x144xf32, #tpu.memory_space<vmem>>)
      %dma_start3A_681 = arith.constant 3 : i32
      %dma_start3A_682 = arith.constant 0 : i32
      %dma_start3A_683 = tpu.memref_slice %arg14[%dma_start3A_681, %dma_start3A_682] : memref<10x100xi32, #tpu.memory_space<vmem>> -> memref<1x100xi32, #tpu.memory_space<vmem>>
      %dma_start3A_684 = tpu.memref_squeeze %dma_start3A_683 : memref<1x100xi32, #tpu.memory_space<vmem>> -> memref<100xi32, #tpu.memory_space<vmem>>
      %dma_start3A_685 = arith.constant 0 : i32
      %dma_start3A_686 = arith.constant 0 : i32
      %dma_start3A_687 = tpu.memref_slice %arg9[%dma_start3A_685, %dma_start3A_686] : memref<10000x144xf32, #tpu.memory_space<vmem_shared>> -> memref<10000x144xf32, #tpu.memory_space<vmem_shared>>
      tpu.enqueue_indirect_dma source(%arg18 : memref<100x144xf32, #tpu.memory_space<vmem>>) target(%dma_start3A_687 : memref<10000x144xf32, #tpu.memory_space<vmem_shared>>) offsets(%dma_start3A_684 : memref<100xi32, #tpu.memory_space<vmem>>) semaphore(%arg23 : memref<!tpu.dma_semaphore, #tpu.memory_space<semaphore_mem>>) {add = true}
      %dma_start3A_688 = arith.constant 3 : i32
      %dma_start3A_689 = arith.constant 0 : i32
      %dma_start3A_690 = tpu.memref_slice %arg16[%dma_start3A_688, %dma_start3A_689] : memref<10x100xi32, #tpu.memory_space<vmem>> -> memref<1x100xi32, #tpu.memory_space<vmem>>
      %dma_start3A_691 = tpu.memref_squeeze %dma_start3A_690 : memref<1x100xi32, #tpu.memory_space<vmem>> -> memref<100xi32, #tpu.memory_space<vmem>>
      %dma_start3A_692 = arith.constant 0 : i32
      %dma_start3A_693 = arith.constant 0 : i32
      %dma_start3A_694 = tpu.memref_slice %arg10[%dma_start3A_692, %dma_start3A_693] : memref<400x144xf32, #tpu.memory_space<vmem_shared>> -> memref<400x144xf32, #tpu.memory_space<vmem_shared>>
      tpu.enqueue_indirect_dma source(%arg18 : memref<100x144xf32, #tpu.memory_space<vmem>>) target(%dma_start3A_694 : memref<400x144xf32, #tpu.memory_space<vmem_shared>>) offsets(%dma_start3A_691 : memref<100xi32, #tpu.memory_space<vmem>>) semaphore(%arg25 : memref<!tpu.dma_semaphore, #tpu.memory_space<semaphore_mem>>) {add = true}
      %dma_wait3A_695 = arith.constant 3 : i32
      %dma_wait3A_696 = arith.constant 0 : i32
      %dma_wait3A_697 = tpu.memref_slice %arg14[%dma_wait3A_695, %dma_wait3A_696] : memref<10x100xi32, #tpu.memory_space<vmem>> -> memref<1x100xi32, #tpu.memory_space<vmem>>
      %dma_wait3A_698 = tpu.memref_squeeze %dma_wait3A_697 : memref<1x100xi32, #tpu.memory_space<vmem>> -> memref<100xi32, #tpu.memory_space<vmem>>
      %dma_wait3A_699 = arith.constant 0 : i32
      %dma_wait3A_700 = arith.constant 0 : i32
      %dma_wait3A_701 = tpu.memref_slice %arg9[%dma_wait3A_699, %dma_wait3A_700] : memref<10000x144xf32, #tpu.memory_space<vmem_shared>> -> memref<10000x144xf32, #tpu.memory_space<vmem_shared>>
      tpu.wait_indirect_dma semaphore(%arg23 : memref<!tpu.dma_semaphore, #tpu.memory_space<semaphore_mem>>) src(%arg18 : memref<100x144xf32, #tpu.memory_space<vmem>>) dst(%dma_wait3A_701 : memref<10000x144xf32, #tpu.memory_space<vmem_shared>>)
      %dma_wait3A_702 = arith.constant 3 : i32
      %dma_wait3A_703 = arith.constant 0 : i32
      %dma_wait3A_704 = tpu.memref_slice %arg16[%dma_wait3A_702, %dma_wait3A_703] : memref<10x100xi32, #tpu.memory_space<vmem>> -> memref<1x100xi32, #tpu.memory_space<vmem>>
      %dma_wait3A_705 = tpu.memref_squeeze %dma_wait3A_704 : memref<1x100xi32, #tpu.memory_space<vmem>> -> memref<100xi32, #tpu.memory_space<vmem>>
      %dma_wait3A_706 = arith.constant 0 : i32
      %dma_wait3A_707 = arith.constant 0 : i32
      %dma_wait3A_708 = tpu.memref_slice %arg10[%dma_wait3A_706, %dma_wait3A_707] : memref<400x144xf32, #tpu.memory_space<vmem_shared>> -> memref<400x144xf32, #tpu.memory_space<vmem_shared>>
      tpu.wait_indirect_dma semaphore(%arg25 : memref<!tpu.dma_semaphore, #tpu.memory_space<semaphore_mem>>) src(%arg18 : memref<100x144xf32, #tpu.memory_space<vmem>>) dst(%dma_wait3A_708 : memref<400x144xf32, #tpu.memory_space<vmem_shared>>)
      %dma_start3A_709 = arith.constant 5 : i32
      %dma_start3A_710 = arith.constant 0 : i32
      %dma_start3A_711 = tpu.memref_slice %arg12[%dma_start3A_709, %dma_start3A_710] : memref<10x100xi32, #tpu.memory_space<vmem>> -> memref<1x100xi32, #tpu.memory_space<vmem>>
      %dma_start3A_712 = tpu.memref_squeeze %dma_start3A_711 : memref<1x100xi32, #tpu.memory_space<vmem>> -> memref<100xi32, #tpu.memory_space<vmem>>
      %dma_start3A_713 = arith.constant 0 : i32
      %dma_start3A_714 = arith.constant 0 : i32
      %dma_start3A_715 = tpu.memref_slice %arg5[%dma_start3A_713, %dma_start3A_714] : memref<10000x144xf32, #tpu.memory_space<hbm>> -> memref<10000x144xf32, #tpu.memory_space<hbm>>
      tpu.enqueue_indirect_dma source(%dma_start3A_715 : memref<10000x144xf32, #tpu.memory_space<hbm>>) target(%arg18 : memref<100x144xf32, #tpu.memory_space<vmem>>) offsets(%dma_start3A_712 : memref<100xi32, #tpu.memory_space<vmem>>) semaphore(%arg21 : memref<!tpu.dma_semaphore, #tpu.memory_space<semaphore_mem>>)
      %dma_wait3A_716 = arith.constant 4 : i32
      %dma_wait3A_717 = arith.constant 0 : i32
      %dma_wait3A_718 = tpu.memref_slice %arg12[%dma_wait3A_716, %dma_wait3A_717] : memref<10x100xi32, #tpu.memory_space<vmem>> -> memref<1x100xi32, #tpu.memory_space<vmem>>
      %dma_wait3A_719 = tpu.memref_squeeze %dma_wait3A_718 : memref<1x100xi32, #tpu.memory_space<vmem>> -> memref<100xi32, #tpu.memory_space<vmem>>
      %dma_wait3A_720 = arith.constant 0 : i32
      %dma_wait3A_721 = arith.constant 0 : i32
      %dma_wait3A_722 = tpu.memref_slice %arg5[%dma_wait3A_720, %dma_wait3A_721] : memref<10000x144xf32, #tpu.memory_space<hbm>> -> memref<10000x144xf32, #tpu.memory_space<hbm>>
      tpu.wait_indirect_dma semaphore(%arg20 : memref<!tpu.dma_semaphore, #tpu.memory_space<semaphore_mem>>) src(%dma_wait3A_722 : memref<10000x144xf32, #tpu.memory_space<hbm>>) dst(%arg17 : memref<100x144xf32, #tpu.memory_space<vmem>>)
      %dma_start3A_723 = arith.constant 4 : i32
      %dma_start3A_724 = arith.constant 0 : i32
      %dma_start3A_725 = tpu.memref_slice %arg14[%dma_start3A_723, %dma_start3A_724] : memref<10x100xi32, #tpu.memory_space<vmem>> -> memref<1x100xi32, #tpu.memory_space<vmem>>
      %dma_start3A_726 = tpu.memref_squeeze %dma_start3A_725 : memref<1x100xi32, #tpu.memory_space<vmem>> -> memref<100xi32, #tpu.memory_space<vmem>>
      %dma_start3A_727 = arith.constant 0 : i32
      %dma_start3A_728 = arith.constant 0 : i32
      %dma_start3A_729 = tpu.memref_slice %arg9[%dma_start3A_727, %dma_start3A_728] : memref<10000x144xf32, #tpu.memory_space<vmem_shared>> -> memref<10000x144xf32, #tpu.memory_space<vmem_shared>>
      tpu.enqueue_indirect_dma source(%arg17 : memref<100x144xf32, #tpu.memory_space<vmem>>) target(%dma_start3A_729 : memref<10000x144xf32, #tpu.memory_space<vmem_shared>>) offsets(%dma_start3A_726 : memref<100xi32, #tpu.memory_space<vmem>>) semaphore(%arg22 : memref<!tpu.dma_semaphore, #tpu.memory_space<semaphore_mem>>) {add = true}
      %dma_start3A_730 = arith.constant 4 : i32
      %dma_start3A_731 = arith.constant 0 : i32
      %dma_start3A_732 = tpu.memref_slice %arg16[%dma_start3A_730, %dma_start3A_731] : memref<10x100xi32, #tpu.memory_space<vmem>> -> memref<1x100xi32, #tpu.memory_space<vmem>>
      %dma_start3A_733 = tpu.memref_squeeze %dma_start3A_732 : memref<1x100xi32, #tpu.memory_space<vmem>> -> memref<100xi32, #tpu.memory_space<vmem>>
      %dma_start3A_734 = arith.constant 0 : i32
      %dma_start3A_735 = arith.constant 0 : i32
      %dma_start3A_736 = tpu.memref_slice %arg10[%dma_start3A_734, %dma_start3A_735] : memref<400x144xf32, #tpu.memory_space<vmem_shared>> -> memref<400x144xf32, #tpu.memory_space<vmem_shared>>
      tpu.enqueue_indirect_dma source(%arg17 : memref<100x144xf32, #tpu.memory_space<vmem>>) target(%dma_start3A_736 : memref<400x144xf32, #tpu.memory_space<vmem_shared>>) offsets(%dma_start3A_733 : memref<100xi32, #tpu.memory_space<vmem>>) semaphore(%arg24 : memref<!tpu.dma_semaphore, #tpu.memory_space<semaphore_mem>>) {add = true}
      %dma_wait3A_737 = arith.constant 4 : i32
      %dma_wait3A_738 = arith.constant 0 : i32
      %dma_wait3A_739 = tpu.memref_slice %arg14[%dma_wait3A_737, %dma_wait3A_738] : memref<10x100xi32, #tpu.memory_space<vmem>> -> memref<1x100xi32, #tpu.memory_space<vmem>>
      %dma_wait3A_740 = tpu.memref_squeeze %dma_wait3A_739 : memref<1x100xi32, #tpu.memory_space<vmem>> -> memref<100xi32, #tpu.memory_space<vmem>>
      %dma_wait3A_741 = arith.constant 0 : i32
      %dma_wait3A_742 = arith.constant 0 : i32
      %dma_wait3A_743 = tpu.memref_slice %arg9[%dma_wait3A_741, %dma_wait3A_742] : memref<10000x144xf32, #tpu.memory_space<vmem_shared>> -> memref<10000x144xf32, #tpu.memory_space<vmem_shared>>
      tpu.wait_indirect_dma semaphore(%arg22 : memref<!tpu.dma_semaphore, #tpu.memory_space<semaphore_mem>>) src(%arg17 : memref<100x144xf32, #tpu.memory_space<vmem>>) dst(%dma_wait3A_743 : memref<10000x144xf32, #tpu.memory_space<vmem_shared>>)
      %dma_wait3A_744 = arith.constant 4 : i32
      %dma_wait3A_745 = arith.constant 0 : i32
      %dma_wait3A_746 = tpu.memref_slice %arg16[%dma_wait3A_744, %dma_wait3A_745] : memref<10x100xi32, #tpu.memory_space<vmem>> -> memref<1x100xi32, #tpu.memory_space<vmem>>
      %dma_wait3A_747 = tpu.memref_squeeze %dma_wait3A_746 : memref<1x100xi32, #tpu.memory_space<vmem>> -> memref<100xi32, #tpu.memory_space<vmem>>
      %dma_wait3A_748 = arith.constant 0 : i32
      %dma_wait3A_749 = arith.constant 0 : i32
      %dma_wait3A_750 = tpu.memref_slice %arg10[%dma_wait3A_748, %dma_wait3A_749] : memref<400x144xf32, #tpu.memory_space<vmem_shared>> -> memref<400x144xf32, #tpu.memory_space<vmem_shared>>
      tpu.wait_indirect_dma semaphore(%arg24 : memref<!tpu.dma_semaphore, #tpu.memory_space<semaphore_mem>>) src(%arg17 : memref<100x144xf32, #tpu.memory_space<vmem>>) dst(%dma_wait3A_750 : memref<400x144xf32, #tpu.memory_space<vmem_shared>>)
      %dma_start3A_751 = arith.constant 6 : i32
      %dma_start3A_752 = arith.constant 0 : i32
      %dma_start3A_753 = tpu.memref_slice %arg12[%dma_start3A_751, %dma_start3A_752] : memref<10x100xi32, #tpu.memory_space<vmem>> -> memref<1x100xi32, #tpu.memory_space<vmem>>
      %dma_start3A_754 = tpu.memref_squeeze %dma_start3A_753 : memref<1x100xi32, #tpu.memory_space<vmem>> -> memref<100xi32, #tpu.memory_space<vmem>>
      %dma_start3A_755 = arith.constant 0 : i32
      %dma_start3A_756 = arith.constant 0 : i32
      %dma_start3A_757 = tpu.memref_slice %arg5[%dma_start3A_755, %dma_start3A_756] : memref<10000x144xf32, #tpu.memory_space<hbm>> -> memref<10000x144xf32, #tpu.memory_space<hbm>>
      tpu.enqueue_indirect_dma source(%dma_start3A_757 : memref<10000x144xf32, #tpu.memory_space<hbm>>) target(%arg17 : memref<100x144xf32, #tpu.memory_space<vmem>>) offsets(%dma_start3A_754 : memref<100xi32, #tpu.memory_space<vmem>>) semaphore(%arg20 : memref<!tpu.dma_semaphore, #tpu.memory_space<semaphore_mem>>)
      %dma_wait3A_758 = arith.constant 5 : i32
      %dma_wait3A_759 = arith.constant 0 : i32
      %dma_wait3A_760 = tpu.memref_slice %arg12[%dma_wait3A_758, %dma_wait3A_759] : memref<10x100xi32, #tpu.memory_space<vmem>> -> memref<1x100xi32, #tpu.memory_space<vmem>>
      %dma_wait3A_761 = tpu.memref_squeeze %dma_wait3A_760 : memref<1x100xi32, #tpu.memory_space<vmem>> -> memref<100xi32, #tpu.memory_space<vmem>>
      %dma_wait3A_762 = arith.constant 0 : i32
      %dma_wait3A_763 = arith.constant 0 : i32
      %dma_wait3A_764 = tpu.memref_slice %arg5[%dma_wait3A_762, %dma_wait3A_763] : memref<10000x144xf32, #tpu.memory_space<hbm>> -> memref<10000x144xf32, #tpu.memory_space<hbm>>
      tpu.wait_indirect_dma semaphore(%arg21 : memref<!tpu.dma_semaphore, #tpu.memory_space<semaphore_mem>>) src(%dma_wait3A_764 : memref<10000x144xf32, #tpu.memory_space<hbm>>) dst(%arg18 : memref<100x144xf32, #tpu.memory_space<vmem>>)
      %dma_start3A_765 = arith.constant 5 : i32
      %dma_start3A_766 = arith.constant 0 : i32
      %dma_start3A_767 = tpu.memref_slice %arg14[%dma_start3A_765, %dma_start3A_766] : memref<10x100xi32, #tpu.memory_space<vmem>> -> memref<1x100xi32, #tpu.memory_space<vmem>>
      %dma_start3A_768 = tpu.memref_squeeze %dma_start3A_767 : memref<1x100xi32, #tpu.memory_space<vmem>> -> memref<100xi32, #tpu.memory_space<vmem>>
      %dma_start3A_769 = arith.constant 0 : i32
      %dma_start3A_770 = arith.constant 0 : i32
      %dma_start3A_771 = tpu.memref_slice %arg9[%dma_start3A_769, %dma_start3A_770] : memref<10000x144xf32, #tpu.memory_space<vmem_shared>> -> memref<10000x144xf32, #tpu.memory_space<vmem_shared>>
      tpu.enqueue_indirect_dma source(%arg18 : memref<100x144xf32, #tpu.memory_space<vmem>>) target(%dma_start3A_771 : memref<10000x144xf32, #tpu.memory_space<vmem_shared>>) offsets(%dma_start3A_768 : memref<100xi32, #tpu.memory_space<vmem>>) semaphore(%arg23 : memref<!tpu.dma_semaphore, #tpu.memory_space<semaphore_mem>>) {add = true}
      %dma_start3A_772 = arith.constant 5 : i32
      %dma_start3A_773 = arith.constant 0 : i32
      %dma_start3A_774 = tpu.memref_slice %arg16[%dma_start3A_772, %dma_start3A_773] : memref<10x100xi32, #tpu.memory_space<vmem>> -> memref<1x100xi32, #tpu.memory_space<vmem>>
      %dma_start3A_775 = tpu.memref_squeeze %dma_start3A_774 : memref<1x100xi32, #tpu.memory_space<vmem>> -> memref<100xi32, #tpu.memory_space<vmem>>
      %dma_start3A_776 = arith.constant 0 : i32
      %dma_start3A_777 = arith.constant 0 : i32
      %dma_start3A_778 = tpu.memref_slice %arg10[%dma_start3A_776, %dma_start3A_777] : memref<400x144xf32, #tpu.memory_space<vmem_shared>> -> memref<400x144xf32, #tpu.memory_space<vmem_shared>>
      tpu.enqueue_indirect_dma source(%arg18 : memref<100x144xf32, #tpu.memory_space<vmem>>) target(%dma_start3A_778 : memref<400x144xf32, #tpu.memory_space<vmem_shared>>) offsets(%dma_start3A_775 : memref<100xi32, #tpu.memory_space<vmem>>) semaphore(%arg25 : memref<!tpu.dma_semaphore, #tpu.memory_space<semaphore_mem>>) {add = true}
      %dma_wait3A_779 = arith.constant 5 : i32
      %dma_wait3A_780 = arith.constant 0 : i32
      %dma_wait3A_781 = tpu.memref_slice %arg14[%dma_wait3A_779, %dma_wait3A_780] : memref<10x100xi32, #tpu.memory_space<vmem>> -> memref<1x100xi32, #tpu.memory_space<vmem>>
      %dma_wait3A_782 = tpu.memref_squeeze %dma_wait3A_781 : memref<1x100xi32, #tpu.memory_space<vmem>> -> memref<100xi32, #tpu.memory_space<vmem>>
      %dma_wait3A_783 = arith.constant 0 : i32
      %dma_wait3A_784 = arith.constant 0 : i32
      %dma_wait3A_785 = tpu.memref_slice %arg9[%dma_wait3A_783, %dma_wait3A_784] : memref<10000x144xf32, #tpu.memory_space<vmem_shared>> -> memref<10000x144xf32, #tpu.memory_space<vmem_shared>>
      tpu.wait_indirect_dma semaphore(%arg23 : memref<!tpu.dma_semaphore, #tpu.memory_space<semaphore_mem>>) src(%arg18 : memref<100x144xf32, #tpu.memory_space<vmem>>) dst(%dma_wait3A_785 : memref<10000x144xf32, #tpu.memory_space<vmem_shared>>)
      %dma_wait3A_786 = arith.constant 5 : i32
      %dma_wait3A_787 = arith.constant 0 : i32
      %dma_wait3A_788 = tpu.memref_slice %arg16[%dma_wait3A_786, %dma_wait3A_787] : memref<10x100xi32, #tpu.memory_space<vmem>> -> memref<1x100xi32, #tpu.memory_space<vmem>>
      %dma_wait3A_789 = tpu.memref_squeeze %dma_wait3A_788 : memref<1x100xi32, #tpu.memory_space<vmem>> -> memref<100xi32, #tpu.memory_space<vmem>>
      %dma_wait3A_790 = arith.constant 0 : i32
      %dma_wait3A_791 = arith.constant 0 : i32
      %dma_wait3A_792 = tpu.memref_slice %arg10[%dma_wait3A_790, %dma_wait3A_791] : memref<400x144xf32, #tpu.memory_space<vmem_shared>> -> memref<400x144xf32, #tpu.memory_space<vmem_shared>>
      tpu.wait_indirect_dma semaphore(%arg25 : memref<!tpu.dma_semaphore, #tpu.memory_space<semaphore_mem>>) src(%arg18 : memref<100x144xf32, #tpu.memory_space<vmem>>) dst(%dma_wait3A_792 : memref<400x144xf32, #tpu.memory_space<vmem_shared>>)
      %dma_start3A_793 = arith.constant 7 : i32
      %dma_start3A_794 = arith.constant 0 : i32
      %dma_start3A_795 = tpu.memref_slice %arg12[%dma_start3A_793, %dma_start3A_794] : memref<10x100xi32, #tpu.memory_space<vmem>> -> memref<1x100xi32, #tpu.memory_space<vmem>>
      %dma_start3A_796 = tpu.memref_squeeze %dma_start3A_795 : memref<1x100xi32, #tpu.memory_space<vmem>> -> memref<100xi32, #tpu.memory_space<vmem>>
      %dma_start3A_797 = arith.constant 0 : i32
      %dma_start3A_798 = arith.constant 0 : i32
      %dma_start3A_799 = tpu.memref_slice %arg5[%dma_start3A_797, %dma_start3A_798] : memref<10000x144xf32, #tpu.memory_space<hbm>> -> memref<10000x144xf32, #tpu.memory_space<hbm>>
      tpu.enqueue_indirect_dma source(%dma_start3A_799 : memref<10000x144xf32, #tpu.memory_space<hbm>>) target(%arg18 : memref<100x144xf32, #tpu.memory_space<vmem>>) offsets(%dma_start3A_796 : memref<100xi32, #tpu.memory_space<vmem>>) semaphore(%arg21 : memref<!tpu.dma_semaphore, #tpu.memory_space<semaphore_mem>>)
      %dma_wait3A_800 = arith.constant 6 : i32
      %dma_wait3A_801 = arith.constant 0 : i32
      %dma_wait3A_802 = tpu.memref_slice %arg12[%dma_wait3A_800, %dma_wait3A_801] : memref<10x100xi32, #tpu.memory_space<vmem>> -> memref<1x100xi32, #tpu.memory_space<vmem>>
      %dma_wait3A_803 = tpu.memref_squeeze %dma_wait3A_802 : memref<1x100xi32, #tpu.memory_space<vmem>> -> memref<100xi32, #tpu.memory_space<vmem>>
      %dma_wait3A_804 = arith.constant 0 : i32
      %dma_wait3A_805 = arith.constant 0 : i32
      %dma_wait3A_806 = tpu.memref_slice %arg5[%dma_wait3A_804, %dma_wait3A_805] : memref<10000x144xf32, #tpu.memory_space<hbm>> -> memref<10000x144xf32, #tpu.memory_space<hbm>>
      tpu.wait_indirect_dma semaphore(%arg20 : memref<!tpu.dma_semaphore, #tpu.memory_space<semaphore_mem>>) src(%dma_wait3A_806 : memref<10000x144xf32, #tpu.memory_space<hbm>>) dst(%arg17 : memref<100x144xf32, #tpu.memory_space<vmem>>)
      %dma_start3A_807 = arith.constant 6 : i32
      %dma_start3A_808 = arith.constant 0 : i32
      %dma_start3A_809 = tpu.memref_slice %arg14[%dma_start3A_807, %dma_start3A_808] : memref<10x100xi32, #tpu.memory_space<vmem>> -> memref<1x100xi32, #tpu.memory_space<vmem>>
      %dma_start3A_810 = tpu.memref_squeeze %dma_start3A_809 : memref<1x100xi32, #tpu.memory_space<vmem>> -> memref<100xi32, #tpu.memory_space<vmem>>
      %dma_start3A_811 = arith.constant 0 : i32
      %dma_start3A_812 = arith.constant 0 : i32
      %dma_start3A_813 = tpu.memref_slice %arg9[%dma_start3A_811, %dma_start3A_812] : memref<10000x144xf32, #tpu.memory_space<vmem_shared>> -> memref<10000x144xf32, #tpu.memory_space<vmem_shared>>
      tpu.enqueue_indirect_dma source(%arg17 : memref<100x144xf32, #tpu.memory_space<vmem>>) target(%dma_start3A_813 : memref<10000x144xf32, #tpu.memory_space<vmem_shared>>) offsets(%dma_start3A_810 : memref<100xi32, #tpu.memory_space<vmem>>) semaphore(%arg22 : memref<!tpu.dma_semaphore, #tpu.memory_space<semaphore_mem>>) {add = true}
      %dma_start3A_814 = arith.constant 6 : i32
      %dma_start3A_815 = arith.constant 0 : i32
      %dma_start3A_816 = tpu.memref_slice %arg16[%dma_start3A_814, %dma_start3A_815] : memref<10x100xi32, #tpu.memory_space<vmem>> -> memref<1x100xi32, #tpu.memory_space<vmem>>
      %dma_start3A_817 = tpu.memref_squeeze %dma_start3A_816 : memref<1x100xi32, #tpu.memory_space<vmem>> -> memref<100xi32, #tpu.memory_space<vmem>>
      %dma_start3A_818 = arith.constant 0 : i32
      %dma_start3A_819 = arith.constant 0 : i32
      %dma_start3A_820 = tpu.memref_slice %arg10[%dma_start3A_818, %dma_start3A_819] : memref<400x144xf32, #tpu.memory_space<vmem_shared>> -> memref<400x144xf32, #tpu.memory_space<vmem_shared>>
      tpu.enqueue_indirect_dma source(%arg17 : memref<100x144xf32, #tpu.memory_space<vmem>>) target(%dma_start3A_820 : memref<400x144xf32, #tpu.memory_space<vmem_shared>>) offsets(%dma_start3A_817 : memref<100xi32, #tpu.memory_space<vmem>>) semaphore(%arg24 : memref<!tpu.dma_semaphore, #tpu.memory_space<semaphore_mem>>) {add = true}
      %dma_wait3A_821 = arith.constant 6 : i32
      %dma_wait3A_822 = arith.constant 0 : i32
      %dma_wait3A_823 = tpu.memref_slice %arg14[%dma_wait3A_821, %dma_wait3A_822] : memref<10x100xi32, #tpu.memory_space<vmem>> -> memref<1x100xi32, #tpu.memory_space<vmem>>
      %dma_wait3A_824 = tpu.memref_squeeze %dma_wait3A_823 : memref<1x100xi32, #tpu.memory_space<vmem>> -> memref<100xi32, #tpu.memory_space<vmem>>
      %dma_wait3A_825 = arith.constant 0 : i32
      %dma_wait3A_826 = arith.constant 0 : i32
      %dma_wait3A_827 = tpu.memref_slice %arg9[%dma_wait3A_825, %dma_wait3A_826] : memref<10000x144xf32, #tpu.memory_space<vmem_shared>> -> memref<10000x144xf32, #tpu.memory_space<vmem_shared>>
      tpu.wait_indirect_dma semaphore(%arg22 : memref<!tpu.dma_semaphore, #tpu.memory_space<semaphore_mem>>) src(%arg17 : memref<100x144xf32, #tpu.memory_space<vmem>>) dst(%dma_wait3A_827 : memref<10000x144xf32, #tpu.memory_space<vmem_shared>>)
      %dma_wait3A_828 = arith.constant 6 : i32
      %dma_wait3A_829 = arith.constant 0 : i32
      %dma_wait3A_830 = tpu.memref_slice %arg16[%dma_wait3A_828, %dma_wait3A_829] : memref<10x100xi32, #tpu.memory_space<vmem>> -> memref<1x100xi32, #tpu.memory_space<vmem>>
      %dma_wait3A_831 = tpu.memref_squeeze %dma_wait3A_830 : memref<1x100xi32, #tpu.memory_space<vmem>> -> memref<100xi32, #tpu.memory_space<vmem>>
      %dma_wait3A_832 = arith.constant 0 : i32
      %dma_wait3A_833 = arith.constant 0 : i32
      %dma_wait3A_834 = tpu.memref_slice %arg10[%dma_wait3A_832, %dma_wait3A_833] : memref<400x144xf32, #tpu.memory_space<vmem_shared>> -> memref<400x144xf32, #tpu.memory_space<vmem_shared>>
      tpu.wait_indirect_dma semaphore(%arg24 : memref<!tpu.dma_semaphore, #tpu.memory_space<semaphore_mem>>) src(%arg17 : memref<100x144xf32, #tpu.memory_space<vmem>>) dst(%dma_wait3A_834 : memref<400x144xf32, #tpu.memory_space<vmem_shared>>)
      %dma_start3A_835 = arith.constant 8 : i32
      %dma_start3A_836 = arith.constant 0 : i32
      %dma_start3A_837 = tpu.memref_slice %arg12[%dma_start3A_835, %dma_start3A_836] : memref<10x100xi32, #tpu.memory_space<vmem>> -> memref<1x100xi32, #tpu.memory_space<vmem>>
      %dma_start3A_838 = tpu.memref_squeeze %dma_start3A_837 : memref<1x100xi32, #tpu.memory_space<vmem>> -> memref<100xi32, #tpu.memory_space<vmem>>
      %dma_start3A_839 = arith.constant 0 : i32
      %dma_start3A_840 = arith.constant 0 : i32
      %dma_start3A_841 = tpu.memref_slice %arg5[%dma_start3A_839, %dma_start3A_840] : memref<10000x144xf32, #tpu.memory_space<hbm>> -> memref<10000x144xf32, #tpu.memory_space<hbm>>
      tpu.enqueue_indirect_dma source(%dma_start3A_841 : memref<10000x144xf32, #tpu.memory_space<hbm>>) target(%arg17 : memref<100x144xf32, #tpu.memory_space<vmem>>) offsets(%dma_start3A_838 : memref<100xi32, #tpu.memory_space<vmem>>) semaphore(%arg20 : memref<!tpu.dma_semaphore, #tpu.memory_space<semaphore_mem>>)
      %dma_wait3A_842 = arith.constant 7 : i32
      %dma_wait3A_843 = arith.constant 0 : i32
      %dma_wait3A_844 = tpu.memref_slice %arg12[%dma_wait3A_842, %dma_wait3A_843] : memref<10x100xi32, #tpu.memory_space<vmem>> -> memref<1x100xi32, #tpu.memory_space<vmem>>
      %dma_wait3A_845 = tpu.memref_squeeze %dma_wait3A_844 : memref<1x100xi32, #tpu.memory_space<vmem>> -> memref<100xi32, #tpu.memory_space<vmem>>
      %dma_wait3A_846 = arith.constant 0 : i32
      %dma_wait3A_847 = arith.constant 0 : i32
      %dma_wait3A_848 = tpu.memref_slice %arg5[%dma_wait3A_846, %dma_wait3A_847] : memref<10000x144xf32, #tpu.memory_space<hbm>> -> memref<10000x144xf32, #tpu.memory_space<hbm>>
      tpu.wait_indirect_dma semaphore(%arg21 : memref<!tpu.dma_semaphore, #tpu.memory_space<semaphore_mem>>) src(%dma_wait3A_848 : memref<10000x144xf32, #tpu.memory_space<hbm>>) dst(%arg18 : memref<100x144xf32, #tpu.memory_space<vmem>>)
      %dma_start3A_849 = arith.constant 7 : i32
      %dma_start3A_850 = arith.constant 0 : i32
      %dma_start3A_851 = tpu.memref_slice %arg14[%dma_start3A_849, %dma_start3A_850] : memref<10x100xi32, #tpu.memory_space<vmem>> -> memref<1x100xi32, #tpu.memory_space<vmem>>
      %dma_start3A_852 = tpu.memref_squeeze %dma_start3A_851 : memref<1x100xi32, #tpu.memory_space<vmem>> -> memref<100xi32, #tpu.memory_space<vmem>>
      %dma_start3A_853 = arith.constant 0 : i32
      %dma_start3A_854 = arith.constant 0 : i32
      %dma_start3A_855 = tpu.memref_slice %arg9[%dma_start3A_853, %dma_start3A_854] : memref<10000x144xf32, #tpu.memory_space<vmem_shared>> -> memref<10000x144xf32, #tpu.memory_space<vmem_shared>>
      tpu.enqueue_indirect_dma source(%arg18 : memref<100x144xf32, #tpu.memory_space<vmem>>) target(%dma_start3A_855 : memref<10000x144xf32, #tpu.memory_space<vmem_shared>>) offsets(%dma_start3A_852 : memref<100xi32, #tpu.memory_space<vmem>>) semaphore(%arg23 : memref<!tpu.dma_semaphore, #tpu.memory_space<semaphore_mem>>) {add = true}
      %dma_start3A_856 = arith.constant 7 : i32
      %dma_start3A_857 = arith.constant 0 : i32
      %dma_start3A_858 = tpu.memref_slice %arg16[%dma_start3A_856, %dma_start3A_857] : memref<10x100xi32, #tpu.memory_space<vmem>> -> memref<1x100xi32, #tpu.memory_space<vmem>>
      %dma_start3A_859 = tpu.memref_squeeze %dma_start3A_858 : memref<1x100xi32, #tpu.memory_space<vmem>> -> memref<100xi32, #tpu.memory_space<vmem>>
      %dma_start3A_860 = arith.constant 0 : i32
      %dma_start3A_861 = arith.constant 0 : i32
      %dma_start3A_862 = tpu.memref_slice %arg10[%dma_start3A_860, %dma_start3A_861] : memref<400x144xf32, #tpu.memory_space<vmem_shared>> -> memref<400x144xf32, #tpu.memory_space<vmem_shared>>
      tpu.enqueue_indirect_dma source(%arg18 : memref<100x144xf32, #tpu.memory_space<vmem>>) target(%dma_start3A_862 : memref<400x144xf32, #tpu.memory_space<vmem_shared>>) offsets(%dma_start3A_859 : memref<100xi32, #tpu.memory_space<vmem>>) semaphore(%arg25 : memref<!tpu.dma_semaphore, #tpu.memory_space<semaphore_mem>>) {add = true}
      %dma_wait3A_863 = arith.constant 7 : i32
      %dma_wait3A_864 = arith.constant 0 : i32
      %dma_wait3A_865 = tpu.memref_slice %arg14[%dma_wait3A_863, %dma_wait3A_864] : memref<10x100xi32, #tpu.memory_space<vmem>> -> memref<1x100xi32, #tpu.memory_space<vmem>>
      %dma_wait3A_866 = tpu.memref_squeeze %dma_wait3A_865 : memref<1x100xi32, #tpu.memory_space<vmem>> -> memref<100xi32, #tpu.memory_space<vmem>>
      %dma_wait3A_867 = arith.constant 0 : i32
      %dma_wait3A_868 = arith.constant 0 : i32
      %dma_wait3A_869 = tpu.memref_slice %arg9[%dma_wait3A_867, %dma_wait3A_868] : memref<10000x144xf32, #tpu.memory_space<vmem_shared>> -> memref<10000x144xf32, #tpu.memory_space<vmem_shared>>
      tpu.wait_indirect_dma semaphore(%arg23 : memref<!tpu.dma_semaphore, #tpu.memory_space<semaphore_mem>>) src(%arg18 : memref<100x144xf32, #tpu.memory_space<vmem>>) dst(%dma_wait3A_869 : memref<10000x144xf32, #tpu.memory_space<vmem_shared>>)
      %dma_wait3A_870 = arith.constant 7 : i32
      %dma_wait3A_871 = arith.constant 0 : i32
      %dma_wait3A_872 = tpu.memref_slice %arg16[%dma_wait3A_870, %dma_wait3A_871] : memref<10x100xi32, #tpu.memory_space<vmem>> -> memref<1x100xi32, #tpu.memory_space<vmem>>
      %dma_wait3A_873 = tpu.memref_squeeze %dma_wait3A_872 : memref<1x100xi32, #tpu.memory_space<vmem>> -> memref<100xi32, #tpu.memory_space<vmem>>
      %dma_wait3A_874 = arith.constant 0 : i32
      %dma_wait3A_875 = arith.constant 0 : i32
      %dma_wait3A_876 = tpu.memref_slice %arg10[%dma_wait3A_874, %dma_wait3A_875] : memref<400x144xf32, #tpu.memory_space<vmem_shared>> -> memref<400x144xf32, #tpu.memory_space<vmem_shared>>
      tpu.wait_indirect_dma semaphore(%arg25 : memref<!tpu.dma_semaphore, #tpu.memory_space<semaphore_mem>>) src(%arg18 : memref<100x144xf32, #tpu.memory_space<vmem>>) dst(%dma_wait3A_876 : memref<400x144xf32, #tpu.memory_space<vmem_shared>>)
      %dma_start3A_877 = arith.constant 9 : i32
      %dma_start3A_878 = arith.constant 0 : i32
      %dma_start3A_879 = tpu.memref_slice %arg12[%dma_start3A_877, %dma_start3A_878] : memref<10x100xi32, #tpu.memory_space<vmem>> -> memref<1x100xi32, #tpu.memory_space<vmem>>
      %dma_start3A_880 = tpu.memref_squeeze %dma_start3A_879 : memref<1x100xi32, #tpu.memory_space<vmem>> -> memref<100xi32, #tpu.memory_space<vmem>>
      %dma_start3A_881 = arith.constant 0 : i32
      %dma_start3A_882 = arith.constant 0 : i32
      %dma_start3A_883 = tpu.memref_slice %arg5[%dma_start3A_881, %dma_start3A_882] : memref<10000x144xf32, #tpu.memory_space<hbm>> -> memref<10000x144xf32, #tpu.memory_space<hbm>>
      tpu.enqueue_indirect_dma source(%dma_start3A_883 : memref<10000x144xf32, #tpu.memory_space<hbm>>) target(%arg18 : memref<100x144xf32, #tpu.memory_space<vmem>>) offsets(%dma_start3A_880 : memref<100xi32, #tpu.memory_space<vmem>>) semaphore(%arg21 : memref<!tpu.dma_semaphore, #tpu.memory_space<semaphore_mem>>)
      %dma_wait3A_884 = arith.constant 8 : i32
      %dma_wait3A_885 = arith.constant 0 : i32
      %dma_wait3A_886 = tpu.memref_slice %arg12[%dma_wait3A_884, %dma_wait3A_885] : memref<10x100xi32, #tpu.memory_space<vmem>> -> memref<1x100xi32, #tpu.memory_space<vmem>>
      %dma_wait3A_887 = tpu.memref_squeeze %dma_wait3A_886 : memref<1x100xi32, #tpu.memory_space<vmem>> -> memref<100xi32, #tpu.memory_space<vmem>>
      %dma_wait3A_888 = arith.constant 0 : i32
      %dma_wait3A_889 = arith.constant 0 : i32
      %dma_wait3A_890 = tpu.memref_slice %arg5[%dma_wait3A_888, %dma_wait3A_889] : memref<10000x144xf32, #tpu.memory_space<hbm>> -> memref<10000x144xf32, #tpu.memory_space<hbm>>
      tpu.wait_indirect_dma semaphore(%arg20 : memref<!tpu.dma_semaphore, #tpu.memory_space<semaphore_mem>>) src(%dma_wait3A_890 : memref<10000x144xf32, #tpu.memory_space<hbm>>) dst(%arg17 : memref<100x144xf32, #tpu.memory_space<vmem>>)
      %dma_start3A_891 = arith.constant 8 : i32
      %dma_start3A_892 = arith.constant 0 : i32
      %dma_start3A_893 = tpu.memref_slice %arg14[%dma_start3A_891, %dma_start3A_892] : memref<10x100xi32, #tpu.memory_space<vmem>> -> memref<1x100xi32, #tpu.memory_space<vmem>>
      %dma_start3A_894 = tpu.memref_squeeze %dma_start3A_893 : memref<1x100xi32, #tpu.memory_space<vmem>> -> memref<100xi32, #tpu.memory_space<vmem>>
      %dma_start3A_895 = arith.constant 0 : i32
      %dma_start3A_896 = arith.constant 0 : i32
      %dma_start3A_897 = tpu.memref_slice %arg9[%dma_start3A_895, %dma_start3A_896] : memref<10000x144xf32, #tpu.memory_space<vmem_shared>> -> memref<10000x144xf32, #tpu.memory_space<vmem_shared>>
      tpu.enqueue_indirect_dma source(%arg17 : memref<100x144xf32, #tpu.memory_space<vmem>>) target(%dma_start3A_897 : memref<10000x144xf32, #tpu.memory_space<vmem_shared>>) offsets(%dma_start3A_894 : memref<100xi32, #tpu.memory_space<vmem>>) semaphore(%arg22 : memref<!tpu.dma_semaphore, #tpu.memory_space<semaphore_mem>>) {add = true}
      %dma_start3A_898 = arith.constant 8 : i32
      %dma_start3A_899 = arith.constant 0 : i32
      %dma_start3A_900 = tpu.memref_slice %arg16[%dma_start3A_898, %dma_start3A_899] : memref<10x100xi32, #tpu.memory_space<vmem>> -> memref<1x100xi32, #tpu.memory_space<vmem>>
      %dma_start3A_901 = tpu.memref_squeeze %dma_start3A_900 : memref<1x100xi32, #tpu.memory_space<vmem>> -> memref<100xi32, #tpu.memory_space<vmem>>
      %dma_start3A_902 = arith.constant 0 : i32
      %dma_start3A_903 = arith.constant 0 : i32
      %dma_start3A_904 = tpu.memref_slice %arg10[%dma_start3A_902, %dma_start3A_903] : memref<400x144xf32, #tpu.memory_space<vmem_shared>> -> memref<400x144xf32, #tpu.memory_space<vmem_shared>>
      tpu.enqueue_indirect_dma source(%arg17 : memref<100x144xf32, #tpu.memory_space<vmem>>) target(%dma_start3A_904 : memref<400x144xf32, #tpu.memory_space<vmem_shared>>) offsets(%dma_start3A_901 : memref<100xi32, #tpu.memory_space<vmem>>) semaphore(%arg24 : memref<!tpu.dma_semaphore, #tpu.memory_space<semaphore_mem>>) {add = true}
      %dma_wait3A_905 = arith.constant 9 : i32
      %dma_wait3A_906 = arith.constant 0 : i32
      %dma_wait3A_907 = tpu.memref_slice %arg12[%dma_wait3A_905, %dma_wait3A_906] : memref<10x100xi32, #tpu.memory_space<vmem>> -> memref<1x100xi32, #tpu.memory_space<vmem>>
      %dma_wait3A_908 = tpu.memref_squeeze %dma_wait3A_907 : memref<1x100xi32, #tpu.memory_space<vmem>> -> memref<100xi32, #tpu.memory_space<vmem>>
      %dma_wait3A_909 = arith.constant 0 : i32
      %dma_wait3A_910 = arith.constant 0 : i32
      %dma_wait3A_911 = tpu.memref_slice %arg5[%dma_wait3A_909, %dma_wait3A_910] : memref<10000x144xf32, #tpu.memory_space<hbm>> -> memref<10000x144xf32, #tpu.memory_space<hbm>>
      tpu.wait_indirect_dma semaphore(%arg21 : memref<!tpu.dma_semaphore, #tpu.memory_space<semaphore_mem>>) src(%dma_wait3A_911 : memref<10000x144xf32, #tpu.memory_space<hbm>>) dst(%arg18 : memref<100x144xf32, #tpu.memory_space<vmem>>)
      %dma_start3A_912 = arith.constant 9 : i32
      %dma_start3A_913 = arith.constant 0 : i32
      %dma_start3A_914 = tpu.memref_slice %arg14[%dma_start3A_912, %dma_start3A_913] : memref<10x100xi32, #tpu.memory_space<vmem>> -> memref<1x100xi32, #tpu.memory_space<vmem>>
      %dma_start3A_915 = tpu.memref_squeeze %dma_start3A_914 : memref<1x100xi32, #tpu.memory_space<vmem>> -> memref<100xi32, #tpu.memory_space<vmem>>
      %dma_start3A_916 = arith.constant 0 : i32
      %dma_start3A_917 = arith.constant 0 : i32
      %dma_start3A_918 = tpu.memref_slice %arg9[%dma_start3A_916, %dma_start3A_917] : memref<10000x144xf32, #tpu.memory_space<vmem_shared>> -> memref<10000x144xf32, #tpu.memory_space<vmem_shared>>
      tpu.enqueue_indirect_dma source(%arg18 : memref<100x144xf32, #tpu.memory_space<vmem>>) target(%dma_start3A_918 : memref<10000x144xf32, #tpu.memory_space<vmem_shared>>) offsets(%dma_start3A_915 : memref<100xi32, #tpu.memory_space<vmem>>) semaphore(%arg23 : memref<!tpu.dma_semaphore, #tpu.memory_space<semaphore_mem>>) {add = true}
      %dma_start3A_919 = arith.constant 9 : i32
      %dma_start3A_920 = arith.constant 0 : i32
      %dma_start3A_921 = tpu.memref_slice %arg16[%dma_start3A_919, %dma_start3A_920] : memref<10x100xi32, #tpu.memory_space<vmem>> -> memref<1x100xi32, #tpu.memory_space<vmem>>
      %dma_start3A_922 = tpu.memref_squeeze %dma_start3A_921 : memref<1x100xi32, #tpu.memory_space<vmem>> -> memref<100xi32, #tpu.memory_space<vmem>>
      %dma_start3A_923 = arith.constant 0 : i32
      %dma_start3A_924 = arith.constant 0 : i32
      %dma_start3A_925 = tpu.memref_slice %arg10[%dma_start3A_923, %dma_start3A_924] : memref<400x144xf32, #tpu.memory_space<vmem_shared>> -> memref<400x144xf32, #tpu.memory_space<vmem_shared>>
      tpu.enqueue_indirect_dma source(%arg18 : memref<100x144xf32, #tpu.memory_space<vmem>>) target(%dma_start3A_925 : memref<400x144xf32, #tpu.memory_space<vmem_shared>>) offsets(%dma_start3A_922 : memref<100xi32, #tpu.memory_space<vmem>>) semaphore(%arg25 : memref<!tpu.dma_semaphore, #tpu.memory_space<semaphore_mem>>) {add = true}
      %dma_wait3A_926 = arith.constant 8 : i32
      %dma_wait3A_927 = arith.constant 0 : i32
      %dma_wait3A_928 = tpu.memref_slice %arg14[%dma_wait3A_926, %dma_wait3A_927] : memref<10x100xi32, #tpu.memory_space<vmem>> -> memref<1x100xi32, #tpu.memory_space<vmem>>
      %dma_wait3A_929 = tpu.memref_squeeze %dma_wait3A_928 : memref<1x100xi32, #tpu.memory_space<vmem>> -> memref<100xi32, #tpu.memory_space<vmem>>
      %dma_wait3A_930 = arith.constant 0 : i32
      %dma_wait3A_931 = arith.constant 0 : i32
      %dma_wait3A_932 = tpu.memref_slice %arg9[%dma_wait3A_930, %dma_wait3A_931] : memref<10000x144xf32, #tpu.memory_space<vmem_shared>> -> memref<10000x144xf32, #tpu.memory_space<vmem_shared>>
      tpu.wait_indirect_dma semaphore(%arg22 : memref<!tpu.dma_semaphore, #tpu.memory_space<semaphore_mem>>) src(%arg17 : memref<100x144xf32, #tpu.memory_space<vmem>>) dst(%dma_wait3A_932 : memref<10000x144xf32, #tpu.memory_space<vmem_shared>>)
      %dma_wait3A_933 = arith.constant 8 : i32
      %dma_wait3A_934 = arith.constant 0 : i32
      %dma_wait3A_935 = tpu.memref_slice %arg16[%dma_wait3A_933, %dma_wait3A_934] : memref<10x100xi32, #tpu.memory_space<vmem>> -> memref<1x100xi32, #tpu.memory_space<vmem>>
      %dma_wait3A_936 = tpu.memref_squeeze %dma_wait3A_935 : memref<1x100xi32, #tpu.memory_space<vmem>> -> memref<100xi32, #tpu.memory_space<vmem>>
      %dma_wait3A_937 = arith.constant 0 : i32
      %dma_wait3A_938 = arith.constant 0 : i32
      %dma_wait3A_939 = tpu.memref_slice %arg10[%dma_wait3A_937, %dma_wait3A_938] : memref<400x144xf32, #tpu.memory_space<vmem_shared>> -> memref<400x144xf32, #tpu.memory_space<vmem_shared>>
      tpu.wait_indirect_dma semaphore(%arg24 : memref<!tpu.dma_semaphore, #tpu.memory_space<semaphore_mem>>) src(%arg17 : memref<100x144xf32, #tpu.memory_space<vmem>>) dst(%dma_wait3A_939 : memref<400x144xf32, #tpu.memory_space<vmem_shared>>)
      %dma_wait3A_940 = arith.constant 0 : i32
      %dma_wait3A_941 = tpu.memref_slice %arg2[%min3A_78, %dma_wait3A_940] : memref<3200x100xi32, #tpu.memory_space<hbm>> -> memref<10x100xi32, #tpu.memory_space<hbm>>
      %dma_wait3A_942 = arith.constant 0 : i32
      %dma_wait3A_943 = tpu.memref_slice %arg2[%min3A_78, %dma_wait3A_942] : memref<3200x100xi32, #tpu.memory_space<hbm>> -> memref<10x100xi32, #tpu.memory_space<hbm>>
      tpu.wait_dma2 semaphore(%arg19 : memref<!tpu.dma_semaphore, #tpu.memory_space<semaphore_mem>>) src(%dma_wait3A_943 : memref<10x100xi32, #tpu.memory_space<hbm>>) dst(%arg11 : memref<10x100xi32, #tpu.memory_space<vmem>>)
      %dma_wait3A_944 = arith.constant 0 : i32
      %dma_wait3A_945 = tpu.memref_slice %arg3[%min3A_78, %dma_wait3A_944] : memref<3200x100xi32, #tpu.memory_space<hbm>> -> memref<10x100xi32, #tpu.memory_space<hbm>>
      %dma_wait3A_946 = arith.constant 0 : i32
      %dma_wait3A_947 = tpu.memref_slice %arg3[%min3A_78, %dma_wait3A_946] : memref<3200x100xi32, #tpu.memory_space<hbm>> -> memref<10x100xi32, #tpu.memory_space<hbm>>
      tpu.wait_dma2 semaphore(%arg19 : memref<!tpu.dma_semaphore, #tpu.memory_space<semaphore_mem>>) src(%dma_wait3A_947 : memref<10x100xi32, #tpu.memory_space<hbm>>) dst(%arg13 : memref<10x100xi32, #tpu.memory_space<vmem>>)
      %dma_wait3A_948 = arith.constant 0 : i32
      %dma_wait3A_949 = tpu.memref_slice %arg4[%min3A_78, %dma_wait3A_948] : memref<3200x100xi32, #tpu.memory_space<hbm>> -> memref<10x100xi32, #tpu.memory_space<hbm>>
      %dma_wait3A_950 = arith.constant 0 : i32
      %dma_wait3A_951 = tpu.memref_slice %arg4[%min3A_78, %dma_wait3A_950] : memref<3200x100xi32, #tpu.memory_space<hbm>> -> memref<10x100xi32, #tpu.memory_space<hbm>>
      tpu.wait_dma2 semaphore(%arg19 : memref<!tpu.dma_semaphore, #tpu.memory_space<semaphore_mem>>) src(%dma_wait3A_951 : memref<10x100xi32, #tpu.memory_space<hbm>>) dst(%arg15 : memref<10x100xi32, #tpu.memory_space<vmem>>)
      %dma_start3A_952 = arith.constant 0 : i32
      %dma_start3A_953 = arith.constant 0 : i32
      %dma_start3A_954 = tpu.memref_slice %arg11[%dma_start3A_952, %dma_start3A_953] : memref<10x100xi32, #tpu.memory_space<vmem>> -> memref<1x100xi32, #tpu.memory_space<vmem>>
      %dma_start3A_955 = tpu.memref_squeeze %dma_start3A_954 : memref<1x100xi32, #tpu.memory_space<vmem>> -> memref<100xi32, #tpu.memory_space<vmem>>
      %dma_start3A_956 = arith.constant 0 : i32
      %dma_start3A_957 = arith.constant 0 : i32
      %dma_start3A_958 = tpu.memref_slice %arg5[%dma_start3A_956, %dma_start3A_957] : memref<10000x144xf32, #tpu.memory_space<hbm>> -> memref<10000x144xf32, #tpu.memory_space<hbm>>
      tpu.enqueue_indirect_dma source(%dma_start3A_958 : memref<10000x144xf32, #tpu.memory_space<hbm>>) target(%arg17 : memref<100x144xf32, #tpu.memory_space<vmem>>) offsets(%dma_start3A_955 : memref<100xi32, #tpu.memory_space<vmem>>) semaphore(%arg20 : memref<!tpu.dma_semaphore, #tpu.memory_space<semaphore_mem>>)
      %dma_wait3A_959 = arith.constant 9 : i32
      %dma_wait3A_960 = arith.constant 0 : i32
      %dma_wait3A_961 = tpu.memref_slice %arg14[%dma_wait3A_959, %dma_wait3A_960] : memref<10x100xi32, #tpu.memory_space<vmem>> -> memref<1x100xi32, #tpu.memory_space<vmem>>
      %dma_wait3A_962 = tpu.memref_squeeze %dma_wait3A_961 : memref<1x100xi32, #tpu.memory_space<vmem>> -> memref<100xi32, #tpu.memory_space<vmem>>
      %dma_wait3A_963 = arith.constant 0 : i32
      %dma_wait3A_964 = arith.constant 0 : i32
      %dma_wait3A_965 = tpu.memref_slice %arg9[%dma_wait3A_963, %dma_wait3A_964] : memref<10000x144xf32, #tpu.memory_space<vmem_shared>> -> memref<10000x144xf32, #tpu.memory_space<vmem_shared>>
      tpu.wait_indirect_dma semaphore(%arg23 : memref<!tpu.dma_semaphore, #tpu.memory_space<semaphore_mem>>) src(%arg18 : memref<100x144xf32, #tpu.memory_space<vmem>>) dst(%dma_wait3A_965 : memref<10000x144xf32, #tpu.memory_space<vmem_shared>>)
      %dma_wait3A_966 = arith.constant 9 : i32
      %dma_wait3A_967 = arith.constant 0 : i32
      %dma_wait3A_968 = tpu.memref_slice %arg16[%dma_wait3A_966, %dma_wait3A_967] : memref<10x100xi32, #tpu.memory_space<vmem>> -> memref<1x100xi32, #tpu.memory_space<vmem>>
      %dma_wait3A_969 = tpu.memref_squeeze %dma_wait3A_968 : memref<1x100xi32, #tpu.memory_space<vmem>> -> memref<100xi32, #tpu.memory_space<vmem>>
      %dma_wait3A_970 = arith.constant 0 : i32
      %dma_wait3A_971 = arith.constant 0 : i32
      %dma_wait3A_972 = tpu.memref_slice %arg10[%dma_wait3A_970, %dma_wait3A_971] : memref<400x144xf32, #tpu.memory_space<vmem_shared>> -> memref<400x144xf32, #tpu.memory_space<vmem_shared>>
      tpu.wait_indirect_dma semaphore(%arg25 : memref<!tpu.dma_semaphore, #tpu.memory_space<semaphore_mem>>) src(%arg18 : memref<100x144xf32, #tpu.memory_space<vmem>>) dst(%dma_wait3A_972 : memref<400x144xf32, #tpu.memory_space<vmem_shared>>)
      %scan3A_973 = arith.constant 0 : i32
      scf.yield %scan3A_973 : i32
    }
    %scan3A_47 = arith.constant 5 : i32
    %dma_wait3A_48 = arith.constant 0 : i32
    %dma_wait3A_49 = arith.constant 0 : i32
    %dma_wait3A_50 = tpu.memref_slice %arg11[%dma_wait3A_48, %dma_wait3A_49] : memref<10x100xi32, #tpu.memory_space<vmem>> -> memref<1x100xi32, #tpu.memory_space<vmem>>
    %dma_wait3A_51 = tpu.memref_squeeze %dma_wait3A_50 : memref<1x100xi32, #tpu.memory_space<vmem>> -> memref<100xi32, #tpu.memory_space<vmem>>
    %dma_wait3A_52 = arith.constant 0 : i32
    %dma_wait3A_53 = arith.constant 0 : i32
    %dma_wait3A_54 = tpu.memref_slice %arg5[%dma_wait3A_52, %dma_wait3A_53] : memref<10000x144xf32, #tpu.memory_space<hbm>> -> memref<10000x144xf32, #tpu.memory_space<hbm>>
    tpu.wait_indirect_dma semaphore(%arg20 : memref<!tpu.dma_semaphore, #tpu.memory_space<semaphore_mem>>) src(%dma_wait3A_54 : memref<10000x144xf32, #tpu.memory_space<hbm>>) dst(%arg17 : memref<100x144xf32, #tpu.memory_space<vmem>>)
    %barrier3A_55 = arith.constant 0 : index
    tpu.barrier barrier_id(%barrier3A_55)
    %mul3A_56 = arith.constant 625 : i32
    %mul3A_57 = arith.muli %arg1, %mul3A_56 : i32
    %mul3A_58 = arith.constant 625 : i32
    %mul3A_59 = arith.muli %arg1, %mul3A_58 : i32
    "tpu.region"() ({
      %run_scoped3A = tpu.sem_alloc : memref<!tpu.dma_semaphore, #tpu.memory_space<semaphore_mem>>
      %dma_start3A_64 = arith.constant 0 : i32
      %dma_start3A_65 = tpu.memref_slice %arg7[%arg0, %mul3A_59, %dma_start3A_64] : memref<2x10000x144xf32, #tpu.memory_space<hbm>> -> memref<1x625x144xf32, #tpu.memory_space<hbm>>
      %dma_start3A_66 = tpu.memref_squeeze %dma_start3A_65 : memref<1x625x144xf32, #tpu.memory_space<hbm>> -> memref<625x144xf32, #tpu.memory_space<hbm>>
      %dma_start3A_67 = arith.constant 0 : i32
      %dma_start3A_68 = tpu.memref_slice %arg9[%mul3A_57, %dma_start3A_67] : memref<10000x144xf32, #tpu.memory_space<vmem_shared>> -> memref<625x144xf32, #tpu.memory_space<vmem_shared>>
      tpu.enqueue_dma source(%dma_start3A_68 : memref<625x144xf32, #tpu.memory_space<vmem_shared>>) target(%dma_start3A_66 : memref<625x144xf32, #tpu.memory_space<hbm>>) target_semaphore(%run_scoped3A : memref<!tpu.dma_semaphore, #tpu.memory_space<semaphore_mem>>)
      %dma_wait3A_69 = arith.constant 0 : i32
      %dma_wait3A_70 = tpu.memref_slice %arg7[%arg0, %mul3A_59, %dma_wait3A_69] : memref<2x10000x144xf32, #tpu.memory_space<hbm>> -> memref<1x625x144xf32, #tpu.memory_space<hbm>>
      %dma_wait3A_71 = tpu.memref_squeeze %dma_wait3A_70 : memref<1x625x144xf32, #tpu.memory_space<hbm>> -> memref<625x144xf32, #tpu.memory_space<hbm>>
      %dma_wait3A_72 = arith.constant 0 : i32
      %dma_wait3A_73 = tpu.memref_slice %arg9[%mul3A_57, %dma_wait3A_72] : memref<10000x144xf32, #tpu.memory_space<vmem_shared>> -> memref<625x144xf32, #tpu.memory_space<vmem_shared>>
      tpu.wait_dma2 semaphore(%run_scoped3A : memref<!tpu.dma_semaphore, #tpu.memory_space<semaphore_mem>>) src(%dma_wait3A_73 : memref<625x144xf32, #tpu.memory_space<vmem_shared>>) dst(%dma_wait3A_71 : memref<625x144xf32, #tpu.memory_space<hbm>>)
      tpu.yield
    }) : () -> ()
    %mul3A_60 = arith.constant 25 : i32
    %mul3A_61 = arith.muli %arg1, %mul3A_60 : i32
    %mul3A_62 = arith.constant 25 : i32
    %mul3A_63 = arith.muli %arg1, %mul3A_62 : i32
    "tpu.region"() ({
      %run_scoped3A = tpu.sem_alloc : memref<!tpu.dma_semaphore, #tpu.memory_space<semaphore_mem>>
      %dma_start3A_64 = arith.constant 0 : i32
      %dma_start3A_65 = tpu.memref_slice %arg8[%arg0, %mul3A_63, %dma_start3A_64] : memref<2x400x144xf32, #tpu.memory_space<hbm>> -> memref<1x25x144xf32, #tpu.memory_space<hbm>>
      %dma_start3A_66 = tpu.memref_squeeze %dma_start3A_65 : memref<1x25x144xf32, #tpu.memory_space<hbm>> -> memref<25x144xf32, #tpu.memory_space<hbm>>
      %dma_start3A_67 = arith.constant 0 : i32
      %dma_start3A_68 = tpu.memref_slice %arg10[%mul3A_61, %dma_start3A_67] : memref<400x144xf32, #tpu.memory_space<vmem_shared>> -> memref<25x144xf32, #tpu.memory_space<vmem_shared>>
      tpu.enqueue_dma source(%dma_start3A_68 : memref<25x144xf32, #tpu.memory_space<vmem_shared>>) target(%dma_start3A_66 : memref<25x144xf32, #tpu.memory_space<hbm>>) target_semaphore(%run_scoped3A : memref<!tpu.dma_semaphore, #tpu.memory_space<semaphore_mem>>)
      %dma_wait3A_69 = arith.constant 0 : i32
      %dma_wait3A_70 = tpu.memref_slice %arg8[%arg0, %mul3A_63, %dma_wait3A_69] : memref<2x400x144xf32, #tpu.memory_space<hbm>> -> memref<1x25x144xf32, #tpu.memory_space<hbm>>
      %dma_wait3A_71 = tpu.memref_squeeze %dma_wait3A_70 : memref<1x25x144xf32, #tpu.memory_space<hbm>> -> memref<25x144xf32, #tpu.memory_space<hbm>>
      %dma_wait3A_72 = arith.constant 0 : i32
      %dma_wait3A_73 = tpu.memref_slice %arg10[%mul3A_61, %dma_wait3A_72] : memref<400x144xf32, #tpu.memory_space<vmem_shared>> -> memref<25x144xf32, #tpu.memory_space<vmem_shared>>
      tpu.wait_dma2 semaphore(%run_scoped3A : memref<!tpu.dma_semaphore, #tpu.memory_space<semaphore_mem>>) src(%dma_wait3A_73 : memref<25x144xf32, #tpu.memory_space<vmem_shared>>) dst(%dma_wait3A_71 : memref<25x144xf32, #tpu.memory_space<hbm>>)
      tpu.yield
    }) : () -> ()
    return
  }
}

#map = affine_map<(d0, d1) -> (0, 0)>
#map1 = affine_map<(d0, d1) -> (0, 0, 0)>
module attributes {stable_mosaic.version = 14 : i64} {
  func.func @_sc_pass2_body(%arg0: i32, %arg1: i32, %arg2: memref<3200x100xi32, #tpu.memory_space<hbm>>, %arg3: memref<3200x100xi32, #tpu.memory_space<hbm>>, %arg4: memref<400x128xf32, #tpu.memory_space<hbm>>, %arg5: memref<10000x128xf32, #tpu.memory_space<hbm>>, %arg6: memref<2x10000x128xf32, #tpu.memory_space<hbm>>, %arg7: memref<10000x128xf32, #tpu.memory_space<vmem_shared>>, %arg8: memref<400x128xf32, #tpu.memory_space<vmem_shared>>, %arg9: memref<10x100xi32, #tpu.memory_space<vmem>>, %arg10: memref<10x100xi32, #tpu.memory_space<vmem>>, %arg11: memref<10x100xi32, #tpu.memory_space<vmem>>, %arg12: memref<10x100xi32, #tpu.memory_space<vmem>>, %arg13: memref<100x128xf32, #tpu.memory_space<vmem>>, %arg14: memref<100x128xf32, #tpu.memory_space<vmem>>, %arg15: memref<!tpu.dma_semaphore, #tpu.memory_space<semaphore_mem>>, %arg16: memref<!tpu.dma_semaphore, #tpu.memory_space<semaphore_mem>>, %arg17: memref<!tpu.dma_semaphore, #tpu.memory_space<semaphore_mem>>, %arg18: memref<!tpu.dma_semaphore, #tpu.memory_space<semaphore_mem>>, %arg19: memref<!tpu.dma_semaphore, #tpu.memory_space<semaphore_mem>>) attributes {dimension_semantics = [#tpu.dimension_semantics<core_parallel>, #tpu.dimension_semantics<subcore_parallel>], iteration_bounds = array<i64: 2, 16>, scalar_prefetch = 0 : i64, scratch_operands = 13 : i64, tpu.core_type = #tpu.core_type<sc_vector_subcore>, window_params = [{transform_indices = #map}, {transform_indices = #map}, {transform_indices = #map}, {transform_indices = #map}, {transform_indices = #map1}]} {
    %mul3A = arith.constant 2 : i32
    %mul3A_0 = arith.muli %arg1, %mul3A : i32
    %add3A = arith.addi %mul3A_0, %arg0 : i32
    %mul3A_1 = arith.constant 25 : i32
    %mul3A_2 = arith.muli %arg1, %mul3A_1 : i32
    %mul3A_3 = arith.constant 25 : i32
    %mul3A_4 = arith.muli %arg1, %mul3A_3 : i32
    %dma_start3A = arith.constant 0 : i32
    %dma_start3A_5 = tpu.memref_slice %arg8[%mul3A_4, %dma_start3A] : memref<400x128xf32, #tpu.memory_space<vmem_shared>> -> memref<25x128xf32, #tpu.memory_space<vmem_shared>>
    %dma_start3A_6 = arith.constant 0 : i32
    %dma_start3A_7 = tpu.memref_slice %arg4[%mul3A_2, %dma_start3A_6] : memref<400x128xf32, #tpu.memory_space<hbm>> -> memref<25x128xf32, #tpu.memory_space<hbm>>
    tpu.enqueue_dma source(%dma_start3A_7 : memref<25x128xf32, #tpu.memory_space<hbm>>) target(%dma_start3A_5 : memref<25x128xf32, #tpu.memory_space<vmem_shared>>) target_semaphore(%arg16 : memref<!tpu.dma_semaphore, #tpu.memory_space<semaphore_mem>>)
    %mul3A_8 = arith.constant 625 : i32
    %mul3A_9 = arith.muli %arg1, %mul3A_8 : i32
    %mul3A_10 = arith.constant 625 : i32
    %mul3A_11 = arith.muli %arg1, %mul3A_10 : i32
    %dma_start3A_12 = arith.constant 0 : i32
    %dma_start3A_13 = tpu.memref_slice %arg7[%mul3A_11, %dma_start3A_12] : memref<10000x128xf32, #tpu.memory_space<vmem_shared>> -> memref<625x128xf32, #tpu.memory_space<vmem_shared>>
    %dma_start3A_14 = arith.constant 0 : i32
    %dma_start3A_15 = tpu.memref_slice %arg5[%mul3A_9, %dma_start3A_14] : memref<10000x128xf32, #tpu.memory_space<hbm>> -> memref<625x128xf32, #tpu.memory_space<hbm>>
    tpu.enqueue_dma source(%dma_start3A_15 : memref<625x128xf32, #tpu.memory_space<hbm>>) target(%dma_start3A_13 : memref<625x128xf32, #tpu.memory_space<vmem_shared>>) target_semaphore(%arg18 : memref<!tpu.dma_semaphore, #tpu.memory_space<semaphore_mem>>)
    %mul3A_16 = arith.constant 5 : i32
    %mul3A_17 = arith.muli %add3A, %mul3A_16 : i32
    %mul3A_18 = arith.constant 20 : i32
    %mul3A_19 = arith.muli %mul3A_17, %mul3A_18 : i32
    "tpu.region"() ({
      %run_scoped3A = tpu.sem_alloc : memref<!tpu.dma_semaphore, #tpu.memory_space<semaphore_mem>>
      %dma_start3A_56 = arith.constant 0 : i32
      %dma_start3A_57 = tpu.memref_slice %arg2[%mul3A_19, %dma_start3A_56] : memref<3200x100xi32, #tpu.memory_space<hbm>> -> memref<10x100xi32, #tpu.memory_space<hbm>>
      %dma_start3A_58 = arith.constant 0 : i32
      %dma_start3A_59 = tpu.memref_slice %arg2[%mul3A_19, %dma_start3A_58] : memref<3200x100xi32, #tpu.memory_space<hbm>> -> memref<10x100xi32, #tpu.memory_space<hbm>>
      tpu.enqueue_dma source(%dma_start3A_59 : memref<10x100xi32, #tpu.memory_space<hbm>>) target(%arg9 : memref<10x100xi32, #tpu.memory_space<vmem>>) target_semaphore(%run_scoped3A : memref<!tpu.dma_semaphore, #tpu.memory_space<semaphore_mem>>)
      %dma_wait3A_60 = arith.constant 0 : i32
      %dma_wait3A_61 = tpu.memref_slice %arg2[%mul3A_19, %dma_wait3A_60] : memref<3200x100xi32, #tpu.memory_space<hbm>> -> memref<10x100xi32, #tpu.memory_space<hbm>>
      %dma_wait3A_62 = arith.constant 0 : i32
      %dma_wait3A_63 = tpu.memref_slice %arg2[%mul3A_19, %dma_wait3A_62] : memref<3200x100xi32, #tpu.memory_space<hbm>> -> memref<10x100xi32, #tpu.memory_space<hbm>>
      tpu.wait_dma2 semaphore(%run_scoped3A : memref<!tpu.dma_semaphore, #tpu.memory_space<semaphore_mem>>) src(%dma_wait3A_63 : memref<10x100xi32, #tpu.memory_space<hbm>>) dst(%arg9 : memref<10x100xi32, #tpu.memory_space<vmem>>)
      tpu.yield
    }) : () -> ()
    %mul3A_20 = arith.constant 5 : i32
    %mul3A_21 = arith.muli %add3A, %mul3A_20 : i32
    %mul3A_22 = arith.constant 20 : i32
    %mul3A_23 = arith.muli %mul3A_21, %mul3A_22 : i32
    "tpu.region"() ({
      %run_scoped3A = tpu.sem_alloc : memref<!tpu.dma_semaphore, #tpu.memory_space<semaphore_mem>>
      %dma_start3A_56 = arith.constant 0 : i32
      %dma_start3A_57 = tpu.memref_slice %arg3[%mul3A_23, %dma_start3A_56] : memref<3200x100xi32, #tpu.memory_space<hbm>> -> memref<10x100xi32, #tpu.memory_space<hbm>>
      %dma_start3A_58 = arith.constant 0 : i32
      %dma_start3A_59 = tpu.memref_slice %arg3[%mul3A_23, %dma_start3A_58] : memref<3200x100xi32, #tpu.memory_space<hbm>> -> memref<10x100xi32, #tpu.memory_space<hbm>>
      tpu.enqueue_dma source(%dma_start3A_59 : memref<10x100xi32, #tpu.memory_space<hbm>>) target(%arg11 : memref<10x100xi32, #tpu.memory_space<vmem>>) target_semaphore(%run_scoped3A : memref<!tpu.dma_semaphore, #tpu.memory_space<semaphore_mem>>)
      %dma_wait3A_60 = arith.constant 0 : i32
      %dma_wait3A_61 = tpu.memref_slice %arg3[%mul3A_23, %dma_wait3A_60] : memref<3200x100xi32, #tpu.memory_space<hbm>> -> memref<10x100xi32, #tpu.memory_space<hbm>>
      %dma_wait3A_62 = arith.constant 0 : i32
      %dma_wait3A_63 = tpu.memref_slice %arg3[%mul3A_23, %dma_wait3A_62] : memref<3200x100xi32, #tpu.memory_space<hbm>> -> memref<10x100xi32, #tpu.memory_space<hbm>>
      tpu.wait_dma2 semaphore(%run_scoped3A : memref<!tpu.dma_semaphore, #tpu.memory_space<semaphore_mem>>) src(%dma_wait3A_63 : memref<10x100xi32, #tpu.memory_space<hbm>>) dst(%arg11 : memref<10x100xi32, #tpu.memory_space<vmem>>)
      tpu.yield
    }) : () -> ()
    %dma_wait3A = arith.constant 0 : i32
    %dma_wait3A_24 = tpu.memref_slice %arg8[%mul3A_4, %dma_wait3A] : memref<400x128xf32, #tpu.memory_space<vmem_shared>> -> memref<25x128xf32, #tpu.memory_space<vmem_shared>>
    %dma_wait3A_25 = arith.constant 0 : i32
    %dma_wait3A_26 = tpu.memref_slice %arg4[%mul3A_2, %dma_wait3A_25] : memref<400x128xf32, #tpu.memory_space<hbm>> -> memref<25x128xf32, #tpu.memory_space<hbm>>
    tpu.wait_dma2 semaphore(%arg16 : memref<!tpu.dma_semaphore, #tpu.memory_space<semaphore_mem>>) src(%dma_wait3A_26 : memref<25x128xf32, #tpu.memory_space<hbm>>) dst(%dma_wait3A_24 : memref<25x128xf32, #tpu.memory_space<vmem_shared>>)
    %dma_wait3A_27 = arith.constant 0 : i32
    %dma_wait3A_28 = tpu.memref_slice %arg7[%mul3A_11, %dma_wait3A_27] : memref<10000x128xf32, #tpu.memory_space<vmem_shared>> -> memref<625x128xf32, #tpu.memory_space<vmem_shared>>
    %dma_wait3A_29 = arith.constant 0 : i32
    %dma_wait3A_30 = tpu.memref_slice %arg5[%mul3A_9, %dma_wait3A_29] : memref<10000x128xf32, #tpu.memory_space<hbm>> -> memref<625x128xf32, #tpu.memory_space<hbm>>
    tpu.wait_dma2 semaphore(%arg18 : memref<!tpu.dma_semaphore, #tpu.memory_space<semaphore_mem>>) src(%dma_wait3A_30 : memref<625x128xf32, #tpu.memory_space<hbm>>) dst(%dma_wait3A_28 : memref<625x128xf32, #tpu.memory_space<vmem_shared>>)
    %barrier3A = arith.constant 0 : index
    tpu.barrier barrier_id(%barrier3A)
    %dma_start3A_31 = arith.constant 0 : i32
    %dma_start3A_32 = arith.constant 0 : i32
    %dma_start3A_33 = tpu.memref_slice %arg11[%dma_start3A_31, %dma_start3A_32] : memref<10x100xi32, #tpu.memory_space<vmem>> -> memref<1x100xi32, #tpu.memory_space<vmem>>
    %dma_start3A_34 = tpu.memref_squeeze %dma_start3A_33 : memref<1x100xi32, #tpu.memory_space<vmem>> -> memref<100xi32, #tpu.memory_space<vmem>>
    %dma_start3A_35 = arith.constant 0 : i32
    %dma_start3A_36 = arith.constant 0 : i32
    %dma_start3A_37 = tpu.memref_slice %arg8[%dma_start3A_35, %dma_start3A_36] : memref<400x128xf32, #tpu.memory_space<vmem_shared>> -> memref<400x128xf32, #tpu.memory_space<vmem_shared>>
    tpu.enqueue_indirect_dma source(%dma_start3A_37 : memref<400x128xf32, #tpu.memory_space<vmem_shared>>) target(%arg13 : memref<100x128xf32, #tpu.memory_space<vmem>>) offsets(%dma_start3A_34 : memref<100xi32, #tpu.memory_space<vmem>>) semaphore(%arg16 : memref<!tpu.dma_semaphore, #tpu.memory_space<semaphore_mem>>)
    %scan3A = arith.constant 0 : i32
    %scan3A_38 = arith.constant 0 : i32
    %scan3A_39 = arith.constant 5 : i32
    %scan3A_40 = arith.addi %scan3A_38, %scan3A_39 : i32
    %scan3A_41 = arith.constant 1 : i32
    %scan3A_42 = scf.for %scan3A_56 = %scan3A_38 to %scan3A_40 step %scan3A_41 iter_args(%scan3A_57 = %scan3A) -> (i32)  : i32 {
      %mul3A_58 = arith.constant 5 : i32
      %mul3A_59 = arith.muli %add3A, %mul3A_58 : i32
      %add3A_60 = arith.addi %mul3A_59, %scan3A_56 : i32
      %mul3A_61 = arith.constant 20 : i32
      %mul3A_62 = arith.muli %add3A_60, %mul3A_61 : i32
      %mul3A_63 = arith.constant 5 : i32
      %mul3A_64 = arith.muli %add3A, %mul3A_63 : i32
      %add3A_65 = arith.addi %mul3A_64, %scan3A_56 : i32
      %add3A_66 = arith.constant 1 : i32
      %add3A_67 = arith.addi %add3A_65, %add3A_66 : i32
      %mul3A_68 = arith.constant 20 : i32
      %mul3A_69 = arith.muli %add3A_67, %mul3A_68 : i32
      %min3A = arith.constant 3190 : i32
      %min3A_70 = arith.minsi %mul3A_69, %min3A : i32
      %add3A_71 = arith.constant 10 : i32
      %add3A_72 = arith.addi %mul3A_62, %add3A_71 : i32
      %dma_start3A_73 = arith.constant 0 : i32
      %dma_start3A_74 = tpu.memref_slice %arg2[%add3A_72, %dma_start3A_73] : memref<3200x100xi32, #tpu.memory_space<hbm>> -> memref<10x100xi32, #tpu.memory_space<hbm>>
      %dma_start3A_75 = arith.constant 0 : i32
      %dma_start3A_76 = tpu.memref_slice %arg2[%add3A_72, %dma_start3A_75] : memref<3200x100xi32, #tpu.memory_space<hbm>> -> memref<10x100xi32, #tpu.memory_space<hbm>>
      tpu.enqueue_dma source(%dma_start3A_76 : memref<10x100xi32, #tpu.memory_space<hbm>>) target(%arg10 : memref<10x100xi32, #tpu.memory_space<vmem>>) target_semaphore(%arg15 : memref<!tpu.dma_semaphore, #tpu.memory_space<semaphore_mem>>)
      %add3A_77 = arith.constant 10 : i32
      %add3A_78 = arith.addi %mul3A_62, %add3A_77 : i32
      %dma_start3A_79 = arith.constant 0 : i32
      %dma_start3A_80 = tpu.memref_slice %arg3[%add3A_78, %dma_start3A_79] : memref<3200x100xi32, #tpu.memory_space<hbm>> -> memref<10x100xi32, #tpu.memory_space<hbm>>
      %dma_start3A_81 = arith.constant 0 : i32
      %dma_start3A_82 = tpu.memref_slice %arg3[%add3A_78, %dma_start3A_81] : memref<3200x100xi32, #tpu.memory_space<hbm>> -> memref<10x100xi32, #tpu.memory_space<hbm>>
      tpu.enqueue_dma source(%dma_start3A_82 : memref<10x100xi32, #tpu.memory_space<hbm>>) target(%arg12 : memref<10x100xi32, #tpu.memory_space<vmem>>) target_semaphore(%arg15 : memref<!tpu.dma_semaphore, #tpu.memory_space<semaphore_mem>>)
      %dma_start3A_83 = arith.constant 1 : i32
      %dma_start3A_84 = arith.constant 0 : i32
      %dma_start3A_85 = tpu.memref_slice %arg11[%dma_start3A_83, %dma_start3A_84] : memref<10x100xi32, #tpu.memory_space<vmem>> -> memref<1x100xi32, #tpu.memory_space<vmem>>
      %dma_start3A_86 = tpu.memref_squeeze %dma_start3A_85 : memref<1x100xi32, #tpu.memory_space<vmem>> -> memref<100xi32, #tpu.memory_space<vmem>>
      %dma_start3A_87 = arith.constant 0 : i32
      %dma_start3A_88 = arith.constant 0 : i32
      %dma_start3A_89 = tpu.memref_slice %arg8[%dma_start3A_87, %dma_start3A_88] : memref<400x128xf32, #tpu.memory_space<vmem_shared>> -> memref<400x128xf32, #tpu.memory_space<vmem_shared>>
      tpu.enqueue_indirect_dma source(%dma_start3A_89 : memref<400x128xf32, #tpu.memory_space<vmem_shared>>) target(%arg14 : memref<100x128xf32, #tpu.memory_space<vmem>>) offsets(%dma_start3A_86 : memref<100xi32, #tpu.memory_space<vmem>>) semaphore(%arg17 : memref<!tpu.dma_semaphore, #tpu.memory_space<semaphore_mem>>)
      %dma_wait3A_90 = arith.constant 0 : i32
      %dma_wait3A_91 = arith.constant 0 : i32
      %dma_wait3A_92 = tpu.memref_slice %arg11[%dma_wait3A_90, %dma_wait3A_91] : memref<10x100xi32, #tpu.memory_space<vmem>> -> memref<1x100xi32, #tpu.memory_space<vmem>>
      %dma_wait3A_93 = tpu.memref_squeeze %dma_wait3A_92 : memref<1x100xi32, #tpu.memory_space<vmem>> -> memref<100xi32, #tpu.memory_space<vmem>>
      %dma_wait3A_94 = arith.constant 0 : i32
      %dma_wait3A_95 = arith.constant 0 : i32
      %dma_wait3A_96 = tpu.memref_slice %arg8[%dma_wait3A_94, %dma_wait3A_95] : memref<400x128xf32, #tpu.memory_space<vmem_shared>> -> memref<400x128xf32, #tpu.memory_space<vmem_shared>>
      tpu.wait_indirect_dma semaphore(%arg16 : memref<!tpu.dma_semaphore, #tpu.memory_space<semaphore_mem>>) src(%dma_wait3A_96 : memref<400x128xf32, #tpu.memory_space<vmem_shared>>) dst(%arg13 : memref<100x128xf32, #tpu.memory_space<vmem>>)
      %dma_start3A_97 = arith.constant 0 : i32
      %dma_start3A_98 = arith.constant 0 : i32
      %dma_start3A_99 = tpu.memref_slice %arg9[%dma_start3A_97, %dma_start3A_98] : memref<10x100xi32, #tpu.memory_space<vmem>> -> memref<1x100xi32, #tpu.memory_space<vmem>>
      %dma_start3A_100 = tpu.memref_squeeze %dma_start3A_99 : memref<1x100xi32, #tpu.memory_space<vmem>> -> memref<100xi32, #tpu.memory_space<vmem>>
      %dma_start3A_101 = arith.constant 0 : i32
      %dma_start3A_102 = arith.constant 0 : i32
      %dma_start3A_103 = tpu.memref_slice %arg7[%dma_start3A_101, %dma_start3A_102] : memref<10000x128xf32, #tpu.memory_space<vmem_shared>> -> memref<10000x128xf32, #tpu.memory_space<vmem_shared>>
      tpu.enqueue_indirect_dma source(%arg13 : memref<100x128xf32, #tpu.memory_space<vmem>>) target(%dma_start3A_103 : memref<10000x128xf32, #tpu.memory_space<vmem_shared>>) offsets(%dma_start3A_100 : memref<100xi32, #tpu.memory_space<vmem>>) semaphore(%arg18 : memref<!tpu.dma_semaphore, #tpu.memory_space<semaphore_mem>>) {add = true}
      %dma_wait3A_104 = arith.constant 0 : i32
      %dma_wait3A_105 = arith.constant 0 : i32
      %dma_wait3A_106 = tpu.memref_slice %arg9[%dma_wait3A_104, %dma_wait3A_105] : memref<10x100xi32, #tpu.memory_space<vmem>> -> memref<1x100xi32, #tpu.memory_space<vmem>>
      %dma_wait3A_107 = tpu.memref_squeeze %dma_wait3A_106 : memref<1x100xi32, #tpu.memory_space<vmem>> -> memref<100xi32, #tpu.memory_space<vmem>>
      %dma_wait3A_108 = arith.constant 0 : i32
      %dma_wait3A_109 = arith.constant 0 : i32
      %dma_wait3A_110 = tpu.memref_slice %arg7[%dma_wait3A_108, %dma_wait3A_109] : memref<10000x128xf32, #tpu.memory_space<vmem_shared>> -> memref<10000x128xf32, #tpu.memory_space<vmem_shared>>
      tpu.wait_indirect_dma semaphore(%arg18 : memref<!tpu.dma_semaphore, #tpu.memory_space<semaphore_mem>>) src(%arg13 : memref<100x128xf32, #tpu.memory_space<vmem>>) dst(%dma_wait3A_110 : memref<10000x128xf32, #tpu.memory_space<vmem_shared>>)
      %dma_start3A_111 = arith.constant 2 : i32
      %dma_start3A_112 = arith.constant 0 : i32
      %dma_start3A_113 = tpu.memref_slice %arg11[%dma_start3A_111, %dma_start3A_112] : memref<10x100xi32, #tpu.memory_space<vmem>> -> memref<1x100xi32, #tpu.memory_space<vmem>>
      %dma_start3A_114 = tpu.memref_squeeze %dma_start3A_113 : memref<1x100xi32, #tpu.memory_space<vmem>> -> memref<100xi32, #tpu.memory_space<vmem>>
      %dma_start3A_115 = arith.constant 0 : i32
      %dma_start3A_116 = arith.constant 0 : i32
      %dma_start3A_117 = tpu.memref_slice %arg8[%dma_start3A_115, %dma_start3A_116] : memref<400x128xf32, #tpu.memory_space<vmem_shared>> -> memref<400x128xf32, #tpu.memory_space<vmem_shared>>
      tpu.enqueue_indirect_dma source(%dma_start3A_117 : memref<400x128xf32, #tpu.memory_space<vmem_shared>>) target(%arg13 : memref<100x128xf32, #tpu.memory_space<vmem>>) offsets(%dma_start3A_114 : memref<100xi32, #tpu.memory_space<vmem>>) semaphore(%arg16 : memref<!tpu.dma_semaphore, #tpu.memory_space<semaphore_mem>>)
      %dma_wait3A_118 = arith.constant 1 : i32
      %dma_wait3A_119 = arith.constant 0 : i32
      %dma_wait3A_120 = tpu.memref_slice %arg11[%dma_wait3A_118, %dma_wait3A_119] : memref<10x100xi32, #tpu.memory_space<vmem>> -> memref<1x100xi32, #tpu.memory_space<vmem>>
      %dma_wait3A_121 = tpu.memref_squeeze %dma_wait3A_120 : memref<1x100xi32, #tpu.memory_space<vmem>> -> memref<100xi32, #tpu.memory_space<vmem>>
      %dma_wait3A_122 = arith.constant 0 : i32
      %dma_wait3A_123 = arith.constant 0 : i32
      %dma_wait3A_124 = tpu.memref_slice %arg8[%dma_wait3A_122, %dma_wait3A_123] : memref<400x128xf32, #tpu.memory_space<vmem_shared>> -> memref<400x128xf32, #tpu.memory_space<vmem_shared>>
      tpu.wait_indirect_dma semaphore(%arg17 : memref<!tpu.dma_semaphore, #tpu.memory_space<semaphore_mem>>) src(%dma_wait3A_124 : memref<400x128xf32, #tpu.memory_space<vmem_shared>>) dst(%arg14 : memref<100x128xf32, #tpu.memory_space<vmem>>)
      %dma_start3A_125 = arith.constant 1 : i32
      %dma_start3A_126 = arith.constant 0 : i32
      %dma_start3A_127 = tpu.memref_slice %arg9[%dma_start3A_125, %dma_start3A_126] : memref<10x100xi32, #tpu.memory_space<vmem>> -> memref<1x100xi32, #tpu.memory_space<vmem>>
      %dma_start3A_128 = tpu.memref_squeeze %dma_start3A_127 : memref<1x100xi32, #tpu.memory_space<vmem>> -> memref<100xi32, #tpu.memory_space<vmem>>
      %dma_start3A_129 = arith.constant 0 : i32
      %dma_start3A_130 = arith.constant 0 : i32
      %dma_start3A_131 = tpu.memref_slice %arg7[%dma_start3A_129, %dma_start3A_130] : memref<10000x128xf32, #tpu.memory_space<vmem_shared>> -> memref<10000x128xf32, #tpu.memory_space<vmem_shared>>
      tpu.enqueue_indirect_dma source(%arg14 : memref<100x128xf32, #tpu.memory_space<vmem>>) target(%dma_start3A_131 : memref<10000x128xf32, #tpu.memory_space<vmem_shared>>) offsets(%dma_start3A_128 : memref<100xi32, #tpu.memory_space<vmem>>) semaphore(%arg19 : memref<!tpu.dma_semaphore, #tpu.memory_space<semaphore_mem>>) {add = true}
      %dma_wait3A_132 = arith.constant 1 : i32
      %dma_wait3A_133 = arith.constant 0 : i32
      %dma_wait3A_134 = tpu.memref_slice %arg9[%dma_wait3A_132, %dma_wait3A_133] : memref<10x100xi32, #tpu.memory_space<vmem>> -> memref<1x100xi32, #tpu.memory_space<vmem>>
      %dma_wait3A_135 = tpu.memref_squeeze %dma_wait3A_134 : memref<1x100xi32, #tpu.memory_space<vmem>> -> memref<100xi32, #tpu.memory_space<vmem>>
      %dma_wait3A_136 = arith.constant 0 : i32
      %dma_wait3A_137 = arith.constant 0 : i32
      %dma_wait3A_138 = tpu.memref_slice %arg7[%dma_wait3A_136, %dma_wait3A_137] : memref<10000x128xf32, #tpu.memory_space<vmem_shared>> -> memref<10000x128xf32, #tpu.memory_space<vmem_shared>>
      tpu.wait_indirect_dma semaphore(%arg19 : memref<!tpu.dma_semaphore, #tpu.memory_space<semaphore_mem>>) src(%arg14 : memref<100x128xf32, #tpu.memory_space<vmem>>) dst(%dma_wait3A_138 : memref<10000x128xf32, #tpu.memory_space<vmem_shared>>)
      %dma_start3A_139 = arith.constant 3 : i32
      %dma_start3A_140 = arith.constant 0 : i32
      %dma_start3A_141 = tpu.memref_slice %arg11[%dma_start3A_139, %dma_start3A_140] : memref<10x100xi32, #tpu.memory_space<vmem>> -> memref<1x100xi32, #tpu.memory_space<vmem>>
      %dma_start3A_142 = tpu.memref_squeeze %dma_start3A_141 : memref<1x100xi32, #tpu.memory_space<vmem>> -> memref<100xi32, #tpu.memory_space<vmem>>
      %dma_start3A_143 = arith.constant 0 : i32
      %dma_start3A_144 = arith.constant 0 : i32
      %dma_start3A_145 = tpu.memref_slice %arg8[%dma_start3A_143, %dma_start3A_144] : memref<400x128xf32, #tpu.memory_space<vmem_shared>> -> memref<400x128xf32, #tpu.memory_space<vmem_shared>>
      tpu.enqueue_indirect_dma source(%dma_start3A_145 : memref<400x128xf32, #tpu.memory_space<vmem_shared>>) target(%arg14 : memref<100x128xf32, #tpu.memory_space<vmem>>) offsets(%dma_start3A_142 : memref<100xi32, #tpu.memory_space<vmem>>) semaphore(%arg17 : memref<!tpu.dma_semaphore, #tpu.memory_space<semaphore_mem>>)
      %dma_wait3A_146 = arith.constant 2 : i32
      %dma_wait3A_147 = arith.constant 0 : i32
      %dma_wait3A_148 = tpu.memref_slice %arg11[%dma_wait3A_146, %dma_wait3A_147] : memref<10x100xi32, #tpu.memory_space<vmem>> -> memref<1x100xi32, #tpu.memory_space<vmem>>
      %dma_wait3A_149 = tpu.memref_squeeze %dma_wait3A_148 : memref<1x100xi32, #tpu.memory_space<vmem>> -> memref<100xi32, #tpu.memory_space<vmem>>
      %dma_wait3A_150 = arith.constant 0 : i32
      %dma_wait3A_151 = arith.constant 0 : i32
      %dma_wait3A_152 = tpu.memref_slice %arg8[%dma_wait3A_150, %dma_wait3A_151] : memref<400x128xf32, #tpu.memory_space<vmem_shared>> -> memref<400x128xf32, #tpu.memory_space<vmem_shared>>
      tpu.wait_indirect_dma semaphore(%arg16 : memref<!tpu.dma_semaphore, #tpu.memory_space<semaphore_mem>>) src(%dma_wait3A_152 : memref<400x128xf32, #tpu.memory_space<vmem_shared>>) dst(%arg13 : memref<100x128xf32, #tpu.memory_space<vmem>>)
      %dma_start3A_153 = arith.constant 2 : i32
      %dma_start3A_154 = arith.constant 0 : i32
      %dma_start3A_155 = tpu.memref_slice %arg9[%dma_start3A_153, %dma_start3A_154] : memref<10x100xi32, #tpu.memory_space<vmem>> -> memref<1x100xi32, #tpu.memory_space<vmem>>
      %dma_start3A_156 = tpu.memref_squeeze %dma_start3A_155 : memref<1x100xi32, #tpu.memory_space<vmem>> -> memref<100xi32, #tpu.memory_space<vmem>>
      %dma_start3A_157 = arith.constant 0 : i32
      %dma_start3A_158 = arith.constant 0 : i32
      %dma_start3A_159 = tpu.memref_slice %arg7[%dma_start3A_157, %dma_start3A_158] : memref<10000x128xf32, #tpu.memory_space<vmem_shared>> -> memref<10000x128xf32, #tpu.memory_space<vmem_shared>>
      tpu.enqueue_indirect_dma source(%arg13 : memref<100x128xf32, #tpu.memory_space<vmem>>) target(%dma_start3A_159 : memref<10000x128xf32, #tpu.memory_space<vmem_shared>>) offsets(%dma_start3A_156 : memref<100xi32, #tpu.memory_space<vmem>>) semaphore(%arg18 : memref<!tpu.dma_semaphore, #tpu.memory_space<semaphore_mem>>) {add = true}
      %dma_wait3A_160 = arith.constant 2 : i32
      %dma_wait3A_161 = arith.constant 0 : i32
      %dma_wait3A_162 = tpu.memref_slice %arg9[%dma_wait3A_160, %dma_wait3A_161] : memref<10x100xi32, #tpu.memory_space<vmem>> -> memref<1x100xi32, #tpu.memory_space<vmem>>
      %dma_wait3A_163 = tpu.memref_squeeze %dma_wait3A_162 : memref<1x100xi32, #tpu.memory_space<vmem>> -> memref<100xi32, #tpu.memory_space<vmem>>
      %dma_wait3A_164 = arith.constant 0 : i32
      %dma_wait3A_165 = arith.constant 0 : i32
      %dma_wait3A_166 = tpu.memref_slice %arg7[%dma_wait3A_164, %dma_wait3A_165] : memref<10000x128xf32, #tpu.memory_space<vmem_shared>> -> memref<10000x128xf32, #tpu.memory_space<vmem_shared>>
      tpu.wait_indirect_dma semaphore(%arg18 : memref<!tpu.dma_semaphore, #tpu.memory_space<semaphore_mem>>) src(%arg13 : memref<100x128xf32, #tpu.memory_space<vmem>>) dst(%dma_wait3A_166 : memref<10000x128xf32, #tpu.memory_space<vmem_shared>>)
      %dma_start3A_167 = arith.constant 4 : i32
      %dma_start3A_168 = arith.constant 0 : i32
      %dma_start3A_169 = tpu.memref_slice %arg11[%dma_start3A_167, %dma_start3A_168] : memref<10x100xi32, #tpu.memory_space<vmem>> -> memref<1x100xi32, #tpu.memory_space<vmem>>
      %dma_start3A_170 = tpu.memref_squeeze %dma_start3A_169 : memref<1x100xi32, #tpu.memory_space<vmem>> -> memref<100xi32, #tpu.memory_space<vmem>>
      %dma_start3A_171 = arith.constant 0 : i32
      %dma_start3A_172 = arith.constant 0 : i32
      %dma_start3A_173 = tpu.memref_slice %arg8[%dma_start3A_171, %dma_start3A_172] : memref<400x128xf32, #tpu.memory_space<vmem_shared>> -> memref<400x128xf32, #tpu.memory_space<vmem_shared>>
      tpu.enqueue_indirect_dma source(%dma_start3A_173 : memref<400x128xf32, #tpu.memory_space<vmem_shared>>) target(%arg13 : memref<100x128xf32, #tpu.memory_space<vmem>>) offsets(%dma_start3A_170 : memref<100xi32, #tpu.memory_space<vmem>>) semaphore(%arg16 : memref<!tpu.dma_semaphore, #tpu.memory_space<semaphore_mem>>)
      %dma_wait3A_174 = arith.constant 3 : i32
      %dma_wait3A_175 = arith.constant 0 : i32
      %dma_wait3A_176 = tpu.memref_slice %arg11[%dma_wait3A_174, %dma_wait3A_175] : memref<10x100xi32, #tpu.memory_space<vmem>> -> memref<1x100xi32, #tpu.memory_space<vmem>>
      %dma_wait3A_177 = tpu.memref_squeeze %dma_wait3A_176 : memref<1x100xi32, #tpu.memory_space<vmem>> -> memref<100xi32, #tpu.memory_space<vmem>>
      %dma_wait3A_178 = arith.constant 0 : i32
      %dma_wait3A_179 = arith.constant 0 : i32
      %dma_wait3A_180 = tpu.memref_slice %arg8[%dma_wait3A_178, %dma_wait3A_179] : memref<400x128xf32, #tpu.memory_space<vmem_shared>> -> memref<400x128xf32, #tpu.memory_space<vmem_shared>>
      tpu.wait_indirect_dma semaphore(%arg17 : memref<!tpu.dma_semaphore, #tpu.memory_space<semaphore_mem>>) src(%dma_wait3A_180 : memref<400x128xf32, #tpu.memory_space<vmem_shared>>) dst(%arg14 : memref<100x128xf32, #tpu.memory_space<vmem>>)
      %dma_start3A_181 = arith.constant 3 : i32
      %dma_start3A_182 = arith.constant 0 : i32
      %dma_start3A_183 = tpu.memref_slice %arg9[%dma_start3A_181, %dma_start3A_182] : memref<10x100xi32, #tpu.memory_space<vmem>> -> memref<1x100xi32, #tpu.memory_space<vmem>>
      %dma_start3A_184 = tpu.memref_squeeze %dma_start3A_183 : memref<1x100xi32, #tpu.memory_space<vmem>> -> memref<100xi32, #tpu.memory_space<vmem>>
      %dma_start3A_185 = arith.constant 0 : i32
      %dma_start3A_186 = arith.constant 0 : i32
      %dma_start3A_187 = tpu.memref_slice %arg7[%dma_start3A_185, %dma_start3A_186] : memref<10000x128xf32, #tpu.memory_space<vmem_shared>> -> memref<10000x128xf32, #tpu.memory_space<vmem_shared>>
      tpu.enqueue_indirect_dma source(%arg14 : memref<100x128xf32, #tpu.memory_space<vmem>>) target(%dma_start3A_187 : memref<10000x128xf32, #tpu.memory_space<vmem_shared>>) offsets(%dma_start3A_184 : memref<100xi32, #tpu.memory_space<vmem>>) semaphore(%arg19 : memref<!tpu.dma_semaphore, #tpu.memory_space<semaphore_mem>>) {add = true}
      %dma_wait3A_188 = arith.constant 3 : i32
      %dma_wait3A_189 = arith.constant 0 : i32
      %dma_wait3A_190 = tpu.memref_slice %arg9[%dma_wait3A_188, %dma_wait3A_189] : memref<10x100xi32, #tpu.memory_space<vmem>> -> memref<1x100xi32, #tpu.memory_space<vmem>>
      %dma_wait3A_191 = tpu.memref_squeeze %dma_wait3A_190 : memref<1x100xi32, #tpu.memory_space<vmem>> -> memref<100xi32, #tpu.memory_space<vmem>>
      %dma_wait3A_192 = arith.constant 0 : i32
      %dma_wait3A_193 = arith.constant 0 : i32
      %dma_wait3A_194 = tpu.memref_slice %arg7[%dma_wait3A_192, %dma_wait3A_193] : memref<10000x128xf32, #tpu.memory_space<vmem_shared>> -> memref<10000x128xf32, #tpu.memory_space<vmem_shared>>
      tpu.wait_indirect_dma semaphore(%arg19 : memref<!tpu.dma_semaphore, #tpu.memory_space<semaphore_mem>>) src(%arg14 : memref<100x128xf32, #tpu.memory_space<vmem>>) dst(%dma_wait3A_194 : memref<10000x128xf32, #tpu.memory_space<vmem_shared>>)
      %dma_start3A_195 = arith.constant 5 : i32
      %dma_start3A_196 = arith.constant 0 : i32
      %dma_start3A_197 = tpu.memref_slice %arg11[%dma_start3A_195, %dma_start3A_196] : memref<10x100xi32, #tpu.memory_space<vmem>> -> memref<1x100xi32, #tpu.memory_space<vmem>>
      %dma_start3A_198 = tpu.memref_squeeze %dma_start3A_197 : memref<1x100xi32, #tpu.memory_space<vmem>> -> memref<100xi32, #tpu.memory_space<vmem>>
      %dma_start3A_199 = arith.constant 0 : i32
      %dma_start3A_200 = arith.constant 0 : i32
      %dma_start3A_201 = tpu.memref_slice %arg8[%dma_start3A_199, %dma_start3A_200] : memref<400x128xf32, #tpu.memory_space<vmem_shared>> -> memref<400x128xf32, #tpu.memory_space<vmem_shared>>
      tpu.enqueue_indirect_dma source(%dma_start3A_201 : memref<400x128xf32, #tpu.memory_space<vmem_shared>>) target(%arg14 : memref<100x128xf32, #tpu.memory_space<vmem>>) offsets(%dma_start3A_198 : memref<100xi32, #tpu.memory_space<vmem>>) semaphore(%arg17 : memref<!tpu.dma_semaphore, #tpu.memory_space<semaphore_mem>>)
      %dma_wait3A_202 = arith.constant 4 : i32
      %dma_wait3A_203 = arith.constant 0 : i32
      %dma_wait3A_204 = tpu.memref_slice %arg11[%dma_wait3A_202, %dma_wait3A_203] : memref<10x100xi32, #tpu.memory_space<vmem>> -> memref<1x100xi32, #tpu.memory_space<vmem>>
      %dma_wait3A_205 = tpu.memref_squeeze %dma_wait3A_204 : memref<1x100xi32, #tpu.memory_space<vmem>> -> memref<100xi32, #tpu.memory_space<vmem>>
      %dma_wait3A_206 = arith.constant 0 : i32
      %dma_wait3A_207 = arith.constant 0 : i32
      %dma_wait3A_208 = tpu.memref_slice %arg8[%dma_wait3A_206, %dma_wait3A_207] : memref<400x128xf32, #tpu.memory_space<vmem_shared>> -> memref<400x128xf32, #tpu.memory_space<vmem_shared>>
      tpu.wait_indirect_dma semaphore(%arg16 : memref<!tpu.dma_semaphore, #tpu.memory_space<semaphore_mem>>) src(%dma_wait3A_208 : memref<400x128xf32, #tpu.memory_space<vmem_shared>>) dst(%arg13 : memref<100x128xf32, #tpu.memory_space<vmem>>)
      %dma_start3A_209 = arith.constant 4 : i32
      %dma_start3A_210 = arith.constant 0 : i32
      %dma_start3A_211 = tpu.memref_slice %arg9[%dma_start3A_209, %dma_start3A_210] : memref<10x100xi32, #tpu.memory_space<vmem>> -> memref<1x100xi32, #tpu.memory_space<vmem>>
      %dma_start3A_212 = tpu.memref_squeeze %dma_start3A_211 : memref<1x100xi32, #tpu.memory_space<vmem>> -> memref<100xi32, #tpu.memory_space<vmem>>
      %dma_start3A_213 = arith.constant 0 : i32
      %dma_start3A_214 = arith.constant 0 : i32
      %dma_start3A_215 = tpu.memref_slice %arg7[%dma_start3A_213, %dma_start3A_214] : memref<10000x128xf32, #tpu.memory_space<vmem_shared>> -> memref<10000x128xf32, #tpu.memory_space<vmem_shared>>
      tpu.enqueue_indirect_dma source(%arg13 : memref<100x128xf32, #tpu.memory_space<vmem>>) target(%dma_start3A_215 : memref<10000x128xf32, #tpu.memory_space<vmem_shared>>) offsets(%dma_start3A_212 : memref<100xi32, #tpu.memory_space<vmem>>) semaphore(%arg18 : memref<!tpu.dma_semaphore, #tpu.memory_space<semaphore_mem>>) {add = true}
      %dma_wait3A_216 = arith.constant 4 : i32
      %dma_wait3A_217 = arith.constant 0 : i32
      %dma_wait3A_218 = tpu.memref_slice %arg9[%dma_wait3A_216, %dma_wait3A_217] : memref<10x100xi32, #tpu.memory_space<vmem>> -> memref<1x100xi32, #tpu.memory_space<vmem>>
      %dma_wait3A_219 = tpu.memref_squeeze %dma_wait3A_218 : memref<1x100xi32, #tpu.memory_space<vmem>> -> memref<100xi32, #tpu.memory_space<vmem>>
      %dma_wait3A_220 = arith.constant 0 : i32
      %dma_wait3A_221 = arith.constant 0 : i32
      %dma_wait3A_222 = tpu.memref_slice %arg7[%dma_wait3A_220, %dma_wait3A_221] : memref<10000x128xf32, #tpu.memory_space<vmem_shared>> -> memref<10000x128xf32, #tpu.memory_space<vmem_shared>>
      tpu.wait_indirect_dma semaphore(%arg18 : memref<!tpu.dma_semaphore, #tpu.memory_space<semaphore_mem>>) src(%arg13 : memref<100x128xf32, #tpu.memory_space<vmem>>) dst(%dma_wait3A_222 : memref<10000x128xf32, #tpu.memory_space<vmem_shared>>)
      %dma_start3A_223 = arith.constant 6 : i32
      %dma_start3A_224 = arith.constant 0 : i32
      %dma_start3A_225 = tpu.memref_slice %arg11[%dma_start3A_223, %dma_start3A_224] : memref<10x100xi32, #tpu.memory_space<vmem>> -> memref<1x100xi32, #tpu.memory_space<vmem>>
      %dma_start3A_226 = tpu.memref_squeeze %dma_start3A_225 : memref<1x100xi32, #tpu.memory_space<vmem>> -> memref<100xi32, #tpu.memory_space<vmem>>
      %dma_start3A_227 = arith.constant 0 : i32
      %dma_start3A_228 = arith.constant 0 : i32
      %dma_start3A_229 = tpu.memref_slice %arg8[%dma_start3A_227, %dma_start3A_228] : memref<400x128xf32, #tpu.memory_space<vmem_shared>> -> memref<400x128xf32, #tpu.memory_space<vmem_shared>>
      tpu.enqueue_indirect_dma source(%dma_start3A_229 : memref<400x128xf32, #tpu.memory_space<vmem_shared>>) target(%arg13 : memref<100x128xf32, #tpu.memory_space<vmem>>) offsets(%dma_start3A_226 : memref<100xi32, #tpu.memory_space<vmem>>) semaphore(%arg16 : memref<!tpu.dma_semaphore, #tpu.memory_space<semaphore_mem>>)
      %dma_wait3A_230 = arith.constant 5 : i32
      %dma_wait3A_231 = arith.constant 0 : i32
      %dma_wait3A_232 = tpu.memref_slice %arg11[%dma_wait3A_230, %dma_wait3A_231] : memref<10x100xi32, #tpu.memory_space<vmem>> -> memref<1x100xi32, #tpu.memory_space<vmem>>
      %dma_wait3A_233 = tpu.memref_squeeze %dma_wait3A_232 : memref<1x100xi32, #tpu.memory_space<vmem>> -> memref<100xi32, #tpu.memory_space<vmem>>
      %dma_wait3A_234 = arith.constant 0 : i32
      %dma_wait3A_235 = arith.constant 0 : i32
      %dma_wait3A_236 = tpu.memref_slice %arg8[%dma_wait3A_234, %dma_wait3A_235] : memref<400x128xf32, #tpu.memory_space<vmem_shared>> -> memref<400x128xf32, #tpu.memory_space<vmem_shared>>
      tpu.wait_indirect_dma semaphore(%arg17 : memref<!tpu.dma_semaphore, #tpu.memory_space<semaphore_mem>>) src(%dma_wait3A_236 : memref<400x128xf32, #tpu.memory_space<vmem_shared>>) dst(%arg14 : memref<100x128xf32, #tpu.memory_space<vmem>>)
      %dma_start3A_237 = arith.constant 5 : i32
      %dma_start3A_238 = arith.constant 0 : i32
      %dma_start3A_239 = tpu.memref_slice %arg9[%dma_start3A_237, %dma_start3A_238] : memref<10x100xi32, #tpu.memory_space<vmem>> -> memref<1x100xi32, #tpu.memory_space<vmem>>
      %dma_start3A_240 = tpu.memref_squeeze %dma_start3A_239 : memref<1x100xi32, #tpu.memory_space<vmem>> -> memref<100xi32, #tpu.memory_space<vmem>>
      %dma_start3A_241 = arith.constant 0 : i32
      %dma_start3A_242 = arith.constant 0 : i32
      %dma_start3A_243 = tpu.memref_slice %arg7[%dma_start3A_241, %dma_start3A_242] : memref<10000x128xf32, #tpu.memory_space<vmem_shared>> -> memref<10000x128xf32, #tpu.memory_space<vmem_shared>>
      tpu.enqueue_indirect_dma source(%arg14 : memref<100x128xf32, #tpu.memory_space<vmem>>) target(%dma_start3A_243 : memref<10000x128xf32, #tpu.memory_space<vmem_shared>>) offsets(%dma_start3A_240 : memref<100xi32, #tpu.memory_space<vmem>>) semaphore(%arg19 : memref<!tpu.dma_semaphore, #tpu.memory_space<semaphore_mem>>) {add = true}
      %dma_wait3A_244 = arith.constant 5 : i32
      %dma_wait3A_245 = arith.constant 0 : i32
      %dma_wait3A_246 = tpu.memref_slice %arg9[%dma_wait3A_244, %dma_wait3A_245] : memref<10x100xi32, #tpu.memory_space<vmem>> -> memref<1x100xi32, #tpu.memory_space<vmem>>
      %dma_wait3A_247 = tpu.memref_squeeze %dma_wait3A_246 : memref<1x100xi32, #tpu.memory_space<vmem>> -> memref<100xi32, #tpu.memory_space<vmem>>
      %dma_wait3A_248 = arith.constant 0 : i32
      %dma_wait3A_249 = arith.constant 0 : i32
      %dma_wait3A_250 = tpu.memref_slice %arg7[%dma_wait3A_248, %dma_wait3A_249] : memref<10000x128xf32, #tpu.memory_space<vmem_shared>> -> memref<10000x128xf32, #tpu.memory_space<vmem_shared>>
      tpu.wait_indirect_dma semaphore(%arg19 : memref<!tpu.dma_semaphore, #tpu.memory_space<semaphore_mem>>) src(%arg14 : memref<100x128xf32, #tpu.memory_space<vmem>>) dst(%dma_wait3A_250 : memref<10000x128xf32, #tpu.memory_space<vmem_shared>>)
      %dma_start3A_251 = arith.constant 7 : i32
      %dma_start3A_252 = arith.constant 0 : i32
      %dma_start3A_253 = tpu.memref_slice %arg11[%dma_start3A_251, %dma_start3A_252] : memref<10x100xi32, #tpu.memory_space<vmem>> -> memref<1x100xi32, #tpu.memory_space<vmem>>
      %dma_start3A_254 = tpu.memref_squeeze %dma_start3A_253 : memref<1x100xi32, #tpu.memory_space<vmem>> -> memref<100xi32, #tpu.memory_space<vmem>>
      %dma_start3A_255 = arith.constant 0 : i32
      %dma_start3A_256 = arith.constant 0 : i32
      %dma_start3A_257 = tpu.memref_slice %arg8[%dma_start3A_255, %dma_start3A_256] : memref<400x128xf32, #tpu.memory_space<vmem_shared>> -> memref<400x128xf32, #tpu.memory_space<vmem_shared>>
      tpu.enqueue_indirect_dma source(%dma_start3A_257 : memref<400x128xf32, #tpu.memory_space<vmem_shared>>) target(%arg14 : memref<100x128xf32, #tpu.memory_space<vmem>>) offsets(%dma_start3A_254 : memref<100xi32, #tpu.memory_space<vmem>>) semaphore(%arg17 : memref<!tpu.dma_semaphore, #tpu.memory_space<semaphore_mem>>)
      %dma_wait3A_258 = arith.constant 6 : i32
      %dma_wait3A_259 = arith.constant 0 : i32
      %dma_wait3A_260 = tpu.memref_slice %arg11[%dma_wait3A_258, %dma_wait3A_259] : memref<10x100xi32, #tpu.memory_space<vmem>> -> memref<1x100xi32, #tpu.memory_space<vmem>>
      %dma_wait3A_261 = tpu.memref_squeeze %dma_wait3A_260 : memref<1x100xi32, #tpu.memory_space<vmem>> -> memref<100xi32, #tpu.memory_space<vmem>>
      %dma_wait3A_262 = arith.constant 0 : i32
      %dma_wait3A_263 = arith.constant 0 : i32
      %dma_wait3A_264 = tpu.memref_slice %arg8[%dma_wait3A_262, %dma_wait3A_263] : memref<400x128xf32, #tpu.memory_space<vmem_shared>> -> memref<400x128xf32, #tpu.memory_space<vmem_shared>>
      tpu.wait_indirect_dma semaphore(%arg16 : memref<!tpu.dma_semaphore, #tpu.memory_space<semaphore_mem>>) src(%dma_wait3A_264 : memref<400x128xf32, #tpu.memory_space<vmem_shared>>) dst(%arg13 : memref<100x128xf32, #tpu.memory_space<vmem>>)
      %dma_start3A_265 = arith.constant 6 : i32
      %dma_start3A_266 = arith.constant 0 : i32
      %dma_start3A_267 = tpu.memref_slice %arg9[%dma_start3A_265, %dma_start3A_266] : memref<10x100xi32, #tpu.memory_space<vmem>> -> memref<1x100xi32, #tpu.memory_space<vmem>>
      %dma_start3A_268 = tpu.memref_squeeze %dma_start3A_267 : memref<1x100xi32, #tpu.memory_space<vmem>> -> memref<100xi32, #tpu.memory_space<vmem>>
      %dma_start3A_269 = arith.constant 0 : i32
      %dma_start3A_270 = arith.constant 0 : i32
      %dma_start3A_271 = tpu.memref_slice %arg7[%dma_start3A_269, %dma_start3A_270] : memref<10000x128xf32, #tpu.memory_space<vmem_shared>> -> memref<10000x128xf32, #tpu.memory_space<vmem_shared>>
      tpu.enqueue_indirect_dma source(%arg13 : memref<100x128xf32, #tpu.memory_space<vmem>>) target(%dma_start3A_271 : memref<10000x128xf32, #tpu.memory_space<vmem_shared>>) offsets(%dma_start3A_268 : memref<100xi32, #tpu.memory_space<vmem>>) semaphore(%arg18 : memref<!tpu.dma_semaphore, #tpu.memory_space<semaphore_mem>>) {add = true}
      %dma_wait3A_272 = arith.constant 6 : i32
      %dma_wait3A_273 = arith.constant 0 : i32
      %dma_wait3A_274 = tpu.memref_slice %arg9[%dma_wait3A_272, %dma_wait3A_273] : memref<10x100xi32, #tpu.memory_space<vmem>> -> memref<1x100xi32, #tpu.memory_space<vmem>>
      %dma_wait3A_275 = tpu.memref_squeeze %dma_wait3A_274 : memref<1x100xi32, #tpu.memory_space<vmem>> -> memref<100xi32, #tpu.memory_space<vmem>>
      %dma_wait3A_276 = arith.constant 0 : i32
      %dma_wait3A_277 = arith.constant 0 : i32
      %dma_wait3A_278 = tpu.memref_slice %arg7[%dma_wait3A_276, %dma_wait3A_277] : memref<10000x128xf32, #tpu.memory_space<vmem_shared>> -> memref<10000x128xf32, #tpu.memory_space<vmem_shared>>
      tpu.wait_indirect_dma semaphore(%arg18 : memref<!tpu.dma_semaphore, #tpu.memory_space<semaphore_mem>>) src(%arg13 : memref<100x128xf32, #tpu.memory_space<vmem>>) dst(%dma_wait3A_278 : memref<10000x128xf32, #tpu.memory_space<vmem_shared>>)
      %dma_start3A_279 = arith.constant 8 : i32
      %dma_start3A_280 = arith.constant 0 : i32
      %dma_start3A_281 = tpu.memref_slice %arg11[%dma_start3A_279, %dma_start3A_280] : memref<10x100xi32, #tpu.memory_space<vmem>> -> memref<1x100xi32, #tpu.memory_space<vmem>>
      %dma_start3A_282 = tpu.memref_squeeze %dma_start3A_281 : memref<1x100xi32, #tpu.memory_space<vmem>> -> memref<100xi32, #tpu.memory_space<vmem>>
      %dma_start3A_283 = arith.constant 0 : i32
      %dma_start3A_284 = arith.constant 0 : i32
      %dma_start3A_285 = tpu.memref_slice %arg8[%dma_start3A_283, %dma_start3A_284] : memref<400x128xf32, #tpu.memory_space<vmem_shared>> -> memref<400x128xf32, #tpu.memory_space<vmem_shared>>
      tpu.enqueue_indirect_dma source(%dma_start3A_285 : memref<400x128xf32, #tpu.memory_space<vmem_shared>>) target(%arg13 : memref<100x128xf32, #tpu.memory_space<vmem>>) offsets(%dma_start3A_282 : memref<100xi32, #tpu.memory_space<vmem>>) semaphore(%arg16 : memref<!tpu.dma_semaphore, #tpu.memory_space<semaphore_mem>>)
      %dma_wait3A_286 = arith.constant 7 : i32
      %dma_wait3A_287 = arith.constant 0 : i32
      %dma_wait3A_288 = tpu.memref_slice %arg11[%dma_wait3A_286, %dma_wait3A_287] : memref<10x100xi32, #tpu.memory_space<vmem>> -> memref<1x100xi32, #tpu.memory_space<vmem>>
      %dma_wait3A_289 = tpu.memref_squeeze %dma_wait3A_288 : memref<1x100xi32, #tpu.memory_space<vmem>> -> memref<100xi32, #tpu.memory_space<vmem>>
      %dma_wait3A_290 = arith.constant 0 : i32
      %dma_wait3A_291 = arith.constant 0 : i32
      %dma_wait3A_292 = tpu.memref_slice %arg8[%dma_wait3A_290, %dma_wait3A_291] : memref<400x128xf32, #tpu.memory_space<vmem_shared>> -> memref<400x128xf32, #tpu.memory_space<vmem_shared>>
      tpu.wait_indirect_dma semaphore(%arg17 : memref<!tpu.dma_semaphore, #tpu.memory_space<semaphore_mem>>) src(%dma_wait3A_292 : memref<400x128xf32, #tpu.memory_space<vmem_shared>>) dst(%arg14 : memref<100x128xf32, #tpu.memory_space<vmem>>)
      %dma_start3A_293 = arith.constant 7 : i32
      %dma_start3A_294 = arith.constant 0 : i32
      %dma_start3A_295 = tpu.memref_slice %arg9[%dma_start3A_293, %dma_start3A_294] : memref<10x100xi32, #tpu.memory_space<vmem>> -> memref<1x100xi32, #tpu.memory_space<vmem>>
      %dma_start3A_296 = tpu.memref_squeeze %dma_start3A_295 : memref<1x100xi32, #tpu.memory_space<vmem>> -> memref<100xi32, #tpu.memory_space<vmem>>
      %dma_start3A_297 = arith.constant 0 : i32
      %dma_start3A_298 = arith.constant 0 : i32
      %dma_start3A_299 = tpu.memref_slice %arg7[%dma_start3A_297, %dma_start3A_298] : memref<10000x128xf32, #tpu.memory_space<vmem_shared>> -> memref<10000x128xf32, #tpu.memory_space<vmem_shared>>
      tpu.enqueue_indirect_dma source(%arg14 : memref<100x128xf32, #tpu.memory_space<vmem>>) target(%dma_start3A_299 : memref<10000x128xf32, #tpu.memory_space<vmem_shared>>) offsets(%dma_start3A_296 : memref<100xi32, #tpu.memory_space<vmem>>) semaphore(%arg19 : memref<!tpu.dma_semaphore, #tpu.memory_space<semaphore_mem>>) {add = true}
      %dma_wait3A_300 = arith.constant 7 : i32
      %dma_wait3A_301 = arith.constant 0 : i32
      %dma_wait3A_302 = tpu.memref_slice %arg9[%dma_wait3A_300, %dma_wait3A_301] : memref<10x100xi32, #tpu.memory_space<vmem>> -> memref<1x100xi32, #tpu.memory_space<vmem>>
      %dma_wait3A_303 = tpu.memref_squeeze %dma_wait3A_302 : memref<1x100xi32, #tpu.memory_space<vmem>> -> memref<100xi32, #tpu.memory_space<vmem>>
      %dma_wait3A_304 = arith.constant 0 : i32
      %dma_wait3A_305 = arith.constant 0 : i32
      %dma_wait3A_306 = tpu.memref_slice %arg7[%dma_wait3A_304, %dma_wait3A_305] : memref<10000x128xf32, #tpu.memory_space<vmem_shared>> -> memref<10000x128xf32, #tpu.memory_space<vmem_shared>>
      tpu.wait_indirect_dma semaphore(%arg19 : memref<!tpu.dma_semaphore, #tpu.memory_space<semaphore_mem>>) src(%arg14 : memref<100x128xf32, #tpu.memory_space<vmem>>) dst(%dma_wait3A_306 : memref<10000x128xf32, #tpu.memory_space<vmem_shared>>)
      %dma_start3A_307 = arith.constant 9 : i32
      %dma_start3A_308 = arith.constant 0 : i32
      %dma_start3A_309 = tpu.memref_slice %arg11[%dma_start3A_307, %dma_start3A_308] : memref<10x100xi32, #tpu.memory_space<vmem>> -> memref<1x100xi32, #tpu.memory_space<vmem>>
      %dma_start3A_310 = tpu.memref_squeeze %dma_start3A_309 : memref<1x100xi32, #tpu.memory_space<vmem>> -> memref<100xi32, #tpu.memory_space<vmem>>
      %dma_start3A_311 = arith.constant 0 : i32
      %dma_start3A_312 = arith.constant 0 : i32
      %dma_start3A_313 = tpu.memref_slice %arg8[%dma_start3A_311, %dma_start3A_312] : memref<400x128xf32, #tpu.memory_space<vmem_shared>> -> memref<400x128xf32, #tpu.memory_space<vmem_shared>>
      tpu.enqueue_indirect_dma source(%dma_start3A_313 : memref<400x128xf32, #tpu.memory_space<vmem_shared>>) target(%arg14 : memref<100x128xf32, #tpu.memory_space<vmem>>) offsets(%dma_start3A_310 : memref<100xi32, #tpu.memory_space<vmem>>) semaphore(%arg17 : memref<!tpu.dma_semaphore, #tpu.memory_space<semaphore_mem>>)
      %dma_wait3A_314 = arith.constant 8 : i32
      %dma_wait3A_315 = arith.constant 0 : i32
      %dma_wait3A_316 = tpu.memref_slice %arg11[%dma_wait3A_314, %dma_wait3A_315] : memref<10x100xi32, #tpu.memory_space<vmem>> -> memref<1x100xi32, #tpu.memory_space<vmem>>
      %dma_wait3A_317 = tpu.memref_squeeze %dma_wait3A_316 : memref<1x100xi32, #tpu.memory_space<vmem>> -> memref<100xi32, #tpu.memory_space<vmem>>
      %dma_wait3A_318 = arith.constant 0 : i32
      %dma_wait3A_319 = arith.constant 0 : i32
      %dma_wait3A_320 = tpu.memref_slice %arg8[%dma_wait3A_318, %dma_wait3A_319] : memref<400x128xf32, #tpu.memory_space<vmem_shared>> -> memref<400x128xf32, #tpu.memory_space<vmem_shared>>
      tpu.wait_indirect_dma semaphore(%arg16 : memref<!tpu.dma_semaphore, #tpu.memory_space<semaphore_mem>>) src(%dma_wait3A_320 : memref<400x128xf32, #tpu.memory_space<vmem_shared>>) dst(%arg13 : memref<100x128xf32, #tpu.memory_space<vmem>>)
      %dma_start3A_321 = arith.constant 8 : i32
      %dma_start3A_322 = arith.constant 0 : i32
      %dma_start3A_323 = tpu.memref_slice %arg9[%dma_start3A_321, %dma_start3A_322] : memref<10x100xi32, #tpu.memory_space<vmem>> -> memref<1x100xi32, #tpu.memory_space<vmem>>
      %dma_start3A_324 = tpu.memref_squeeze %dma_start3A_323 : memref<1x100xi32, #tpu.memory_space<vmem>> -> memref<100xi32, #tpu.memory_space<vmem>>
      %dma_start3A_325 = arith.constant 0 : i32
      %dma_start3A_326 = arith.constant 0 : i32
      %dma_start3A_327 = tpu.memref_slice %arg7[%dma_start3A_325, %dma_start3A_326] : memref<10000x128xf32, #tpu.memory_space<vmem_shared>> -> memref<10000x128xf32, #tpu.memory_space<vmem_shared>>
      tpu.enqueue_indirect_dma source(%arg13 : memref<100x128xf32, #tpu.memory_space<vmem>>) target(%dma_start3A_327 : memref<10000x128xf32, #tpu.memory_space<vmem_shared>>) offsets(%dma_start3A_324 : memref<100xi32, #tpu.memory_space<vmem>>) semaphore(%arg18 : memref<!tpu.dma_semaphore, #tpu.memory_space<semaphore_mem>>) {add = true}
      %dma_wait3A_328 = arith.constant 8 : i32
      %dma_wait3A_329 = arith.constant 0 : i32
      %dma_wait3A_330 = tpu.memref_slice %arg9[%dma_wait3A_328, %dma_wait3A_329] : memref<10x100xi32, #tpu.memory_space<vmem>> -> memref<1x100xi32, #tpu.memory_space<vmem>>
      %dma_wait3A_331 = tpu.memref_squeeze %dma_wait3A_330 : memref<1x100xi32, #tpu.memory_space<vmem>> -> memref<100xi32, #tpu.memory_space<vmem>>
      %dma_wait3A_332 = arith.constant 0 : i32
      %dma_wait3A_333 = arith.constant 0 : i32
      %dma_wait3A_334 = tpu.memref_slice %arg7[%dma_wait3A_332, %dma_wait3A_333] : memref<10000x128xf32, #tpu.memory_space<vmem_shared>> -> memref<10000x128xf32, #tpu.memory_space<vmem_shared>>
      tpu.wait_indirect_dma semaphore(%arg18 : memref<!tpu.dma_semaphore, #tpu.memory_space<semaphore_mem>>) src(%arg13 : memref<100x128xf32, #tpu.memory_space<vmem>>) dst(%dma_wait3A_334 : memref<10000x128xf32, #tpu.memory_space<vmem_shared>>)
      %dma_wait3A_335 = arith.constant 0 : i32
      %dma_wait3A_336 = tpu.memref_slice %arg2[%add3A_72, %dma_wait3A_335] : memref<3200x100xi32, #tpu.memory_space<hbm>> -> memref<10x100xi32, #tpu.memory_space<hbm>>
      %dma_wait3A_337 = arith.constant 0 : i32
      %dma_wait3A_338 = tpu.memref_slice %arg2[%add3A_72, %dma_wait3A_337] : memref<3200x100xi32, #tpu.memory_space<hbm>> -> memref<10x100xi32, #tpu.memory_space<hbm>>
      tpu.wait_dma2 semaphore(%arg15 : memref<!tpu.dma_semaphore, #tpu.memory_space<semaphore_mem>>) src(%dma_wait3A_338 : memref<10x100xi32, #tpu.memory_space<hbm>>) dst(%arg10 : memref<10x100xi32, #tpu.memory_space<vmem>>)
      %dma_wait3A_339 = arith.constant 0 : i32
      %dma_wait3A_340 = tpu.memref_slice %arg3[%add3A_78, %dma_wait3A_339] : memref<3200x100xi32, #tpu.memory_space<hbm>> -> memref<10x100xi32, #tpu.memory_space<hbm>>
      %dma_wait3A_341 = arith.constant 0 : i32
      %dma_wait3A_342 = tpu.memref_slice %arg3[%add3A_78, %dma_wait3A_341] : memref<3200x100xi32, #tpu.memory_space<hbm>> -> memref<10x100xi32, #tpu.memory_space<hbm>>
      tpu.wait_dma2 semaphore(%arg15 : memref<!tpu.dma_semaphore, #tpu.memory_space<semaphore_mem>>) src(%dma_wait3A_342 : memref<10x100xi32, #tpu.memory_space<hbm>>) dst(%arg12 : memref<10x100xi32, #tpu.memory_space<vmem>>)
      %dma_start3A_343 = arith.constant 0 : i32
      %dma_start3A_344 = arith.constant 0 : i32
      %dma_start3A_345 = tpu.memref_slice %arg12[%dma_start3A_343, %dma_start3A_344] : memref<10x100xi32, #tpu.memory_space<vmem>> -> memref<1x100xi32, #tpu.memory_space<vmem>>
      %dma_start3A_346 = tpu.memref_squeeze %dma_start3A_345 : memref<1x100xi32, #tpu.memory_space<vmem>> -> memref<100xi32, #tpu.memory_space<vmem>>
      %dma_start3A_347 = arith.constant 0 : i32
      %dma_start3A_348 = arith.constant 0 : i32
      %dma_start3A_349 = tpu.memref_slice %arg8[%dma_start3A_347, %dma_start3A_348] : memref<400x128xf32, #tpu.memory_space<vmem_shared>> -> memref<400x128xf32, #tpu.memory_space<vmem_shared>>
      tpu.enqueue_indirect_dma source(%dma_start3A_349 : memref<400x128xf32, #tpu.memory_space<vmem_shared>>) target(%arg13 : memref<100x128xf32, #tpu.memory_space<vmem>>) offsets(%dma_start3A_346 : memref<100xi32, #tpu.memory_space<vmem>>) semaphore(%arg16 : memref<!tpu.dma_semaphore, #tpu.memory_space<semaphore_mem>>)
      %dma_wait3A_350 = arith.constant 9 : i32
      %dma_wait3A_351 = arith.constant 0 : i32
      %dma_wait3A_352 = tpu.memref_slice %arg11[%dma_wait3A_350, %dma_wait3A_351] : memref<10x100xi32, #tpu.memory_space<vmem>> -> memref<1x100xi32, #tpu.memory_space<vmem>>
      %dma_wait3A_353 = tpu.memref_squeeze %dma_wait3A_352 : memref<1x100xi32, #tpu.memory_space<vmem>> -> memref<100xi32, #tpu.memory_space<vmem>>
      %dma_wait3A_354 = arith.constant 0 : i32
      %dma_wait3A_355 = arith.constant 0 : i32
      %dma_wait3A_356 = tpu.memref_slice %arg8[%dma_wait3A_354, %dma_wait3A_355] : memref<400x128xf32, #tpu.memory_space<vmem_shared>> -> memref<400x128xf32, #tpu.memory_space<vmem_shared>>
      tpu.wait_indirect_dma semaphore(%arg17 : memref<!tpu.dma_semaphore, #tpu.memory_space<semaphore_mem>>) src(%dma_wait3A_356 : memref<400x128xf32, #tpu.memory_space<vmem_shared>>) dst(%arg14 : memref<100x128xf32, #tpu.memory_space<vmem>>)
      %dma_start3A_357 = arith.constant 0 : i32
      %dma_start3A_358 = tpu.memref_slice %arg2[%min3A_70, %dma_start3A_357] : memref<3200x100xi32, #tpu.memory_space<hbm>> -> memref<10x100xi32, #tpu.memory_space<hbm>>
      %dma_start3A_359 = arith.constant 0 : i32
      %dma_start3A_360 = tpu.memref_slice %arg2[%min3A_70, %dma_start3A_359] : memref<3200x100xi32, #tpu.memory_space<hbm>> -> memref<10x100xi32, #tpu.memory_space<hbm>>
      tpu.enqueue_dma source(%dma_start3A_360 : memref<10x100xi32, #tpu.memory_space<hbm>>) target(%arg9 : memref<10x100xi32, #tpu.memory_space<vmem>>) target_semaphore(%arg15 : memref<!tpu.dma_semaphore, #tpu.memory_space<semaphore_mem>>)
      %dma_start3A_361 = arith.constant 0 : i32
      %dma_start3A_362 = tpu.memref_slice %arg3[%min3A_70, %dma_start3A_361] : memref<3200x100xi32, #tpu.memory_space<hbm>> -> memref<10x100xi32, #tpu.memory_space<hbm>>
      %dma_start3A_363 = arith.constant 0 : i32
      %dma_start3A_364 = tpu.memref_slice %arg3[%min3A_70, %dma_start3A_363] : memref<3200x100xi32, #tpu.memory_space<hbm>> -> memref<10x100xi32, #tpu.memory_space<hbm>>
      tpu.enqueue_dma source(%dma_start3A_364 : memref<10x100xi32, #tpu.memory_space<hbm>>) target(%arg11 : memref<10x100xi32, #tpu.memory_space<vmem>>) target_semaphore(%arg15 : memref<!tpu.dma_semaphore, #tpu.memory_space<semaphore_mem>>)
      %dma_start3A_365 = arith.constant 9 : i32
      %dma_start3A_366 = arith.constant 0 : i32
      %dma_start3A_367 = tpu.memref_slice %arg9[%dma_start3A_365, %dma_start3A_366] : memref<10x100xi32, #tpu.memory_space<vmem>> -> memref<1x100xi32, #tpu.memory_space<vmem>>
      %dma_start3A_368 = tpu.memref_squeeze %dma_start3A_367 : memref<1x100xi32, #tpu.memory_space<vmem>> -> memref<100xi32, #tpu.memory_space<vmem>>
      %dma_start3A_369 = arith.constant 0 : i32
      %dma_start3A_370 = arith.constant 0 : i32
      %dma_start3A_371 = tpu.memref_slice %arg7[%dma_start3A_369, %dma_start3A_370] : memref<10000x128xf32, #tpu.memory_space<vmem_shared>> -> memref<10000x128xf32, #tpu.memory_space<vmem_shared>>
      tpu.enqueue_indirect_dma source(%arg14 : memref<100x128xf32, #tpu.memory_space<vmem>>) target(%dma_start3A_371 : memref<10000x128xf32, #tpu.memory_space<vmem_shared>>) offsets(%dma_start3A_368 : memref<100xi32, #tpu.memory_space<vmem>>) semaphore(%arg19 : memref<!tpu.dma_semaphore, #tpu.memory_space<semaphore_mem>>) {add = true}
      %dma_wait3A_372 = arith.constant 9 : i32
      %dma_wait3A_373 = arith.constant 0 : i32
      %dma_wait3A_374 = tpu.memref_slice %arg9[%dma_wait3A_372, %dma_wait3A_373] : memref<10x100xi32, #tpu.memory_space<vmem>> -> memref<1x100xi32, #tpu.memory_space<vmem>>
      %dma_wait3A_375 = tpu.memref_squeeze %dma_wait3A_374 : memref<1x100xi32, #tpu.memory_space<vmem>> -> memref<100xi32, #tpu.memory_space<vmem>>
      %dma_wait3A_376 = arith.constant 0 : i32
      %dma_wait3A_377 = arith.constant 0 : i32
      %dma_wait3A_378 = tpu.memref_slice %arg7[%dma_wait3A_376, %dma_wait3A_377] : memref<10000x128xf32, #tpu.memory_space<vmem_shared>> -> memref<10000x128xf32, #tpu.memory_space<vmem_shared>>
      tpu.wait_indirect_dma semaphore(%arg19 : memref<!tpu.dma_semaphore, #tpu.memory_space<semaphore_mem>>) src(%arg14 : memref<100x128xf32, #tpu.memory_space<vmem>>) dst(%dma_wait3A_378 : memref<10000x128xf32, #tpu.memory_space<vmem_shared>>)
      %dma_start3A_379 = arith.constant 1 : i32
      %dma_start3A_380 = arith.constant 0 : i32
      %dma_start3A_381 = tpu.memref_slice %arg12[%dma_start3A_379, %dma_start3A_380] : memref<10x100xi32, #tpu.memory_space<vmem>> -> memref<1x100xi32, #tpu.memory_space<vmem>>
      %dma_start3A_382 = tpu.memref_squeeze %dma_start3A_381 : memref<1x100xi32, #tpu.memory_space<vmem>> -> memref<100xi32, #tpu.memory_space<vmem>>
      %dma_start3A_383 = arith.constant 0 : i32
      %dma_start3A_384 = arith.constant 0 : i32
      %dma_start3A_385 = tpu.memref_slice %arg8[%dma_start3A_383, %dma_start3A_384] : memref<400x128xf32, #tpu.memory_space<vmem_shared>> -> memref<400x128xf32, #tpu.memory_space<vmem_shared>>
      tpu.enqueue_indirect_dma source(%dma_start3A_385 : memref<400x128xf32, #tpu.memory_space<vmem_shared>>) target(%arg14 : memref<100x128xf32, #tpu.memory_space<vmem>>) offsets(%dma_start3A_382 : memref<100xi32, #tpu.memory_space<vmem>>) semaphore(%arg17 : memref<!tpu.dma_semaphore, #tpu.memory_space<semaphore_mem>>)
      %dma_wait3A_386 = arith.constant 0 : i32
      %dma_wait3A_387 = arith.constant 0 : i32
      %dma_wait3A_388 = tpu.memref_slice %arg12[%dma_wait3A_386, %dma_wait3A_387] : memref<10x100xi32, #tpu.memory_space<vmem>> -> memref<1x100xi32, #tpu.memory_space<vmem>>
      %dma_wait3A_389 = tpu.memref_squeeze %dma_wait3A_388 : memref<1x100xi32, #tpu.memory_space<vmem>> -> memref<100xi32, #tpu.memory_space<vmem>>
      %dma_wait3A_390 = arith.constant 0 : i32
      %dma_wait3A_391 = arith.constant 0 : i32
      %dma_wait3A_392 = tpu.memref_slice %arg8[%dma_wait3A_390, %dma_wait3A_391] : memref<400x128xf32, #tpu.memory_space<vmem_shared>> -> memref<400x128xf32, #tpu.memory_space<vmem_shared>>
      tpu.wait_indirect_dma semaphore(%arg16 : memref<!tpu.dma_semaphore, #tpu.memory_space<semaphore_mem>>) src(%dma_wait3A_392 : memref<400x128xf32, #tpu.memory_space<vmem_shared>>) dst(%arg13 : memref<100x128xf32, #tpu.memory_space<vmem>>)
      %dma_start3A_393 = arith.constant 0 : i32
      %dma_start3A_394 = arith.constant 0 : i32
      %dma_start3A_395 = tpu.memref_slice %arg10[%dma_start3A_393, %dma_start3A_394] : memref<10x100xi32, #tpu.memory_space<vmem>> -> memref<1x100xi32, #tpu.memory_space<vmem>>
      %dma_start3A_396 = tpu.memref_squeeze %dma_start3A_395 : memref<1x100xi32, #tpu.memory_space<vmem>> -> memref<100xi32, #tpu.memory_space<vmem>>
      %dma_start3A_397 = arith.constant 0 : i32
      %dma_start3A_398 = arith.constant 0 : i32
      %dma_start3A_399 = tpu.memref_slice %arg7[%dma_start3A_397, %dma_start3A_398] : memref<10000x128xf32, #tpu.memory_space<vmem_shared>> -> memref<10000x128xf32, #tpu.memory_space<vmem_shared>>
      tpu.enqueue_indirect_dma source(%arg13 : memref<100x128xf32, #tpu.memory_space<vmem>>) target(%dma_start3A_399 : memref<10000x128xf32, #tpu.memory_space<vmem_shared>>) offsets(%dma_start3A_396 : memref<100xi32, #tpu.memory_space<vmem>>) semaphore(%arg18 : memref<!tpu.dma_semaphore, #tpu.memory_space<semaphore_mem>>) {add = true}
      %dma_wait3A_400 = arith.constant 0 : i32
      %dma_wait3A_401 = arith.constant 0 : i32
      %dma_wait3A_402 = tpu.memref_slice %arg10[%dma_wait3A_400, %dma_wait3A_401] : memref<10x100xi32, #tpu.memory_space<vmem>> -> memref<1x100xi32, #tpu.memory_space<vmem>>
      %dma_wait3A_403 = tpu.memref_squeeze %dma_wait3A_402 : memref<1x100xi32, #tpu.memory_space<vmem>> -> memref<100xi32, #tpu.memory_space<vmem>>
      %dma_wait3A_404 = arith.constant 0 : i32
      %dma_wait3A_405 = arith.constant 0 : i32
      %dma_wait3A_406 = tpu.memref_slice %arg7[%dma_wait3A_404, %dma_wait3A_405] : memref<10000x128xf32, #tpu.memory_space<vmem_shared>> -> memref<10000x128xf32, #tpu.memory_space<vmem_shared>>
      tpu.wait_indirect_dma semaphore(%arg18 : memref<!tpu.dma_semaphore, #tpu.memory_space<semaphore_mem>>) src(%arg13 : memref<100x128xf32, #tpu.memory_space<vmem>>) dst(%dma_wait3A_406 : memref<10000x128xf32, #tpu.memory_space<vmem_shared>>)
      %dma_start3A_407 = arith.constant 2 : i32
      %dma_start3A_408 = arith.constant 0 : i32
      %dma_start3A_409 = tpu.memref_slice %arg12[%dma_start3A_407, %dma_start3A_408] : memref<10x100xi32, #tpu.memory_space<vmem>> -> memref<1x100xi32, #tpu.memory_space<vmem>>
      %dma_start3A_410 = tpu.memref_squeeze %dma_start3A_409 : memref<1x100xi32, #tpu.memory_space<vmem>> -> memref<100xi32, #tpu.memory_space<vmem>>
      %dma_start3A_411 = arith.constant 0 : i32
      %dma_start3A_412 = arith.constant 0 : i32
      %dma_start3A_413 = tpu.memref_slice %arg8[%dma_start3A_411, %dma_start3A_412] : memref<400x128xf32, #tpu.memory_space<vmem_shared>> -> memref<400x128xf32, #tpu.memory_space<vmem_shared>>
      tpu.enqueue_indirect_dma source(%dma_start3A_413 : memref<400x128xf32, #tpu.memory_space<vmem_shared>>) target(%arg13 : memref<100x128xf32, #tpu.memory_space<vmem>>) offsets(%dma_start3A_410 : memref<100xi32, #tpu.memory_space<vmem>>) semaphore(%arg16 : memref<!tpu.dma_semaphore, #tpu.memory_space<semaphore_mem>>)
      %dma_wait3A_414 = arith.constant 1 : i32
      %dma_wait3A_415 = arith.constant 0 : i32
      %dma_wait3A_416 = tpu.memref_slice %arg12[%dma_wait3A_414, %dma_wait3A_415] : memref<10x100xi32, #tpu.memory_space<vmem>> -> memref<1x100xi32, #tpu.memory_space<vmem>>
      %dma_wait3A_417 = tpu.memref_squeeze %dma_wait3A_416 : memref<1x100xi32, #tpu.memory_space<vmem>> -> memref<100xi32, #tpu.memory_space<vmem>>
      %dma_wait3A_418 = arith.constant 0 : i32
      %dma_wait3A_419 = arith.constant 0 : i32
      %dma_wait3A_420 = tpu.memref_slice %arg8[%dma_wait3A_418, %dma_wait3A_419] : memref<400x128xf32, #tpu.memory_space<vmem_shared>> -> memref<400x128xf32, #tpu.memory_space<vmem_shared>>
      tpu.wait_indirect_dma semaphore(%arg17 : memref<!tpu.dma_semaphore, #tpu.memory_space<semaphore_mem>>) src(%dma_wait3A_420 : memref<400x128xf32, #tpu.memory_space<vmem_shared>>) dst(%arg14 : memref<100x128xf32, #tpu.memory_space<vmem>>)
      %dma_start3A_421 = arith.constant 1 : i32
      %dma_start3A_422 = arith.constant 0 : i32
      %dma_start3A_423 = tpu.memref_slice %arg10[%dma_start3A_421, %dma_start3A_422] : memref<10x100xi32, #tpu.memory_space<vmem>> -> memref<1x100xi32, #tpu.memory_space<vmem>>
      %dma_start3A_424 = tpu.memref_squeeze %dma_start3A_423 : memref<1x100xi32, #tpu.memory_space<vmem>> -> memref<100xi32, #tpu.memory_space<vmem>>
      %dma_start3A_425 = arith.constant 0 : i32
      %dma_start3A_426 = arith.constant 0 : i32
      %dma_start3A_427 = tpu.memref_slice %arg7[%dma_start3A_425, %dma_start3A_426] : memref<10000x128xf32, #tpu.memory_space<vmem_shared>> -> memref<10000x128xf32, #tpu.memory_space<vmem_shared>>
      tpu.enqueue_indirect_dma source(%arg14 : memref<100x128xf32, #tpu.memory_space<vmem>>) target(%dma_start3A_427 : memref<10000x128xf32, #tpu.memory_space<vmem_shared>>) offsets(%dma_start3A_424 : memref<100xi32, #tpu.memory_space<vmem>>) semaphore(%arg19 : memref<!tpu.dma_semaphore, #tpu.memory_space<semaphore_mem>>) {add = true}
      %dma_wait3A_428 = arith.constant 1 : i32
      %dma_wait3A_429 = arith.constant 0 : i32
      %dma_wait3A_430 = tpu.memref_slice %arg10[%dma_wait3A_428, %dma_wait3A_429] : memref<10x100xi32, #tpu.memory_space<vmem>> -> memref<1x100xi32, #tpu.memory_space<vmem>>
      %dma_wait3A_431 = tpu.memref_squeeze %dma_wait3A_430 : memref<1x100xi32, #tpu.memory_space<vmem>> -> memref<100xi32, #tpu.memory_space<vmem>>
      %dma_wait3A_432 = arith.constant 0 : i32
      %dma_wait3A_433 = arith.constant 0 : i32
      %dma_wait3A_434 = tpu.memref_slice %arg7[%dma_wait3A_432, %dma_wait3A_433] : memref<10000x128xf32, #tpu.memory_space<vmem_shared>> -> memref<10000x128xf32, #tpu.memory_space<vmem_shared>>
      tpu.wait_indirect_dma semaphore(%arg19 : memref<!tpu.dma_semaphore, #tpu.memory_space<semaphore_mem>>) src(%arg14 : memref<100x128xf32, #tpu.memory_space<vmem>>) dst(%dma_wait3A_434 : memref<10000x128xf32, #tpu.memory_space<vmem_shared>>)
      %dma_start3A_435 = arith.constant 3 : i32
      %dma_start3A_436 = arith.constant 0 : i32
      %dma_start3A_437 = tpu.memref_slice %arg12[%dma_start3A_435, %dma_start3A_436] : memref<10x100xi32, #tpu.memory_space<vmem>> -> memref<1x100xi32, #tpu.memory_space<vmem>>
      %dma_start3A_438 = tpu.memref_squeeze %dma_start3A_437 : memref<1x100xi32, #tpu.memory_space<vmem>> -> memref<100xi32, #tpu.memory_space<vmem>>
      %dma_start3A_439 = arith.constant 0 : i32
      %dma_start3A_440 = arith.constant 0 : i32
      %dma_start3A_441 = tpu.memref_slice %arg8[%dma_start3A_439, %dma_start3A_440] : memref<400x128xf32, #tpu.memory_space<vmem_shared>> -> memref<400x128xf32, #tpu.memory_space<vmem_shared>>
      tpu.enqueue_indirect_dma source(%dma_start3A_441 : memref<400x128xf32, #tpu.memory_space<vmem_shared>>) target(%arg14 : memref<100x128xf32, #tpu.memory_space<vmem>>) offsets(%dma_start3A_438 : memref<100xi32, #tpu.memory_space<vmem>>) semaphore(%arg17 : memref<!tpu.dma_semaphore, #tpu.memory_space<semaphore_mem>>)
      %dma_wait3A_442 = arith.constant 2 : i32
      %dma_wait3A_443 = arith.constant 0 : i32
      %dma_wait3A_444 = tpu.memref_slice %arg12[%dma_wait3A_442, %dma_wait3A_443] : memref<10x100xi32, #tpu.memory_space<vmem>> -> memref<1x100xi32, #tpu.memory_space<vmem>>
      %dma_wait3A_445 = tpu.memref_squeeze %dma_wait3A_444 : memref<1x100xi32, #tpu.memory_space<vmem>> -> memref<100xi32, #tpu.memory_space<vmem>>
      %dma_wait3A_446 = arith.constant 0 : i32
      %dma_wait3A_447 = arith.constant 0 : i32
      %dma_wait3A_448 = tpu.memref_slice %arg8[%dma_wait3A_446, %dma_wait3A_447] : memref<400x128xf32, #tpu.memory_space<vmem_shared>> -> memref<400x128xf32, #tpu.memory_space<vmem_shared>>
      tpu.wait_indirect_dma semaphore(%arg16 : memref<!tpu.dma_semaphore, #tpu.memory_space<semaphore_mem>>) src(%dma_wait3A_448 : memref<400x128xf32, #tpu.memory_space<vmem_shared>>) dst(%arg13 : memref<100x128xf32, #tpu.memory_space<vmem>>)
      %dma_start3A_449 = arith.constant 2 : i32
      %dma_start3A_450 = arith.constant 0 : i32
      %dma_start3A_451 = tpu.memref_slice %arg10[%dma_start3A_449, %dma_start3A_450] : memref<10x100xi32, #tpu.memory_space<vmem>> -> memref<1x100xi32, #tpu.memory_space<vmem>>
      %dma_start3A_452 = tpu.memref_squeeze %dma_start3A_451 : memref<1x100xi32, #tpu.memory_space<vmem>> -> memref<100xi32, #tpu.memory_space<vmem>>
      %dma_start3A_453 = arith.constant 0 : i32
      %dma_start3A_454 = arith.constant 0 : i32
      %dma_start3A_455 = tpu.memref_slice %arg7[%dma_start3A_453, %dma_start3A_454] : memref<10000x128xf32, #tpu.memory_space<vmem_shared>> -> memref<10000x128xf32, #tpu.memory_space<vmem_shared>>
      tpu.enqueue_indirect_dma source(%arg13 : memref<100x128xf32, #tpu.memory_space<vmem>>) target(%dma_start3A_455 : memref<10000x128xf32, #tpu.memory_space<vmem_shared>>) offsets(%dma_start3A_452 : memref<100xi32, #tpu.memory_space<vmem>>) semaphore(%arg18 : memref<!tpu.dma_semaphore, #tpu.memory_space<semaphore_mem>>) {add = true}
      %dma_wait3A_456 = arith.constant 2 : i32
      %dma_wait3A_457 = arith.constant 0 : i32
      %dma_wait3A_458 = tpu.memref_slice %arg10[%dma_wait3A_456, %dma_wait3A_457] : memref<10x100xi32, #tpu.memory_space<vmem>> -> memref<1x100xi32, #tpu.memory_space<vmem>>
      %dma_wait3A_459 = tpu.memref_squeeze %dma_wait3A_458 : memref<1x100xi32, #tpu.memory_space<vmem>> -> memref<100xi32, #tpu.memory_space<vmem>>
      %dma_wait3A_460 = arith.constant 0 : i32
      %dma_wait3A_461 = arith.constant 0 : i32
      %dma_wait3A_462 = tpu.memref_slice %arg7[%dma_wait3A_460, %dma_wait3A_461] : memref<10000x128xf32, #tpu.memory_space<vmem_shared>> -> memref<10000x128xf32, #tpu.memory_space<vmem_shared>>
      tpu.wait_indirect_dma semaphore(%arg18 : memref<!tpu.dma_semaphore, #tpu.memory_space<semaphore_mem>>) src(%arg13 : memref<100x128xf32, #tpu.memory_space<vmem>>) dst(%dma_wait3A_462 : memref<10000x128xf32, #tpu.memory_space<vmem_shared>>)
      %dma_start3A_463 = arith.constant 4 : i32
      %dma_start3A_464 = arith.constant 0 : i32
      %dma_start3A_465 = tpu.memref_slice %arg12[%dma_start3A_463, %dma_start3A_464] : memref<10x100xi32, #tpu.memory_space<vmem>> -> memref<1x100xi32, #tpu.memory_space<vmem>>
      %dma_start3A_466 = tpu.memref_squeeze %dma_start3A_465 : memref<1x100xi32, #tpu.memory_space<vmem>> -> memref<100xi32, #tpu.memory_space<vmem>>
      %dma_start3A_467 = arith.constant 0 : i32
      %dma_start3A_468 = arith.constant 0 : i32
      %dma_start3A_469 = tpu.memref_slice %arg8[%dma_start3A_467, %dma_start3A_468] : memref<400x128xf32, #tpu.memory_space<vmem_shared>> -> memref<400x128xf32, #tpu.memory_space<vmem_shared>>
      tpu.enqueue_indirect_dma source(%dma_start3A_469 : memref<400x128xf32, #tpu.memory_space<vmem_shared>>) target(%arg13 : memref<100x128xf32, #tpu.memory_space<vmem>>) offsets(%dma_start3A_466 : memref<100xi32, #tpu.memory_space<vmem>>) semaphore(%arg16 : memref<!tpu.dma_semaphore, #tpu.memory_space<semaphore_mem>>)
      %dma_wait3A_470 = arith.constant 3 : i32
      %dma_wait3A_471 = arith.constant 0 : i32
      %dma_wait3A_472 = tpu.memref_slice %arg12[%dma_wait3A_470, %dma_wait3A_471] : memref<10x100xi32, #tpu.memory_space<vmem>> -> memref<1x100xi32, #tpu.memory_space<vmem>>
      %dma_wait3A_473 = tpu.memref_squeeze %dma_wait3A_472 : memref<1x100xi32, #tpu.memory_space<vmem>> -> memref<100xi32, #tpu.memory_space<vmem>>
      %dma_wait3A_474 = arith.constant 0 : i32
      %dma_wait3A_475 = arith.constant 0 : i32
      %dma_wait3A_476 = tpu.memref_slice %arg8[%dma_wait3A_474, %dma_wait3A_475] : memref<400x128xf32, #tpu.memory_space<vmem_shared>> -> memref<400x128xf32, #tpu.memory_space<vmem_shared>>
      tpu.wait_indirect_dma semaphore(%arg17 : memref<!tpu.dma_semaphore, #tpu.memory_space<semaphore_mem>>) src(%dma_wait3A_476 : memref<400x128xf32, #tpu.memory_space<vmem_shared>>) dst(%arg14 : memref<100x128xf32, #tpu.memory_space<vmem>>)
      %dma_start3A_477 = arith.constant 3 : i32
      %dma_start3A_478 = arith.constant 0 : i32
      %dma_start3A_479 = tpu.memref_slice %arg10[%dma_start3A_477, %dma_start3A_478] : memref<10x100xi32, #tpu.memory_space<vmem>> -> memref<1x100xi32, #tpu.memory_space<vmem>>
      %dma_start3A_480 = tpu.memref_squeeze %dma_start3A_479 : memref<1x100xi32, #tpu.memory_space<vmem>> -> memref<100xi32, #tpu.memory_space<vmem>>
      %dma_start3A_481 = arith.constant 0 : i32
      %dma_start3A_482 = arith.constant 0 : i32
      %dma_start3A_483 = tpu.memref_slice %arg7[%dma_start3A_481, %dma_start3A_482] : memref<10000x128xf32, #tpu.memory_space<vmem_shared>> -> memref<10000x128xf32, #tpu.memory_space<vmem_shared>>
      tpu.enqueue_indirect_dma source(%arg14 : memref<100x128xf32, #tpu.memory_space<vmem>>) target(%dma_start3A_483 : memref<10000x128xf32, #tpu.memory_space<vmem_shared>>) offsets(%dma_start3A_480 : memref<100xi32, #tpu.memory_space<vmem>>) semaphore(%arg19 : memref<!tpu.dma_semaphore, #tpu.memory_space<semaphore_mem>>) {add = true}
      %dma_wait3A_484 = arith.constant 3 : i32
      %dma_wait3A_485 = arith.constant 0 : i32
      %dma_wait3A_486 = tpu.memref_slice %arg10[%dma_wait3A_484, %dma_wait3A_485] : memref<10x100xi32, #tpu.memory_space<vmem>> -> memref<1x100xi32, #tpu.memory_space<vmem>>
      %dma_wait3A_487 = tpu.memref_squeeze %dma_wait3A_486 : memref<1x100xi32, #tpu.memory_space<vmem>> -> memref<100xi32, #tpu.memory_space<vmem>>
      %dma_wait3A_488 = arith.constant 0 : i32
      %dma_wait3A_489 = arith.constant 0 : i32
      %dma_wait3A_490 = tpu.memref_slice %arg7[%dma_wait3A_488, %dma_wait3A_489] : memref<10000x128xf32, #tpu.memory_space<vmem_shared>> -> memref<10000x128xf32, #tpu.memory_space<vmem_shared>>
      tpu.wait_indirect_dma semaphore(%arg19 : memref<!tpu.dma_semaphore, #tpu.memory_space<semaphore_mem>>) src(%arg14 : memref<100x128xf32, #tpu.memory_space<vmem>>) dst(%dma_wait3A_490 : memref<10000x128xf32, #tpu.memory_space<vmem_shared>>)
      %dma_start3A_491 = arith.constant 5 : i32
      %dma_start3A_492 = arith.constant 0 : i32
      %dma_start3A_493 = tpu.memref_slice %arg12[%dma_start3A_491, %dma_start3A_492] : memref<10x100xi32, #tpu.memory_space<vmem>> -> memref<1x100xi32, #tpu.memory_space<vmem>>
      %dma_start3A_494 = tpu.memref_squeeze %dma_start3A_493 : memref<1x100xi32, #tpu.memory_space<vmem>> -> memref<100xi32, #tpu.memory_space<vmem>>
      %dma_start3A_495 = arith.constant 0 : i32
      %dma_start3A_496 = arith.constant 0 : i32
      %dma_start3A_497 = tpu.memref_slice %arg8[%dma_start3A_495, %dma_start3A_496] : memref<400x128xf32, #tpu.memory_space<vmem_shared>> -> memref<400x128xf32, #tpu.memory_space<vmem_shared>>
      tpu.enqueue_indirect_dma source(%dma_start3A_497 : memref<400x128xf32, #tpu.memory_space<vmem_shared>>) target(%arg14 : memref<100x128xf32, #tpu.memory_space<vmem>>) offsets(%dma_start3A_494 : memref<100xi32, #tpu.memory_space<vmem>>) semaphore(%arg17 : memref<!tpu.dma_semaphore, #tpu.memory_space<semaphore_mem>>)
      %dma_wait3A_498 = arith.constant 4 : i32
      %dma_wait3A_499 = arith.constant 0 : i32
      %dma_wait3A_500 = tpu.memref_slice %arg12[%dma_wait3A_498, %dma_wait3A_499] : memref<10x100xi32, #tpu.memory_space<vmem>> -> memref<1x100xi32, #tpu.memory_space<vmem>>
      %dma_wait3A_501 = tpu.memref_squeeze %dma_wait3A_500 : memref<1x100xi32, #tpu.memory_space<vmem>> -> memref<100xi32, #tpu.memory_space<vmem>>
      %dma_wait3A_502 = arith.constant 0 : i32
      %dma_wait3A_503 = arith.constant 0 : i32
      %dma_wait3A_504 = tpu.memref_slice %arg8[%dma_wait3A_502, %dma_wait3A_503] : memref<400x128xf32, #tpu.memory_space<vmem_shared>> -> memref<400x128xf32, #tpu.memory_space<vmem_shared>>
      tpu.wait_indirect_dma semaphore(%arg16 : memref<!tpu.dma_semaphore, #tpu.memory_space<semaphore_mem>>) src(%dma_wait3A_504 : memref<400x128xf32, #tpu.memory_space<vmem_shared>>) dst(%arg13 : memref<100x128xf32, #tpu.memory_space<vmem>>)
      %dma_start3A_505 = arith.constant 4 : i32
      %dma_start3A_506 = arith.constant 0 : i32
      %dma_start3A_507 = tpu.memref_slice %arg10[%dma_start3A_505, %dma_start3A_506] : memref<10x100xi32, #tpu.memory_space<vmem>> -> memref<1x100xi32, #tpu.memory_space<vmem>>
      %dma_start3A_508 = tpu.memref_squeeze %dma_start3A_507 : memref<1x100xi32, #tpu.memory_space<vmem>> -> memref<100xi32, #tpu.memory_space<vmem>>
      %dma_start3A_509 = arith.constant 0 : i32
      %dma_start3A_510 = arith.constant 0 : i32
      %dma_start3A_511 = tpu.memref_slice %arg7[%dma_start3A_509, %dma_start3A_510] : memref<10000x128xf32, #tpu.memory_space<vmem_shared>> -> memref<10000x128xf32, #tpu.memory_space<vmem_shared>>
      tpu.enqueue_indirect_dma source(%arg13 : memref<100x128xf32, #tpu.memory_space<vmem>>) target(%dma_start3A_511 : memref<10000x128xf32, #tpu.memory_space<vmem_shared>>) offsets(%dma_start3A_508 : memref<100xi32, #tpu.memory_space<vmem>>) semaphore(%arg18 : memref<!tpu.dma_semaphore, #tpu.memory_space<semaphore_mem>>) {add = true}
      %dma_wait3A_512 = arith.constant 4 : i32
      %dma_wait3A_513 = arith.constant 0 : i32
      %dma_wait3A_514 = tpu.memref_slice %arg10[%dma_wait3A_512, %dma_wait3A_513] : memref<10x100xi32, #tpu.memory_space<vmem>> -> memref<1x100xi32, #tpu.memory_space<vmem>>
      %dma_wait3A_515 = tpu.memref_squeeze %dma_wait3A_514 : memref<1x100xi32, #tpu.memory_space<vmem>> -> memref<100xi32, #tpu.memory_space<vmem>>
      %dma_wait3A_516 = arith.constant 0 : i32
      %dma_wait3A_517 = arith.constant 0 : i32
      %dma_wait3A_518 = tpu.memref_slice %arg7[%dma_wait3A_516, %dma_wait3A_517] : memref<10000x128xf32, #tpu.memory_space<vmem_shared>> -> memref<10000x128xf32, #tpu.memory_space<vmem_shared>>
      tpu.wait_indirect_dma semaphore(%arg18 : memref<!tpu.dma_semaphore, #tpu.memory_space<semaphore_mem>>) src(%arg13 : memref<100x128xf32, #tpu.memory_space<vmem>>) dst(%dma_wait3A_518 : memref<10000x128xf32, #tpu.memory_space<vmem_shared>>)
      %dma_start3A_519 = arith.constant 6 : i32
      %dma_start3A_520 = arith.constant 0 : i32
      %dma_start3A_521 = tpu.memref_slice %arg12[%dma_start3A_519, %dma_start3A_520] : memref<10x100xi32, #tpu.memory_space<vmem>> -> memref<1x100xi32, #tpu.memory_space<vmem>>
      %dma_start3A_522 = tpu.memref_squeeze %dma_start3A_521 : memref<1x100xi32, #tpu.memory_space<vmem>> -> memref<100xi32, #tpu.memory_space<vmem>>
      %dma_start3A_523 = arith.constant 0 : i32
      %dma_start3A_524 = arith.constant 0 : i32
      %dma_start3A_525 = tpu.memref_slice %arg8[%dma_start3A_523, %dma_start3A_524] : memref<400x128xf32, #tpu.memory_space<vmem_shared>> -> memref<400x128xf32, #tpu.memory_space<vmem_shared>>
      tpu.enqueue_indirect_dma source(%dma_start3A_525 : memref<400x128xf32, #tpu.memory_space<vmem_shared>>) target(%arg13 : memref<100x128xf32, #tpu.memory_space<vmem>>) offsets(%dma_start3A_522 : memref<100xi32, #tpu.memory_space<vmem>>) semaphore(%arg16 : memref<!tpu.dma_semaphore, #tpu.memory_space<semaphore_mem>>)
      %dma_wait3A_526 = arith.constant 5 : i32
      %dma_wait3A_527 = arith.constant 0 : i32
      %dma_wait3A_528 = tpu.memref_slice %arg12[%dma_wait3A_526, %dma_wait3A_527] : memref<10x100xi32, #tpu.memory_space<vmem>> -> memref<1x100xi32, #tpu.memory_space<vmem>>
      %dma_wait3A_529 = tpu.memref_squeeze %dma_wait3A_528 : memref<1x100xi32, #tpu.memory_space<vmem>> -> memref<100xi32, #tpu.memory_space<vmem>>
      %dma_wait3A_530 = arith.constant 0 : i32
      %dma_wait3A_531 = arith.constant 0 : i32
      %dma_wait3A_532 = tpu.memref_slice %arg8[%dma_wait3A_530, %dma_wait3A_531] : memref<400x128xf32, #tpu.memory_space<vmem_shared>> -> memref<400x128xf32, #tpu.memory_space<vmem_shared>>
      tpu.wait_indirect_dma semaphore(%arg17 : memref<!tpu.dma_semaphore, #tpu.memory_space<semaphore_mem>>) src(%dma_wait3A_532 : memref<400x128xf32, #tpu.memory_space<vmem_shared>>) dst(%arg14 : memref<100x128xf32, #tpu.memory_space<vmem>>)
      %dma_start3A_533 = arith.constant 5 : i32
      %dma_start3A_534 = arith.constant 0 : i32
      %dma_start3A_535 = tpu.memref_slice %arg10[%dma_start3A_533, %dma_start3A_534] : memref<10x100xi32, #tpu.memory_space<vmem>> -> memref<1x100xi32, #tpu.memory_space<vmem>>
      %dma_start3A_536 = tpu.memref_squeeze %dma_start3A_535 : memref<1x100xi32, #tpu.memory_space<vmem>> -> memref<100xi32, #tpu.memory_space<vmem>>
      %dma_start3A_537 = arith.constant 0 : i32
      %dma_start3A_538 = arith.constant 0 : i32
      %dma_start3A_539 = tpu.memref_slice %arg7[%dma_start3A_537, %dma_start3A_538] : memref<10000x128xf32, #tpu.memory_space<vmem_shared>> -> memref<10000x128xf32, #tpu.memory_space<vmem_shared>>
      tpu.enqueue_indirect_dma source(%arg14 : memref<100x128xf32, #tpu.memory_space<vmem>>) target(%dma_start3A_539 : memref<10000x128xf32, #tpu.memory_space<vmem_shared>>) offsets(%dma_start3A_536 : memref<100xi32, #tpu.memory_space<vmem>>) semaphore(%arg19 : memref<!tpu.dma_semaphore, #tpu.memory_space<semaphore_mem>>) {add = true}
      %dma_wait3A_540 = arith.constant 5 : i32
      %dma_wait3A_541 = arith.constant 0 : i32
      %dma_wait3A_542 = tpu.memref_slice %arg10[%dma_wait3A_540, %dma_wait3A_541] : memref<10x100xi32, #tpu.memory_space<vmem>> -> memref<1x100xi32, #tpu.memory_space<vmem>>
      %dma_wait3A_543 = tpu.memref_squeeze %dma_wait3A_542 : memref<1x100xi32, #tpu.memory_space<vmem>> -> memref<100xi32, #tpu.memory_space<vmem>>
      %dma_wait3A_544 = arith.constant 0 : i32
      %dma_wait3A_545 = arith.constant 0 : i32
      %dma_wait3A_546 = tpu.memref_slice %arg7[%dma_wait3A_544, %dma_wait3A_545] : memref<10000x128xf32, #tpu.memory_space<vmem_shared>> -> memref<10000x128xf32, #tpu.memory_space<vmem_shared>>
      tpu.wait_indirect_dma semaphore(%arg19 : memref<!tpu.dma_semaphore, #tpu.memory_space<semaphore_mem>>) src(%arg14 : memref<100x128xf32, #tpu.memory_space<vmem>>) dst(%dma_wait3A_546 : memref<10000x128xf32, #tpu.memory_space<vmem_shared>>)
      %dma_start3A_547 = arith.constant 7 : i32
      %dma_start3A_548 = arith.constant 0 : i32
      %dma_start3A_549 = tpu.memref_slice %arg12[%dma_start3A_547, %dma_start3A_548] : memref<10x100xi32, #tpu.memory_space<vmem>> -> memref<1x100xi32, #tpu.memory_space<vmem>>
      %dma_start3A_550 = tpu.memref_squeeze %dma_start3A_549 : memref<1x100xi32, #tpu.memory_space<vmem>> -> memref<100xi32, #tpu.memory_space<vmem>>
      %dma_start3A_551 = arith.constant 0 : i32
      %dma_start3A_552 = arith.constant 0 : i32
      %dma_start3A_553 = tpu.memref_slice %arg8[%dma_start3A_551, %dma_start3A_552] : memref<400x128xf32, #tpu.memory_space<vmem_shared>> -> memref<400x128xf32, #tpu.memory_space<vmem_shared>>
      tpu.enqueue_indirect_dma source(%dma_start3A_553 : memref<400x128xf32, #tpu.memory_space<vmem_shared>>) target(%arg14 : memref<100x128xf32, #tpu.memory_space<vmem>>) offsets(%dma_start3A_550 : memref<100xi32, #tpu.memory_space<vmem>>) semaphore(%arg17 : memref<!tpu.dma_semaphore, #tpu.memory_space<semaphore_mem>>)
      %dma_wait3A_554 = arith.constant 6 : i32
      %dma_wait3A_555 = arith.constant 0 : i32
      %dma_wait3A_556 = tpu.memref_slice %arg12[%dma_wait3A_554, %dma_wait3A_555] : memref<10x100xi32, #tpu.memory_space<vmem>> -> memref<1x100xi32, #tpu.memory_space<vmem>>
      %dma_wait3A_557 = tpu.memref_squeeze %dma_wait3A_556 : memref<1x100xi32, #tpu.memory_space<vmem>> -> memref<100xi32, #tpu.memory_space<vmem>>
      %dma_wait3A_558 = arith.constant 0 : i32
      %dma_wait3A_559 = arith.constant 0 : i32
      %dma_wait3A_560 = tpu.memref_slice %arg8[%dma_wait3A_558, %dma_wait3A_559] : memref<400x128xf32, #tpu.memory_space<vmem_shared>> -> memref<400x128xf32, #tpu.memory_space<vmem_shared>>
      tpu.wait_indirect_dma semaphore(%arg16 : memref<!tpu.dma_semaphore, #tpu.memory_space<semaphore_mem>>) src(%dma_wait3A_560 : memref<400x128xf32, #tpu.memory_space<vmem_shared>>) dst(%arg13 : memref<100x128xf32, #tpu.memory_space<vmem>>)
      %dma_start3A_561 = arith.constant 6 : i32
      %dma_start3A_562 = arith.constant 0 : i32
      %dma_start3A_563 = tpu.memref_slice %arg10[%dma_start3A_561, %dma_start3A_562] : memref<10x100xi32, #tpu.memory_space<vmem>> -> memref<1x100xi32, #tpu.memory_space<vmem>>
      %dma_start3A_564 = tpu.memref_squeeze %dma_start3A_563 : memref<1x100xi32, #tpu.memory_space<vmem>> -> memref<100xi32, #tpu.memory_space<vmem>>
      %dma_start3A_565 = arith.constant 0 : i32
      %dma_start3A_566 = arith.constant 0 : i32
      %dma_start3A_567 = tpu.memref_slice %arg7[%dma_start3A_565, %dma_start3A_566] : memref<10000x128xf32, #tpu.memory_space<vmem_shared>> -> memref<10000x128xf32, #tpu.memory_space<vmem_shared>>
      tpu.enqueue_indirect_dma source(%arg13 : memref<100x128xf32, #tpu.memory_space<vmem>>) target(%dma_start3A_567 : memref<10000x128xf32, #tpu.memory_space<vmem_shared>>) offsets(%dma_start3A_564 : memref<100xi32, #tpu.memory_space<vmem>>) semaphore(%arg18 : memref<!tpu.dma_semaphore, #tpu.memory_space<semaphore_mem>>) {add = true}
      %dma_wait3A_568 = arith.constant 6 : i32
      %dma_wait3A_569 = arith.constant 0 : i32
      %dma_wait3A_570 = tpu.memref_slice %arg10[%dma_wait3A_568, %dma_wait3A_569] : memref<10x100xi32, #tpu.memory_space<vmem>> -> memref<1x100xi32, #tpu.memory_space<vmem>>
      %dma_wait3A_571 = tpu.memref_squeeze %dma_wait3A_570 : memref<1x100xi32, #tpu.memory_space<vmem>> -> memref<100xi32, #tpu.memory_space<vmem>>
      %dma_wait3A_572 = arith.constant 0 : i32
      %dma_wait3A_573 = arith.constant 0 : i32
      %dma_wait3A_574 = tpu.memref_slice %arg7[%dma_wait3A_572, %dma_wait3A_573] : memref<10000x128xf32, #tpu.memory_space<vmem_shared>> -> memref<10000x128xf32, #tpu.memory_space<vmem_shared>>
      tpu.wait_indirect_dma semaphore(%arg18 : memref<!tpu.dma_semaphore, #tpu.memory_space<semaphore_mem>>) src(%arg13 : memref<100x128xf32, #tpu.memory_space<vmem>>) dst(%dma_wait3A_574 : memref<10000x128xf32, #tpu.memory_space<vmem_shared>>)
      %dma_start3A_575 = arith.constant 8 : i32
      %dma_start3A_576 = arith.constant 0 : i32
      %dma_start3A_577 = tpu.memref_slice %arg12[%dma_start3A_575, %dma_start3A_576] : memref<10x100xi32, #tpu.memory_space<vmem>> -> memref<1x100xi32, #tpu.memory_space<vmem>>
      %dma_start3A_578 = tpu.memref_squeeze %dma_start3A_577 : memref<1x100xi32, #tpu.memory_space<vmem>> -> memref<100xi32, #tpu.memory_space<vmem>>
      %dma_start3A_579 = arith.constant 0 : i32
      %dma_start3A_580 = arith.constant 0 : i32
      %dma_start3A_581 = tpu.memref_slice %arg8[%dma_start3A_579, %dma_start3A_580] : memref<400x128xf32, #tpu.memory_space<vmem_shared>> -> memref<400x128xf32, #tpu.memory_space<vmem_shared>>
      tpu.enqueue_indirect_dma source(%dma_start3A_581 : memref<400x128xf32, #tpu.memory_space<vmem_shared>>) target(%arg13 : memref<100x128xf32, #tpu.memory_space<vmem>>) offsets(%dma_start3A_578 : memref<100xi32, #tpu.memory_space<vmem>>) semaphore(%arg16 : memref<!tpu.dma_semaphore, #tpu.memory_space<semaphore_mem>>)
      %dma_wait3A_582 = arith.constant 7 : i32
      %dma_wait3A_583 = arith.constant 0 : i32
      %dma_wait3A_584 = tpu.memref_slice %arg12[%dma_wait3A_582, %dma_wait3A_583] : memref<10x100xi32, #tpu.memory_space<vmem>> -> memref<1x100xi32, #tpu.memory_space<vmem>>
      %dma_wait3A_585 = tpu.memref_squeeze %dma_wait3A_584 : memref<1x100xi32, #tpu.memory_space<vmem>> -> memref<100xi32, #tpu.memory_space<vmem>>
      %dma_wait3A_586 = arith.constant 0 : i32
      %dma_wait3A_587 = arith.constant 0 : i32
      %dma_wait3A_588 = tpu.memref_slice %arg8[%dma_wait3A_586, %dma_wait3A_587] : memref<400x128xf32, #tpu.memory_space<vmem_shared>> -> memref<400x128xf32, #tpu.memory_space<vmem_shared>>
      tpu.wait_indirect_dma semaphore(%arg17 : memref<!tpu.dma_semaphore, #tpu.memory_space<semaphore_mem>>) src(%dma_wait3A_588 : memref<400x128xf32, #tpu.memory_space<vmem_shared>>) dst(%arg14 : memref<100x128xf32, #tpu.memory_space<vmem>>)
      %dma_start3A_589 = arith.constant 7 : i32
      %dma_start3A_590 = arith.constant 0 : i32
      %dma_start3A_591 = tpu.memref_slice %arg10[%dma_start3A_589, %dma_start3A_590] : memref<10x100xi32, #tpu.memory_space<vmem>> -> memref<1x100xi32, #tpu.memory_space<vmem>>
      %dma_start3A_592 = tpu.memref_squeeze %dma_start3A_591 : memref<1x100xi32, #tpu.memory_space<vmem>> -> memref<100xi32, #tpu.memory_space<vmem>>
      %dma_start3A_593 = arith.constant 0 : i32
      %dma_start3A_594 = arith.constant 0 : i32
      %dma_start3A_595 = tpu.memref_slice %arg7[%dma_start3A_593, %dma_start3A_594] : memref<10000x128xf32, #tpu.memory_space<vmem_shared>> -> memref<10000x128xf32, #tpu.memory_space<vmem_shared>>
      tpu.enqueue_indirect_dma source(%arg14 : memref<100x128xf32, #tpu.memory_space<vmem>>) target(%dma_start3A_595 : memref<10000x128xf32, #tpu.memory_space<vmem_shared>>) offsets(%dma_start3A_592 : memref<100xi32, #tpu.memory_space<vmem>>) semaphore(%arg19 : memref<!tpu.dma_semaphore, #tpu.memory_space<semaphore_mem>>) {add = true}
      %dma_wait3A_596 = arith.constant 7 : i32
      %dma_wait3A_597 = arith.constant 0 : i32
      %dma_wait3A_598 = tpu.memref_slice %arg10[%dma_wait3A_596, %dma_wait3A_597] : memref<10x100xi32, #tpu.memory_space<vmem>> -> memref<1x100xi32, #tpu.memory_space<vmem>>
      %dma_wait3A_599 = tpu.memref_squeeze %dma_wait3A_598 : memref<1x100xi32, #tpu.memory_space<vmem>> -> memref<100xi32, #tpu.memory_space<vmem>>
      %dma_wait3A_600 = arith.constant 0 : i32
      %dma_wait3A_601 = arith.constant 0 : i32
      %dma_wait3A_602 = tpu.memref_slice %arg7[%dma_wait3A_600, %dma_wait3A_601] : memref<10000x128xf32, #tpu.memory_space<vmem_shared>> -> memref<10000x128xf32, #tpu.memory_space<vmem_shared>>
      tpu.wait_indirect_dma semaphore(%arg19 : memref<!tpu.dma_semaphore, #tpu.memory_space<semaphore_mem>>) src(%arg14 : memref<100x128xf32, #tpu.memory_space<vmem>>) dst(%dma_wait3A_602 : memref<10000x128xf32, #tpu.memory_space<vmem_shared>>)
      %dma_start3A_603 = arith.constant 9 : i32
      %dma_start3A_604 = arith.constant 0 : i32
      %dma_start3A_605 = tpu.memref_slice %arg12[%dma_start3A_603, %dma_start3A_604] : memref<10x100xi32, #tpu.memory_space<vmem>> -> memref<1x100xi32, #tpu.memory_space<vmem>>
      %dma_start3A_606 = tpu.memref_squeeze %dma_start3A_605 : memref<1x100xi32, #tpu.memory_space<vmem>> -> memref<100xi32, #tpu.memory_space<vmem>>
      %dma_start3A_607 = arith.constant 0 : i32
      %dma_start3A_608 = arith.constant 0 : i32
      %dma_start3A_609 = tpu.memref_slice %arg8[%dma_start3A_607, %dma_start3A_608] : memref<400x128xf32, #tpu.memory_space<vmem_shared>> -> memref<400x128xf32, #tpu.memory_space<vmem_shared>>
      tpu.enqueue_indirect_dma source(%dma_start3A_609 : memref<400x128xf32, #tpu.memory_space<vmem_shared>>) target(%arg14 : memref<100x128xf32, #tpu.memory_space<vmem>>) offsets(%dma_start3A_606 : memref<100xi32, #tpu.memory_space<vmem>>) semaphore(%arg17 : memref<!tpu.dma_semaphore, #tpu.memory_space<semaphore_mem>>)
      %dma_wait3A_610 = arith.constant 8 : i32
      %dma_wait3A_611 = arith.constant 0 : i32
      %dma_wait3A_612 = tpu.memref_slice %arg12[%dma_wait3A_610, %dma_wait3A_611] : memref<10x100xi32, #tpu.memory_space<vmem>> -> memref<1x100xi32, #tpu.memory_space<vmem>>
      %dma_wait3A_613 = tpu.memref_squeeze %dma_wait3A_612 : memref<1x100xi32, #tpu.memory_space<vmem>> -> memref<100xi32, #tpu.memory_space<vmem>>
      %dma_wait3A_614 = arith.constant 0 : i32
      %dma_wait3A_615 = arith.constant 0 : i32
      %dma_wait3A_616 = tpu.memref_slice %arg8[%dma_wait3A_614, %dma_wait3A_615] : memref<400x128xf32, #tpu.memory_space<vmem_shared>> -> memref<400x128xf32, #tpu.memory_space<vmem_shared>>
      tpu.wait_indirect_dma semaphore(%arg16 : memref<!tpu.dma_semaphore, #tpu.memory_space<semaphore_mem>>) src(%dma_wait3A_616 : memref<400x128xf32, #tpu.memory_space<vmem_shared>>) dst(%arg13 : memref<100x128xf32, #tpu.memory_space<vmem>>)
      %dma_start3A_617 = arith.constant 8 : i32
      %dma_start3A_618 = arith.constant 0 : i32
      %dma_start3A_619 = tpu.memref_slice %arg10[%dma_start3A_617, %dma_start3A_618] : memref<10x100xi32, #tpu.memory_space<vmem>> -> memref<1x100xi32, #tpu.memory_space<vmem>>
      %dma_start3A_620 = tpu.memref_squeeze %dma_start3A_619 : memref<1x100xi32, #tpu.memory_space<vmem>> -> memref<100xi32, #tpu.memory_space<vmem>>
      %dma_start3A_621 = arith.constant 0 : i32
      %dma_start3A_622 = arith.constant 0 : i32
      %dma_start3A_623 = tpu.memref_slice %arg7[%dma_start3A_621, %dma_start3A_622] : memref<10000x128xf32, #tpu.memory_space<vmem_shared>> -> memref<10000x128xf32, #tpu.memory_space<vmem_shared>>
      tpu.enqueue_indirect_dma source(%arg13 : memref<100x128xf32, #tpu.memory_space<vmem>>) target(%dma_start3A_623 : memref<10000x128xf32, #tpu.memory_space<vmem_shared>>) offsets(%dma_start3A_620 : memref<100xi32, #tpu.memory_space<vmem>>) semaphore(%arg18 : memref<!tpu.dma_semaphore, #tpu.memory_space<semaphore_mem>>) {add = true}
      %dma_wait3A_624 = arith.constant 9 : i32
      %dma_wait3A_625 = arith.constant 0 : i32
      %dma_wait3A_626 = tpu.memref_slice %arg12[%dma_wait3A_624, %dma_wait3A_625] : memref<10x100xi32, #tpu.memory_space<vmem>> -> memref<1x100xi32, #tpu.memory_space<vmem>>
      %dma_wait3A_627 = tpu.memref_squeeze %dma_wait3A_626 : memref<1x100xi32, #tpu.memory_space<vmem>> -> memref<100xi32, #tpu.memory_space<vmem>>
      %dma_wait3A_628 = arith.constant 0 : i32
      %dma_wait3A_629 = arith.constant 0 : i32
      %dma_wait3A_630 = tpu.memref_slice %arg8[%dma_wait3A_628, %dma_wait3A_629] : memref<400x128xf32, #tpu.memory_space<vmem_shared>> -> memref<400x128xf32, #tpu.memory_space<vmem_shared>>
      tpu.wait_indirect_dma semaphore(%arg17 : memref<!tpu.dma_semaphore, #tpu.memory_space<semaphore_mem>>) src(%dma_wait3A_630 : memref<400x128xf32, #tpu.memory_space<vmem_shared>>) dst(%arg14 : memref<100x128xf32, #tpu.memory_space<vmem>>)
      %dma_start3A_631 = arith.constant 9 : i32
      %dma_start3A_632 = arith.constant 0 : i32
      %dma_start3A_633 = tpu.memref_slice %arg10[%dma_start3A_631, %dma_start3A_632] : memref<10x100xi32, #tpu.memory_space<vmem>> -> memref<1x100xi32, #tpu.memory_space<vmem>>
      %dma_start3A_634 = tpu.memref_squeeze %dma_start3A_633 : memref<1x100xi32, #tpu.memory_space<vmem>> -> memref<100xi32, #tpu.memory_space<vmem>>
      %dma_start3A_635 = arith.constant 0 : i32
      %dma_start3A_636 = arith.constant 0 : i32
      %dma_start3A_637 = tpu.memref_slice %arg7[%dma_start3A_635, %dma_start3A_636] : memref<10000x128xf32, #tpu.memory_space<vmem_shared>> -> memref<10000x128xf32, #tpu.memory_space<vmem_shared>>
      tpu.enqueue_indirect_dma source(%arg14 : memref<100x128xf32, #tpu.memory_space<vmem>>) target(%dma_start3A_637 : memref<10000x128xf32, #tpu.memory_space<vmem_shared>>) offsets(%dma_start3A_634 : memref<100xi32, #tpu.memory_space<vmem>>) semaphore(%arg19 : memref<!tpu.dma_semaphore, #tpu.memory_space<semaphore_mem>>) {add = true}
      %dma_wait3A_638 = arith.constant 8 : i32
      %dma_wait3A_639 = arith.constant 0 : i32
      %dma_wait3A_640 = tpu.memref_slice %arg10[%dma_wait3A_638, %dma_wait3A_639] : memref<10x100xi32, #tpu.memory_space<vmem>> -> memref<1x100xi32, #tpu.memory_space<vmem>>
      %dma_wait3A_641 = tpu.memref_squeeze %dma_wait3A_640 : memref<1x100xi32, #tpu.memory_space<vmem>> -> memref<100xi32, #tpu.memory_space<vmem>>
      %dma_wait3A_642 = arith.constant 0 : i32
      %dma_wait3A_643 = arith.constant 0 : i32
      %dma_wait3A_644 = tpu.memref_slice %arg7[%dma_wait3A_642, %dma_wait3A_643] : memref<10000x128xf32, #tpu.memory_space<vmem_shared>> -> memref<10000x128xf32, #tpu.memory_space<vmem_shared>>
      tpu.wait_indirect_dma semaphore(%arg18 : memref<!tpu.dma_semaphore, #tpu.memory_space<semaphore_mem>>) src(%arg13 : memref<100x128xf32, #tpu.memory_space<vmem>>) dst(%dma_wait3A_644 : memref<10000x128xf32, #tpu.memory_space<vmem_shared>>)
      %dma_wait3A_645 = arith.constant 0 : i32
      %dma_wait3A_646 = tpu.memref_slice %arg2[%min3A_70, %dma_wait3A_645] : memref<3200x100xi32, #tpu.memory_space<hbm>> -> memref<10x100xi32, #tpu.memory_space<hbm>>
      %dma_wait3A_647 = arith.constant 0 : i32
      %dma_wait3A_648 = tpu.memref_slice %arg2[%min3A_70, %dma_wait3A_647] : memref<3200x100xi32, #tpu.memory_space<hbm>> -> memref<10x100xi32, #tpu.memory_space<hbm>>
      tpu.wait_dma2 semaphore(%arg15 : memref<!tpu.dma_semaphore, #tpu.memory_space<semaphore_mem>>) src(%dma_wait3A_648 : memref<10x100xi32, #tpu.memory_space<hbm>>) dst(%arg9 : memref<10x100xi32, #tpu.memory_space<vmem>>)
      %dma_wait3A_649 = arith.constant 0 : i32
      %dma_wait3A_650 = tpu.memref_slice %arg3[%min3A_70, %dma_wait3A_649] : memref<3200x100xi32, #tpu.memory_space<hbm>> -> memref<10x100xi32, #tpu.memory_space<hbm>>
      %dma_wait3A_651 = arith.constant 0 : i32
      %dma_wait3A_652 = tpu.memref_slice %arg3[%min3A_70, %dma_wait3A_651] : memref<3200x100xi32, #tpu.memory_space<hbm>> -> memref<10x100xi32, #tpu.memory_space<hbm>>
      tpu.wait_dma2 semaphore(%arg15 : memref<!tpu.dma_semaphore, #tpu.memory_space<semaphore_mem>>) src(%dma_wait3A_652 : memref<10x100xi32, #tpu.memory_space<hbm>>) dst(%arg11 : memref<10x100xi32, #tpu.memory_space<vmem>>)
      %dma_start3A_653 = arith.constant 0 : i32
      %dma_start3A_654 = arith.constant 0 : i32
      %dma_start3A_655 = tpu.memref_slice %arg11[%dma_start3A_653, %dma_start3A_654] : memref<10x100xi32, #tpu.memory_space<vmem>> -> memref<1x100xi32, #tpu.memory_space<vmem>>
      %dma_start3A_656 = tpu.memref_squeeze %dma_start3A_655 : memref<1x100xi32, #tpu.memory_space<vmem>> -> memref<100xi32, #tpu.memory_space<vmem>>
      %dma_start3A_657 = arith.constant 0 : i32
      %dma_start3A_658 = arith.constant 0 : i32
      %dma_start3A_659 = tpu.memref_slice %arg8[%dma_start3A_657, %dma_start3A_658] : memref<400x128xf32, #tpu.memory_space<vmem_shared>> -> memref<400x128xf32, #tpu.memory_space<vmem_shared>>
      tpu.enqueue_indirect_dma source(%dma_start3A_659 : memref<400x128xf32, #tpu.memory_space<vmem_shared>>) target(%arg13 : memref<100x128xf32, #tpu.memory_space<vmem>>) offsets(%dma_start3A_656 : memref<100xi32, #tpu.memory_space<vmem>>) semaphore(%arg16 : memref<!tpu.dma_semaphore, #tpu.memory_space<semaphore_mem>>)
      %dma_wait3A_660 = arith.constant 9 : i32
      %dma_wait3A_661 = arith.constant 0 : i32
      %dma_wait3A_662 = tpu.memref_slice %arg10[%dma_wait3A_660, %dma_wait3A_661] : memref<10x100xi32, #tpu.memory_space<vmem>> -> memref<1x100xi32, #tpu.memory_space<vmem>>
      %dma_wait3A_663 = tpu.memref_squeeze %dma_wait3A_662 : memref<1x100xi32, #tpu.memory_space<vmem>> -> memref<100xi32, #tpu.memory_space<vmem>>
      %dma_wait3A_664 = arith.constant 0 : i32
      %dma_wait3A_665 = arith.constant 0 : i32
      %dma_wait3A_666 = tpu.memref_slice %arg7[%dma_wait3A_664, %dma_wait3A_665] : memref<10000x128xf32, #tpu.memory_space<vmem_shared>> -> memref<10000x128xf32, #tpu.memory_space<vmem_shared>>
      tpu.wait_indirect_dma semaphore(%arg19 : memref<!tpu.dma_semaphore, #tpu.memory_space<semaphore_mem>>) src(%arg14 : memref<100x128xf32, #tpu.memory_space<vmem>>) dst(%dma_wait3A_666 : memref<10000x128xf32, #tpu.memory_space<vmem_shared>>)
      %scan3A_667 = arith.constant 0 : i32
      scf.yield %scan3A_667 : i32
    }
    %scan3A_43 = arith.constant 5 : i32
    %dma_wait3A_44 = arith.constant 0 : i32
    %dma_wait3A_45 = arith.constant 0 : i32
    %dma_wait3A_46 = tpu.memref_slice %arg11[%dma_wait3A_44, %dma_wait3A_45] : memref<10x100xi32, #tpu.memory_space<vmem>> -> memref<1x100xi32, #tpu.memory_space<vmem>>
    %dma_wait3A_47 = tpu.memref_squeeze %dma_wait3A_46 : memref<1x100xi32, #tpu.memory_space<vmem>> -> memref<100xi32, #tpu.memory_space<vmem>>
    %dma_wait3A_48 = arith.constant 0 : i32
    %dma_wait3A_49 = arith.constant 0 : i32
    %dma_wait3A_50 = tpu.memref_slice %arg8[%dma_wait3A_48, %dma_wait3A_49] : memref<400x128xf32, #tpu.memory_space<vmem_shared>> -> memref<400x128xf32, #tpu.memory_space<vmem_shared>>
    tpu.wait_indirect_dma semaphore(%arg16 : memref<!tpu.dma_semaphore, #tpu.memory_space<semaphore_mem>>) src(%dma_wait3A_50 : memref<400x128xf32, #tpu.memory_space<vmem_shared>>) dst(%arg13 : memref<100x128xf32, #tpu.memory_space<vmem>>)
    %barrier3A_51 = arith.constant 0 : index
    tpu.barrier barrier_id(%barrier3A_51)
    %mul3A_52 = arith.constant 625 : i32
    %mul3A_53 = arith.muli %arg1, %mul3A_52 : i32
    %mul3A_54 = arith.constant 625 : i32
    %mul3A_55 = arith.muli %arg1, %mul3A_54 : i32
    "tpu.region"() ({
      %run_scoped3A = tpu.sem_alloc : memref<!tpu.dma_semaphore, #tpu.memory_space<semaphore_mem>>
      %dma_start3A_56 = arith.constant 0 : i32
      %dma_start3A_57 = tpu.memref_slice %arg6[%arg0, %mul3A_55, %dma_start3A_56] : memref<2x10000x128xf32, #tpu.memory_space<hbm>> -> memref<1x625x128xf32, #tpu.memory_space<hbm>>
      %dma_start3A_58 = tpu.memref_squeeze %dma_start3A_57 : memref<1x625x128xf32, #tpu.memory_space<hbm>> -> memref<625x128xf32, #tpu.memory_space<hbm>>
      %dma_start3A_59 = arith.constant 0 : i32
      %dma_start3A_60 = tpu.memref_slice %arg7[%mul3A_53, %dma_start3A_59] : memref<10000x128xf32, #tpu.memory_space<vmem_shared>> -> memref<625x128xf32, #tpu.memory_space<vmem_shared>>
      tpu.enqueue_dma source(%dma_start3A_60 : memref<625x128xf32, #tpu.memory_space<vmem_shared>>) target(%dma_start3A_58 : memref<625x128xf32, #tpu.memory_space<hbm>>) target_semaphore(%run_scoped3A : memref<!tpu.dma_semaphore, #tpu.memory_space<semaphore_mem>>)
      %dma_wait3A_61 = arith.constant 0 : i32
      %dma_wait3A_62 = tpu.memref_slice %arg6[%arg0, %mul3A_55, %dma_wait3A_61] : memref<2x10000x128xf32, #tpu.memory_space<hbm>> -> memref<1x625x128xf32, #tpu.memory_space<hbm>>
      %dma_wait3A_63 = tpu.memref_squeeze %dma_wait3A_62 : memref<1x625x128xf32, #tpu.memory_space<hbm>> -> memref<625x128xf32, #tpu.memory_space<hbm>>
      %dma_wait3A_64 = arith.constant 0 : i32
      %dma_wait3A_65 = tpu.memref_slice %arg7[%mul3A_53, %dma_wait3A_64] : memref<10000x128xf32, #tpu.memory_space<vmem_shared>> -> memref<625x128xf32, #tpu.memory_space<vmem_shared>>
      tpu.wait_dma2 semaphore(%run_scoped3A : memref<!tpu.dma_semaphore, #tpu.memory_space<semaphore_mem>>) src(%dma_wait3A_65 : memref<625x128xf32, #tpu.memory_space<vmem_shared>>) dst(%dma_wait3A_63 : memref<625x128xf32, #tpu.memory_space<hbm>>)
      tpu.yield
    }) : () -> ()
    return
  }
}

module attributes {stable_mosaic.version = 14 : i64} {
  func.func @_norm_body(%arg0: i32, %arg1: memref<2000x128xf32, #tpu.memory_space<vmem>>, %arg2: memref<128x128xf32, #tpu.memory_space<vmem>>, %arg3: memref<2000x144xf32, #tpu.memory_space<vmem>>, %arg4: memref<2000x128xf32, #tpu.memory_space<vmem>>) attributes {dimension_semantics = [#tpu.dimension_semantics<arbitrary>], iteration_bounds = array<i64: 5>, scalar_prefetch = 0 : i64, scratch_operands = 0 : i64, tpu.core_type = #tpu.core_type<tc>, window_params = [{transform_indices = @transform_0, window_bounds = array<i64: 2000, 128>}, {pipeline_mode = #tpu.pipeline_mode<synchronous>, transform_indices = @transform_1, window_bounds = array<i64: 128, 128>}, {transform_indices = @transform_2, window_bounds = array<i64: 2000, 144>}, {transform_indices = @transform_3, window_bounds = array<i64: 2000, 128>}]} {
    %get3A = arith.constant 0 : index
    %get3A_0 = arith.constant 0 : index
    %get3A_1 = vector.load %arg1[%get3A, %get3A_0] : memref<2000x128xf32, #tpu.memory_space<vmem>>, vector<2000x128xf32>
    %mul3A = arith.mulf %get3A_1, %get3A_1 : vector<2000x128xf32>
    %reduce_sum3A = arith.constant dense<0.000000e+00> : vector<2000xf32>
    %reduce_sum3A_2 = vector.multi_reduction <add>, %mul3A, %reduce_sum3A [1] : vector<2000x128xf32> to vector<2000xf32>
    %broadcast_in_dim3A = vector.shape_cast %reduce_sum3A_2 : vector<2000xf32> to vector<2000x1xf32>
    %sqrt3A = math.sqrt %broadcast_in_dim3A : vector<2000x1xf32>
    %max3A = arith.constant 9.99999996E-13 : f32
    %max3A_3 = vector.broadcast %max3A : f32 to vector<2000x1xf32>
    %max3A_4 = arith.maximumf %sqrt3A, %max3A_3 : vector<2000x1xf32>
    %div3A = vector.broadcast %max3A_4 : vector<2000x1xf32> to vector<2000x128xf32>
    %div3A_5 = arith.divf %get3A_1, %div3A : vector<2000x128xf32>
    %broadcast_in_dim3A_6 = arith.constant 1.000000e+00 : f32
    %broadcast_in_dim3A_7 = vector.broadcast %broadcast_in_dim3A_6 : f32 to vector<2000x16xf32>
    %concatenate3A = tpu.concatenate %div3A_5, %broadcast_in_dim3A_7 in 1 : vector<2000x128xf32>, vector<2000x16xf32> -> vector<2000x144xf32>
    %swap3A = arith.constant 0 : index
    %swap3A_8 = arith.constant 0 : index
    %swap3A_9 = vector.load %arg3[%swap3A, %swap3A_8] : memref<2000x144xf32, #tpu.memory_space<vmem>>, vector<2000x144xf32>
    tpu.vector_store %arg3[%swap3A, %swap3A_8], %concatenate3A {strides = array<i32>} : memref<2000x144xf32, #tpu.memory_space<vmem>>, vector<2000x144xf32>,
    %get3A_10 = arith.constant 0 : index
    %get3A_11 = arith.constant 0 : index
    %get3A_12 = vector.load %arg2[%get3A_10, %get3A_11] : memref<128x128xf32, #tpu.memory_space<vmem>>, vector<128x128xf32>
    %dot_general3A = arith.constant dense<0.000000e+00> : vector<2000x128xf32>
    %dot_general3A_13 = tpu.matmul %div3A_5, %get3A_12, %dot_general3A {dimension_numbers = #tpu.dot_dimension_numbers<[1], [0], [0], [1], [0, 0, 1, 1], [], []>, transpose_lhs_hint = false} : vector<2000x128xf32>, vector<128x128xf32>, vector<2000x128xf32> -> vector<2000x128xf32>
    %swap3A_14 = arith.constant 0 : index
    %swap3A_15 = arith.constant 0 : index
    %swap3A_16 = vector.load %arg4[%swap3A_14, %swap3A_15] : memref<2000x128xf32, #tpu.memory_space<vmem>>, vector<2000x128xf32>
    tpu.vector_store %arg4[%swap3A_14, %swap3A_15], %dot_general3A_13 {strides = array<i32>} : memref<2000x128xf32, #tpu.memory_space<vmem>>, vector<2000x128xf32>,
    return
  }
  func.func @transform_0(%arg0: i32) -> (i32, i32) {
    %c0_i32 = arith.constant 0 : i32
    %c0_i32_0 = arith.constant 0 : i32
    return %arg0, %c0_i32 : i32, i32
  }
  func.func @transform_1(%arg0: i32) -> (i32, i32) {
    %c0_i32 = arith.constant 0 : i32
    %c0_i32_0 = arith.constant 0 : i32
    %c0_i32_1 = arith.constant 0 : i32
    return %c0_i32, %c0_i32_0 : i32, i32
  }
  func.func @transform_2(%arg0: i32) -> (i32, i32) {
    %c0_i32 = arith.constant 0 : i32
    %c0_i32_0 = arith.constant 0 : i32
    return %arg0, %c0_i32 : i32, i32
  }
  func.func @transform_3(%arg0: i32) -> (i32, i32) {
    %c0_i32 = arith.constant 0 : i32
    %c0_i32_0 = arith.constant 0 : i32
    return %arg0, %c0_i32 : i32, i32
  }
}

module attributes {stable_mosaic.version = 14 : i64} {
  func.func @_gru_body(%arg0: memref<400x128xf32, #tpu.memory_space<vmem>>, %arg1: memref<2x400x144xf32, #tpu.memory_space<vmem>>, %arg2: memref<384x256xf32, #tpu.memory_space<vmem>>, %arg3: memref<384x128xf32, #tpu.memory_space<vmem>>, %arg4: memref<1x384xf32, #tpu.memory_space<vmem>>, %arg5: memref<1x384xf32, #tpu.memory_space<vmem>>, %arg6: memref<400x128xf32, #tpu.memory_space<vmem>>) attributes {dimension_semantics = [], scalar_prefetch = 0 : i64, scratch_operands = 0 : i64, tpu.core_type = #tpu.core_type<tc>} {
    %get3A = arith.constant 0 : index
    %get3A_0 = arith.constant 0 : index
    %get3A_1 = vector.load %arg0[%get3A, %get3A_0] : memref<400x128xf32, #tpu.memory_space<vmem>>, vector<400x128xf32>
    %get3A_2 = arith.constant 0 : index
    %get3A_3 = arith.constant 0 : index
    %get3A_4 = arith.constant 0 : index
    %get3A_5 = vector.load %arg1[%get3A_2, %get3A_3, %get3A_4] : memref<2x400x144xf32, #tpu.memory_space<vmem>>, vector<1x400x144xf32>
    %get3A_6 = vector.shape_cast %get3A_5 : vector<1x400x144xf32> to vector<400x144xf32>
    %get3A_7 = arith.constant 1 : index
    %get3A_8 = arith.constant 0 : index
    %get3A_9 = arith.constant 0 : index
    %get3A_10 = vector.load %arg1[%get3A_7, %get3A_8, %get3A_9] : memref<2x400x144xf32, #tpu.memory_space<vmem>>, vector<1x400x144xf32>
    %get3A_11 = vector.shape_cast %get3A_10 : vector<1x400x144xf32> to vector<400x144xf32>
    %slice3A = vector.extract_strided_slice %get3A_6 {offsets = [0, 0], sizes = [400, 128], strides = [1, 1]} : vector<400x144xf32> to vector<400x128xf32>
    %slice3A_12 = vector.extract_strided_slice %get3A_11 {offsets = [0, 0], sizes = [400, 128], strides = [1, 1]} : vector<400x144xf32> to vector<400x128xf32>
    %add3A = arith.addf %slice3A, %slice3A_12 : vector<400x128xf32>
    %slice3A_13 = vector.extract_strided_slice %get3A_6 {offsets = [0, 128], sizes = [400, 1], strides = [1, 1]} : vector<400x144xf32> to vector<400x1xf32>
    %slice3A_14 = vector.extract_strided_slice %get3A_11 {offsets = [0, 128], sizes = [400, 1], strides = [1, 1]} : vector<400x144xf32> to vector<400x1xf32>
    %add3A_15 = arith.addf %slice3A_13, %slice3A_14 : vector<400x1xf32>
    %max3A = arith.constant 1.000000e+00 : f32
    %max3A_16 = vector.broadcast %max3A : f32 to vector<400x1xf32>
    %max3A_17 = arith.maximumf %add3A_15, %max3A_16 : vector<400x1xf32>
    %div3A = vector.broadcast %max3A_17 : vector<400x1xf32> to vector<400x128xf32>
    %div3A_18 = arith.divf %add3A, %div3A : vector<400x128xf32>
    %get3A_19 = arith.constant 0 : index
    %get3A_20 = arith.constant 0 : index
    %get3A_21 = vector.load %arg2[%get3A_19, %get3A_20] : memref<384x256xf32, #tpu.memory_space<vmem>>, vector<384x256xf32>
    %get3A_22 = arith.constant 0 : index
    %get3A_23 = arith.constant 0 : index
    %get3A_24 = vector.load %arg3[%get3A_22, %get3A_23] : memref<384x128xf32, #tpu.memory_space<vmem>>, vector<384x128xf32>
    %slice3A_25 = vector.extract_strided_slice %get3A_21 {offsets = [0, 0], sizes = [384, 128], strides = [1, 1]} : vector<384x256xf32> to vector<384x128xf32>
    %dot_general3A = arith.constant dense<0.000000e+00> : vector<400x384xf32>
    %dot_general3A_26 = tpu.matmul %get3A_1, %slice3A_25, %dot_general3A {dimension_numbers = #tpu.dot_dimension_numbers<[1], [1], [0], [0], [0, 0, 1, 0], [], []>, transpose_lhs_hint = false} : vector<400x128xf32>, vector<384x128xf32>, vector<400x384xf32> -> vector<400x384xf32>
    %slice3A_27 = vector.extract_strided_slice %get3A_21 {offsets = [0, 128], sizes = [384, 128], strides = [1, 1]} : vector<384x256xf32> to vector<384x128xf32>
    %dot_general3A_28 = arith.constant dense<0.000000e+00> : vector<400x384xf32>
    %dot_general3A_29 = tpu.matmul %div3A_18, %slice3A_27, %dot_general3A_28 {dimension_numbers = #tpu.dot_dimension_numbers<[1], [1], [0], [0], [0, 0, 1, 0], [], []>, transpose_lhs_hint = false} : vector<400x128xf32>, vector<384x128xf32>, vector<400x384xf32> -> vector<400x384xf32>
    %add3A_30 = arith.addf %dot_general3A_26, %dot_general3A_29 : vector<400x384xf32>
    %get3A_31 = arith.constant 0 : index
    %get3A_32 = arith.constant 0 : index
    %get3A_33 = vector.load %arg4[%get3A_31, %get3A_32] : memref<1x384xf32, #tpu.memory_space<vmem>>, vector<1x384xf32>
    %add3A_34 = vector.broadcast %get3A_33 : vector<1x384xf32> to vector<400x384xf32>
    %add3A_35 = arith.addf %add3A_30, %add3A_34 : vector<400x384xf32>
    %dot_general3A_36 = arith.constant dense<0.000000e+00> : vector<400x384xf32>
    %dot_general3A_37 = tpu.matmul %get3A_1, %get3A_24, %dot_general3A_36 {dimension_numbers = #tpu.dot_dimension_numbers<[1], [1], [0], [0], [0, 0, 1, 0], [], []>, transpose_lhs_hint = false} : vector<400x128xf32>, vector<384x128xf32>, vector<400x384xf32> -> vector<400x384xf32>
    %get3A_38 = arith.constant 0 : index
    %get3A_39 = arith.constant 0 : index
    %get3A_40 = vector.load %arg5[%get3A_38, %get3A_39] : memref<1x384xf32, #tpu.memory_space<vmem>>, vector<1x384xf32>
    %add3A_41 = vector.broadcast %get3A_40 : vector<1x384xf32> to vector<400x384xf32>
    %add3A_42 = arith.addf %dot_general3A_37, %add3A_41 : vector<400x384xf32>
    %slice3A_43 = vector.extract_strided_slice %add3A_35 {offsets = [0, 0], sizes = [400, 128], strides = [1, 1]} : vector<400x384xf32> to vector<400x128xf32>
    %slice3A_44 = vector.extract_strided_slice %add3A_42 {offsets = [0, 0], sizes = [400, 128], strides = [1, 1]} : vector<400x384xf32> to vector<400x128xf32>
    %add3A_45 = arith.addf %slice3A_43, %slice3A_44 : vector<400x128xf32>
    %logistic3A = arith.negf %add3A_45 : vector<400x128xf32>
    %logistic3A_46 = math.exp %logistic3A : vector<400x128xf32>
    %logistic3A_47 = arith.constant 1.000000e+00 : f32
    %logistic3A_48 = vector.broadcast %logistic3A_47 : f32 to vector<400x128xf32>
    %logistic3A_49 = arith.addf %logistic3A_48, %logistic3A_46 : vector<400x128xf32>
    %logistic3A_50 = arith.divf %logistic3A_48, %logistic3A_49 : vector<400x128xf32>
    %slice3A_51 = vector.extract_strided_slice %add3A_35 {offsets = [0, 128], sizes = [400, 128], strides = [1, 1]} : vector<400x384xf32> to vector<400x128xf32>
    %slice3A_52 = vector.extract_strided_slice %add3A_42 {offsets = [0, 128], sizes = [400, 128], strides = [1, 1]} : vector<400x384xf32> to vector<400x128xf32>
    %add3A_53 = arith.addf %slice3A_51, %slice3A_52 : vector<400x128xf32>
    %logistic3A_54 = arith.negf %add3A_53 : vector<400x128xf32>
    %logistic3A_55 = math.exp %logistic3A_54 : vector<400x128xf32>
    %logistic3A_56 = arith.constant 1.000000e+00 : f32
    %logistic3A_57 = vector.broadcast %logistic3A_56 : f32 to vector<400x128xf32>
    %logistic3A_58 = arith.addf %logistic3A_57, %logistic3A_55 : vector<400x128xf32>
    %logistic3A_59 = arith.divf %logistic3A_57, %logistic3A_58 : vector<400x128xf32>
    %slice3A_60 = vector.extract_strided_slice %add3A_35 {offsets = [0, 256], sizes = [400, 128], strides = [1, 1]} : vector<400x384xf32> to vector<400x128xf32>
    %slice3A_61 = vector.extract_strided_slice %add3A_42 {offsets = [0, 256], sizes = [400, 128], strides = [1, 1]} : vector<400x384xf32> to vector<400x128xf32>
    %mul3A = arith.mulf %logistic3A_50, %slice3A_61 : vector<400x128xf32>
    %add3A_62 = arith.addf %slice3A_60, %mul3A : vector<400x128xf32>
    %tanh3A = math.tanh %add3A_62 : vector<400x128xf32>
    %sub3A = arith.constant 1.000000e+00 : f32
    %sub3A_63 = vector.broadcast %sub3A : f32 to vector<400x128xf32>
    %sub3A_64 = arith.subf %sub3A_63, %logistic3A_59 : vector<400x128xf32>
    %mul3A_65 = arith.mulf %sub3A_64, %tanh3A : vector<400x128xf32>
    %mul3A_66 = arith.mulf %logistic3A_59, %get3A_1 : vector<400x128xf32>
    %add3A_67 = arith.addf %mul3A_65, %mul3A_66 : vector<400x128xf32>
    %swap3A = arith.constant 0 : index
    %swap3A_68 = arith.constant 0 : index
    %swap3A_69 = vector.load %arg6[%swap3A, %swap3A_68] : memref<400x128xf32, #tpu.memory_space<vmem>>, vector<400x128xf32>
    tpu.vector_store %arg6[%swap3A, %swap3A_68], %add3A_67 {strides = array<i32>} : memref<400x128xf32, #tpu.memory_space<vmem>>, vector<400x128xf32>,
    return
  }
}

module attributes {stable_mosaic.version = 14 : i64} {
  func.func @_final_body(%arg0: i32, %arg1: memref<2x2000x144xf32, #tpu.memory_space<vmem>>, %arg2: memref<2x2000x128xf32, #tpu.memory_space<vmem>>, %arg3: memref<2000x144xf32, #tpu.memory_space<vmem>>, %arg4: memref<2000x128xf32, #tpu.memory_space<vmem>>, %arg5: memref<128x128xf32, #tpu.memory_space<vmem>>, %arg6: memref<128x128xf32, #tpu.memory_space<vmem>>, %arg7: memref<1x128xf32, #tpu.memory_space<vmem>>, %arg8: memref<2000x128xf32, #tpu.memory_space<vmem>>) attributes {dimension_semantics = [#tpu.dimension_semantics<arbitrary>], iteration_bounds = array<i64: 5>, scalar_prefetch = 0 : i64, scratch_operands = 0 : i64, tpu.core_type = #tpu.core_type<tc>, window_params = [{transform_indices = @transform_0, window_bounds = array<i64: 2, 2000, 144>}, {transform_indices = @transform_1, window_bounds = array<i64: 2, 2000, 128>}, {transform_indices = @transform_2, window_bounds = array<i64: 2000, 144>}, {transform_indices = @transform_3, window_bounds = array<i64: 2000, 128>}, {pipeline_mode = #tpu.pipeline_mode<synchronous>, transform_indices = @transform_4, window_bounds = array<i64: 128, 128>}, {pipeline_mode = #tpu.pipeline_mode<synchronous>, transform_indices = @transform_5, window_bounds = array<i64: 128, 128>}, {pipeline_mode = #tpu.pipeline_mode<synchronous>, transform_indices = @transform_6, window_bounds = array<i64: 1, 128>}, {transform_indices = @transform_7, window_bounds = array<i64: 2000, 128>}]} {
    %get3A = arith.constant 0 : index
    %get3A_0 = arith.constant 0 : index
    %get3A_1 = arith.constant 0 : index
    %get3A_2 = vector.load %arg1[%get3A, %get3A_0, %get3A_1] : memref<2x2000x144xf32, #tpu.memory_space<vmem>>, vector<1x2000x144xf32>
    %get3A_3 = vector.shape_cast %get3A_2 : vector<1x2000x144xf32> to vector<2000x144xf32>
    %get3A_4 = arith.constant 1 : index
    %get3A_5 = arith.constant 0 : index
    %get3A_6 = arith.constant 0 : index
    %get3A_7 = vector.load %arg1[%get3A_4, %get3A_5, %get3A_6] : memref<2x2000x144xf32, #tpu.memory_space<vmem>>, vector<1x2000x144xf32>
    %get3A_8 = vector.shape_cast %get3A_7 : vector<1x2000x144xf32> to vector<2000x144xf32>
    %get3A_9 = arith.constant 0 : index
    %get3A_10 = arith.constant 0 : index
    %get3A_11 = vector.load %arg3[%get3A_9, %get3A_10] : memref<2000x144xf32, #tpu.memory_space<vmem>>, vector<2000x128xf32>
    %slice3A = vector.extract_strided_slice %get3A_3 {offsets = [0, 0], sizes = [2000, 128], strides = [1, 1]} : vector<2000x144xf32> to vector<2000x128xf32>
    %slice3A_12 = vector.extract_strided_slice %get3A_8 {offsets = [0, 0], sizes = [2000, 128], strides = [1, 1]} : vector<2000x144xf32> to vector<2000x128xf32>
    %add3A = arith.addf %slice3A, %slice3A_12 : vector<2000x128xf32>
    %get3A_13 = arith.constant 0 : index
    %get3A_14 = arith.constant 0 : index
    %get3A_15 = arith.constant 0 : index
    %get3A_16 = vector.load %arg2[%get3A_13, %get3A_14, %get3A_15] : memref<2x2000x128xf32, #tpu.memory_space<vmem>>, vector<1x2000x128xf32>
    %get3A_17 = vector.shape_cast %get3A_16 : vector<1x2000x128xf32> to vector<2000x128xf32>
    %get3A_18 = arith.constant 1 : index
    %get3A_19 = arith.constant 0 : index
    %get3A_20 = arith.constant 0 : index
    %get3A_21 = vector.load %arg2[%get3A_18, %get3A_19, %get3A_20] : memref<2x2000x128xf32, #tpu.memory_space<vmem>>, vector<1x2000x128xf32>
    %get3A_22 = vector.shape_cast %get3A_21 : vector<1x2000x128xf32> to vector<2000x128xf32>
    %add3A_23 = arith.addf %get3A_17, %get3A_22 : vector<2000x128xf32>
    %sub3A = arith.subf %add3A, %add3A_23 : vector<2000x128xf32>
    %slice3A_24 = vector.extract_strided_slice %get3A_3 {offsets = [0, 128], sizes = [2000, 1], strides = [1, 1]} : vector<2000x144xf32> to vector<2000x1xf32>
    %slice3A_25 = vector.extract_strided_slice %get3A_8 {offsets = [0, 128], sizes = [2000, 1], strides = [1, 1]} : vector<2000x144xf32> to vector<2000x1xf32>
    %add3A_26 = arith.addf %slice3A_24, %slice3A_25 : vector<2000x1xf32>
    %get3A_27 = arith.constant 0 : index
    %get3A_28 = arith.constant 0 : index
    %get3A_29 = vector.load %arg5[%get3A_27, %get3A_28] : memref<128x128xf32, #tpu.memory_space<vmem>>, vector<128x128xf32>
    %dot_general3A = arith.constant dense<0.000000e+00> : vector<2000x128xf32>
    %dot_general3A_30 = tpu.matmul %sub3A, %get3A_29, %dot_general3A {dimension_numbers = #tpu.dot_dimension_numbers<[1], [0], [0], [1], [0, 0, 1, 1], [], []>, transpose_lhs_hint = false} : vector<2000x128xf32>, vector<128x128xf32>, vector<2000x128xf32> -> vector<2000x128xf32>
    %max3A = arith.constant 1.000000e+00 : f32
    %max3A_31 = vector.broadcast %max3A : f32 to vector<2000x1xf32>
    %max3A_32 = arith.maximumf %add3A_26, %max3A_31 : vector<2000x1xf32>
    %div3A = vector.broadcast %max3A_32 : vector<2000x1xf32> to vector<2000x128xf32>
    %div3A_33 = arith.divf %dot_general3A_30, %div3A : vector<2000x128xf32>
    %get3A_34 = arith.constant 0 : index
    %get3A_35 = arith.constant 0 : index
    %get3A_36 = vector.load %arg4[%get3A_34, %get3A_35] : memref<2000x128xf32, #tpu.memory_space<vmem>>, vector<2000x128xf32>
    %add3A_37 = arith.addf %div3A_33, %get3A_36 : vector<2000x128xf32>
    %ge3A = arith.constant 0.000000e+00 : f32
    %ge3A_38 = vector.broadcast %ge3A : f32 to vector<2000x128xf32>
    %ge3A_39 = arith.cmpf oge, %add3A_37, %ge3A_38 : vector<2000x128xf32>
    %mul3A = arith.constant 0.229166672 : f32
    %mul3A_40 = vector.broadcast %mul3A : f32 to vector<2000x128xf32>
    %mul3A_41 = arith.mulf %mul3A_40, %add3A_37 : vector<2000x128xf32>
    %select_n3A = arith.select %ge3A_39, %add3A_37, %mul3A_41 : vector<2000x128xi1>, vector<2000x128xf32>
    %mul3A_42 = arith.mulf %select_n3A, %select_n3A : vector<2000x128xf32>
    %reduce_sum3A = arith.constant dense<0.000000e+00> : vector<2000xf32>
    %reduce_sum3A_43 = vector.multi_reduction <add>, %mul3A_42, %reduce_sum3A [1] : vector<2000x128xf32> to vector<2000xf32>
    %broadcast_in_dim3A = vector.shape_cast %reduce_sum3A_43 : vector<2000xf32> to vector<2000x1xf32>
    %sqrt3A = math.sqrt %broadcast_in_dim3A : vector<2000x1xf32>
    %max3A_44 = arith.constant 9.99999996E-13 : f32
    %max3A_45 = vector.broadcast %max3A_44 : f32 to vector<2000x1xf32>
    %max3A_46 = arith.maximumf %sqrt3A, %max3A_45 : vector<2000x1xf32>
    %div3A_47 = vector.broadcast %max3A_46 : vector<2000x1xf32> to vector<2000x128xf32>
    %div3A_48 = arith.divf %select_n3A, %div3A_47 : vector<2000x128xf32>
    %get3A_49 = arith.constant 0 : index
    %get3A_50 = arith.constant 0 : index
    %get3A_51 = vector.load %arg6[%get3A_49, %get3A_50] : memref<128x128xf32, #tpu.memory_space<vmem>>, vector<128x128xf32>
    %dot_general3A_52 = arith.constant dense<0.000000e+00> : vector<2000x128xf32>
    %dot_general3A_53 = tpu.matmul %div3A_48, %get3A_51, %dot_general3A_52 {dimension_numbers = #tpu.dot_dimension_numbers<[1], [0], [0], [1], [0, 0, 1, 1], [], []>, transpose_lhs_hint = false} : vector<2000x128xf32>, vector<128x128xf32>, vector<2000x128xf32> -> vector<2000x128xf32>
    %get3A_54 = arith.constant 0 : index
    %get3A_55 = arith.constant 0 : index
    %get3A_56 = vector.load %arg7[%get3A_54, %get3A_55] : memref<1x128xf32, #tpu.memory_space<vmem>>, vector<1x128xf32>
    %add3A_57 = vector.broadcast %get3A_56 : vector<1x128xf32> to vector<2000x128xf32>
    %add3A_58 = arith.addf %dot_general3A_53, %add3A_57 : vector<2000x128xf32>
    %logistic3A = arith.negf %add3A_58 : vector<2000x128xf32>
    %logistic3A_59 = math.exp %logistic3A : vector<2000x128xf32>
    %logistic3A_60 = arith.constant 1.000000e+00 : f32
    %logistic3A_61 = vector.broadcast %logistic3A_60 : f32 to vector<2000x128xf32>
    %logistic3A_62 = arith.addf %logistic3A_61, %logistic3A_59 : vector<2000x128xf32>
    %logistic3A_63 = arith.divf %logistic3A_61, %logistic3A_62 : vector<2000x128xf32>
    %mul3A_64 = arith.mulf %logistic3A_63, %div3A_48 : vector<2000x128xf32>
    %sub3A_65 = arith.constant 1.000000e+00 : f32
    %sub3A_66 = vector.broadcast %sub3A_65 : f32 to vector<2000x128xf32>
    %sub3A_67 = arith.subf %sub3A_66, %logistic3A_63 : vector<2000x128xf32>
    %mul3A_68 = arith.mulf %sub3A_67, %get3A_11 : vector<2000x128xf32>
    %add3A_69 = arith.addf %mul3A_64, %mul3A_68 : vector<2000x128xf32>
    %swap3A = arith.constant 0 : index
    %swap3A_70 = arith.constant 0 : index
    %swap3A_71 = vector.load %arg8[%swap3A, %swap3A_70] : memref<2000x128xf32, #tpu.memory_space<vmem>>, vector<2000x128xf32>
    tpu.vector_store %arg8[%swap3A, %swap3A_70], %add3A_69 {strides = array<i32>} : memref<2000x128xf32, #tpu.memory_space<vmem>>, vector<2000x128xf32>,
    return
  }
  func.func @transform_0(%arg0: i32) -> (i32, i32, i32) {
    %c0_i32 = arith.constant 0 : i32
    %c0_i32_0 = arith.constant 0 : i32
    %c0_i32_1 = arith.constant 0 : i32
    return %c0_i32, %arg0, %c0_i32_0 : i32, i32, i32
  }
  func.func @transform_1(%arg0: i32) -> (i32, i32, i32) {
    %c0_i32 = arith.constant 0 : i32
    %c0_i32_0 = arith.constant 0 : i32
    %c0_i32_1 = arith.constant 0 : i32
    return %c0_i32, %arg0, %c0_i32_0 : i32, i32, i32
  }
  func.func @transform_2(%arg0: i32) -> (i32, i32) {
    %c0_i32 = arith.constant 0 : i32
    %c0_i32_0 = arith.constant 0 : i32
    return %arg0, %c0_i32 : i32, i32
  }
  func.func @transform_3(%arg0: i32) -> (i32, i32) {
    %c0_i32 = arith.constant 0 : i32
    %c0_i32_0 = arith.constant 0 : i32
    return %arg0, %c0_i32 : i32, i32
  }
  func.func @transform_4(%arg0: i32) -> (i32, i32) {
    %c0_i32 = arith.constant 0 : i32
    %c0_i32_0 = arith.constant 0 : i32
    %c0_i32_1 = arith.constant 0 : i32
    return %c0_i32, %c0_i32_0 : i32, i32
  }
  func.func @transform_5(%arg0: i32) -> (i32, i32) {
    %c0_i32 = arith.constant 0 : i32
    %c0_i32_0 = arith.constant 0 : i32
    %c0_i32_1 = arith.constant 0 : i32
    return %c0_i32, %c0_i32_0 : i32, i32
  }
  func.func @transform_6(%arg0: i32) -> (i32, i32) {
    %c0_i32 = arith.constant 0 : i32
    %c0_i32_0 = arith.constant 0 : i32
    %c0_i32_1 = arith.constant 0 : i32
    return %c0_i32, %c0_i32_0 : i32, i32
  }
  func.func @transform_7(%arg0: i32) -> (i32, i32) {
    %c0_i32 = arith.constant 0 : i32
    %c0_i32_0 = arith.constant 0 : i32
    return %arg0, %c0_i32 : i32, i32
  }
}

</mosaic_0001>

<sc_bundles>
// kernel: kernel.10.cloned.1.call-start
scs
__scs_entry_jumppad:
0x0: {  	(pc) =	sbr.rel $0x88, $3  }
0x1: {  	(tag) =	ssettag $0x0;
	lr =	simm.s32 $0x1  }
0x2: {  	[smem:$0x3F95] =	sst lr;
	_ =	strace $0xD0000000  }
0x3: {  	_ = 	snop  }
0x4: {  	_ = 	snop  }
0x5: {  	_ = 	snop  }
0x6: {  	_ = 	snop  }
0x7: {  	_ = 	snop  }
__scs_overlays_trampoline_lowered:
0x8: {  	[smem:$0x3FA4] =	sst s0  }
0x9: {  	[smem:$0x3FA5] =	sst s1  }
0xa: {  	[smem:$0x3FA6] =	sst s2  }
0xb: {  	[smem:$0x3FA7] =	sst s3  }
0xc: {  	[smem:$0x3FA8] =	sst s4  }
0xd: {  	[smem:$0x3FA9] =	sst s5  }
0xe: {  	[smem:$0x3FAA] =	sst s6  }
0xf: {  	[smem:$0x3FAB] =	sst s7  }
0x10: {  	[smem:$0x3FAC] =	sst s8  }
0x11: {  	[smem:$0x3FAD] =	sst s9;
	s0 =	simm.s32 @!p0 $0x0  }
0x12: {  	s1 =	sld [smem:$0x3F93];
	s0 =	simm.s32 @p0 $0x1  }
0x13: {  	[smem:$0x3FAE] =	sst s0;
	s0 =	simm.s32 @!p1 $0x0  }
0x14: {  	s2 =	sld [smem:$0x3F92];
	s0 =	simm.s32 @p1 $0x1  }
0x15: {  	[smem:$0x3FAF] =	sst s0;
	s0 =	simm.s32 @!p2 $0x0  }
0x16: {  	s3 =	sld [smem:$0x3FDB];
	s0 =	simm.s32 @p2 $0x1  }
0x17: {  	s4 =	simm.s32 $0x1BF5;
	[smem:$0x3FB1] =	sst s0  }
0x18: {  	s0 =	sld [smem:$0x3F94];
	_ =	swait.ge [sflag:s4], $0x0  }
0x19: {  	s7 =	sld [smem:$0x3F95]  }
0x1a: {  	s8 =	sadd.s32 $0xFFFFE003, lr  }
0x1b: {  	s9 =	sadd.s32 $0xFFFFFEF7, lr;
	s5 =	simm.s32 $0xFFFFFFFF;
	p2 =	slt.u32 s8, $0xFFFFF086  }
0x1c: {  	p1 =	slt.u32 s9, $0xF7A;
	s5 =	simm.s32 @!p2 $0x0  }
0x1d: {  	s5 =	simm.s32 @p1 $0x1;
	p0 =	seq.s32 s7, s2  }
0x1e: {  	s7 =	smul.u32 @!p0 $0xF7A, s2;
	p2 =	seq.s32 @!p0 s5, $0x0  }
0x1f: {  	s9 =	smul.u32 $0xF7A, s1;
	s8 =	simm.s32 @!p0 $0x1BF5;
	p2 =	por !p2, p0  }
0x20: {  	[sflag:s8] =	ssyncset.s32 @!p0 $0xFFFFF086;
	s6 =	sadd.s32 @!p0 s3, s7;
	s7 =	simm.s32 @!p0 $0x108  }
0x21: {  	s3 =	sadd.s32 s3, s9;
	s6 =	sadd.s32 @!p0 $0x88, s6;
	s7 =	simm.s32 @p2 $0x1082  }
0x22: {  	[simem:s7], [sflag:s8] =	dma.local @!p0 [hbm:s6], $0xF7A  }
0x23: {  	s9 =	sor.u32 $0xD0000000, s2;
	s6 =	simm.s32 $0x108;
	_ =	swait.ge @!p0 [sflag:s8], $0x0  }
0x24: {  	s3 =	sadd.s32 $0x88, s3;
	s6 =	simm.s32 @!p1 $0x1082;
	[sflag:s4] =	ssyncset.s32 $0xFFFFF086  }
0x25: {  	[simem:s6], [sflag:s4] =	dma.local [hbm:s3], $0xF7A  }
0x26: {  	[smem:$0x3F95] =	sst s1;
	(tag) =	ssettag s2;
	_ =	strace s9  }
0x27: {  	s1 =	sld [smem:$0x3FA5]  }
0x28: {  	s2 =	sld [smem:$0x3FA6]  }
0x29: {  	s4 =	sld [smem:$0x3FA8]  }
0x2a: {  	p0 =	seq.s32 s5, $0x0;
	s5 =	sld [smem:$0x3FA9]  }
0x2b: {  	s6 =	sld [smem:$0x3FAA]  }
0x2c: {  	s7 =	sld [smem:$0x3FAB]  }
0x2d: {  	s3 =	simm.s32 $0x108;
	s8 =	sld [smem:$0x3FAC]  }
0x2e: {  	s3 =	simm.s32 @!p0 $0x1082;
	s9 =	sld [smem:$0x3FAD]  }
0x2f: {  	lr =	sadd.s32 s0, s3;
	s0 =	sld [smem:$0x3FA4]  }
0x30: {  	s3 =	sld [smem:$0x3FA7]  }
0x31: {  	[smem:$0x3FB0] =	sst s10  }
0x32: {  	s10 =	sld [smem:$0x3FAE];
	_ =	sdelay $0x3  }
0x33: {  	p0 =	seq.s32 s10, $0x1;
	s10 =	sld [smem:$0x3FB0];
	_ =	sdelay $0x3  }
0x34: {  	[smem:$0x3FB0] =	sst s10  }
0x35: {  	s10 =	sld [smem:$0x3FAF];
	_ =	sdelay $0x3  }
0x36: {  	p1 =	seq.s32 s10, $0x1;
	s10 =	sld [smem:$0x3FB0];
	_ =	sdelay $0x3  }
0x37: {  	[smem:$0x3FB0] =	sst s10  }
0x38: {  	s10 =	sld [smem:$0x3FB1]  }
0x39: {  	_ = 	snop;
	(pc) =	sbr.ind lr, $3  }
0x3a: {  	_ = 	snop  }
0x3b: {  	_ = 	snop  }
0x3c: {  	p2 =	seq.s32 s10, $0x1;
	s10 =	sld [smem:$0x3FB0]  }
0x3d: {  	_ =	shalt  }
0x3e: {  	_ =	shalt  }
0x3f: {  	_ =	shalt  }
0x40: {  	_ =	shalt  }
0x41: {  	_ =	shalt  }
0x42: {  	_ =	shalt  }
0x43: {  	_ =	shalt  }
0x44: {  	_ =	shalt  }
0x45: {  	_ =	shalt  }
0x46: {  	_ =	shalt  }
0x47: {  	_ =	shalt  }
0x48: {  	_ =	shalt  }
0x49: {  	_ =	shalt  }
0x4a: {  	_ =	shalt  }
0x4b: {  	_ =	shalt  }
0x4c: {  	_ =	shalt  }
0x4d: {  	_ =	shalt  }
0x4e: {  	_ =	shalt  }
0x4f: {  	_ =	shalt  }
0x50: {  	_ =	shalt  }
0x51: {  	_ =	shalt  }
0x52: {  	_ =	shalt  }
0x53: {  	_ =	shalt  }
0x54: {  	_ =	shalt  }
0x55: {  	_ =	shalt  }
0x56: {  	_ =	shalt  }
0x57: {  	_ =	shalt  }
0x58: {  	_ =	shalt  }
0x59: {  	_ =	shalt  }
0x5a: {  	_ =	shalt  }
0x5b: {  	_ =	shalt  }
0x5c: {  	_ =	shalt  }
0x5d: {  	_ =	shalt  }
0x5e: {  	_ =	shalt  }
0x5f: {  	_ =	shalt  }
0x60: {  	_ =	shalt  }
0x61: {  	_ =	shalt  }
0x62: {  	_ =	shalt  }
0x63: {  	_ =	shalt  }
0x64: {  	_ =	shalt  }
0x65: {  	_ =	shalt  }
0x66: {  	_ =	shalt  }
0x67: {  	_ =	shalt  }
0x68: {  	_ =	shalt  }
0x69: {  	_ =	shalt  }
0x6a: {  	_ =	shalt  }
0x6b: {  	_ =	shalt  }
0x6c: {  	_ =	shalt  }
0x6d: {  	_ =	shalt  }
0x6e: {  	_ =	shalt  }
0x6f: {  	_ =	shalt  }
0x70: {  	_ =	shalt  }
0x71: {  	_ =	shalt  }
0x72: {  	_ =	shalt  }
0x73: {  	_ =	shalt  }
0x74: {  	_ =	shalt  }
0x75: {  	_ =	shalt  }
0x76: {  	_ =	shalt  }
0x77: {  	_ =	shalt  }
0x78: {  	_ =	shalt  }
0x79: {  	_ =	shalt  }
0x7a: {  	_ =	shalt  }
0x7b: {  	_ =	shalt  }
0x7c: {  	_ =	shalt  }
0x7d: {  	_ =	shalt  }
0x7e: {  	_ =	shalt  }
0x7f: {  	_ =	shalt  }
0x80: {  	_ =	shalt  }
0x81: {  	_ =	shalt  }
0x82: {  	_ =	shalt  }
0x83: {  	_ =	shalt  }
0x84: {  	_ =	shalt  }
0x85: {  	_ =	shalt  }
0x86: {  	_ =	shalt  }
0x87: {  	_ =	shalt  }
.Lfunc_end0:
.L_simem_size_0:
called_computation.1_lowered:
.L_overlay_start_0:
0x88: {  	s2 =	sld [smem:$0x3FD9]  }
0x89: {  	s3 =	sld [smem:$0x3FFE];
	_ =	sdelay $0x1  }
0x8a: {  	s1 =	srdreg.scid  }
0x8b: {  	s0 =	sand.u32 $0x1, s1  }
0x8c: {  	s17 =	sshll.u32 s0, $0xA;
	s2 =	sadd.s32 s3, s2  }
0x8d: {  	s2 =	sadd.s32 s2, s17  }
0x8e: {  	[smem:$0x3FBC] =	sst s2  }
0x8f: {  	_ = 	snop  }
0x90: {  	s2 =	sld [smem:$0x3FD0];
	(tm) =	ssettm $0x1  }
0x91: {  	s18 =	sld [smem:$0x3FFB];
	_ =	sdelay $0x3  }
0x92: {  	_ =	strace s18  }
0x93: {  	s3 =	sld [smem:$0x3FFC];
	_ =	sdelay $0x3  }
0x94: {  	_ =	strace s3  }
0x95: {  	s3 =	sld [smem:$0x3FFD];
	_ =	sdelay $0x3  }
0x96: {  	_ =	strace s3  }
0x97: {  	_ =	strace $0x8FFFFFFF  }
0x98: {  	s19 =	sld [smem:$0x3FDB];
	_ =	sdelay $0x1  }
0x99: {  	s4 =	simm.s32 $_scs_section_size  }
0x9a: {  	s5 =	simm.s32 $_size__tile_overlayer_lowered;
	s6 =	simm.s32 $_tile_overlayer_lowered  }
0x9b: {  	s22 =	simm.s32 $0x1BFF;
	s21 =	sshll.u32 s6, $0x1;
	s3 =	sadd.s32 s4, s19  }
0x9c: {  	s7 =	simm.s32 $0x0;
	s20 =	sshll.u32 s5, $0x1;
	s5 =	sadd.s32 s21, s3  }
0x9d: {  	[timem:s7], [sflag:s22] =	dma.local [hbm:s5], s20  }
0x9e: {  	_ =	swait.ge [sflag:s22], s20  }
0x9f: {  	s4 =	ssub.s32 $0x0, s20;
	[sflag:s22] =	ssyncset.done $0x0  }
0xa0: {  	[sflag:s22] =	ssyncadd.s32 s4;
	_ =	sdelay $0x1  }
0xa1: {  	s23 =	simm.s32 $0x1B8B  }
0xa2: {  	_ =	swait.ge [sflag:s23], $0x1  }
0xa3: {  	[sflag:s23] =	ssyncset.done $0x0  }
0xa4: {  	s25 =	simm.s32 $0x1B8E;
	s24 =	sld [smem:$0x3FFE];
	[sflag:s23] =	ssyncadd.s32 $0xFFFFFFFF  }
0xa5: {  	s26 =	simm.s32 $execute0_lowered;
	[smem:$0x3FD2] =	sst s25  }
0xa6: {  	s5 =	sshll.u32 s26, $0x1;
	_ =	strace $0x80000049;
	[dreg:$0x1] =	wrdreg $0xFFFFFFFF  }
0xa7: {  	s28 =	simm.s32 $_size_execute0_lowered;
	s3 =	sadd.s32 s3, s5;
	[dreg:$0x0] =	wrdreg $0x0  }
0xa8: {  	s5 =	sshll.u32 s28, $0x1;
	[dreg:$0x2] =	wrdreg s3  }
0xa9: {  	[dreg:$0x3] =	wrdreg s5  }
0xaa: {  	[dreg:$0x4] =	wrdreg $0xC0  }
0xab: {  	_ =	task [dreg:s7], $0x5FFFF  }
0xac: {  	[dreg:$0x1] =	wrdreg $0xFFFFFFFF  }
0xad: {  	[dreg:$0x0] =	wrdreg $0x60  }
0xae: {  	[dreg:$0x2] =	wrdreg s24  }
0xaf: {  	[dreg:$0x3] =	wrdreg s2  }
0xb0: {  	[dreg:$0x4] =	wrdreg $0x138800  }
0xb1: {  	[dreg:$0x5] =	wrdreg $0x0  }
0xb2: {  	[dreg:$0x6] =	wrdreg $0x9  }
0xb3: {  	_ =	task.clear_ibuf [dreg:s7], $0x7FFFF;
	_ =	strace $0x90000049  }
0xb4: {  	s29 =	simm.s32 $0x9;
	_ =	strace $0x8000004B  }
0xb5: {  	_ =	swait.ge [sflag:s29], $0x1  }
0xb6: {  	[sflag:s29] =	ssyncadd.s32 $0xFFFFFFFF  }
0xb7: {  	_ =	strace $0x9000004B  }
0xb8: {  	_ =	sfence  }
0xb9: {  	s30 =	sld [smem:$0x0];
	_ =	sdelay $0x2  }
0xba: {  	s31 =	sshll.u32 s1, $0xD;
	s1 =	sshrl.u32 s1, $0x2  }
0xbb: {  	s3 =	sand.u32 $0x4000, s31;
	s1 =	sadd.s32 s1, s30  }
0xbc: {  	s0 =	sor.u32 s3, s0;
	s1 =	sshll.u32 s1, $0x11  }
0xbd: {  	s0 =	sor.u32 s1, s0  }
0xbe: {  	s0 =	sadd.s32 $0x8F2B, s0  }
0xbf: {  	[sflag:s0] =	ssyncadd.remote.s32 $0x1  }
0xc0: {  	_ =	sfence.sel $0xFFFF  }
0xc1: {  	[dreg:$0x0] =	wrdreg $0xFFFFFFFF;
	(pc) =	sbr.abs _section_cstart, $3  }
0xc2: {  	[dreg:$0x1] =	wrdreg $0xFFFFFFFF  }
0xc3: {  	_ =	task.clear_ibuf [dreg:s7], $0x2FFFF;
	_ =	strace $0x9FFFFFFF  }
0xc4: {  	(tm) =	ssettm $0x7FFFFFFF  }
0xc5: {  	_ =	shalt  }
tec
execute0_lowered:
.L_overlay_start_1:
0x0: {  	(tag) =	ssettag $0x1  }
0x1: {  	s7 =	rddreg [dreg:$0x0]  }
0x2: {  	s1 =	rddreg [dreg:$0x1]  }
0x3: {  	s2 =	rddreg [dreg:$0x2]  }
0x4: {  	s15 =	stileid.u32;
	s3 =	rddreg [dreg:$0x3];
	s4 =	simm.s32 $0x0  }
0x5: {  	s0 =	srdreg.scid;
	s23 =	simm.s32 $0x14D88;
	[smem:$0x7FF] =	sst s4  }
0x6: {  	s25 =	simm.s32 $0x14DF0;
	_ =	strace $0x8000004A;
	[dreg:$0x7] =	wrdreg s23  }
0x7: {  	s26 =	simm.s32 $0x14568;
	s14 =	simm.s32 $0x145D0;
	[dreg:$0x8] =	wrdreg s25  }
0x8: {  	s17 =	simm.s32 $0x14EC0;
	s18 =	simm.s32 $0x14638;
	[dreg:$0x9] =	wrdreg s26  }
0x9: {  	s20 =	simm.s32 $0x14F28;
	s21 =	simm.s32 $0x146A0;
	[dreg:$0xb] =	wrdreg s14  }
0xa: {  	s22 =	simm.s32 $0x14F90;
	s28 =	simm.s32 $0x15130;
	[dreg:$0xc] =	wrdreg s17  }
0xb: {  	s29 =	simm.s32 $0x18740;
	s30 =	simm.s32 $0x3;
	[dreg:$0xd] =	wrdreg s18  }
0xc: {  	s31 =	simm.s32 $0x5;
	s5 =	smul.u32 $0x5140, s15;
	[dreg:$0xe] =	wrdreg s20  }
0xd: {  	s0 =	sand.u32 $0x1, s0;
	s8 =	smul.u32 $0xC80, s15;
	[dreg:$0xf] =	wrdreg s21  }
0xe: {  	s11 =	smul.u32 $0x13880, s15;
	[dreg:$0x10] =	wrdreg s22;
	s25 =	simm.s32 $0x14FF8  }
0xf: {  	s19 =	sshll.u32 s15, $0x1;
	s17 =	simm.s32 $0x15060;
	[dreg:$0x12] =	wrdreg s25  }
0x10: {  	s6 =	smul.u32 $0x28A0, s0;
	s18 =	simm.s32 $0x147D8;
	[dreg:$0x14] =	wrdreg s17  }
0x11: {  	s13 =	smul.u32 $0x138800, s0;
	s20 =	simm.s32 $0x14840;
	[dreg:$0x15] =	wrdreg s18  }
0x12: {  	s22 =	simm.s32 $0x148A8;
	s10 =	sshrl.u32 s8, $0x3;
	[dreg:$0x17] =	wrdreg s20  }
0x13: {  	s14 =	sadd.s32 s8, s2;
	s8 =	sshll.u32 s15, $0x6;
	[dreg:$0x18] =	wrdreg s22  }
0x14: {  	s25 =	simm.s32 $0x15200;
	s17 =	simm.s32 $0x14A48;
	s20 =	simm.s32 $0x14AB0  }
0x15: {  	s22 =	simm.s32 $0x14B18;
	s5 =	sadd.s32 s6, s5;
	[dreg:$0x1a] =	wrdreg s25  }
0x16: {  	s6 =	sadd.s32 $0xCE00, s7;
	s10 =	sadd.s32 s10, s7;
	[dreg:$0x1f] =	wrdreg s17  }
0x17: {  	s24 =	sadd.s32 s11, s13;
	s13 =	ssub.s32 $0x2, s0;
	[smem:$0x7F7] =	sst s20  }
0x18: {  	s26 =	sor.u32 $0x1C02, s8;
	s18 =	sor.u32 $0x1C04, s8;
	[smem:$0x7F9] =	sst s22  }
0x19: {  	s20 =	simm.s32 $0x6;
	s22 =	simm.s32 $0x2;
	[smem:$0x7EE] =	sst s26  }
0x1a: {  	s25 =	simm.s32 $0x15470;
	s23 =	sadd.s32 $0x65400, s10;
	[smem:$0x7F5] =	sst s18  }
0x1b: {  	s10 =	sadd.s32 s11, s3;
	s11 =	sshrl.u32 s11, $0x3;
	[smem:$0x7FC] =	sst s25  }
0x1c: {  	s26 =	smul.u32 $0xC8, s15;
	s15 =	simm.s32 $0x152D0;
	[smem:$0x7ED] =	sst s23  }
0x1d: {  	s9 =	sadd.s32 $0x410, s5;
	s1 =	sadd.s32 s1, s11;
	[dreg:$0x1e] =	wrdreg s15  }
0x1e: {  	s9 =	sshrl.u32 s9, $0x3;
	s11 =	simm.s32 $0x15268;
	[smem:$0x7EF] =	sst s1  }
0x1f: {  	s5 =	sadd.s32 $0x2A00, s7;
	s12 =	sadd.s32 s9, s6;
	[dreg:$0x1c] =	wrdreg s11  }
0x20: {  	s16 =	sshrl.u32 s13, $0x1;
	s9 =	sadd.s32 s9, s5;
	[dreg:$0x5] =	wrdreg s12  }
0x21: {  	[dreg:$0x6] =	wrdreg s9;
	s12 =	sshrl.u32 s24, $0x3;
	s24 =	simm.s32 $0x14708  }
0x22: {  	s25 =	simm.s32 $0x15540;
	s9 =	simm.s32 $0x14978;
	[dreg:$0x11] =	wrdreg s24  }
0x23: {  	s7 =	sadd.s32 s12, s7;
	s12 =	simm.s32 $0x14E58;
	[dreg:$0x1b] =	wrdreg s9  }
0x24: {  	s18 =	sshrl.u32 s10, $0x3;
	s24 =	simm.s32 $0x15198;
	[dreg:$0xa] =	wrdreg s12  }
0x25: {  	s12 =	ssub.s32 s13, s16;
	s16 =	simm.s32 $0x14770;
	[dreg:$0x19] =	wrdreg s24  }
0x26: {  	s13 =	sor.u32 s0, s19;
	s19 =	simm.s32 $0x150C8;
	[dreg:$0x13] =	wrdreg s16  }
0x27: {  	s10 =	simm.s32 $0x0;
	s7 =	sadd.s32 $0x66E00, s7;
	[dreg:$0x16] =	wrdreg s19  }
0x28: {  	s1 =	simm.s32 $0x1;
	s24 =	simm.s32 $0x14B80;
	[smem:$0x7F2] =	sst s7  }
0x29: {  	s9 =	simm.s32 $0x14CB8;
	s12 =	smax.u32 s12, $0x1;
	[smem:$0x7FB] =	sst s24  }
0x2a: {  	s0 =	smul.u32 $0x64, s0;
	s16 =	sshrl.u32 s14, $0x3;
	[smem:$0x7F3] =	sst s12  }
0x2b: {  	s13 =	smul.u32 $0x514, s13;
	s19 =	simm.s32 $0x15338;
	[smem:$0x7F4] =	sst s16  }
0x2c: {  	s11 =	sadd.s32 s0, s26;
	[smem:$0x7F6] =	sst s19;
	s26 =	simm.s32 $0x14BE8  }
0x2d: {  	s24 =	simm.s32 $0x64;
	s21 =	sadd.s32 s5, s13;
	[smem:$0x7FD] =	sst s26  }
0x2e: {  	s7 =	simm.s32 $0x14C50;
	s23 =	sadd.s32 s6, s13;
	[smem:$0x7F0] =	sst s21  }
0x2f: {  	s19 =	simm.s32 $0x14500;
	s13 =	simm.s32 $0x149E0;
	[smem:$0x7F1] =	sst s23  }
0x30: {  	s0 =	simm.s32 $0x154D8;
	[dreg:$0x1d] =	wrdreg s13;
	s21 =	simm.s32 $0x153A0  }
0x31: {  	s26 =	simm.s32 $0x14910;
	s23 =	simm.s32 $0x15408;
	[smem:$0x7F8] =	sst s21  }
0x32: {  	s21 =	simm.s32 $0x14D20;
	[smem:$0x7FA] =	sst s23;
	s23 =	simm.s32 $0x4  }
.LBB2_1:
0x33: {  	s12 =	sld [smem:$0x7ED]  }
0x34: {  	s13 =	sld [smem:$0x7EE]  }
0x35: {  	s14 =	sld [smem:$0x7F4];
	_ =	sdelay $0x2  }
0x36: {  	[spmem:s14], [sflag:s13] =	dma.local [hbm:s12], $0x190  }
0x37: {  	s12 =	sld [smem:$0x7EF]  }
0x38: {  	s13 =	sld [smem:$0x7F5];
	_ =	sdelay $0x2  }
0x39: {  	[spmem:s18], [sflag:s13] =	dma.local [hbm:s12], $0x2710  }
0x3a: {  	s12 =	sld [smem:$0x7F0];
	_ =	sdelay $0x2  }
0x3b: {  	[tilespmem:s19], [sflag:$0x6] =	stream.linear.gather [hbm4b:s12+s4], $0x410, $0x38;
	[tilespmem:$0x1B940] =	vst v63  }
0x3c: {  	_ =	swait.ge [sflag:s20], $0x410  }
0x3d: {  	s13 =	sld [smem:$0x7F1]  }
0x3e: {  	[sflag:s20] =	ssyncset.done $0x0  }
0x3f: {  	[sflag:s20] =	ssyncadd.s32 $0xFFFFFBF0  }
0x40: {  	[tilespmem:s21], [sflag:$0x6] =	stream.linear.gather [hbm4b:s13+s4], $0x410, $0x38;
	[tilespmem:$0x1B940] =	vst v63  }
0x41: {  	_ =	swait.ge [sflag:s20], $0x410  }
0x42: {  	[sflag:s20] =	ssyncset.done $0x0  }
0x43: {  	[sflag:s20] =	ssyncadd.s32 $0xFFFFFBF0  }
0x44: {  	_ =	swait.ge [sflag:s22], $0x190  }
0x45: {  	[sflag:s22] =	ssyncset.done $0x0  }
0x46: {  	[sflag:s22] =	ssyncadd.s32 $0xFFFFFE70  }
0x47: {  	_ =	swait.ge [sflag:s23], $0x2710  }
0x48: {  	[sflag:s23] =	ssyncset.done $0x0  }
0x49: {  	[sflag:s23] =	ssyncadd.s32 $0xFFFFD8F0  }
0x4a: {  	[bflag:$0x0] =	sbarrier.arrive $0xFFFF  }
0x4b: {  	s14 =	rddreg [dreg:$0x6]  }
0x4c: {  	[tilespmem:s25], [sflag:$0x2] =	stream.indirect.gather [spmem:s2], $0x80, s21, s24, $0xb8;
	[tilespmem:$0x1B940] =	vst v63  }
0x4d: {  	s15 =	rddreg [dreg:$0x5];
	s12 =	sadd.s32 $0x0, s14  }
0x4e: {  	[tilespmem:s26], [sflag:$0x1] =	stream.linear.gather [hbm4b:s12+s4], $0x410, $0x38;
	[tilespmem:$0x1B940] =	vst v63  }
0x4f: {  	s16 =	sadd.s32 $0x0, s15  }
0x50: {  	[tilespmem:s28], [sflag:$0x1] =	stream.linear.gather [hbm4b:s16+s4], $0x410, $0x38;
	[tilespmem:$0x1B940] =	vst v63  }
0x51: {  	s17 =	rddreg [dreg:$0x7]  }
0x52: {  	[tilespmem:s29], [sflag:$0x3] =	stream.indirect.gather [spmem:s2], $0x80, s17, s24, $0xb8;
	[tilespmem:$0x1B940] =	vst v63  }
0x53: {  	_ =	swait.ge [sflag:s22], $0x3200  }
0x54: {  	[sflag:s22] =	ssyncset.done $0x0  }
0x55: {  	[sflag:s22] =	ssyncadd.s32 $0xFFFFCE00  }
0x56: {  	[spmem:s3] =	stream.indirect.scatter.add.f32 [tilespmem:s25], [sflag:$0x4], $0x80, s19, s24, $0xb8;
	[tilespmem:$0x1B940] =	vst v63  }
0x57: {  	_ =	swait.ge [sflag:s23], $0x3200  }
0x58: {  	[sflag:s23] =	ssyncset.done $0x0  }
0x59: {  	s14 =	rddreg [dreg:$0x8];
	[sflag:s23] =	ssyncadd.s32 $0xFFFFCE00  }
0x5a: {  	[tilespmem:s25], [sflag:$0x2] =	stream.indirect.gather [spmem:s2], $0x80, s14, s24, $0xb8;
	[tilespmem:$0x1B940] =	vst v63  }
0x5b: {  	_ =	swait.ge [sflag:s30], $0x3200  }
0x5c: {  	[sflag:s30] =	ssyncset.done $0x0  }
0x5d: {  	s15 =	rddreg [dreg:$0x9];
	[sflag:s30] =	ssyncadd.s32 $0xFFFFCE00  }
0x5e: {  	[spmem:s3] =	stream.indirect.scatter.add.f32 [tilespmem:s29], [sflag:$0x5], $0x80, s15, s24, $0xb8;
	[tilespmem:$0x1B940] =	vst v63  }
0x5f: {  	_ =	swait.ge [sflag:s31], $0x3200  }
0x60: {  	[sflag:s31] =	ssyncset.done $0x0  }
0x61: {  	s16 =	rddreg [dreg:$0xa];
	[sflag:s31] =	ssyncadd.s32 $0xFFFFCE00  }
0x62: {  	[tilespmem:s29], [sflag:$0x3] =	stream.indirect.gather [spmem:s2], $0x80, s16, s24, $0xb8;
	[tilespmem:$0x1B940] =	vst v63  }
0x63: {  	_ =	swait.ge [sflag:s22], $0x3200  }
0x64: {  	[sflag:s22] =	ssyncset.done $0x0  }
0x65: {  	s17 =	rddreg [dreg:$0xb];
	[sflag:s22] =	ssyncadd.s32 $0xFFFFCE00  }
0x66: {  	[spmem:s3] =	stream.indirect.scatter.add.f32 [tilespmem:s25], [sflag:$0x4], $0x80, s17, s24, $0xb8;
	[tilespmem:$0x1B940] =	vst v63  }
0x67: {  	_ =	swait.ge [sflag:s23], $0x3200  }
0x68: {  	[sflag:s23] =	ssyncset.done $0x0  }
0x69: {  	s13 =	rddreg [dreg:$0xc];
	[sflag:s23] =	ssyncadd.s32 $0xFFFFCE00  }
0x6a: {  	[tilespmem:s25], [sflag:$0x2] =	stream.indirect.gather [spmem:s2], $0x80, s13, s24, $0xb8;
	[tilespmem:$0x1B940] =	vst v63  }
0x6b: {  	_ =	swait.ge [sflag:s30], $0x3200  }
0x6c: {  	[sflag:s30] =	ssyncset.done $0x0  }
0x6d: {  	s14 =	rddreg [dreg:$0xd];
	[sflag:s30] =	ssyncadd.s32 $0xFFFFCE00  }
0x6e: {  	[spmem:s3] =	stream.indirect.scatter.add.f32 [tilespmem:s29], [sflag:$0x5], $0x80, s14, s24, $0xb8;
	[tilespmem:$0x1B940] =	vst v63  }
0x6f: {  	_ =	swait.ge [sflag:s31], $0x3200  }
0x70: {  	[sflag:s31] =	ssyncset.done $0x0  }
0x71: {  	s15 =	rddreg [dreg:$0xe];
	[sflag:s31] =	ssyncadd.s32 $0xFFFFCE00  }
0x72: {  	[tilespmem:s29], [sflag:$0x3] =	stream.indirect.gather [spmem:s2], $0x80, s15, s24, $0xb8;
	[tilespmem:$0x1B940] =	vst v63  }
0x73: {  	_ =	swait.ge [sflag:s22], $0x3200  }
0x74: {  	[sflag:s22] =	ssyncset.done $0x0  }
0x75: {  	s16 =	rddreg [dreg:$0xf];
	[sflag:s22] =	ssyncadd.s32 $0xFFFFCE00  }
0x76: {  	[spmem:s3] =	stream.indirect.scatter.add.f32 [tilespmem:s25], [sflag:$0x4], $0x80, s16, s24, $0xb8;
	[tilespmem:$0x1B940] =	vst v63  }
0x77: {  	_ =	swait.ge [sflag:s23], $0x3200  }
0x78: {  	[sflag:s23] =	ssyncset.done $0x0  }
0x79: {  	s17 =	rddreg [dreg:$0x10];
	[sflag:s23] =	ssyncadd.s32 $0xFFFFCE00  }
0x7a: {  	[tilespmem:s25], [sflag:$0x2] =	stream.indirect.gather [spmem:s2], $0x80, s17, s24, $0xb8;
	[tilespmem:$0x1B940] =	vst v63  }
0x7b: {  	_ =	swait.ge [sflag:s30], $0x3200  }
0x7c: {  	[sflag:s30] =	ssyncset.done $0x0  }
0x7d: {  	s13 =	rddreg [dreg:$0x11];
	[sflag:s30] =	ssyncadd.s32 $0xFFFFCE00  }
0x7e: {  	[spmem:s3] =	stream.indirect.scatter.add.f32 [tilespmem:s29], [sflag:$0x5], $0x80, s13, s24, $0xb8;
	[tilespmem:$0x1B940] =	vst v63  }
0x7f: {  	_ =	swait.ge [sflag:s31], $0x3200  }
0x80: {  	[sflag:s31] =	ssyncset.done $0x0  }
0x81: {  	s14 =	rddreg [dreg:$0x12];
	[sflag:s31] =	ssyncadd.s32 $0xFFFFCE00  }
0x82: {  	[tilespmem:s29], [sflag:$0x3] =	stream.indirect.gather [spmem:s2], $0x80, s14, s24, $0xb8;
	[tilespmem:$0x1B940] =	vst v63  }
0x83: {  	_ =	swait.ge [sflag:s22], $0x3200  }
0x84: {  	[sflag:s22] =	ssyncset.done $0x0  }
0x85: {  	s15 =	rddreg [dreg:$0x13];
	[sflag:s22] =	ssyncadd.s32 $0xFFFFCE00  }
0x86: {  	[spmem:s3] =	stream.indirect.scatter.add.f32 [tilespmem:s25], [sflag:$0x4], $0x80, s15, s24, $0xb8;
	[tilespmem:$0x1B940] =	vst v63  }
0x87: {  	_ =	swait.ge [sflag:s23], $0x3200  }
0x88: {  	[sflag:s23] =	ssyncset.done $0x0  }
0x89: {  	s16 =	rddreg [dreg:$0x14];
	[sflag:s23] =	ssyncadd.s32 $0xFFFFCE00  }
0x8a: {  	[tilespmem:s25], [sflag:$0x2] =	stream.indirect.gather [spmem:s2], $0x80, s16, s24, $0xb8;
	[tilespmem:$0x1B940] =	vst v63  }
0x8b: {  	_ =	swait.ge [sflag:s30], $0x3200  }
0x8c: {  	[sflag:s30] =	ssyncset.done $0x0  }
0x8d: {  	s17 =	rddreg [dreg:$0x15];
	[sflag:s30] =	ssyncadd.s32 $0xFFFFCE00  }
0x8e: {  	[spmem:s3] =	stream.indirect.scatter.add.f32 [tilespmem:s29], [sflag:$0x5], $0x80, s17, s24, $0xb8;
	[tilespmem:$0x1B940] =	vst v63  }
0x8f: {  	_ =	swait.ge [sflag:s31], $0x3200  }
0x90: {  	[sflag:s31] =	ssyncset.done $0x0  }
0x91: {  	s13 =	rddreg [dreg:$0x16];
	[sflag:s31] =	ssyncadd.s32 $0xFFFFCE00  }
0x92: {  	[tilespmem:s29], [sflag:$0x3] =	stream.indirect.gather [spmem:s2], $0x80, s13, s24, $0xb8;
	[tilespmem:$0x1B940] =	vst v63  }
0x93: {  	_ =	swait.ge [sflag:s22], $0x3200  }
0x94: {  	[sflag:s22] =	ssyncset.done $0x0  }
0x95: {  	s14 =	rddreg [dreg:$0x17];
	[sflag:s22] =	ssyncadd.s32 $0xFFFFCE00  }
0x96: {  	[spmem:s3] =	stream.indirect.scatter.add.f32 [tilespmem:s25], [sflag:$0x4], $0x80, s14, s24, $0xb8;
	[tilespmem:$0x1B940] =	vst v63  }
0x97: {  	_ =	swait.ge [sflag:s23], $0x3200  }
0x98: {  	[sflag:s23] =	ssyncset.done $0x0  }
0x99: {  	[sflag:s23] =	ssyncadd.s32 $0xFFFFCE00  }
0x9a: {  	_ =	swait.ge [sflag:s1], $0x410  }
0x9b: {  	[sflag:s1] =	ssyncset.done $0x0  }
0x9c: {  	[sflag:s1] =	ssyncadd.s32 $0xFFFFFBF0  }
0x9d: {  	_ =	swait.ge [sflag:s1], $0x410  }
0x9e: {  	s15 =	smin.u32 s11, $0xC62;
	[sflag:s1] =	ssyncset.done $0x0  }
0x9f: {  	s12 =	smul.u32 $0x68, s15;
	[sflag:s1] =	ssyncadd.s32 $0xFFFFFBF0  }
0xa0: {  	[tilespmem:s25], [sflag:$0x2] =	stream.indirect.gather [spmem:s2], $0x80, s28, s24, $0xb8;
	[tilespmem:$0x1B940] =	vst v63  }
0xa1: {  	s12 =	sshrl.u32 s12, $0x3;
	_ =	swait.ge [sflag:s30], $0x3200  }
0xa2: {  	s12 =	sadd.s32 $0x104, s12;
	[sflag:s30] =	ssyncset.done $0x0  }
0xa3: {  	s16 =	sadd.s32 s5, s12;
	[sflag:s30] =	ssyncadd.s32 $0xFFFFCE00  }
0xa4: {  	[tilespmem:s19], [sflag:$0x1] =	stream.linear.gather [hbm4b:s16+s4], $0x410, $0x38;
	[tilespmem:$0x1B940] =	vst v63  }
0xa5: {  	s12 =	sadd.s32 s6, s12  }
0xa6: {  	[tilespmem:s21], [sflag:$0x1] =	stream.linear.gather [hbm4b:s12+s4], $0x410, $0x38;
	[tilespmem:$0x1B940] =	vst v63  }
0xa7: {  	s17 =	rddreg [dreg:$0x18]  }
0xa8: {  	[spmem:s3] =	stream.indirect.scatter.add.f32 [tilespmem:s29], [sflag:$0x5], $0x80, s17, s24, $0xb8;
	[tilespmem:$0x1B940] =	vst v63  }
0xa9: {  	_ =	swait.ge [sflag:s31], $0x3200  }
0xaa: {  	[sflag:s31] =	ssyncset.done $0x0  }
0xab: {  	s13 =	rddreg [dreg:$0x19];
	[sflag:s31] =	ssyncadd.s32 $0xFFFFCE00  }
0xac: {  	[tilespmem:s29], [sflag:$0x3] =	stream.indirect.gather [spmem:s2], $0x80, s13, s24, $0xb8;
	[tilespmem:$0x1B940] =	vst v63  }
0xad: {  	_ =	swait.ge [sflag:s22], $0x3200  }
0xae: {  	[sflag:s22] =	ssyncset.done $0x0  }
0xaf: {  	[sflag:s22] =	ssyncadd.s32 $0xFFFFCE00  }
0xb0: {  	[spmem:s3] =	stream.indirect.scatter.add.f32 [tilespmem:s25], [sflag:$0x4], $0x80, s26, s24, $0xb8;
	[tilespmem:$0x1B940] =	vst v63  }
0xb1: {  	_ =	swait.ge [sflag:s23], $0x3200  }
0xb2: {  	[sflag:s23] =	ssyncset.done $0x0  }
0xb3: {  	s14 =	rddreg [dreg:$0x1a];
	[sflag:s23] =	ssyncadd.s32 $0xFFFFCE00  }
0xb4: {  	[tilespmem:s25], [sflag:$0x2] =	stream.indirect.gather [spmem:s2], $0x80, s14, s24, $0xb8;
	[tilespmem:$0x1B940] =	vst v63  }
0xb5: {  	_ =	swait.ge [sflag:s30], $0x3200  }
0xb6: {  	[sflag:s30] =	ssyncset.done $0x0  }
0xb7: {  	s15 =	rddreg [dreg:$0x1b];
	[sflag:s30] =	ssyncadd.s32 $0xFFFFCE00  }
0xb8: {  	[spmem:s3] =	stream.indirect.scatter.add.f32 [tilespmem:s29], [sflag:$0x5], $0x80, s15, s24, $0xb8;
	[tilespmem:$0x1B940] =	vst v63  }
0xb9: {  	_ =	swait.ge [sflag:s31], $0x3200  }
0xba: {  	[sflag:s31] =	ssyncset.done $0x0  }
0xbb: {  	s16 =	rddreg [dreg:$0x1c];
	[sflag:s31] =	ssyncadd.s32 $0xFFFFCE00  }
0xbc: {  	[tilespmem:s29], [sflag:$0x3] =	stream.indirect.gather [spmem:s2], $0x80, s16, s24, $0xb8;
	[tilespmem:$0x1B940] =	vst v63  }
0xbd: {  	_ =	swait.ge [sflag:s22], $0x3200  }
0xbe: {  	[sflag:s22] =	ssyncset.done $0x0  }
0xbf: {  	s17 =	rddreg [dreg:$0x1d];
	[sflag:s22] =	ssyncadd.s32 $0xFFFFCE00  }
0xc0: {  	[spmem:s3] =	stream.indirect.scatter.add.f32 [tilespmem:s25], [sflag:$0x4], $0x80, s17, s24, $0xb8;
	[tilespmem:$0x1B940] =	vst v63  }
0xc1: {  	_ =	swait.ge [sflag:s23], $0x3200  }
0xc2: {  	[sflag:s23] =	ssyncset.done $0x0  }
0xc3: {  	s13 =	rddreg [dreg:$0x1e];
	[sflag:s23] =	ssyncadd.s32 $0xFFFFCE00  }
0xc4: {  	[tilespmem:s25], [sflag:$0x2] =	stream.indirect.gather [spmem:s2], $0x80, s13, s24, $0xb8;
	[tilespmem:$0x1B940] =	vst v63  }
0xc5: {  	_ =	swait.ge [sflag:s30], $0x3200  }
0xc6: {  	[sflag:s30] =	ssyncset.done $0x0  }
0xc7: {  	s14 =	rddreg [dreg:$0x1f];
	[sflag:s30] =	ssyncadd.s32 $0xFFFFCE00  }
0xc8: {  	[spmem:s3] =	stream.indirect.scatter.add.f32 [tilespmem:s29], [sflag:$0x5], $0x80, s14, s24, $0xb8;
	[tilespmem:$0x1B940] =	vst v63  }
0xc9: {  	_ =	swait.ge [sflag:s31], $0x3200  }
0xca: {  	s15 =	sld [smem:$0x7F6]  }
0xcb: {  	[sflag:s31] =	ssyncset.done $0x0  }
0xcc: {  	[sflag:s31] =	ssyncadd.s32 $0xFFFFCE00  }
0xcd: {  	[tilespmem:s29], [sflag:$0x3] =	stream.indirect.gather [spmem:s2], $0x80, s15, s24, $0xb8;
	[tilespmem:$0x1B940] =	vst v63  }
0xce: {  	_ =	swait.ge [sflag:s22], $0x3200  }
0xcf: {  	s16 =	sld [smem:$0x7F7]  }
0xd0: {  	[sflag:s22] =	ssyncset.done $0x0  }
0xd1: {  	[sflag:s22] =	ssyncadd.s32 $0xFFFFCE00  }
0xd2: {  	[spmem:s3] =	stream.indirect.scatter.add.f32 [tilespmem:s25], [sflag:$0x4], $0x80, s16, s24, $0xb8;
	[tilespmem:$0x1B940] =	vst v63  }
0xd3: {  	_ =	swait.ge [sflag:s23], $0x3200  }
0xd4: {  	s17 =	sld [smem:$0x7F8]  }
0xd5: {  	[sflag:s23] =	ssyncset.done $0x0  }
0xd6: {  	[sflag:s23] =	ssyncadd.s32 $0xFFFFCE00  }
0xd7: {  	[tilespmem:s25], [sflag:$0x2] =	stream.indirect.gather [spmem:s2], $0x80, s17, s24, $0xb8;
	[tilespmem:$0x1B940] =	vst v63  }
0xd8: {  	_ =	swait.ge [sflag:s30], $0x3200  }
0xd9: {  	s13 =	sld [smem:$0x7F9]  }
0xda: {  	[sflag:s30] =	ssyncset.done $0x0  }
0xdb: {  	[sflag:s30] =	ssyncadd.s32 $0xFFFFCE00  }
0xdc: {  	[spmem:s3] =	stream.indirect.scatter.add.f32 [tilespmem:s29], [sflag:$0x5], $0x80, s13, s24, $0xb8;
	[tilespmem:$0x1B940] =	vst v63  }
0xdd: {  	_ =	swait.ge [sflag:s31], $0x3200  }
0xde: {  	s14 =	sld [smem:$0x7FA]  }
0xdf: {  	[sflag:s31] =	ssyncset.done $0x0  }
0xe0: {  	[sflag:s31] =	ssyncadd.s32 $0xFFFFCE00  }
0xe1: {  	[tilespmem:s29], [sflag:$0x3] =	stream.indirect.gather [spmem:s2], $0x80, s14, s24, $0xb8;
	[tilespmem:$0x1B940] =	vst v63  }
0xe2: {  	_ =	swait.ge [sflag:s22], $0x3200  }
0xe3: {  	s15 =	sld [smem:$0x7FB]  }
0xe4: {  	[sflag:s22] =	ssyncset.done $0x0  }
0xe5: {  	[sflag:s22] =	ssyncadd.s32 $0xFFFFCE00  }
0xe6: {  	[spmem:s3] =	stream.indirect.scatter.add.f32 [tilespmem:s25], [sflag:$0x4], $0x80, s15, s24, $0xb8;
	[tilespmem:$0x1B940] =	vst v63  }
0xe7: {  	_ =	swait.ge [sflag:s23], $0x3200  }
0xe8: {  	s16 =	sld [smem:$0x7FC]  }
0xe9: {  	[sflag:s23] =	ssyncset.done $0x0  }
0xea: {  	[sflag:s23] =	ssyncadd.s32 $0xFFFFCE00  }
0xeb: {  	[tilespmem:s25], [sflag:$0x2] =	stream.indirect.gather [spmem:s2], $0x80, s16, s24, $0xb8;
	[tilespmem:$0x1B940] =	vst v63  }
0xec: {  	_ =	swait.ge [sflag:s30], $0x3200  }
0xed: {  	s17 =	sld [smem:$0x7FD]  }
0xee: {  	[sflag:s30] =	ssyncset.done $0x0  }
0xef: {  	[sflag:s30] =	ssyncadd.s32 $0xFFFFCE00  }
0xf0: {  	[spmem:s3] =	stream.indirect.scatter.add.f32 [tilespmem:s29], [sflag:$0x5], $0x80, s17, s24, $0xb8;
	[tilespmem:$0x1B940] =	vst v63  }
0xf1: {  	_ =	swait.ge [sflag:s31], $0x3200  }
0xf2: {  	[sflag:s31] =	ssyncset.done $0x0  }
0xf3: {  	[sflag:s31] =	ssyncadd.s32 $0xFFFFCE00  }
0xf4: {  	[tilespmem:s29], [sflag:$0x3] =	stream.indirect.gather [spmem:s2], $0x80, s0, s24, $0xb8;
	[tilespmem:$0x1B940] =	vst v63  }
0xf5: {  	_ =	swait.ge [sflag:s22], $0x3200  }
0xf6: {  	[sflag:s22] =	ssyncset.done $0x0  }
0xf7: {  	[sflag:s22] =	ssyncadd.s32 $0xFFFFCE00  }
0xf8: {  	[spmem:s3] =	stream.indirect.scatter.add.f32 [tilespmem:s25], [sflag:$0x4], $0x80, s7, s24, $0xb8;
	[tilespmem:$0x1B940] =	vst v63  }
0xf9: {  	_ =	swait.ge [sflag:s30], $0x3200  }
0xfa: {  	[sflag:s30] =	ssyncset.done $0x0  }
0xfb: {  	[sflag:s30] =	ssyncadd.s32 $0xFFFFCE00  }
0xfc: {  	[spmem:s3] =	stream.indirect.scatter.add.f32 [tilespmem:s29], [sflag:$0x5], $0x80, s9, s24, $0xb8;
	[tilespmem:$0x1B940] =	vst v63  }
0xfd: {  	_ =	swait.ge [sflag:s23], $0x3200  }
0xfe: {  	[sflag:s23] =	ssyncset.done $0x0  }
0xff: {  	[sflag:s23] =	ssyncadd.s32 $0xFFFFCE00  }
0x100: {  	_ =	swait.ge [sflag:s1], $0x410  }
0x101: {  	[sflag:s1] =	ssyncset.done $0x0  }
0x102: {  	[sflag:s1] =	ssyncadd.s32 $0xFFFFFBF0  }
0x103: {  	_ =	swait.ge [sflag:s1], $0x410  }
0x104: {  	[sflag:s1] =	ssyncset.done $0x0  }
0x105: {  	[sflag:s1] =	ssyncadd.s32 $0xFFFFFBF0  }
0x106: {  	[tilespmem:s25], [sflag:$0x2] =	stream.indirect.gather [spmem:s2], $0x80, s21, s24, $0xb8;
	[tilespmem:$0x1B940] =	vst v63  }
0x107: {  	s12 =	simm.s32 $0x104;
	s13 =	simm.s32 $0x208;
	_ =	swait.ge [sflag:s31], $0x3200  }
0x108: {  	s15 =	smov.u32 s11;
	s14 =	rddreg [dreg:$0x6];
	[sflag:s31] =	ssyncset.done $0x0  }
.LBB2_2:
0x109: {  	[sflag:s31] =	ssyncadd.s32 $0xFFFFCE00;
	s16 =	rddreg [dreg:$0x5];
	s14 =	sadd.s32 s12, s14  }
0x10a: {  	[tilespmem:s26], [sflag:$0x1] =	stream.linear.gather [hbm4b:s14+s4], $0x410, $0x38;
	[tilespmem:$0x1B940] =	vst v63  }
0x10b: {  	s14 =	sadd.s32 s12, s16  }
0x10c: {  	[tilespmem:s28], [sflag:$0x1] =	stream.linear.gather [hbm4b:s14+s4], $0x410, $0x38;
	[tilespmem:$0x1B940] =	vst v63  }
0x10d: {  	s16 =	rddreg [dreg:$0x7]  }
0x10e: {  	[tilespmem:s29], [sflag:$0x3] =	stream.indirect.gather [spmem:s2], $0x80, s16, s24, $0xb8;
	[tilespmem:$0x1B940] =	vst v63  }
0x10f: {  	_ =	swait.ge [sflag:s22], $0x3200  }
0x110: {  	[sflag:s22] =	ssyncset.done $0x0  }
0x111: {  	[sflag:s22] =	ssyncadd.s32 $0xFFFFCE00  }
0x112: {  	[spmem:s3] =	stream.indirect.scatter.add.f32 [tilespmem:s25], [sflag:$0x4], $0x80, s19, s24, $0xb8;
	[tilespmem:$0x1B940] =	vst v63  }
0x113: {  	_ =	swait.ge [sflag:s23], $0x3200  }
0x114: {  	[sflag:s23] =	ssyncset.done $0x0  }
0x115: {  	s16 =	rddreg [dreg:$0x8];
	[sflag:s23] =	ssyncadd.s32 $0xFFFFCE00  }
0x116: {  	[tilespmem:s25], [sflag:$0x2] =	stream.indirect.gather [spmem:s2], $0x80, s16, s24, $0xb8;
	[tilespmem:$0x1B940] =	vst v63  }
0x117: {  	_ =	swait.ge [sflag:s30], $0x3200  }
0x118: {  	s17 =	smov.u32 s13;
	[sflag:s30] =	ssyncset.done $0x0  }
0x119: {  	s12 =	smov.u32 s17;
	s17 =	rddreg [dreg:$0x9];
	[sflag:s30] =	ssyncadd.s32 $0xFFFFCE00  }
0x11a: {  	[spmem:s3] =	stream.indirect.scatter.add.f32 [tilespmem:s29], [sflag:$0x5], $0x80, s17, s24, $0xb8;
	[tilespmem:$0x1B940] =	vst v63  }
0x11b: {  	_ =	swait.ge [sflag:s31], $0x3200  }
0x11c: {  	[sflag:s31] =	ssyncset.done $0x0  }
0x11d: {  	s16 =	rddreg [dreg:$0xa];
	[sflag:s31] =	ssyncadd.s32 $0xFFFFCE00  }
0x11e: {  	[tilespmem:s29], [sflag:$0x3] =	stream.indirect.gather [spmem:s2], $0x80, s16, s24, $0xb8;
	[tilespmem:$0x1B940] =	vst v63  }
0x11f: {  	_ =	swait.ge [sflag:s22], $0x3200  }
0x120: {  	[sflag:s22] =	ssyncset.done $0x0  }
0x121: {  	s17 =	rddreg [dreg:$0xb];
	[sflag:s22] =	ssyncadd.s32 $0xFFFFCE00  }
0x122: {  	[spmem:s3] =	stream.indirect.scatter.add.f32 [tilespmem:s25], [sflag:$0x4], $0x80, s17, s24, $0xb8;
	[tilespmem:$0x1B940] =	vst v63  }
0x123: {  	_ =	swait.ge [sflag:s23], $0x3200  }
0x124: {  	[sflag:s23] =	ssyncset.done $0x0  }
0x125: {  	s16 =	rddreg [dreg:$0xc];
	[sflag:s23] =	ssyncadd.s32 $0xFFFFCE00  }
0x126: {  	[tilespmem:s25], [sflag:$0x2] =	stream.indirect.gather [spmem:s2], $0x80, s16, s24, $0xb8;
	[tilespmem:$0x1B940] =	vst v63  }
0x127: {  	_ =	swait.ge [sflag:s30], $0x3200  }
0x128: {  	[sflag:s30] =	ssyncset.done $0x0  }
0x129: {  	s17 =	rddreg [dreg:$0xd];
	[sflag:s30] =	ssyncadd.s32 $0xFFFFCE00  }
0x12a: {  	[spmem:s3] =	stream.indirect.scatter.add.f32 [tilespmem:s29], [sflag:$0x5], $0x80, s17, s24, $0xb8;
	[tilespmem:$0x1B940] =	vst v63  }
0x12b: {  	_ =	swait.ge [sflag:s31], $0x3200  }
0x12c: {  	[sflag:s31] =	ssyncset.done $0x0  }
0x12d: {  	s16 =	rddreg [dreg:$0xe];
	[sflag:s31] =	ssyncadd.s32 $0xFFFFCE00  }
0x12e: {  	[tilespmem:s29], [sflag:$0x3] =	stream.indirect.gather [spmem:s2], $0x80, s16, s24, $0xb8;
	[tilespmem:$0x1B940] =	vst v63  }
0x12f: {  	_ =	swait.ge [sflag:s22], $0x3200  }
0x130: {  	[sflag:s22] =	ssyncset.done $0x0  }
0x131: {  	s17 =	rddreg [dreg:$0xf];
	[sflag:s22] =	ssyncadd.s32 $0xFFFFCE00  }
0x132: {  	[spmem:s3] =	stream.indirect.scatter.add.f32 [tilespmem:s25], [sflag:$0x4], $0x80, s17, s24, $0xb8;
	[tilespmem:$0x1B940] =	vst v63  }
0x133: {  	_ =	swait.ge [sflag:s23], $0x3200  }
0x134: {  	[sflag:s23] =	ssyncset.done $0x0  }
0x135: {  	s16 =	rddreg [dreg:$0x10];
	[sflag:s23] =	ssyncadd.s32 $0xFFFFCE00  }
0x136: {  	[tilespmem:s25], [sflag:$0x2] =	stream.indirect.gather [spmem:s2], $0x80, s16, s24, $0xb8;
	[tilespmem:$0x1B940] =	vst v63  }
0x137: {  	_ =	swait.ge [sflag:s30], $0x3200  }
0x138: {  	[sflag:s30] =	ssyncset.done $0x0  }
0x139: {  	s17 =	rddreg [dreg:$0x11];
	[sflag:s30] =	ssyncadd.s32 $0xFFFFCE00  }
0x13a: {  	[spmem:s3] =	stream.indirect.scatter.add.f32 [tilespmem:s29], [sflag:$0x5], $0x80, s17, s24, $0xb8;
	[tilespmem:$0x1B940] =	vst v63  }
0x13b: {  	_ =	swait.ge [sflag:s31], $0x3200  }
0x13c: {  	[sflag:s31] =	ssyncset.done $0x0  }
0x13d: {  	s16 =	rddreg [dreg:$0x12];
	[sflag:s31] =	ssyncadd.s32 $0xFFFFCE00  }
0x13e: {  	[tilespmem:s29], [sflag:$0x3] =	stream.indirect.gather [spmem:s2], $0x80, s16, s24, $0xb8;
	[tilespmem:$0x1B940] =	vst v63  }
0x13f: {  	_ =	swait.ge [sflag:s22], $0x3200  }
0x140: {  	[sflag:s22] =	ssyncset.done $0x0  }
0x141: {  	s17 =	rddreg [dreg:$0x13];
	[sflag:s22] =	ssyncadd.s32 $0xFFFFCE00  }
0x142: {  	[spmem:s3] =	stream.indirect.scatter.add.f32 [tilespmem:s25], [sflag:$0x4], $0x80, s17, s24, $0xb8;
	[tilespmem:$0x1B940] =	vst v63  }
0x143: {  	_ =	swait.ge [sflag:s23], $0x3200  }
0x144: {  	[sflag:s23] =	ssyncset.done $0x0  }
0x145: {  	s16 =	rddreg [dreg:$0x14];
	[sflag:s23] =	ssyncadd.s32 $0xFFFFCE00  }
0x146: {  	[tilespmem:s25], [sflag:$0x2] =	stream.indirect.gather [spmem:s2], $0x80, s16, s24, $0xb8;
	[tilespmem:$0x1B940] =	vst v63  }
0x147: {  	_ =	swait.ge [sflag:s30], $0x3200  }
0x148: {  	[sflag:s30] =	ssyncset.done $0x0  }
0x149: {  	s17 =	rddreg [dreg:$0x15];
	[sflag:s30] =	ssyncadd.s32 $0xFFFFCE00  }
0x14a: {  	[spmem:s3] =	stream.indirect.scatter.add.f32 [tilespmem:s29], [sflag:$0x5], $0x80, s17, s24, $0xb8;
	[tilespmem:$0x1B940] =	vst v63  }
0x14b: {  	_ =	swait.ge [sflag:s31], $0x3200  }
0x14c: {  	[sflag:s31] =	ssyncset.done $0x0  }
0x14d: {  	s16 =	rddreg [dreg:$0x16];
	[sflag:s31] =	ssyncadd.s32 $0xFFFFCE00  }
0x14e: {  	[tilespmem:s29], [sflag:$0x3] =	stream.indirect.gather [spmem:s2], $0x80, s16, s24, $0xb8;
	[tilespmem:$0x1B940] =	vst v63  }
0x14f: {  	_ =	swait.ge [sflag:s22], $0x3200  }
0x150: {  	[sflag:s22] =	ssyncset.done $0x0  }
0x151: {  	s17 =	rddreg [dreg:$0x17];
	[sflag:s22] =	ssyncadd.s32 $0xFFFFCE00  }
0x152: {  	[spmem:s3] =	stream.indirect.scatter.add.f32 [tilespmem:s25], [sflag:$0x4], $0x80, s17, s24, $0xb8;
	[tilespmem:$0x1B940] =	vst v63  }
0x153: {  	_ =	swait.ge [sflag:s23], $0x3200  }
0x154: {  	[sflag:s23] =	ssyncset.done $0x0  }
0x155: {  	[sflag:s23] =	ssyncadd.s32 $0xFFFFCE00  }
0x156: {  	_ =	swait.ge [sflag:s1], $0x410  }
0x157: {  	[sflag:s1] =	ssyncset.done $0x0  }
0x158: {  	[sflag:s1] =	ssyncadd.s32 $0xFFFFFBF0  }
0x159: {  	s15 =	sadd.s32 $0x14, s15;
	_ =	swait.ge [sflag:s1], $0x410  }
0x15a: {  	s16 =	smin.u32 s15, $0xC62;
	[sflag:s1] =	ssyncset.done $0x0  }
0x15b: {  	s14 =	smul.u32 $0x68, s16;
	[sflag:s1] =	ssyncadd.s32 $0xFFFFFBF0  }
0x15c: {  	[tilespmem:s25], [sflag:$0x2] =	stream.indirect.gather [spmem:s2], $0x80, s28, s24, $0xb8;
	[tilespmem:$0x1B940] =	vst v63  }
0x15d: {  	s14 =	sshrl.u32 s14, $0x3;
	_ =	swait.ge [sflag:s30], $0x3200  }
0x15e: {  	s14 =	sadd.s32 $0x104, s14;
	[sflag:s30] =	ssyncset.done $0x0  }
0x15f: {  	s17 =	sadd.s32 s5, s14;
	[sflag:s30] =	ssyncadd.s32 $0xFFFFCE00  }
0x160: {  	[tilespmem:s19], [sflag:$0x1] =	stream.linear.gather [hbm4b:s17+s4], $0x410, $0x38;
	[tilespmem:$0x1B940] =	vst v63  }
0x161: {  	s14 =	sadd.s32 s6, s14  }
0x162: {  	[tilespmem:s21], [sflag:$0x1] =	stream.linear.gather [hbm4b:s14+s4], $0x410, $0x38;
	[tilespmem:$0x1B940] =	vst v63  }
0x163: {  	s17 =	rddreg [dreg:$0x18]  }
0x164: {  	[spmem:s3] =	stream.indirect.scatter.add.f32 [tilespmem:s29], [sflag:$0x5], $0x80, s17, s24, $0xb8;
	[tilespmem:$0x1B940] =	vst v63  }
0x165: {  	_ =	swait.ge [sflag:s31], $0x3200  }
0x166: {  	[sflag:s31] =	ssyncset.done $0x0  }
0x167: {  	s17 =	rddreg [dreg:$0x19];
	[sflag:s31] =	ssyncadd.s32 $0xFFFFCE00  }
0x168: {  	[tilespmem:s29], [sflag:$0x3] =	stream.indirect.gather [spmem:s2], $0x80, s17, s24, $0xb8;
	[tilespmem:$0x1B940] =	vst v63  }
0x169: {  	_ =	swait.ge [sflag:s22], $0x3200  }
0x16a: {  	[sflag:s22] =	ssyncset.done $0x0  }
0x16b: {  	[sflag:s22] =	ssyncadd.s32 $0xFFFFCE00  }
0x16c: {  	[spmem:s3] =	stream.indirect.scatter.add.f32 [tilespmem:s25], [sflag:$0x4], $0x80, s26, s24, $0xb8;
	[tilespmem:$0x1B940] =	vst v63  }
0x16d: {  	_ =	swait.ge [sflag:s23], $0x3200  }
0x16e: {  	[sflag:s23] =	ssyncset.done $0x0  }
0x16f: {  	s16 =	rddreg [dreg:$0x1a];
	[sflag:s23] =	ssyncadd.s32 $0xFFFFCE00  }
0x170: {  	[tilespmem:s25], [sflag:$0x2] =	stream.indirect.gather [spmem:s2], $0x80, s16, s24, $0xb8;
	[tilespmem:$0x1B940] =	vst v63  }
0x171: {  	_ =	swait.ge [sflag:s30], $0x3200  }
0x172: {  	[sflag:s30] =	ssyncset.done $0x0  }
0x173: {  	s17 =	rddreg [dreg:$0x1b];
	[sflag:s30] =	ssyncadd.s32 $0xFFFFCE00  }
0x174: {  	[spmem:s3] =	stream.indirect.scatter.add.f32 [tilespmem:s29], [sflag:$0x5], $0x80, s17, s24, $0xb8;
	[tilespmem:$0x1B940] =	vst v63  }
0x175: {  	_ =	swait.ge [sflag:s31], $0x3200  }
0x176: {  	[sflag:s31] =	ssyncset.done $0x0  }
0x177: {  	s16 =	rddreg [dreg:$0x1c];
	[sflag:s31] =	ssyncadd.s32 $0xFFFFCE00  }
0x178: {  	[tilespmem:s29], [sflag:$0x3] =	stream.indirect.gather [spmem:s2], $0x80, s16, s24, $0xb8;
	[tilespmem:$0x1B940] =	vst v63  }
0x179: {  	_ =	swait.ge [sflag:s22], $0x3200  }
0x17a: {  	[sflag:s22] =	ssyncset.done $0x0  }
0x17b: {  	s17 =	rddreg [dreg:$0x1d];
	[sflag:s22] =	ssyncadd.s32 $0xFFFFCE00  }
0x17c: {  	[spmem:s3] =	stream.indirect.scatter.add.f32 [tilespmem:s25], [sflag:$0x4], $0x80, s17, s24, $0xb8;
	[tilespmem:$0x1B940] =	vst v63  }
0x17d: {  	_ =	swait.ge [sflag:s23], $0x3200  }
0x17e: {  	[sflag:s23] =	ssyncset.done $0x0  }
0x17f: {  	s16 =	rddreg [dreg:$0x1e];
	[sflag:s23] =	ssyncadd.s32 $0xFFFFCE00  }
0x180: {  	[tilespmem:s25], [sflag:$0x2] =	stream.indirect.gather [spmem:s2], $0x80, s16, s24, $0xb8;
	[tilespmem:$0x1B940] =	vst v63  }
0x181: {  	_ =	swait.ge [sflag:s30], $0x3200  }
0x182: {  	[sflag:s30] =	ssyncset.done $0x0  }
0x183: {  	s17 =	rddreg [dreg:$0x1f];
	[sflag:s30] =	ssyncadd.s32 $0xFFFFCE00  }
0x184: {  	[spmem:s3] =	stream.indirect.scatter.add.f32 [tilespmem:s29], [sflag:$0x5], $0x80, s17, s24, $0xb8;
	[tilespmem:$0x1B940] =	vst v63  }
0x185: {  	_ =	swait.ge [sflag:s31], $0x3200  }
0x186: {  	s16 =	sld [smem:$0x7F6]  }
0x187: {  	[sflag:s31] =	ssyncset.done $0x0  }
0x188: {  	[sflag:s31] =	ssyncadd.s32 $0xFFFFCE00  }
0x189: {  	[tilespmem:s29], [sflag:$0x3] =	stream.indirect.gather [spmem:s2], $0x80, s16, s24, $0xb8;
	[tilespmem:$0x1B940] =	vst v63  }
0x18a: {  	_ =	swait.ge [sflag:s22], $0x3200  }
0x18b: {  	s17 =	sld [smem:$0x7F7]  }
0x18c: {  	[sflag:s22] =	ssyncset.done $0x0  }
0x18d: {  	[sflag:s22] =	ssyncadd.s32 $0xFFFFCE00  }
0x18e: {  	[spmem:s3] =	stream.indirect.scatter.add.f32 [tilespmem:s25], [sflag:$0x4], $0x80, s17, s24, $0xb8;
	[tilespmem:$0x1B940] =	vst v63  }
0x18f: {  	_ =	swait.ge [sflag:s23], $0x3200  }
0x190: {  	s16 =	sld [smem:$0x7F8]  }
0x191: {  	[sflag:s23] =	ssyncset.done $0x0  }
0x192: {  	[sflag:s23] =	ssyncadd.s32 $0xFFFFCE00  }
0x193: {  	[tilespmem:s25], [sflag:$0x2] =	stream.indirect.gather [spmem:s2], $0x80, s16, s24, $0xb8;
	[tilespmem:$0x1B940] =	vst v63  }
0x194: {  	_ =	swait.ge [sflag:s30], $0x3200  }
0x195: {  	s17 =	sld [smem:$0x7F9]  }
0x196: {  	[sflag:s30] =	ssyncset.done $0x0  }
0x197: {  	[sflag:s30] =	ssyncadd.s32 $0xFFFFCE00  }
0x198: {  	[spmem:s3] =	stream.indirect.scatter.add.f32 [tilespmem:s29], [sflag:$0x5], $0x80, s17, s24, $0xb8;
	[tilespmem:$0x1B940] =	vst v63  }
0x199: {  	_ =	swait.ge [sflag:s31], $0x3200  }
0x19a: {  	s16 =	sld [smem:$0x7FA]  }
0x19b: {  	[sflag:s31] =	ssyncset.done $0x0  }
0x19c: {  	[sflag:s31] =	ssyncadd.s32 $0xFFFFCE00  }
0x19d: {  	[tilespmem:s29], [sflag:$0x3] =	stream.indirect.gather [spmem:s2], $0x80, s16, s24, $0xb8;
	[tilespmem:$0x1B940] =	vst v63  }
0x19e: {  	_ =	swait.ge [sflag:s22], $0x3200  }
0x19f: {  	s17 =	sld [smem:$0x7FB]  }
0x1a0: {  	[sflag:s22] =	ssyncset.done $0x0  }
0x1a1: {  	[sflag:s22] =	ssyncadd.s32 $0xFFFFCE00  }
0x1a2: {  	[spmem:s3] =	stream.indirect.scatter.add.f32 [tilespmem:s25], [sflag:$0x4], $0x80, s17, s24, $0xb8;
	[tilespmem:$0x1B940] =	vst v63  }
0x1a3: {  	_ =	swait.ge [sflag:s23], $0x3200  }
0x1a4: {  	s16 =	sld [smem:$0x7FC]  }
0x1a5: {  	[sflag:s23] =	ssyncset.done $0x0  }
0x1a6: {  	[sflag:s23] =	ssyncadd.s32 $0xFFFFCE00  }
0x1a7: {  	[tilespmem:s25], [sflag:$0x2] =	stream.indirect.gather [spmem:s2], $0x80, s16, s24, $0xb8;
	[tilespmem:$0x1B940] =	vst v63  }
0x1a8: {  	_ =	swait.ge [sflag:s30], $0x3200  }
0x1a9: {  	s17 =	sld [smem:$0x7FD]  }
0x1aa: {  	[sflag:s30] =	ssyncset.done $0x0  }
0x1ab: {  	[sflag:s30] =	ssyncadd.s32 $0xFFFFCE00  }
0x1ac: {  	[spmem:s3] =	stream.indirect.scatter.add.f32 [tilespmem:s29], [sflag:$0x5], $0x80, s17, s24, $0xb8;
	[tilespmem:$0x1B940] =	vst v63  }
0x1ad: {  	_ =	swait.ge [sflag:s31], $0x3200  }
0x1ae: {  	[sflag:s31] =	ssyncset.done $0x0  }
0x1af: {  	[sflag:s31] =	ssyncadd.s32 $0xFFFFCE00  }
0x1b0: {  	[tilespmem:s29], [sflag:$0x3] =	stream.indirect.gather [spmem:s2], $0x80, s0, s24, $0xb8;
	[tilespmem:$0x1B940] =	vst v63  }
0x1b1: {  	_ =	swait.ge [sflag:s22], $0x3200  }
0x1b2: {  	[sflag:s22] =	ssyncset.done $0x0  }
0x1b3: {  	[sflag:s22] =	ssyncadd.s32 $0xFFFFCE00  }
0x1b4: {  	[spmem:s3] =	stream.indirect.scatter.add.f32 [tilespmem:s25], [sflag:$0x4], $0x80, s7, s24, $0xb8;
	[tilespmem:$0x1B940] =	vst v63  }
0x1b5: {  	_ =	swait.ge [sflag:s30], $0x3200  }
0x1b6: {  	[sflag:s30] =	ssyncset.done $0x0  }
0x1b7: {  	[sflag:s30] =	ssyncadd.s32 $0xFFFFCE00  }
0x1b8: {  	[spmem:s3] =	stream.indirect.scatter.add.f32 [tilespmem:s29], [sflag:$0x5], $0x80, s9, s24, $0xb8;
	[tilespmem:$0x1B940] =	vst v63  }
0x1b9: {  	_ =	swait.ge [sflag:s23], $0x3200  }
0x1ba: {  	[sflag:s23] =	ssyncset.done $0x0  }
0x1bb: {  	[sflag:s23] =	ssyncadd.s32 $0xFFFFCE00  }
0x1bc: {  	_ =	swait.ge [sflag:s1], $0x410  }
0x1bd: {  	[sflag:s1] =	ssyncset.done $0x0  }
0x1be: {  	[sflag:s1] =	ssyncadd.s32 $0xFFFFFBF0  }
0x1bf: {  	p0 =	sne.s32 s13, $0x410;
	_ =	swait.ge [sflag:s1], $0x410  }
.Ltmp0:
0x1c0: {  	[sflag:s1] =	ssyncset.done $0x0;
	(pc) =	sbr.rel @p0 .LBB2_2-.Ltmp0, $4  }
0x1c1: {  	[sflag:s1] =	ssyncadd.s32 $0xFFFFFBF0  }
0x1c2: {  	[tilespmem:s25], [sflag:$0x2] =	stream.indirect.gather [spmem:s2], $0x80, s21, s24, $0xb8;
	[tilespmem:$0x1B940] =	vst v63  }
0x1c3: {  	_ =	swait.ge [sflag:s31], $0x3200  }
0x1c4: {  	s13 =	sadd.s32 $0x104, s13;
	s14 =	rddreg [dreg:$0x6];
	[sflag:s31] =	ssyncset.done $0x0  }
0x1c5: {  	s13 =	rddreg [dreg:$0x5];
	[sflag:s31] =	ssyncadd.s32 $0xFFFFCE00;
	s14 =	sadd.s32 s12, s14  }
0x1c6: {  	[tilespmem:s26], [sflag:$0x1] =	stream.linear.gather [hbm4b:s14+s4], $0x410, $0x38;
	[tilespmem:$0x1B940] =	vst v63  }
0x1c7: {  	s13 =	sadd.s32 s12, s13  }
0x1c8: {  	[tilespmem:s28], [sflag:$0x1] =	stream.linear.gather [hbm4b:s13+s4], $0x410, $0x38;
	[tilespmem:$0x1B940] =	vst v63  }
0x1c9: {  	s14 =	rddreg [dreg:$0x7]  }
0x1ca: {  	[tilespmem:s29], [sflag:$0x3] =	stream.indirect.gather [spmem:s2], $0x80, s14, s24, $0xb8;
	[tilespmem:$0x1B940] =	vst v63  }
0x1cb: {  	_ =	swait.ge [sflag:s22], $0x3200  }
0x1cc: {  	[sflag:s22] =	ssyncset.done $0x0  }
0x1cd: {  	[sflag:s22] =	ssyncadd.s32 $0xFFFFCE00  }
0x1ce: {  	[spmem:s3] =	stream.indirect.scatter.add.f32 [tilespmem:s25], [sflag:$0x4], $0x80, s19, s24, $0xb8;
	[tilespmem:$0x1B940] =	vst v63  }
0x1cf: {  	_ =	swait.ge [sflag:s23], $0x3200  }
0x1d0: {  	[sflag:s23] =	ssyncset.done $0x0  }
0x1d1: {  	s16 =	rddreg [dreg:$0x8];
	[sflag:s23] =	ssyncadd.s32 $0xFFFFCE00  }
0x1d2: {  	[tilespmem:s25], [sflag:$0x2] =	stream.indirect.gather [spmem:s2], $0x80, s16, s24, $0xb8;
	[tilespmem:$0x1B940] =	vst v63  }
0x1d3: {  	_ =	swait.ge [sflag:s30], $0x3200  }
0x1d4: {  	[sflag:s30] =	ssyncset.done $0x0  }
0x1d5: {  	s17 =	rddreg [dreg:$0x9];
	[sflag:s30] =	ssyncadd.s32 $0xFFFFCE00  }
0x1d6: {  	[spmem:s3] =	stream.indirect.scatter.add.f32 [tilespmem:s29], [sflag:$0x5], $0x80, s17, s24, $0xb8;
	[tilespmem:$0x1B940] =	vst v63  }
0x1d7: {  	_ =	swait.ge [sflag:s31], $0x3200  }
0x1d8: {  	[sflag:s31] =	ssyncset.done $0x0  }
0x1d9: {  	s13 =	rddreg [dreg:$0xa];
	[sflag:s31] =	ssyncadd.s32 $0xFFFFCE00  }
0x1da: {  	[tilespmem:s29], [sflag:$0x3] =	stream.indirect.gather [spmem:s2], $0x80, s13, s24, $0xb8;
	[tilespmem:$0x1B940] =	vst v63  }
0x1db: {  	_ =	swait.ge [sflag:s22], $0x3200  }
0x1dc: {  	[sflag:s22] =	ssyncset.done $0x0  }
0x1dd: {  	s14 =	rddreg [dreg:$0xb];
	[sflag:s22] =	ssyncadd.s32 $0xFFFFCE00  }
0x1de: {  	[spmem:s3] =	stream.indirect.scatter.add.f32 [tilespmem:s25], [sflag:$0x4], $0x80, s14, s24, $0xb8;
	[tilespmem:$0x1B940] =	vst v63  }
0x1df: {  	_ =	swait.ge [sflag:s23], $0x3200  }
0x1e0: {  	[sflag:s23] =	ssyncset.done $0x0  }
0x1e1: {  	s16 =	rddreg [dreg:$0xc];
	[sflag:s23] =	ssyncadd.s32 $0xFFFFCE00  }
0x1e2: {  	[tilespmem:s25], [sflag:$0x2] =	stream.indirect.gather [spmem:s2], $0x80, s16, s24, $0xb8;
	[tilespmem:$0x1B940] =	vst v63  }
0x1e3: {  	_ =	swait.ge [sflag:s30], $0x3200  }
0x1e4: {  	[sflag:s30] =	ssyncset.done $0x0  }
0x1e5: {  	s17 =	rddreg [dreg:$0xd];
	[sflag:s30] =	ssyncadd.s32 $0xFFFFCE00  }
0x1e6: {  	[spmem:s3] =	stream.indirect.scatter.add.f32 [tilespmem:s29], [sflag:$0x5], $0x80, s17, s24, $0xb8;
	[tilespmem:$0x1B940] =	vst v63  }
0x1e7: {  	_ =	swait.ge [sflag:s31], $0x3200  }
0x1e8: {  	[sflag:s31] =	ssyncset.done $0x0  }
0x1e9: {  	s13 =	rddreg [dreg:$0xe];
	[sflag:s31] =	ssyncadd.s32 $0xFFFFCE00  }
0x1ea: {  	[tilespmem:s29], [sflag:$0x3] =	stream.indirect.gather [spmem:s2], $0x80, s13, s24, $0xb8;
	[tilespmem:$0x1B940] =	vst v63  }
0x1eb: {  	_ =	swait.ge [sflag:s22], $0x3200  }
0x1ec: {  	[sflag:s22] =	ssyncset.done $0x0  }
0x1ed: {  	s14 =	rddreg [dreg:$0xf];
	[sflag:s22] =	ssyncadd.s32 $0xFFFFCE00  }
0x1ee: {  	[spmem:s3] =	stream.indirect.scatter.add.f32 [tilespmem:s25], [sflag:$0x4], $0x80, s14, s24, $0xb8;
	[tilespmem:$0x1B940] =	vst v63  }
0x1ef: {  	_ =	swait.ge [sflag:s23], $0x3200  }
0x1f0: {  	[sflag:s23] =	ssyncset.done $0x0  }
0x1f1: {  	s16 =	rddreg [dreg:$0x10];
	[sflag:s23] =	ssyncadd.s32 $0xFFFFCE00  }
0x1f2: {  	[tilespmem:s25], [sflag:$0x2] =	stream.indirect.gather [spmem:s2], $0x80, s16, s24, $0xb8;
	[tilespmem:$0x1B940] =	vst v63  }
0x1f3: {  	_ =	swait.ge [sflag:s30], $0x3200  }
0x1f4: {  	[sflag:s30] =	ssyncset.done $0x0  }
0x1f5: {  	s17 =	rddreg [dreg:$0x11];
	[sflag:s30] =	ssyncadd.s32 $0xFFFFCE00  }
0x1f6: {  	[spmem:s3] =	stream.indirect.scatter.add.f32 [tilespmem:s29], [sflag:$0x5], $0x80, s17, s24, $0xb8;
	[tilespmem:$0x1B940] =	vst v63  }
0x1f7: {  	_ =	swait.ge [sflag:s31], $0x3200  }
0x1f8: {  	[sflag:s31] =	ssyncset.done $0x0  }
0x1f9: {  	s13 =	rddreg [dreg:$0x12];
	[sflag:s31] =	ssyncadd.s32 $0xFFFFCE00  }
0x1fa: {  	[tilespmem:s29], [sflag:$0x3] =	stream.indirect.gather [spmem:s2], $0x80, s13, s24, $0xb8;
	[tilespmem:$0x1B940] =	vst v63  }
0x1fb: {  	_ =	swait.ge [sflag:s22], $0x3200  }
0x1fc: {  	[sflag:s22] =	ssyncset.done $0x0  }
0x1fd: {  	s14 =	rddreg [dreg:$0x13];
	[sflag:s22] =	ssyncadd.s32 $0xFFFFCE00  }
0x1fe: {  	[spmem:s3] =	stream.indirect.scatter.add.f32 [tilespmem:s25], [sflag:$0x4], $0x80, s14, s24, $0xb8;
	[tilespmem:$0x1B940] =	vst v63  }
0x1ff: {  	_ =	swait.ge [sflag:s23], $0x3200  }
0x200: {  	[sflag:s23] =	ssyncset.done $0x0  }
0x201: {  	s16 =	rddreg [dreg:$0x14];
	[sflag:s23] =	ssyncadd.s32 $0xFFFFCE00  }
0x202: {  	[tilespmem:s25], [sflag:$0x2] =	stream.indirect.gather [spmem:s2], $0x80, s16, s24, $0xb8;
	[tilespmem:$0x1B940] =	vst v63  }
0x203: {  	_ =	swait.ge [sflag:s30], $0x3200  }
0x204: {  	[sflag:s30] =	ssyncset.done $0x0  }
0x205: {  	s17 =	rddreg [dreg:$0x15];
	[sflag:s30] =	ssyncadd.s32 $0xFFFFCE00  }
0x206: {  	[spmem:s3] =	stream.indirect.scatter.add.f32 [tilespmem:s29], [sflag:$0x5], $0x80, s17, s24, $0xb8;
	[tilespmem:$0x1B940] =	vst v63  }
0x207: {  	_ =	swait.ge [sflag:s31], $0x3200  }
0x208: {  	[sflag:s31] =	ssyncset.done $0x0  }
0x209: {  	s13 =	rddreg [dreg:$0x16];
	[sflag:s31] =	ssyncadd.s32 $0xFFFFCE00  }
0x20a: {  	[tilespmem:s29], [sflag:$0x3] =	stream.indirect.gather [spmem:s2], $0x80, s13, s24, $0xb8;
	[tilespmem:$0x1B940] =	vst v63  }
0x20b: {  	_ =	swait.ge [sflag:s22], $0x3200  }
0x20c: {  	[sflag:s22] =	ssyncset.done $0x0  }
0x20d: {  	s14 =	rddreg [dreg:$0x17];
	[sflag:s22] =	ssyncadd.s32 $0xFFFFCE00  }
0x20e: {  	[spmem:s3] =	stream.indirect.scatter.add.f32 [tilespmem:s25], [sflag:$0x4], $0x80, s14, s24, $0xb8;
	[tilespmem:$0x1B940] =	vst v63  }
0x20f: {  	_ =	swait.ge [sflag:s23], $0x3200  }
0x210: {  	[sflag:s23] =	ssyncset.done $0x0  }
0x211: {  	[sflag:s23] =	ssyncadd.s32 $0xFFFFCE00  }
0x212: {  	_ =	swait.ge [sflag:s1], $0x410  }
0x213: {  	[sflag:s1] =	ssyncset.done $0x0  }
0x214: {  	[sflag:s1] =	ssyncadd.s32 $0xFFFFFBF0  }
0x215: {  	s16 =	sadd.s32 $0x14, s15;
	_ =	swait.ge [sflag:s1], $0x410  }
0x216: {  	s12 =	smin.u32 s16, $0xC62;
	[sflag:s1] =	ssyncset.done $0x0  }
0x217: {  	s12 =	smul.u32 $0x68, s12;
	[sflag:s1] =	ssyncadd.s32 $0xFFFFFBF0  }
0x218: {  	[tilespmem:s25], [sflag:$0x2] =	stream.indirect.gather [spmem:s2], $0x80, s28, s24, $0xb8;
	[tilespmem:$0x1B940] =	vst v63  }
0x219: {  	s12 =	sshrl.u32 s12, $0x3;
	_ =	swait.ge [sflag:s30], $0x3200  }
0x21a: {  	s12 =	sadd.s32 $0x104, s12;
	[sflag:s30] =	ssyncset.done $0x0  }
0x21b: {  	s17 =	sadd.s32 s5, s12;
	[sflag:s30] =	ssyncadd.s32 $0xFFFFCE00  }
0x21c: {  	[tilespmem:s19], [sflag:$0x1] =	stream.linear.gather [hbm4b:s17+s4], $0x410, $0x38;
	[tilespmem:$0x1B940] =	vst v63  }
0x21d: {  	s12 =	sadd.s32 s6, s12  }
0x21e: {  	[tilespmem:s21], [sflag:$0x1] =	stream.linear.gather [hbm4b:s12+s4], $0x410, $0x38;
	[tilespmem:$0x1B940] =	vst v63  }
0x21f: {  	s14 =	rddreg [dreg:$0x18]  }
0x220: {  	[spmem:s3] =	stream.indirect.scatter.add.f32 [tilespmem:s29], [sflag:$0x5], $0x80, s14, s24, $0xb8;
	[tilespmem:$0x1B940] =	vst v63  }
0x221: {  	_ =	swait.ge [sflag:s31], $0x3200  }
0x222: {  	[sflag:s31] =	ssyncset.done $0x0  }
0x223: {  	s15 =	rddreg [dreg:$0x19];
	[sflag:s31] =	ssyncadd.s32 $0xFFFFCE00  }
0x224: {  	[tilespmem:s29], [sflag:$0x3] =	stream.indirect.gather [spmem:s2], $0x80, s15, s24, $0xb8;
	[tilespmem:$0x1B940] =	vst v63  }
0x225: {  	_ =	swait.ge [sflag:s22], $0x3200  }
0x226: {  	[sflag:s22] =	ssyncset.done $0x0  }
0x227: {  	[sflag:s22] =	ssyncadd.s32 $0xFFFFCE00  }
0x228: {  	[spmem:s3] =	stream.indirect.scatter.add.f32 [tilespmem:s25], [sflag:$0x4], $0x80, s26, s24, $0xb8;
	[tilespmem:$0x1B940] =	vst v63  }
0x229: {  	_ =	swait.ge [sflag:s23], $0x3200  }
0x22a: {  	[sflag:s23] =	ssyncset.done $0x0  }
0x22b: {  	s16 =	rddreg [dreg:$0x1a];
	[sflag:s23] =	ssyncadd.s32 $0xFFFFCE00  }
0x22c: {  	[tilespmem:s25], [sflag:$0x2] =	stream.indirect.gather [spmem:s2], $0x80, s16, s24, $0xb8;
	[tilespmem:$0x1B940] =	vst v63  }
0x22d: {  	_ =	swait.ge [sflag:s30], $0x3200  }
0x22e: {  	[sflag:s30] =	ssyncset.done $0x0  }
0x22f: {  	s17 =	rddreg [dreg:$0x1b];
	[sflag:s30] =	ssyncadd.s32 $0xFFFFCE00  }
0x230: {  	[spmem:s3] =	stream.indirect.scatter.add.f32 [tilespmem:s29], [sflag:$0x5], $0x80, s17, s24, $0xb8;
	[tilespmem:$0x1B940] =	vst v63  }
0x231: {  	_ =	swait.ge [sflag:s31], $0x3200  }
0x232: {  	[sflag:s31] =	ssyncset.done $0x0  }
0x233: {  	s13 =	rddreg [dreg:$0x1c];
	[sflag:s31] =	ssyncadd.s32 $0xFFFFCE00  }
0x234: {  	[tilespmem:s29], [sflag:$0x3] =	stream.indirect.gather [spmem:s2], $0x80, s13, s24, $0xb8;
	[tilespmem:$0x1B940] =	vst v63  }
0x235: {  	_ =	swait.ge [sflag:s22], $0x3200  }
0x236: {  	[sflag:s22] =	ssyncset.done $0x0  }
0x237: {  	s14 =	rddreg [dreg:$0x1d];
	[sflag:s22] =	ssyncadd.s32 $0xFFFFCE00  }
0x238: {  	[spmem:s3] =	stream.indirect.scatter.add.f32 [tilespmem:s25], [sflag:$0x4], $0x80, s14, s24, $0xb8;
	[tilespmem:$0x1B940] =	vst v63  }
0x239: {  	_ =	swait.ge [sflag:s23], $0x3200  }
0x23a: {  	[sflag:s23] =	ssyncset.done $0x0  }
0x23b: {  	s15 =	rddreg [dreg:$0x1e];
	[sflag:s23] =	ssyncadd.s32 $0xFFFFCE00  }
0x23c: {  	[tilespmem:s25], [sflag:$0x2] =	stream.indirect.gather [spmem:s2], $0x80, s15, s24, $0xb8;
	[tilespmem:$0x1B940] =	vst v63  }
0x23d: {  	_ =	swait.ge [sflag:s30], $0x3200  }
0x23e: {  	[sflag:s30] =	ssyncset.done $0x0  }
0x23f: {  	s16 =	rddreg [dreg:$0x1f];
	[sflag:s30] =	ssyncadd.s32 $0xFFFFCE00  }
0x240: {  	[spmem:s3] =	stream.indirect.scatter.add.f32 [tilespmem:s29], [sflag:$0x5], $0x80, s16, s24, $0xb8;
	[tilespmem:$0x1B940] =	vst v63  }
0x241: {  	_ =	swait.ge [sflag:s31], $0x3200  }
0x242: {  	s17 =	sld [smem:$0x7F6]  }
0x243: {  	[sflag:s31] =	ssyncset.done $0x0  }
0x244: {  	[sflag:s31] =	ssyncadd.s32 $0xFFFFCE00  }
0x245: {  	[tilespmem:s29], [sflag:$0x3] =	stream.indirect.gather [spmem:s2], $0x80, s17, s24, $0xb8;
	[tilespmem:$0x1B940] =	vst v63  }
0x246: {  	_ =	swait.ge [sflag:s22], $0x3200  }
0x247: {  	s13 =	sld [smem:$0x7F7]  }
0x248: {  	[sflag:s22] =	ssyncset.done $0x0  }
0x249: {  	[sflag:s22] =	ssyncadd.s32 $0xFFFFCE00  }
0x24a: {  	[spmem:s3] =	stream.indirect.scatter.add.f32 [tilespmem:s25], [sflag:$0x4], $0x80, s13, s24, $0xb8;
	[tilespmem:$0x1B940] =	vst v63  }
0x24b: {  	_ =	swait.ge [sflag:s23], $0x3200  }
0x24c: {  	s14 =	sld [smem:$0x7F8]  }
0x24d: {  	[sflag:s23] =	ssyncset.done $0x0  }
0x24e: {  	[sflag:s23] =	ssyncadd.s32 $0xFFFFCE00  }
0x24f: {  	[tilespmem:s25], [sflag:$0x2] =	stream.indirect.gather [spmem:s2], $0x80, s14, s24, $0xb8;
	[tilespmem:$0x1B940] =	vst v63  }
0x250: {  	_ =	swait.ge [sflag:s30], $0x3200  }
0x251: {  	s15 =	sld [smem:$0x7F9]  }
0x252: {  	[sflag:s30] =	ssyncset.done $0x0  }
0x253: {  	[sflag:s30] =	ssyncadd.s32 $0xFFFFCE00  }
0x254: {  	[spmem:s3] =	stream.indirect.scatter.add.f32 [tilespmem:s29], [sflag:$0x5], $0x80, s15, s24, $0xb8;
	[tilespmem:$0x1B940] =	vst v63  }
0x255: {  	_ =	swait.ge [sflag:s31], $0x3200  }
0x256: {  	s16 =	sld [smem:$0x7FA]  }
0x257: {  	[sflag:s31] =	ssyncset.done $0x0  }
0x258: {  	[sflag:s31] =	ssyncadd.s32 $0xFFFFCE00  }
0x259: {  	[tilespmem:s29], [sflag:$0x3] =	stream.indirect.gather [spmem:s2], $0x80, s16, s24, $0xb8;
	[tilespmem:$0x1B940] =	vst v63  }
0x25a: {  	_ =	swait.ge [sflag:s22], $0x3200  }
0x25b: {  	s17 =	sld [smem:$0x7FB]  }
0x25c: {  	[sflag:s22] =	ssyncset.done $0x0  }
0x25d: {  	[sflag:s22] =	ssyncadd.s32 $0xFFFFCE00  }
0x25e: {  	[spmem:s3] =	stream.indirect.scatter.add.f32 [tilespmem:s25], [sflag:$0x4], $0x80, s17, s24, $0xb8;
	[tilespmem:$0x1B940] =	vst v63  }
0x25f: {  	_ =	swait.ge [sflag:s23], $0x3200  }
0x260: {  	s13 =	sld [smem:$0x7FC]  }
0x261: {  	[sflag:s23] =	ssyncset.done $0x0  }
0x262: {  	[sflag:s23] =	ssyncadd.s32 $0xFFFFCE00  }
0x263: {  	[tilespmem:s25], [sflag:$0x2] =	stream.indirect.gather [spmem:s2], $0x80, s13, s24, $0xb8;
	[tilespmem:$0x1B940] =	vst v63  }
0x264: {  	_ =	swait.ge [sflag:s30], $0x3200  }
0x265: {  	s14 =	sld [smem:$0x7FD]  }
0x266: {  	[sflag:s30] =	ssyncset.done $0x0  }
0x267: {  	[sflag:s30] =	ssyncadd.s32 $0xFFFFCE00  }
0x268: {  	[spmem:s3] =	stream.indirect.scatter.add.f32 [tilespmem:s29], [sflag:$0x5], $0x80, s14, s24, $0xb8;
	[tilespmem:$0x1B940] =	vst v63  }
0x269: {  	_ =	swait.ge [sflag:s31], $0x3200  }
0x26a: {  	[sflag:s31] =	ssyncset.done $0x0  }
0x26b: {  	[sflag:s31] =	ssyncadd.s32 $0xFFFFCE00  }
0x26c: {  	[tilespmem:s29], [sflag:$0x3] =	stream.indirect.gather [spmem:s2], $0x80, s0, s24, $0xb8;
	[tilespmem:$0x1B940] =	vst v63  }
0x26d: {  	_ =	swait.ge [sflag:s22], $0x3200  }
0x26e: {  	[sflag:s22] =	ssyncset.done $0x0  }
0x26f: {  	[sflag:s22] =	ssyncadd.s32 $0xFFFFCE00  }
0x270: {  	[spmem:s3] =	stream.indirect.scatter.add.f32 [tilespmem:s25], [sflag:$0x4], $0x80, s7, s24, $0xb8;
	[tilespmem:$0x1B940] =	vst v63  }
0x271: {  	_ =	swait.ge [sflag:s30], $0x3200  }
0x272: {  	[sflag:s30] =	ssyncset.done $0x0  }
0x273: {  	[sflag:s30] =	ssyncadd.s32 $0xFFFFCE00  }
0x274: {  	[spmem:s3] =	stream.indirect.scatter.add.f32 [tilespmem:s29], [sflag:$0x5], $0x80, s9, s24, $0xb8;
	[tilespmem:$0x1B940] =	vst v63  }
0x275: {  	_ =	swait.ge [sflag:s23], $0x3200  }
0x276: {  	[sflag:s23] =	ssyncset.done $0x0  }
0x277: {  	[sflag:s23] =	ssyncadd.s32 $0xFFFFCE00  }
0x278: {  	_ =	swait.ge [sflag:s1], $0x410  }
0x279: {  	[sflag:s1] =	ssyncset.done $0x0  }
0x27a: {  	[sflag:s1] =	ssyncadd.s32 $0xFFFFFBF0  }
0x27b: {  	_ =	swait.ge [sflag:s1], $0x410  }
0x27c: {  	[sflag:s1] =	ssyncset.done $0x0  }
0x27d: {  	[sflag:s1] =	ssyncadd.s32 $0xFFFFFBF0  }
0x27e: {  	[tilespmem:s25], [sflag:$0x2] =	stream.indirect.gather [spmem:s2], $0x80, s21, s24, $0xb8;
	[tilespmem:$0x1B940] =	vst v63  }
0x27f: {  	_ =	swait.ge [sflag:s31], $0x3200  }
0x280: {  	[sflag:s31] =	ssyncset.done $0x0  }
0x281: {  	[sflag:s31] =	ssyncadd.s32 $0xFFFFCE00  }
0x282: {  	_ =	swait.ge [sflag:s22], $0x3200  }
0x283: {  	[sflag:s22] =	ssyncset.done $0x0  }
0x284: {  	[sflag:s22] =	ssyncadd.s32 $0xFFFFCE00  }
0x285: {  	[bflag:$0x0] =	sbarrier.arrive $0xFFFF  }
0x286: {  	s16 =	sld [smem:$0x7F2];
	_ =	sdelay $0x1  }
0x287: {  	s15 =	sor.u32 $0x1C06, s8  }
0x288: {  	[hbm:s16], [sflag:s15] =	dma.local [spmem:s18], $0x2710  }
0x289: {  	_ =	swait.ge [sflag:s20], $0x2710  }
0x28a: {  	s17 =	sld [smem:$0x7F3];
	_ =	sdelay $0x1  }
0x28b: {  	s10 =	sadd.s32 $0x1, s10  }
0x28c: {  	p0 =	sne.s32 s10, s17  }
.Ltmp1:
0x28d: {  	_ = 	snop;
	(pc) =	sbr.rel @p0 .LBB2_1-.Ltmp1, $3  }
0x28e: {  	_ =	sdelay $0x1  }
0x28f: {  	[sflag:s20] =	ssyncset.done $0x0  }
0x290: {  	[sflag:s20] =	ssyncadd.s32 $0xFFFFD8F0  }
0x291: {  	_ =	sfence.sel $0x180000  }
0x292: {  	[bflag:$0x0] =	sbarrier.arrive $0xFFFF  }
0x293: {  	_ =	strace $0x9000004A  }
0x294: {  	s0 =	stileid.u32;
	[bflag:$0x2] =	sbarrier.arrive $0xFFFF  }
0x295: {  	p0 =	sne.s32 s0, $0x0;
	s0 =	rddreg [dreg:$0x4]  }
0x296: {  	s0 =	sadd.s32 @!p0 $0x100000, s0  }
0x297: {  	[sflag:s0] =	ssyncadd.tile.s32 @!p0 $0x1;
	_ =	shalt  }
.Lfunc_end2:
_tile_overlayer_lowered:
.L_overlay_start_2:
0x298: {  	(tag) =	ssettag $0x2  }
0x299: {  	s0 =	rddreg [dreg:$0x0];
	s2 =	stileid.u32  }
0x29a: {  	s1 =	rddreg [dreg:$0x1];
	p0 =	sne.s32 s2, $0x0  }
0x29b: {  	s3 =	rddreg [dreg:$0x2];
	[bflag:$0x3] =	sbarrier.arrive $0xFFFF;
	s2 =	simm.s32 @!p0 $0x1C06  }
0x29c: {  	[timem:s3], [sflag:s2] =	dma.local @!p0 [hbm:s0], s1  }
0x29d: {  	s0 =	simm.s32 @!p0 $0x6  }
0x29e: {  	_ =	swait.ge @!p0 [sflag:s0], s1  }
0x29f: {  	s1 =	ssub.s32 @!p0 $0x0, s1;
	[sflag:s0] =	ssyncset.done @!p0 $0x0  }
0x2a0: {  	[sflag:s0] =	ssyncadd.s32 @!p0 s1  }
0x2a1: {  	[bflag:$0x3] =	sbarrier.arrive $0xFFFF  }
0x2a2: {  	_ =	shalt  }

// kernel: kernel.7.cloned.1.call-start
scs
__scs_entry_jumppad:
0x0: {  	(pc) =	sbr.rel $0x88, $3  }
0x1: {  	(tag) =	ssettag $0x0;
	lr =	simm.s32 $0x1  }
0x2: {  	[smem:$0x3F95] =	sst lr;
	_ =	strace $0xD0000000  }
0x3: {  	_ = 	snop  }
0x4: {  	_ = 	snop  }
0x5: {  	_ = 	snop  }
0x6: {  	_ = 	snop  }
0x7: {  	_ = 	snop  }
__scs_overlays_trampoline_lowered:
0x8: {  	[smem:$0x3FA4] =	sst s0  }
0x9: {  	[smem:$0x3FA5] =	sst s1  }
0xa: {  	[smem:$0x3FA6] =	sst s2  }
0xb: {  	[smem:$0x3FA7] =	sst s3  }
0xc: {  	[smem:$0x3FA8] =	sst s4  }
0xd: {  	[smem:$0x3FA9] =	sst s5  }
0xe: {  	[smem:$0x3FAA] =	sst s6  }
0xf: {  	[smem:$0x3FAB] =	sst s7  }
0x10: {  	[smem:$0x3FAC] =	sst s8  }
0x11: {  	[smem:$0x3FAD] =	sst s9;
	s0 =	simm.s32 @!p0 $0x0  }
0x12: {  	s1 =	sld [smem:$0x3F93];
	s0 =	simm.s32 @p0 $0x1  }
0x13: {  	[smem:$0x3FAE] =	sst s0;
	s0 =	simm.s32 @!p1 $0x0  }
0x14: {  	s2 =	sld [smem:$0x3F92];
	s0 =	simm.s32 @p1 $0x1  }
0x15: {  	[smem:$0x3FAF] =	sst s0;
	s0 =	simm.s32 @!p2 $0x0  }
0x16: {  	s3 =	sld [smem:$0x3FDB];
	s0 =	simm.s32 @p2 $0x1  }
0x17: {  	s4 =	simm.s32 $0x1BF5;
	[smem:$0x3FB1] =	sst s0  }
0x18: {  	s0 =	sld [smem:$0x3F94];
	_ =	swait.ge [sflag:s4], $0x0  }
0x19: {  	s7 =	sld [smem:$0x3F95]  }
0x1a: {  	s8 =	sadd.s32 $0xFFFFE003, lr  }
0x1b: {  	s9 =	sadd.s32 $0xFFFFFEF7, lr;
	s5 =	simm.s32 $0xFFFFFFFF;
	p2 =	slt.u32 s8, $0xFFFFF086  }
0x1c: {  	p1 =	slt.u32 s9, $0xF7A;
	s5 =	simm.s32 @!p2 $0x0  }
0x1d: {  	s5 =	simm.s32 @p1 $0x1;
	p0 =	seq.s32 s7, s2  }
0x1e: {  	s7 =	smul.u32 @!p0 $0xF7A, s2;
	p2 =	seq.s32 @!p0 s5, $0x0  }
0x1f: {  	s9 =	smul.u32 $0xF7A, s1;
	s8 =	simm.s32 @!p0 $0x1BF5;
	p2 =	por !p2, p0  }
0x20: {  	[sflag:s8] =	ssyncset.s32 @!p0 $0xFFFFF086;
	s6 =	sadd.s32 @!p0 s3, s7;
	s7 =	simm.s32 @!p0 $0x108  }
0x21: {  	s3 =	sadd.s32 s3, s9;
	s6 =	sadd.s32 @!p0 $0x88, s6;
	s7 =	simm.s32 @p2 $0x1082  }
0x22: {  	[simem:s7], [sflag:s8] =	dma.local @!p0 [hbm:s6], $0xF7A  }
0x23: {  	s9 =	sor.u32 $0xD0000000, s2;
	s6 =	simm.s32 $0x108;
	_ =	swait.ge @!p0 [sflag:s8], $0x0  }
0x24: {  	s3 =	sadd.s32 $0x88, s3;
	s6 =	simm.s32 @!p1 $0x1082;
	[sflag:s4] =	ssyncset.s32 $0xFFFFF086  }
0x25: {  	[simem:s6], [sflag:s4] =	dma.local [hbm:s3], $0xF7A  }
0x26: {  	[smem:$0x3F95] =	sst s1;
	(tag) =	ssettag s2;
	_ =	strace s9  }
0x27: {  	s1 =	sld [smem:$0x3FA5]  }
0x28: {  	s2 =	sld [smem:$0x3FA6]  }
0x29: {  	s4 =	sld [smem:$0x3FA8]  }
0x2a: {  	p0 =	seq.s32 s5, $0x0;
	s5 =	sld [smem:$0x3FA9]  }
0x2b: {  	s6 =	sld [smem:$0x3FAA]  }
0x2c: {  	s7 =	sld [smem:$0x3FAB]  }
0x2d: {  	s3 =	simm.s32 $0x108;
	s8 =	sld [smem:$0x3FAC]  }
0x2e: {  	s3 =	simm.s32 @!p0 $0x1082;
	s9 =	sld [smem:$0x3FAD]  }
0x2f: {  	lr =	sadd.s32 s0, s3;
	s0 =	sld [smem:$0x3FA4]  }
0x30: {  	s3 =	sld [smem:$0x3FA7]  }
0x31: {  	[smem:$0x3FB0] =	sst s10  }
0x32: {  	s10 =	sld [smem:$0x3FAE];
	_ =	sdelay $0x3  }
0x33: {  	p0 =	seq.s32 s10, $0x1;
	s10 =	sld [smem:$0x3FB0];
	_ =	sdelay $0x3  }
0x34: {  	[smem:$0x3FB0] =	sst s10  }
0x35: {  	s10 =	sld [smem:$0x3FAF];
	_ =	sdelay $0x3  }
0x36: {  	p1 =	seq.s32 s10, $0x1;
	s10 =	sld [smem:$0x3FB0];
	_ =	sdelay $0x3  }
0x37: {  	[smem:$0x3FB0] =	sst s10  }
0x38: {  	s10 =	sld [smem:$0x3FB1]  }
0x39: {  	_ = 	snop;
	(pc) =	sbr.ind lr, $3  }
0x3a: {  	_ = 	snop  }
0x3b: {  	_ = 	snop  }
0x3c: {  	p2 =	seq.s32 s10, $0x1;
	s10 =	sld [smem:$0x3FB0]  }
0x3d: {  	_ =	shalt  }
0x3e: {  	_ =	shalt  }
0x3f: {  	_ =	shalt  }
0x40: {  	_ =	shalt  }
0x41: {  	_ =	shalt  }
0x42: {  	_ =	shalt  }
0x43: {  	_ =	shalt  }
0x44: {  	_ =	shalt  }
0x45: {  	_ =	shalt  }
0x46: {  	_ =	shalt  }
0x47: {  	_ =	shalt  }
0x48: {  	_ =	shalt  }
0x49: {  	_ =	shalt  }
0x4a: {  	_ =	shalt  }
0x4b: {  	_ =	shalt  }
0x4c: {  	_ =	shalt  }
0x4d: {  	_ =	shalt  }
0x4e: {  	_ =	shalt  }
0x4f: {  	_ =	shalt  }
0x50: {  	_ =	shalt  }
0x51: {  	_ =	shalt  }
0x52: {  	_ =	shalt  }
0x53: {  	_ =	shalt  }
0x54: {  	_ =	shalt  }
0x55: {  	_ =	shalt  }
0x56: {  	_ =	shalt  }
0x57: {  	_ =	shalt  }
0x58: {  	_ =	shalt  }
0x59: {  	_ =	shalt  }
0x5a: {  	_ =	shalt  }
0x5b: {  	_ =	shalt  }
0x5c: {  	_ =	shalt  }
0x5d: {  	_ =	shalt  }
0x5e: {  	_ =	shalt  }
0x5f: {  	_ =	shalt  }
0x60: {  	_ =	shalt  }
0x61: {  	_ =	shalt  }
0x62: {  	_ =	shalt  }
0x63: {  	_ =	shalt  }
0x64: {  	_ =	shalt  }
0x65: {  	_ =	shalt  }
0x66: {  	_ =	shalt  }
0x67: {  	_ =	shalt  }
0x68: {  	_ =	shalt  }
0x69: {  	_ =	shalt  }
0x6a: {  	_ =	shalt  }
0x6b: {  	_ =	shalt  }
0x6c: {  	_ =	shalt  }
0x6d: {  	_ =	shalt  }
0x6e: {  	_ =	shalt  }
0x6f: {  	_ =	shalt  }
0x70: {  	_ =	shalt  }
0x71: {  	_ =	shalt  }
0x72: {  	_ =	shalt  }
0x73: {  	_ =	shalt  }
0x74: {  	_ =	shalt  }
0x75: {  	_ =	shalt  }
0x76: {  	_ =	shalt  }
0x77: {  	_ =	shalt  }
0x78: {  	_ =	shalt  }
0x79: {  	_ =	shalt  }
0x7a: {  	_ =	shalt  }
0x7b: {  	_ =	shalt  }
0x7c: {  	_ =	shalt  }
0x7d: {  	_ =	shalt  }
0x7e: {  	_ =	shalt  }
0x7f: {  	_ =	shalt  }
0x80: {  	_ =	shalt  }
0x81: {  	_ =	shalt  }
0x82: {  	_ =	shalt  }
0x83: {  	_ =	shalt  }
0x84: {  	_ =	shalt  }
0x85: {  	_ =	shalt  }
0x86: {  	_ =	shalt  }
0x87: {  	_ =	shalt  }
.Lfunc_end0:
.L_simem_size_0:
called_computation_lowered:
.L_overlay_start_0:
0x88: {  	s2 =	sld [smem:$0x3FD9]  }
0x89: {  	s3 =	sld [smem:$0x3FFE];
	_ =	sdelay $0x1  }
0x8a: {  	s1 =	srdreg.scid  }
0x8b: {  	s0 =	sand.u32 $0x1, s1  }
0x8c: {  	s17 =	sshll.u32 s0, $0xA;
	s2 =	sadd.s32 s3, s2  }
0x8d: {  	s2 =	sadd.s32 s2, s17  }
0x8e: {  	[smem:$0x3FBC] =	sst s2  }
0x8f: {  	_ = 	snop  }
0x90: {  	s2 =	sld [smem:$0x3FD0];
	(tm) =	ssettm $0x1  }
0x91: {  	s18 =	sld [smem:$0x3FFB];
	_ =	sdelay $0x3  }
0x92: {  	_ =	strace s18  }
0x93: {  	s3 =	sld [smem:$0x3FFC];
	_ =	sdelay $0x3  }
0x94: {  	_ =	strace s3  }
0x95: {  	s3 =	sld [smem:$0x3FFD];
	_ =	sdelay $0x3  }
0x96: {  	_ =	strace s3  }
0x97: {  	_ =	strace $0x8FFFFFFF  }
0x98: {  	s19 =	sld [smem:$0x3FDB];
	_ =	sdelay $0x1  }
0x99: {  	s4 =	simm.s32 $_scs_section_size  }
0x9a: {  	s5 =	simm.s32 $_size__tile_overlayer_lowered;
	s6 =	simm.s32 $_tile_overlayer_lowered  }
0x9b: {  	s22 =	simm.s32 $0x1BFF;
	s21 =	sshll.u32 s6, $0x1;
	s3 =	sadd.s32 s4, s19  }
0x9c: {  	s7 =	simm.s32 $0x0;
	s20 =	sshll.u32 s5, $0x1;
	s5 =	sadd.s32 s21, s3  }
0x9d: {  	[timem:s7], [sflag:s22] =	dma.local [hbm:s5], s20  }
0x9e: {  	_ =	swait.ge [sflag:s22], s20  }
0x9f: {  	s4 =	ssub.s32 $0x0, s20;
	[sflag:s22] =	ssyncset.done $0x0  }
0xa0: {  	[sflag:s22] =	ssyncadd.s32 s4;
	_ =	sdelay $0x1  }
0xa1: {  	s23 =	simm.s32 $0x1B8B  }
0xa2: {  	_ =	swait.ge [sflag:s23], $0x1  }
0xa3: {  	[sflag:s23] =	ssyncset.done $0x0  }
0xa4: {  	s25 =	simm.s32 $0x1B8E;
	s24 =	sld [smem:$0x3FFE];
	[sflag:s23] =	ssyncadd.s32 $0xFFFFFFFF  }
0xa5: {  	s26 =	simm.s32 $execute0_lowered;
	[smem:$0x3FD2] =	sst s25  }
0xa6: {  	s5 =	sshll.u32 s26, $0x1;
	_ =	strace $0x80000046;
	[dreg:$0x1] =	wrdreg $0xFFFFFFFF  }
0xa7: {  	s28 =	simm.s32 $_size_execute0_lowered;
	s3 =	sadd.s32 s3, s5;
	[dreg:$0x0] =	wrdreg $0x0  }
0xa8: {  	s5 =	sshll.u32 s28, $0x1;
	[dreg:$0x2] =	wrdreg s3  }
0xa9: {  	[dreg:$0x3] =	wrdreg s5  }
0xaa: {  	[dreg:$0x4] =	wrdreg $0xC0  }
0xab: {  	_ =	task [dreg:s7], $0x5FFFF  }
0xac: {  	[dreg:$0x1] =	wrdreg $0xFFFFFFFF  }
0xad: {  	[dreg:$0x0] =	wrdreg $0x60  }
0xae: {  	[dreg:$0x2] =	wrdreg s2  }
0xaf: {  	[dreg:$0x3] =	wrdreg s24  }
0xb0: {  	[dreg:$0x4] =	wrdreg $0x0  }
0xb1: {  	[dreg:$0x5] =	wrdreg $0x15F900  }
0xb2: {  	[dreg:$0x6] =	wrdreg $0x9  }
0xb3: {  	_ =	task.clear_ibuf [dreg:s7], $0x7FFFF;
	_ =	strace $0x90000046  }
0xb4: {  	s29 =	simm.s32 $0x9;
	_ =	strace $0x80000048  }
0xb5: {  	_ =	swait.ge [sflag:s29], $0x1  }
0xb6: {  	[sflag:s29] =	ssyncadd.s32 $0xFFFFFFFF  }
0xb7: {  	_ =	strace $0x90000048  }
0xb8: {  	_ =	sfence  }
0xb9: {  	s30 =	sld [smem:$0x0];
	_ =	sdelay $0x2  }
0xba: {  	s31 =	sshll.u32 s1, $0xD;
	s1 =	sshrl.u32 s1, $0x2  }
0xbb: {  	s3 =	sand.u32 $0x4000, s31;
	s1 =	sadd.s32 s1, s30  }
0xbc: {  	s0 =	sor.u32 s3, s0;
	s1 =	sshll.u32 s1, $0x11  }
0xbd: {  	s0 =	sor.u32 s1, s0  }
0xbe: {  	s0 =	sadd.s32 $0x8F2B, s0  }
0xbf: {  	[sflag:s0] =	ssyncadd.remote.s32 $0x1  }
0xc0: {  	_ =	sfence.sel $0xFFFF  }
0xc1: {  	[dreg:$0x0] =	wrdreg $0xFFFFFFFF;
	(pc) =	sbr.abs _section_cstart, $3  }
0xc2: {  	[dreg:$0x1] =	wrdreg $0xFFFFFFFF  }
0xc3: {  	_ =	task.clear_ibuf [dreg:s7], $0x2FFFF;
	_ =	strace $0x9FFFFFFF  }
0xc4: {  	(tm) =	ssettm $0x7FFFFFFF  }
0xc5: {  	_ =	shalt  }
tec
execute0_lowered:
.L_overlay_start_1:
0x0: {  	(tag) =	ssettag $0x1  }
0x1: {  	s0 =	srdreg.scid;
	s15 =	stileid.u32  }
0x2: {  	s1 =	rddreg [dreg:$0x0];
	s0 =	sand.u32 $0x1, s0;
	s5 =	smul.u32 $0x5140, s15  }
0x3: {  	s2 =	rddreg [dreg:$0x1];
	s6 =	smul.u32 $0x28A0, s0  }
0x4: {  	s3 =	rddreg [dreg:$0x2]  }
0x5: {  	s4 =	rddreg [dreg:$0x3];
	s6 =	sadd.s32 s6, s5;
	s5 =	simm.s32 $0x0  }
0x6: {  	s13 =	simm.s32 $0x16E08;
	[smem:$0x7FF] =	sst s5  }
0x7: {  	s14 =	simm.s32 $0x16E70;
	_ =	strace $0x80000047;
	[dreg:$0x8] =	wrdreg s13  }
0x8: {  	s16 =	simm.s32 $0x17628;
	[dreg:$0x9] =	wrdreg s14  }
0x9: {  	s17 =	simm.s32 $0x17E48;
	[dreg:$0xa] =	wrdreg s16  }
0xa: {  	s18 =	simm.s32 $0x16ED8;
	[dreg:$0xb] =	wrdreg s17  }
0xb: {  	s19 =	simm.s32 $0x17690;
	[dreg:$0xc] =	wrdreg s18  }
0xc: {  	s20 =	simm.s32 $0x17EB0;
	[dreg:$0xd] =	wrdreg s19  }
0xd: {  	s21 =	simm.s32 $0x16F40;
	[dreg:$0xe] =	wrdreg s20  }
0xe: {  	s22 =	simm.s32 $0x176F8;
	[dreg:$0xf] =	wrdreg s21  }
0xf: {  	s23 =	simm.s32 $0x17F18;
	[dreg:$0x10] =	wrdreg s22  }
0x10: {  	s24 =	simm.s32 $0x16FA8;
	[dreg:$0x11] =	wrdreg s23  }
0x11: {  	s25 =	simm.s32 $0x17760;
	[dreg:$0x12] =	wrdreg s24  }
0x12: {  	s26 =	simm.s32 $0x17F80;
	[dreg:$0x13] =	wrdreg s25  }
0x13: {  	s10 =	simm.s32 $0x177C8;
	[dreg:$0x14] =	wrdreg s26  }
0x14: {  	s11 =	simm.s32 $0x17FE8;
	[dreg:$0x16] =	wrdreg s10  }
0x15: {  	[dreg:$0x17] =	wrdreg s11;
	s13 =	simm.s32 $0x17830  }
0x16: {  	s14 =	simm.s32 $0x18050;
	[dreg:$0x19] =	wrdreg s13  }
0x17: {  	s16 =	simm.s32 $0x170E0;
	[dreg:$0x1a] =	wrdreg s14  }
0x18: {  	s17 =	simm.s32 $0x17898;
	[dreg:$0x1b] =	wrdreg s16  }
0x19: {  	s18 =	simm.s32 $0x180B8;
	[dreg:$0x1c] =	wrdreg s17  }
0x1a: {  	s19 =	simm.s32 $0x17148;
	[dreg:$0x1d] =	wrdreg s18  }
0x1b: {  	s20 =	simm.s32 $0x17900;
	[dreg:$0x1e] =	wrdreg s19  }
0x1c: {  	s21 =	simm.s32 $0x18120;
	[dreg:$0x1f] =	wrdreg s20  }
0x1d: {  	s22 =	simm.s32 $0x17968;
	[smem:$0x7D3] =	sst s21  }
0x1e: {  	s23 =	simm.s32 $0x18188;
	[smem:$0x7D4] =	sst s22  }
0x1f: {  	s7 =	sadd.s32 $0x410, s6;
	s24 =	simm.s32 $0x17218;
	[smem:$0x7D5] =	sst s23  }
0x20: {  	s6 =	sadd.s32 $0xCE00, s2;
	s25 =	simm.s32 $0x17280;
	[smem:$0x7D6] =	sst s24  }
0x21: {  	s8 =	sshrl.u32 s7, $0x3;
	s26 =	simm.s32 $0x17A38;
	[smem:$0x7D7] =	sst s25  }
0x22: {  	s7 =	sadd.s32 $0x2A00, s2;
	s9 =	sadd.s32 s8, s6;
	[smem:$0x7D8] =	sst s26  }
0x23: {  	s12 =	sadd.s32 s8, s7;
	[dreg:$0x5] =	wrdreg s9  }
0x24: {  	s8 =	sadd.s32 s8, s1;
	[dreg:$0x6] =	wrdreg s12  }
0x25: {  	s14 =	simm.s32 $0x18258;
	[dreg:$0x7] =	wrdreg s8  }
0x26: {  	s17 =	simm.s32 $0x172E8;
	[smem:$0x7D9] =	sst s14  }
0x27: {  	s19 =	simm.s32 $0x17AA0;
	[smem:$0x7DA] =	sst s17  }
0x28: {  	s28 =	simm.s32 $0x6;
	s20 =	simm.s32 $0x182C0;
	[smem:$0x7DB] =	sst s19  }
0x29: {  	s29 =	simm.s32 $0x64;
	s21 =	simm.s32 $0x17350;
	[smem:$0x7DC] =	sst s20  }
0x2a: {  	s30 =	simm.s32 $0x18600;
	s23 =	simm.s32 $0x17B08;
	[smem:$0x7DD] =	sst s21  }
0x2b: {  	s31 =	simm.s32 $0x171B0;
	s24 =	simm.s32 $0x18328;
	[smem:$0x7DE] =	sst s23  }
0x2c: {  	s10 =	smul.u32 $0x15F90, s15;
	s25 =	simm.s32 $0x173B8;
	[smem:$0x7E0] =	sst s24  }
0x2d: {  	s11 =	smul.u32 $0x15F900, s0;
	s16 =	sadd.s32 $0x91400, s2;
	[smem:$0x7E1] =	sst s25  }
0x2e: {  	s13 =	smul.u32 $0xE100, s0;
	s26 =	simm.s32 $0x17B70;
	[smem:$0x7E2] =	sst s16  }
0x2f: {  	s18 =	ssub.s32 $0x2, s0;
	s9 =	simm.s32 $0x17010;
	[smem:$0x7E4] =	sst s26  }
0x30: {  	s22 =	sshll.u32 s15, $0x1;
	s12 =	simm.s32 $0x17078;
	[dreg:$0x15] =	wrdreg s9  }
0x31: {  	s8 =	sadd.s32 $0x65400, s2;
	s17 =	sadd.s32 s10, s3;
	[dreg:$0x18] =	wrdreg s12  }
0x32: {  	s11 =	sadd.s32 s10, s11;
	s20 =	simm.s32 $0x17BD8;
	[smem:$0x7DF] =	sst s17  }
0x33: {  	s14 =	sshrl.u32 s18, $0x1;
	s23 =	simm.s32 $0x17488;
	[smem:$0x7E8] =	sst s20  }
0x34: {  	s10 =	sshrl.u32 s10, $0x3;
	s25 =	simm.s32 $0x17C40;
	[smem:$0x7EC] =	sst s23  }
0x35: {  	s11 =	sshrl.u32 s11, $0x3;
	s10 =	sadd.s32 s16, s10;
	[smem:$0x7EE] =	sst s25  }
0x36: {  	s12 =	smul.u32 $0xE10, s15;
	s17 =	simm.s32 $0x18390;
	[smem:$0x7E3] =	sst s10  }
0x37: {  	s16 =	sshll.u32 s15, $0x6;
	s25 =	simm.s32 $0x17D78;
	[smem:$0x7E5] =	sst s17  }
0x38: {  	s20 =	smul.u32 $0xC8, s15;
	s9 =	simm.s32 $0x2;
	[smem:$0x7FB] =	sst s25  }
0x39: {  	s11 =	sadd.s32 s11, s2;
	s19 =	sor.u32 $0x1C04, s16;
	[smem:$0x7FD] =	sst s16  }
0x3a: {  	s13 =	sadd.s32 s12, s13;
	[smem:$0x7E6] =	sst s19;
	s12 =	sadd.s32 s12, s4  }
0x3b: {  	s15 =	simm.s32 $0x1;
	s17 =	sadd.s32 $0xC0E00, s11;
	[smem:$0x7E9] =	sst s12  }
0x3c: {  	s19 =	simm.s32 $0x184C8;
	s13 =	sshrl.u32 s13, $0x3;
	[smem:$0x7F1] =	sst s17  }
0x3d: {  	s12 =	simm.s32 $0x18460;
	[smem:$0x7F5] =	sst s19;
	s2 =	sadd.s32 s13, s2  }
0x3e: {  	s13 =	ssub.s32 s18, s14;
	s18 =	simm.s32 $0x17420;
	[smem:$0x7F0] =	sst s12  }
0x3f: {  	s14 =	sor.u32 s0, s22;
	s22 =	simm.s32 $0x183F8;
	[smem:$0x7E7] =	sst s18  }
0x40: {  	s21 =	smul.u32 $0x514, s14;
	[smem:$0x7EA] =	sst s22;
	s14 =	simm.s32 $0x174F0  }
0x41: {  	s25 =	simm.s32 $0x17DE0;
	s2 =	sadd.s32 $0xBD400, s2;
	[smem:$0x7F2] =	sst s14  }
0x42: {  	s11 =	simm.s32 $0x3;
	s18 =	simm.s32 $0x17CA8;
	[smem:$0x7F3] =	sst s2  }
0x43: {  	s0 =	smul.u32 $0x64, s0;
	s23 =	smax.u32 s13, $0x1;
	[smem:$0x7F4] =	sst s18  }
0x44: {  	s17 =	simm.s32 $0x0;
	s22 =	simm.s32 $0x17D10;
	[smem:$0x7F7] =	sst s23  }
0x45: {  	s13 =	simm.s32 $0x5;
	[smem:$0x7F8] =	sst s22;
	s0 =	sadd.s32 s0, s20  }
0x46: {  	s22 =	simm.s32 $0x16DA0;
	s24 =	sadd.s32 s1, s21;
	[smem:$0x7F9] =	sst s0  }
0x47: {  	s23 =	simm.s32 $0x8;
	s26 =	sadd.s32 s7, s21;
	[smem:$0x7EB] =	sst s24  }
0x48: {  	s2 =	simm.s32 $0x179D0;
	s10 =	sadd.s32 s6, s21;
	[smem:$0x7ED] =	sst s26  }
0x49: {  	s14 =	simm.s32 $0x7;
	s21 =	simm.s32 $0x17558;
	[smem:$0x7EF] =	sst s10  }
0x4a: {  	s0 =	simm.s32 $0x181F0;
	[smem:$0x7F6] =	sst s21;
	s24 =	simm.s32 $0x18530  }
0x4b: {  	s26 =	simm.s32 $0x18598;
	s10 =	simm.s32 $0x1BE40;
	[smem:$0x7FA] =	sst s24  }
0x4c: {  	s24 =	simm.s32 $0x175C0;
	[smem:$0x7FC] =	sst s26;
	s26 =	simm.s32 $0x4  }
.LBB2_1:
0x4d: {  	s12 =	sld [smem:$0x7DF]  }
0x4e: {  	s20 =	sld [smem:$0x7E3]  }
0x4f: {  	s21 =	sld [smem:$0x7E6]  }
0x50: {  	[smem:$0x7D0] =	sst s17;
	s18 =	sshrl.u32 s12, $0x3  }
0x51: {  	[smem:$0x7D1] =	sst s18  }
0x52: {  	[spmem:s18], [sflag:s21] =	dma.local [hbm:s20], $0x2BF2  }
0x53: {  	s19 =	sld [smem:$0x7E9];
	_ =	sdelay $0x1  }
0x54: {  	s21 =	sld [smem:$0x7E2]  }
0x55: {  	s20 =	sshrl.u32 s19, $0x3  }
0x56: {  	s18 =	sor.u32 $0x1C06, s16;
	[smem:$0x7D2] =	sst s20  }
0x57: {  	[spmem:s20], [sflag:s18] =	dma.local [hbm:s21], $0x1C2  }
0x58: {  	s12 =	sld [smem:$0x7EB];
	_ =	sdelay $0x2  }
0x59: {  	[tilespmem:s22], [sflag:$0x8] =	stream.linear.gather [hbm4b:s12+s5], $0x410, $0x38;
	[tilespmem:$0x1F680] =	vst v63  }
0x5a: {  	_ =	swait.ge [sflag:s23], $0x410  }
0x5b: {  	s16 =	sld [smem:$0x7ED]  }
0x5c: {  	[sflag:s23] =	ssyncset.done $0x0  }
0x5d: {  	[sflag:s23] =	ssyncadd.s32 $0xFFFFFBF0  }
0x5e: {  	[tilespmem:s24], [sflag:$0x8] =	stream.linear.gather [hbm4b:s16+s5], $0x410, $0x38;
	[tilespmem:$0x1F680] =	vst v63  }
0x5f: {  	_ =	swait.ge [sflag:s23], $0x410  }
0x60: {  	s17 =	sld [smem:$0x7EF]  }
0x61: {  	[sflag:s23] =	ssyncset.done $0x0  }
0x62: {  	[sflag:s23] =	ssyncadd.s32 $0xFFFFFBF0  }
0x63: {  	[tilespmem:s25], [sflag:$0x8] =	stream.linear.gather [hbm4b:s17+s5], $0x410, $0x38;
	[tilespmem:$0x1F680] =	vst v63  }
0x64: {  	_ =	swait.ge [sflag:s23], $0x410  }
0x65: {  	[sflag:s23] =	ssyncset.done $0x0  }
0x66: {  	[sflag:s23] =	ssyncadd.s32 $0xFFFFFBF0  }
0x67: {  	_ =	swait.ge [sflag:s26], $0x2BF2  }
0x68: {  	[sflag:s26] =	ssyncset.done $0x0  }
0x69: {  	[sflag:s26] =	ssyncadd.s32 $0xFFFFD40E  }
0x6a: {  	_ =	swait.ge [sflag:s28], $0x1C2  }
0x6b: {  	[sflag:s28] =	ssyncset.done $0x0  }
0x6c: {  	[sflag:s28] =	ssyncadd.s32 $0xFFFFFE3E  }
0x6d: {  	[bflag:$0x0] =	sbarrier.arrive $0xFFFF  }
0x6e: {  	s18 =	rddreg [dreg:$0x7]  }
0x6f: {  	[tilespmem:s30], [sflag:$0x2] =	stream.indirect.gather [hbm4b:s8+s29], $0x90, s22, s29, $0xb8;
	[tilespmem:$0x1F680] =	vst v63  }
0x70: {  	s19 =	rddreg [dreg:$0x6];
	s12 =	sadd.s32 $0x0, s18  }
0x71: {  	[tilespmem:s31], [sflag:$0x1] =	stream.linear.gather [hbm4b:s12+s5], $0x410, $0x38;
	[tilespmem:$0x1F680] =	vst v63  }
0x72: {  	s20 =	rddreg [dreg:$0x5];
	s19 =	sadd.s32 $0x0, s19  }
0x73: {  	[tilespmem:s2], [sflag:$0x1] =	stream.linear.gather [hbm4b:s19+s5], $0x410, $0x38;
	[tilespmem:$0x1F680] =	vst v63  }
0x74: {  	s20 =	sadd.s32 $0x0, s20  }
0x75: {  	[tilespmem:s0], [sflag:$0x1] =	stream.linear.gather [hbm4b:s20+s5], $0x410, $0x38;
	[tilespmem:$0x1F680] =	vst v63  }
0x76: {  	s21 =	rddreg [dreg:$0x8]  }
0x77: {  	[tilespmem:s10], [sflag:$0x3] =	stream.indirect.gather [hbm4b:s8+s29], $0x90, s21, s29, $0xb8;
	[tilespmem:$0x1F680] =	vst v63  }
0x78: {  	_ =	swait.ge [sflag:s9], $0x3840  }
0x79: {  	[sflag:s9] =	ssyncset.done $0x0  }
0x7a: {  	[sflag:s9] =	ssyncadd.s32 $0xFFFFC7C0  }
0x7b: {  	[spmem:s3] =	stream.indirect.scatter.add.f32 [tilespmem:s30], [sflag:$0x4], $0x90, s24, s29, $0xb8;
	[tilespmem:$0x1F680] =	vst v63  }
0x7c: {  	_ = 	snop  }
0x7d: {  	[spmem:s4] =	stream.indirect.scatter.add.f32 [tilespmem:s30], [sflag:$0x6], $0x90, s25, s29, $0xb8;
	[tilespmem:$0x1F680] =	vst v63  }
0x7e: {  	_ =	swait.ge [sflag:s26], $0x3840  }
0x7f: {  	[sflag:s26] =	ssyncset.done $0x0  }
0x80: {  	[sflag:s26] =	ssyncadd.s32 $0xFFFFC7C0  }
0x81: {  	_ =	swait.ge [sflag:s28], $0x3840  }
0x82: {  	[sflag:s28] =	ssyncset.done $0x0  }
0x83: {  	s16 =	rddreg [dreg:$0x9];
	[sflag:s28] =	ssyncadd.s32 $0xFFFFC7C0  }
0x84: {  	[tilespmem:s30], [sflag:$0x2] =	stream.indirect.gather [hbm4b:s8+s29], $0x90, s16, s29, $0xb8;
	[tilespmem:$0x1F680] =	vst v63  }
0x85: {  	_ =	swait.ge [sflag:s11], $0x3840  }
0x86: {  	[sflag:s11] =	ssyncset.done $0x0  }
0x87: {  	s17 =	rddreg [dreg:$0xa];
	[sflag:s11] =	ssyncadd.s32 $0xFFFFC7C0  }
0x88: {  	[spmem:s3] =	stream.indirect.scatter.add.f32 [tilespmem:s10], [sflag:$0x5], $0x90, s17, s29, $0xb8;
	[tilespmem:$0x1F680] =	vst v63  }
0x89: {  	s18 =	rddreg [dreg:$0xb]  }
0x8a: {  	[spmem:s4] =	stream.indirect.scatter.add.f32 [tilespmem:s10], [sflag:$0x7], $0x90, s18, s29, $0xb8;
	[tilespmem:$0x1F680] =	vst v63  }
0x8b: {  	_ =	swait.ge [sflag:s13], $0x3840  }
0x8c: {  	[sflag:s13] =	ssyncset.done $0x0  }
0x8d: {  	[sflag:s13] =	ssyncadd.s32 $0xFFFFC7C0  }
0x8e: {  	_ =	swait.ge [sflag:s14], $0x3840  }
0x8f: {  	[sflag:s14] =	ssyncset.done $0x0  }
0x90: {  	s19 =	rddreg [dreg:$0xc];
	[sflag:s14] =	ssyncadd.s32 $0xFFFFC7C0  }
0x91: {  	[tilespmem:s10], [sflag:$0x3] =	stream.indirect.gather [hbm4b:s8+s29], $0x90, s19, s29, $0xb8;
	[tilespmem:$0x1F680] =	vst v63  }
0x92: {  	_ =	swait.ge [sflag:s9], $0x3840  }
0x93: {  	[sflag:s9] =	ssyncset.done $0x0  }
0x94: {  	s20 =	rddreg [dreg:$0xd];
	[sflag:s9] =	ssyncadd.s32 $0xFFFFC7C0  }
0x95: {  	[spmem:s3] =	stream.indirect.scatter.add.f32 [tilespmem:s30], [sflag:$0x4], $0x90, s20, s29, $0xb8;
	[tilespmem:$0x1F680] =	vst v63  }
0x96: {  	s21 =	rddreg [dreg:$0xe]  }
0x97: {  	[spmem:s4] =	stream.indirect.scatter.add.f32 [tilespmem:s30], [sflag:$0x6], $0x90, s21, s29, $0xb8;
	[tilespmem:$0x1F680] =	vst v63  }
0x98: {  	_ =	swait.ge [sflag:s26], $0x3840  }
0x99: {  	[sflag:s26] =	ssyncset.done $0x0  }
0x9a: {  	[sflag:s26] =	ssyncadd.s32 $0xFFFFC7C0  }
0x9b: {  	_ =	swait.ge [sflag:s28], $0x3840  }
0x9c: {  	[sflag:s28] =	ssyncset.done $0x0  }
0x9d: {  	s16 =	rddreg [dreg:$0xf];
	[sflag:s28] =	ssyncadd.s32 $0xFFFFC7C0  }
0x9e: {  	[tilespmem:s30], [sflag:$0x2] =	stream.indirect.gather [hbm4b:s8+s29], $0x90, s16, s29, $0xb8;
	[tilespmem:$0x1F680] =	vst v63  }
0x9f: {  	_ =	swait.ge [sflag:s11], $0x3840  }
0xa0: {  	[sflag:s11] =	ssyncset.done $0x0  }
0xa1: {  	s17 =	rddreg [dreg:$0x10];
	[sflag:s11] =	ssyncadd.s32 $0xFFFFC7C0  }
0xa2: {  	[spmem:s3] =	stream.indirect.scatter.add.f32 [tilespmem:s10], [sflag:$0x5], $0x90, s17, s29, $0xb8;
	[tilespmem:$0x1F680] =	vst v63  }
0xa3: {  	s18 =	rddreg [dreg:$0x11]  }
0xa4: {  	[spmem:s4] =	stream.indirect.scatter.add.f32 [tilespmem:s10], [sflag:$0x7], $0x90, s18, s29, $0xb8;
	[tilespmem:$0x1F680] =	vst v63  }
0xa5: {  	_ =	swait.ge [sflag:s13], $0x3840  }
0xa6: {  	[sflag:s13] =	ssyncset.done $0x0  }
0xa7: {  	[sflag:s13] =	ssyncadd.s32 $0xFFFFC7C0  }
0xa8: {  	_ =	swait.ge [sflag:s14], $0x3840  }
0xa9: {  	[sflag:s14] =	ssyncset.done $0x0  }
0xaa: {  	s19 =	rddreg [dreg:$0x12];
	[sflag:s14] =	ssyncadd.s32 $0xFFFFC7C0  }
0xab: {  	[tilespmem:s10], [sflag:$0x3] =	stream.indirect.gather [hbm4b:s8+s29], $0x90, s19, s29, $0xb8;
	[tilespmem:$0x1F680] =	vst v63  }
0xac: {  	_ =	swait.ge [sflag:s9], $0x3840  }
0xad: {  	[sflag:s9] =	ssyncset.done $0x0  }
0xae: {  	s20 =	rddreg [dreg:$0x13];
	[sflag:s9] =	ssyncadd.s32 $0xFFFFC7C0  }
0xaf: {  	[spmem:s3] =	stream.indirect.scatter.add.f32 [tilespmem:s30], [sflag:$0x4], $0x90, s20, s29, $0xb8;
	[tilespmem:$0x1F680] =	vst v63  }
0xb0: {  	s21 =	rddreg [dreg:$0x14]  }
0xb1: {  	[spmem:s4] =	stream.indirect.scatter.add.f32 [tilespmem:s30], [sflag:$0x6], $0x90, s21, s29, $0xb8;
	[tilespmem:$0x1F680] =	vst v63  }
0xb2: {  	_ =	swait.ge [sflag:s26], $0x3840  }
0xb3: {  	[sflag:s26] =	ssyncset.done $0x0  }
0xb4: {  	[sflag:s26] =	ssyncadd.s32 $0xFFFFC7C0  }
0xb5: {  	_ =	swait.ge [sflag:s28], $0x3840  }
0xb6: {  	[sflag:s28] =	ssyncset.done $0x0  }
0xb7: {  	s16 =	rddreg [dreg:$0x15];
	[sflag:s28] =	ssyncadd.s32 $0xFFFFC7C0  }
0xb8: {  	[tilespmem:s30], [sflag:$0x2] =	stream.indirect.gather [hbm4b:s8+s29], $0x90, s16, s29, $0xb8;
	[tilespmem:$0x1F680] =	vst v63  }
0xb9: {  	_ =	swait.ge [sflag:s11], $0x3840  }
0xba: {  	[sflag:s11] =	ssyncset.done $0x0  }
0xbb: {  	s17 =	rddreg [dreg:$0x16];
	[sflag:s11] =	ssyncadd.s32 $0xFFFFC7C0  }
0xbc: {  	[spmem:s3] =	stream.indirect.scatter.add.f32 [tilespmem:s10], [sflag:$0x5], $0x90, s17, s29, $0xb8;
	[tilespmem:$0x1F680] =	vst v63  }
0xbd: {  	s18 =	rddreg [dreg:$0x17]  }
0xbe: {  	[spmem:s4] =	stream.indirect.scatter.add.f32 [tilespmem:s10], [sflag:$0x7], $0x90, s18, s29, $0xb8;
	[tilespmem:$0x1F680] =	vst v63  }
0xbf: {  	_ =	swait.ge [sflag:s13], $0x3840  }
0xc0: {  	[sflag:s13] =	ssyncset.done $0x0  }
0xc1: {  	[sflag:s13] =	ssyncadd.s32 $0xFFFFC7C0  }
0xc2: {  	_ =	swait.ge [sflag:s14], $0x3840  }
0xc3: {  	[sflag:s14] =	ssyncset.done $0x0  }
0xc4: {  	s19 =	rddreg [dreg:$0x18];
	[sflag:s14] =	ssyncadd.s32 $0xFFFFC7C0  }
0xc5: {  	[tilespmem:s10], [sflag:$0x3] =	stream.indirect.gather [hbm4b:s8+s29], $0x90, s19, s29, $0xb8;
	[tilespmem:$0x1F680] =	vst v63  }
0xc6: {  	_ =	swait.ge [sflag:s9], $0x3840  }
0xc7: {  	[sflag:s9] =	ssyncset.done $0x0  }
0xc8: {  	s20 =	rddreg [dreg:$0x19];
	[sflag:s9] =	ssyncadd.s32 $0xFFFFC7C0  }
0xc9: {  	[spmem:s3] =	stream.indirect.scatter.add.f32 [tilespmem:s30], [sflag:$0x4], $0x90, s20, s29, $0xb8;
	[tilespmem:$0x1F680] =	vst v63  }
0xca: {  	s21 =	rddreg [dreg:$0x1a]  }
0xcb: {  	[spmem:s4] =	stream.indirect.scatter.add.f32 [tilespmem:s30], [sflag:$0x6], $0x90, s21, s29, $0xb8;
	[tilespmem:$0x1F680] =	vst v63  }
0xcc: {  	_ =	swait.ge [sflag:s26], $0x3840  }
0xcd: {  	[sflag:s26] =	ssyncset.done $0x0  }
0xce: {  	[sflag:s26] =	ssyncadd.s32 $0xFFFFC7C0  }
0xcf: {  	_ =	swait.ge [sflag:s28], $0x3840  }
0xd0: {  	[sflag:s28] =	ssyncset.done $0x0  }
0xd1: {  	s16 =	rddreg [dreg:$0x1b];
	[sflag:s28] =	ssyncadd.s32 $0xFFFFC7C0  }
0xd2: {  	[tilespmem:s30], [sflag:$0x2] =	stream.indirect.gather [hbm4b:s8+s29], $0x90, s16, s29, $0xb8;
	[tilespmem:$0x1F680] =	vst v63  }
0xd3: {  	_ =	swait.ge [sflag:s11], $0x3840  }
0xd4: {  	[sflag:s11] =	ssyncset.done $0x0  }
0xd5: {  	s17 =	rddreg [dreg:$0x1c];
	[sflag:s11] =	ssyncadd.s32 $0xFFFFC7C0  }
0xd6: {  	[spmem:s3] =	stream.indirect.scatter.add.f32 [tilespmem:s10], [sflag:$0x5], $0x90, s17, s29, $0xb8;
	[tilespmem:$0x1F680] =	vst v63  }
0xd7: {  	s18 =	rddreg [dreg:$0x1d]  }
0xd8: {  	[spmem:s4] =	stream.indirect.scatter.add.f32 [tilespmem:s10], [sflag:$0x7], $0x90, s18, s29, $0xb8;
	[tilespmem:$0x1F680] =	vst v63  }
0xd9: {  	_ =	swait.ge [sflag:s13], $0x3840  }
0xda: {  	[sflag:s13] =	ssyncset.done $0x0  }
0xdb: {  	[sflag:s13] =	ssyncadd.s32 $0xFFFFC7C0  }
0xdc: {  	_ =	swait.ge [sflag:s14], $0x3840  }
0xdd: {  	[sflag:s14] =	ssyncset.done $0x0  }
0xde: {  	s19 =	rddreg [dreg:$0x1e];
	[sflag:s14] =	ssyncadd.s32 $0xFFFFC7C0  }
0xdf: {  	[tilespmem:s10], [sflag:$0x3] =	stream.indirect.gather [hbm4b:s8+s29], $0x90, s19, s29, $0xb8;
	[tilespmem:$0x1F680] =	vst v63  }
0xe0: {  	_ =	swait.ge [sflag:s9], $0x3840  }
0xe1: {  	s20 =	rddreg [dreg:$0x1f];
	[sflag:s9] =	ssyncset.done $0x0  }
0xe2: {  	s21 =	sld [smem:$0x7D3];
	[sflag:s9] =	ssyncadd.s32 $0xFFFFC7C0  }
0xe3: {  	[spmem:s3] =	stream.indirect.scatter.add.f32 [tilespmem:s30], [sflag:$0x4], $0x90, s20, s29, $0xb8;
	[tilespmem:$0x1F680] =	vst v63  }
0xe4: {  	_ = 	snop  }
0xe5: {  	[spmem:s4] =	stream.indirect.scatter.add.f32 [tilespmem:s30], [sflag:$0x6], $0x90, s21, s29, $0xb8;
	[tilespmem:$0x1F680] =	vst v63  }
0xe6: {  	_ =	swait.ge [sflag:s26], $0x3840  }
0xe7: {  	[sflag:s26] =	ssyncset.done $0x0  }
0xe8: {  	[sflag:s26] =	ssyncadd.s32 $0xFFFFC7C0  }
0xe9: {  	_ =	swait.ge [sflag:s28], $0x3840  }
0xea: {  	[sflag:s28] =	ssyncset.done $0x0  }
0xeb: {  	[sflag:s28] =	ssyncadd.s32 $0xFFFFC7C0  }
0xec: {  	_ =	swait.ge [sflag:s15], $0x410  }
0xed: {  	[sflag:s15] =	ssyncset.done $0x0  }
0xee: {  	[sflag:s15] =	ssyncadd.s32 $0xFFFFFBF0  }
0xef: {  	_ =	swait.ge [sflag:s15], $0x410  }
0xf0: {  	[sflag:s15] =	ssyncset.done $0x0  }
0xf1: {  	[sflag:s15] =	ssyncadd.s32 $0xFFFFFBF0  }
0xf2: {  	_ =	swait.ge [sflag:s15], $0x410  }
0xf3: {  	s21 =	sld [smem:$0x7F9];
	_ =	sdelay $0x2  }
0xf4: {  	[sflag:s15] =	ssyncset.done $0x0;
	s16 =	smin.u32 s21, $0xC62  }
0xf5: {  	[sflag:s15] =	ssyncadd.s32 $0xFFFFFBF0;
	s12 =	smul.u32 $0x68, s16  }
0xf6: {  	[tilespmem:s30], [sflag:$0x2] =	stream.indirect.gather [hbm4b:s8+s29], $0x90, s31, s29, $0xb8;
	[tilespmem:$0x1F680] =	vst v63  }
0xf7: {  	_ =	swait.ge [sflag:s11], $0x3840;
	s12 =	sshrl.u32 s12, $0x3  }
0xf8: {  	[sflag:s11] =	ssyncset.done $0x0;
	s12 =	sadd.s32 $0x104, s12  }
0xf9: {  	[sflag:s11] =	ssyncadd.s32 $0xFFFFC7C0;
	s17 =	sadd.s32 s1, s12  }
0xfa: {  	[tilespmem:s22], [sflag:$0x1] =	stream.linear.gather [hbm4b:s17+s5], $0x410, $0x38;
	[tilespmem:$0x1F680] =	vst v63  }
0xfb: {  	s18 =	sadd.s32 s7, s12  }
0xfc: {  	[tilespmem:s24], [sflag:$0x1] =	stream.linear.gather [hbm4b:s18+s5], $0x410, $0x38;
	[tilespmem:$0x1F680] =	vst v63  }
0xfd: {  	s20 =	sld [smem:$0x7D4];
	s12 =	sadd.s32 s6, s12  }
0xfe: {  	[tilespmem:s25], [sflag:$0x1] =	stream.linear.gather [hbm4b:s12+s5], $0x410, $0x38;
	[tilespmem:$0x1F680] =	vst v63  }
0xff: {  	s16 =	sld [smem:$0x7D5]  }
0x100: {  	[spmem:s3] =	stream.indirect.scatter.add.f32 [tilespmem:s10], [sflag:$0x5], $0x90, s20, s29, $0xb8;
	[tilespmem:$0x1F680] =	vst v63  }
0x101: {  	_ = 	snop  }
0x102: {  	[spmem:s4] =	stream.indirect.scatter.add.f32 [tilespmem:s10], [sflag:$0x7], $0x90, s16, s29, $0xb8;
	[tilespmem:$0x1F680] =	vst v63  }
0x103: {  	_ =	swait.ge [sflag:s13], $0x3840  }
0x104: {  	[sflag:s13] =	ssyncset.done $0x0  }
0x105: {  	[sflag:s13] =	ssyncadd.s32 $0xFFFFC7C0  }
0x106: {  	_ =	swait.ge [sflag:s14], $0x3840  }
0x107: {  	s17 =	sld [smem:$0x7D6]  }
0x108: {  	[sflag:s14] =	ssyncset.done $0x0  }
0x109: {  	[sflag:s14] =	ssyncadd.s32 $0xFFFFC7C0  }
0x10a: {  	[tilespmem:s10], [sflag:$0x3] =	stream.indirect.gather [hbm4b:s8+s29], $0x90, s17, s29, $0xb8;
	[tilespmem:$0x1F680] =	vst v63  }
0x10b: {  	_ =	swait.ge [sflag:s9], $0x3840  }
0x10c: {  	[sflag:s9] =	ssyncset.done $0x0  }
0x10d: {  	[sflag:s9] =	ssyncadd.s32 $0xFFFFC7C0  }
0x10e: {  	[spmem:s3] =	stream.indirect.scatter.add.f32 [tilespmem:s30], [sflag:$0x4], $0x90, s2, s29, $0xb8;
	[tilespmem:$0x1F680] =	vst v63  }
0x10f: {  	_ = 	snop  }
0x110: {  	[spmem:s4] =	stream.indirect.scatter.add.f32 [tilespmem:s30], [sflag:$0x6], $0x90, s0, s29, $0xb8;
	[tilespmem:$0x1F680] =	vst v63  }
0x111: {  	_ =	swait.ge [sflag:s26], $0x3840  }
0x112: {  	[sflag:s26] =	ssyncset.done $0x0  }
0x113: {  	[sflag:s26] =	ssyncadd.s32 $0xFFFFC7C0  }
0x114: {  	_ =	swait.ge [sflag:s28], $0x3840  }
0x115: {  	s18 =	sld [smem:$0x7D7]  }
0x116: {  	[sflag:s28] =	ssyncset.done $0x0  }
0x117: {  	[sflag:s28] =	ssyncadd.s32 $0xFFFFC7C0  }
0x118: {  	[tilespmem:s30], [sflag:$0x2] =	stream.indirect.gather [hbm4b:s8+s29], $0x90, s18, s29, $0xb8;
	[tilespmem:$0x1F680] =	vst v63  }
0x119: {  	_ =	swait.ge [sflag:s11], $0x3840  }
0x11a: {  	s19 =	sld [smem:$0x7D8]  }
0x11b: {  	[sflag:s11] =	ssyncset.done $0x0  }
0x11c: {  	s20 =	sld [smem:$0x7D9];
	[sflag:s11] =	ssyncadd.s32 $0xFFFFC7C0  }
0x11d: {  	[spmem:s3] =	stream.indirect.scatter.add.f32 [tilespmem:s10], [sflag:$0x5], $0x90, s19, s29, $0xb8;
	[tilespmem:$0x1F680] =	vst v63  }
0x11e: {  	_ = 	snop  }
0x11f: {  	[spmem:s4] =	stream.indirect.scatter.add.f32 [tilespmem:s10], [sflag:$0x7], $0x90, s20, s29, $0xb8;
	[tilespmem:$0x1F680] =	vst v63  }
0x120: {  	_ =	swait.ge [sflag:s13], $0x3840  }
0x121: {  	[sflag:s13] =	ssyncset.done $0x0  }
0x122: {  	[sflag:s13] =	ssyncadd.s32 $0xFFFFC7C0  }
0x123: {  	_ =	swait.ge [sflag:s14], $0x3840  }
0x124: {  	s16 =	sld [smem:$0x7DA]  }
0x125: {  	[sflag:s14] =	ssyncset.done $0x0  }
0x126: {  	[sflag:s14] =	ssyncadd.s32 $0xFFFFC7C0  }
0x127: {  	[tilespmem:s10], [sflag:$0x3] =	stream.indirect.gather [hbm4b:s8+s29], $0x90, s16, s29, $0xb8;
	[tilespmem:$0x1F680] =	vst v63  }
0x128: {  	_ =	swait.ge [sflag:s9], $0x3840  }
0x129: {  	s17 =	sld [smem:$0x7DB]  }
0x12a: {  	[sflag:s9] =	ssyncset.done $0x0  }
0x12b: {  	s18 =	sld [smem:$0x7DC];
	[sflag:s9] =	ssyncadd.s32 $0xFFFFC7C0  }
0x12c: {  	[spmem:s3] =	stream.indirect.scatter.add.f32 [tilespmem:s30], [sflag:$0x4], $0x90, s17, s29, $0xb8;
	[tilespmem:$0x1F680] =	vst v63  }
0x12d: {  	_ = 	snop  }
0x12e: {  	[spmem:s4] =	stream.indirect.scatter.add.f32 [tilespmem:s30], [sflag:$0x6], $0x90, s18, s29, $0xb8;
	[tilespmem:$0x1F680] =	vst v63  }
0x12f: {  	_ =	swait.ge [sflag:s26], $0x3840  }
0x130: {  	[sflag:s26] =	ssyncset.done $0x0  }
0x131: {  	[sflag:s26] =	ssyncadd.s32 $0xFFFFC7C0  }
0x132: {  	_ =	swait.ge [sflag:s28], $0x3840  }
0x133: {  	s20 =	sld [smem:$0x7DD]  }
0x134: {  	[sflag:s28] =	ssyncset.done $0x0  }
0x135: {  	[sflag:s28] =	ssyncadd.s32 $0xFFFFC7C0  }
0x136: {  	[tilespmem:s30], [sflag:$0x2] =	stream.indirect.gather [hbm4b:s8+s29], $0x90, s20, s29, $0xb8;
	[tilespmem:$0x1F680] =	vst v63  }
0x137: {  	_ =	swait.ge [sflag:s11], $0x3840  }
0x138: {  	s16 =	sld [smem:$0x7DE]  }
0x139: {  	[sflag:s11] =	ssyncset.done $0x0  }
0x13a: {  	s17 =	sld [smem:$0x7E0];
	[sflag:s11] =	ssyncadd.s32 $0xFFFFC7C0  }
0x13b: {  	[spmem:s3] =	stream.indirect.scatter.add.f32 [tilespmem:s10], [sflag:$0x5], $0x90, s16, s29, $0xb8;
	[tilespmem:$0x1F680] =	vst v63  }
0x13c: {  	_ = 	snop  }
0x13d: {  	[spmem:s4] =	stream.indirect.scatter.add.f32 [tilespmem:s10], [sflag:$0x7], $0x90, s17, s29, $0xb8;
	[tilespmem:$0x1F680] =	vst v63  }
0x13e: {  	_ =	swait.ge [sflag:s13], $0x3840  }
0x13f: {  	[sflag:s13] =	ssyncset.done $0x0  }
0x140: {  	[sflag:s13] =	ssyncadd.s32 $0xFFFFC7C0  }
0x141: {  	_ =	swait.ge [sflag:s14], $0x3840  }
0x142: {  	s18 =	sld [smem:$0x7E1]  }
0x143: {  	[sflag:s14] =	ssyncset.done $0x0  }
0x144: {  	[sflag:s14] =	ssyncadd.s32 $0xFFFFC7C0  }
0x145: {  	[tilespmem:s10], [sflag:$0x3] =	stream.indirect.gather [hbm4b:s8+s29], $0x90, s18, s29, $0xb8;
	[tilespmem:$0x1F680] =	vst v63  }
0x146: {  	_ =	swait.ge [sflag:s9], $0x3840  }
0x147: {  	s19 =	sld [smem:$0x7E4]  }
0x148: {  	[sflag:s9] =	ssyncset.done $0x0  }
0x149: {  	s20 =	sld [smem:$0x7E5];
	[sflag:s9] =	ssyncadd.s32 $0xFFFFC7C0  }
0x14a: {  	[spmem:s3] =	stream.indirect.scatter.add.f32 [tilespmem:s30], [sflag:$0x4], $0x90, s19, s29, $0xb8;
	[tilespmem:$0x1F680] =	vst v63  }
0x14b: {  	_ = 	snop  }
0x14c: {  	[spmem:s4] =	stream.indirect.scatter.add.f32 [tilespmem:s30], [sflag:$0x6], $0x90, s20, s29, $0xb8;
	[tilespmem:$0x1F680] =	vst v63  }
0x14d: {  	_ =	swait.ge [sflag:s26], $0x3840  }
0x14e: {  	[sflag:s26] =	ssyncset.done $0x0  }
0x14f: {  	[sflag:s26] =	ssyncadd.s32 $0xFFFFC7C0  }
0x150: {  	_ =	swait.ge [sflag:s28], $0x3840  }
0x151: {  	s16 =	sld [smem:$0x7E7]  }
0x152: {  	[sflag:s28] =	ssyncset.done $0x0  }
0x153: {  	[sflag:s28] =	ssyncadd.s32 $0xFFFFC7C0  }
0x154: {  	[tilespmem:s30], [sflag:$0x2] =	stream.indirect.gather [hbm4b:s8+s29], $0x90, s16, s29, $0xb8;
	[tilespmem:$0x1F680] =	vst v63  }
0x155: {  	_ =	swait.ge [sflag:s11], $0x3840  }
0x156: {  	s17 =	sld [smem:$0x7E8]  }
0x157: {  	[sflag:s11] =	ssyncset.done $0x0  }
0x158: {  	s18 =	sld [smem:$0x7EA];
	[sflag:s11] =	ssyncadd.s32 $0xFFFFC7C0  }
0x159: {  	[spmem:s3] =	stream.indirect.scatter.add.f32 [tilespmem:s10], [sflag:$0x5], $0x90, s17, s29, $0xb8;
	[tilespmem:$0x1F680] =	vst v63  }
0x15a: {  	_ = 	snop  }
0x15b: {  	[spmem:s4] =	stream.indirect.scatter.add.f32 [tilespmem:s10], [sflag:$0x7], $0x90, s18, s29, $0xb8;
	[tilespmem:$0x1F680] =	vst v63  }
0x15c: {  	_ =	swait.ge [sflag:s13], $0x3840  }
0x15d: {  	[sflag:s13] =	ssyncset.done $0x0  }
0x15e: {  	[sflag:s13] =	ssyncadd.s32 $0xFFFFC7C0  }
0x15f: {  	_ =	swait.ge [sflag:s14], $0x3840  }
0x160: {  	s20 =	sld [smem:$0x7EC]  }
0x161: {  	[sflag:s14] =	ssyncset.done $0x0  }
0x162: {  	[sflag:s14] =	ssyncadd.s32 $0xFFFFC7C0  }
0x163: {  	[tilespmem:s10], [sflag:$0x3] =	stream.indirect.gather [hbm4b:s8+s29], $0x90, s20, s29, $0xb8;
	[tilespmem:$0x1F680] =	vst v63  }
0x164: {  	_ =	swait.ge [sflag:s9], $0x3840  }
0x165: {  	s16 =	sld [smem:$0x7EE]  }
0x166: {  	[sflag:s9] =	ssyncset.done $0x0  }
0x167: {  	s17 =	sld [smem:$0x7F0];
	[sflag:s9] =	ssyncadd.s32 $0xFFFFC7C0  }
0x168: {  	[spmem:s3] =	stream.indirect.scatter.add.f32 [tilespmem:s30], [sflag:$0x4], $0x90, s16, s29, $0xb8;
	[tilespmem:$0x1F680] =	vst v63  }
0x169: {  	_ = 	snop  }
0x16a: {  	[spmem:s4] =	stream.indirect.scatter.add.f32 [tilespmem:s30], [sflag:$0x6], $0x90, s17, s29, $0xb8;
	[tilespmem:$0x1F680] =	vst v63  }
0x16b: {  	_ =	swait.ge [sflag:s26], $0x3840  }
0x16c: {  	[sflag:s26] =	ssyncset.done $0x0  }
0x16d: {  	[sflag:s26] =	ssyncadd.s32 $0xFFFFC7C0  }
0x16e: {  	_ =	swait.ge [sflag:s28], $0x3840  }
0x16f: {  	s18 =	sld [smem:$0x7F2]  }
0x170: {  	[sflag:s28] =	ssyncset.done $0x0  }
0x171: {  	[sflag:s28] =	ssyncadd.s32 $0xFFFFC7C0  }
0x172: {  	[tilespmem:s30], [sflag:$0x2] =	stream.indirect.gather [hbm4b:s8+s29], $0x90, s18, s29, $0xb8;
	[tilespmem:$0x1F680] =	vst v63  }
0x173: {  	_ =	swait.ge [sflag:s11], $0x3840  }
0x174: {  	s19 =	sld [smem:$0x7F4]  }
0x175: {  	[sflag:s11] =	ssyncset.done $0x0  }
0x176: {  	s20 =	sld [smem:$0x7F5];
	[sflag:s11] =	ssyncadd.s32 $0xFFFFC7C0  }
0x177: {  	[spmem:s3] =	stream.indirect.scatter.add.f32 [tilespmem:s10], [sflag:$0x5], $0x90, s19, s29, $0xb8;
	[tilespmem:$0x1F680] =	vst v63  }
0x178: {  	_ = 	snop  }
0x179: {  	[spmem:s4] =	stream.indirect.scatter.add.f32 [tilespmem:s10], [sflag:$0x7], $0x90, s20, s29, $0xb8;
	[tilespmem:$0x1F680] =	vst v63  }
0x17a: {  	_ =	swait.ge [sflag:s13], $0x3840  }
0x17b: {  	[sflag:s13] =	ssyncset.done $0x0  }
0x17c: {  	[sflag:s13] =	ssyncadd.s32 $0xFFFFC7C0  }
0x17d: {  	_ =	swait.ge [sflag:s14], $0x3840  }
0x17e: {  	s16 =	sld [smem:$0x7F6]  }
0x17f: {  	[sflag:s14] =	ssyncset.done $0x0  }
0x180: {  	[sflag:s14] =	ssyncadd.s32 $0xFFFFC7C0  }
0x181: {  	[tilespmem:s10], [sflag:$0x3] =	stream.indirect.gather [hbm4b:s8+s29], $0x90, s16, s29, $0xb8;
	[tilespmem:$0x1F680] =	vst v63  }
0x182: {  	_ =	swait.ge [sflag:s9], $0x3840  }
0x183: {  	s17 =	sld [smem:$0x7F8]  }
0x184: {  	[sflag:s9] =	ssyncset.done $0x0  }
0x185: {  	s18 =	sld [smem:$0x7FA];
	[sflag:s9] =	ssyncadd.s32 $0xFFFFC7C0  }
0x186: {  	[spmem:s3] =	stream.indirect.scatter.add.f32 [tilespmem:s30], [sflag:$0x4], $0x90, s17, s29, $0xb8;
	[tilespmem:$0x1F680] =	vst v63  }
0x187: {  	_ = 	snop  }
0x188: {  	[spmem:s4] =	stream.indirect.scatter.add.f32 [tilespmem:s30], [sflag:$0x6], $0x90, s18, s29, $0xb8;
	[tilespmem:$0x1F680] =	vst v63  }
0x189: {  	_ =	swait.ge [sflag:s11], $0x3840  }
0x18a: {  	s19 =	sld [smem:$0x7FB]  }
0x18b: {  	[sflag:s11] =	ssyncset.done $0x0  }
0x18c: {  	s20 =	sld [smem:$0x7FC];
	[sflag:s11] =	ssyncadd.s32 $0xFFFFC7C0  }
0x18d: {  	[spmem:s3] =	stream.indirect.scatter.add.f32 [tilespmem:s10], [sflag:$0x5], $0x90, s19, s29, $0xb8;
	[tilespmem:$0x1F680] =	vst v63  }
0x18e: {  	_ = 	snop  }
0x18f: {  	[spmem:s4] =	stream.indirect.scatter.add.f32 [tilespmem:s10], [sflag:$0x7], $0x90, s20, s29, $0xb8;
	[tilespmem:$0x1F680] =	vst v63  }
0x190: {  	_ =	swait.ge [sflag:s26], $0x3840  }
0x191: {  	[sflag:s26] =	ssyncset.done $0x0  }
0x192: {  	[sflag:s26] =	ssyncadd.s32 $0xFFFFC7C0  }
0x193: {  	_ =	swait.ge [sflag:s28], $0x3840  }
0x194: {  	[sflag:s28] =	ssyncset.done $0x0  }
0x195: {  	[sflag:s28] =	ssyncadd.s32 $0xFFFFC7C0  }
0x196: {  	_ =	swait.ge [sflag:s15], $0x410  }
0x197: {  	[sflag:s15] =	ssyncset.done $0x0  }
0x198: {  	[sflag:s15] =	ssyncadd.s32 $0xFFFFFBF0  }
0x199: {  	_ =	swait.ge [sflag:s15], $0x410  }
0x19a: {  	[sflag:s15] =	ssyncset.done $0x0  }
0x19b: {  	[sflag:s15] =	ssyncadd.s32 $0xFFFFFBF0  }
0x19c: {  	_ =	swait.ge [sflag:s15], $0x410  }
0x19d: {  	[sflag:s15] =	ssyncset.done $0x0  }
0x19e: {  	[sflag:s15] =	ssyncadd.s32 $0xFFFFFBF0  }
0x19f: {  	[tilespmem:s30], [sflag:$0x2] =	stream.indirect.gather [hbm4b:s8+s29], $0x90, s22, s29, $0xb8;
	[tilespmem:$0x1F680] =	vst v63  }
0x1a0: {  	_ =	swait.ge [sflag:s13], $0x3840  }
0x1a1: {  	[sflag:s13] =	ssyncset.done $0x0  }
0x1a2: {  	[sflag:s13] =	ssyncadd.s32 $0xFFFFC7C0  }
0x1a3: {  	s12 =	simm.s32 $0x208;
	_ =	swait.ge [sflag:s14], $0x3840  }
0x1a4: {  	s20 =	simm.s32 $0x104;
	s19 =	rddreg [dreg:$0x7];
	[sflag:s14] =	ssyncset.done $0x0  }
.LBB2_2:
0x1a5: {  	[sflag:s14] =	ssyncadd.s32 $0xFFFFC7C0;
	s17 =	rddreg [dreg:$0x6];
	s19 =	sadd.s32 s20, s19  }
0x1a6: {  	[tilespmem:s31], [sflag:$0x1] =	stream.linear.gather [hbm4b:s19+s5], $0x410, $0x38;
	[tilespmem:$0x1F680] =	vst v63  }
0x1a7: {  	s16 =	rddreg [dreg:$0x5];
	s17 =	sadd.s32 s20, s17  }
0x1a8: {  	[tilespmem:s2], [sflag:$0x1] =	stream.linear.gather [hbm4b:s17+s5], $0x410, $0x38;
	[tilespmem:$0x1F680] =	vst v63  }
0x1a9: {  	s16 =	sadd.s32 s20, s16  }
0x1aa: {  	[tilespmem:s0], [sflag:$0x1] =	stream.linear.gather [hbm4b:s16+s5], $0x410, $0x38;
	[tilespmem:$0x1F680] =	vst v63  }
0x1ab: {  	s19 =	rddreg [dreg:$0x8]  }
0x1ac: {  	[tilespmem:s10], [sflag:$0x3] =	stream.indirect.gather [hbm4b:s8+s29], $0x90, s19, s29, $0xb8;
	[tilespmem:$0x1F680] =	vst v63  }
0x1ad: {  	_ =	swait.ge [sflag:s9], $0x3840  }
0x1ae: {  	[sflag:s9] =	ssyncset.done $0x0  }
0x1af: {  	[sflag:s9] =	ssyncadd.s32 $0xFFFFC7C0  }
0x1b0: {  	[spmem:s3] =	stream.indirect.scatter.add.f32 [tilespmem:s30], [sflag:$0x4], $0x90, s24, s29, $0xb8;
	[tilespmem:$0x1F680] =	vst v63  }
0x1b1: {  	_ = 	snop  }
0x1b2: {  	[spmem:s4] =	stream.indirect.scatter.add.f32 [tilespmem:s30], [sflag:$0x6], $0x90, s25, s29, $0xb8;
	[tilespmem:$0x1F680] =	vst v63  }
0x1b3: {  	_ =	swait.ge [sflag:s26], $0x3840  }
0x1b4: {  	[sflag:s26] =	ssyncset.done $0x0  }
0x1b5: {  	[sflag:s26] =	ssyncadd.s32 $0xFFFFC7C0  }
0x1b6: {  	_ =	swait.ge [sflag:s28], $0x3840  }
0x1b7: {  	[sflag:s28] =	ssyncset.done $0x0  }
0x1b8: {  	s17 =	rddreg [dreg:$0x9];
	[sflag:s28] =	ssyncadd.s32 $0xFFFFC7C0  }
0x1b9: {  	[tilespmem:s30], [sflag:$0x2] =	stream.indirect.gather [hbm4b:s8+s29], $0x90, s17, s29, $0xb8;
	[tilespmem:$0x1F680] =	vst v63  }
0x1ba: {  	_ =	swait.ge [sflag:s11], $0x3840  }
0x1bb: {  	s18 =	smov.u32 s12;
	[sflag:s11] =	ssyncset.done $0x0  }
0x1bc: {  	s20 =	smov.u32 s18;
	s18 =	rddreg [dreg:$0xa];
	[sflag:s11] =	ssyncadd.s32 $0xFFFFC7C0  }
0x1bd: {  	[spmem:s3] =	stream.indirect.scatter.add.f32 [tilespmem:s10], [sflag:$0x5], $0x90, s18, s29, $0xb8;
	[tilespmem:$0x1F680] =	vst v63  }
0x1be: {  	s19 =	rddreg [dreg:$0xb]  }
0x1bf: {  	[spmem:s4] =	stream.indirect.scatter.add.f32 [tilespmem:s10], [sflag:$0x7], $0x90, s19, s29, $0xb8;
	[tilespmem:$0x1F680] =	vst v63  }
0x1c0: {  	_ =	swait.ge [sflag:s13], $0x3840  }
0x1c1: {  	[sflag:s13] =	ssyncset.done $0x0  }
0x1c2: {  	[sflag:s13] =	ssyncadd.s32 $0xFFFFC7C0  }
0x1c3: {  	_ =	swait.ge [sflag:s14], $0x3840  }
0x1c4: {  	[sflag:s14] =	ssyncset.done $0x0  }
0x1c5: {  	s17 =	rddreg [dreg:$0xc];
	[sflag:s14] =	ssyncadd.s32 $0xFFFFC7C0  }
0x1c6: {  	[tilespmem:s10], [sflag:$0x3] =	stream.indirect.gather [hbm4b:s8+s29], $0x90, s17, s29, $0xb8;
	[tilespmem:$0x1F680] =	vst v63  }
0x1c7: {  	_ =	swait.ge [sflag:s9], $0x3840  }
0x1c8: {  	[sflag:s9] =	ssyncset.done $0x0  }
0x1c9: {  	s18 =	rddreg [dreg:$0xd];
	[sflag:s9] =	ssyncadd.s32 $0xFFFFC7C0  }
0x1ca: {  	[spmem:s3] =	stream.indirect.scatter.add.f32 [tilespmem:s30], [sflag:$0x4], $0x90, s18, s29, $0xb8;
	[tilespmem:$0x1F680] =	vst v63  }
0x1cb: {  	s19 =	rddreg [dreg:$0xe]  }
0x1cc: {  	[spmem:s4] =	stream.indirect.scatter.add.f32 [tilespmem:s30], [sflag:$0x6], $0x90, s19, s29, $0xb8;
	[tilespmem:$0x1F680] =	vst v63  }
0x1cd: {  	_ =	swait.ge [sflag:s26], $0x3840  }
0x1ce: {  	[sflag:s26] =	ssyncset.done $0x0  }
0x1cf: {  	[sflag:s26] =	ssyncadd.s32 $0xFFFFC7C0  }
0x1d0: {  	_ =	swait.ge [sflag:s28], $0x3840  }
0x1d1: {  	[sflag:s28] =	ssyncset.done $0x0  }
0x1d2: {  	s17 =	rddreg [dreg:$0xf];
	[sflag:s28] =	ssyncadd.s32 $0xFFFFC7C0  }
0x1d3: {  	[tilespmem:s30], [sflag:$0x2] =	stream.indirect.gather [hbm4b:s8+s29], $0x90, s17, s29, $0xb8;
	[tilespmem:$0x1F680] =	vst v63  }
0x1d4: {  	_ =	swait.ge [sflag:s11], $0x3840  }
0x1d5: {  	[sflag:s11] =	ssyncset.done $0x0  }
0x1d6: {  	s18 =	rddreg [dreg:$0x10];
	[sflag:s11] =	ssyncadd.s32 $0xFFFFC7C0  }
0x1d7: {  	[spmem:s3] =	stream.indirect.scatter.add.f32 [tilespmem:s10], [sflag:$0x5], $0x90, s18, s29, $0xb8;
	[tilespmem:$0x1F680] =	vst v63  }
0x1d8: {  	s19 =	rddreg [dreg:$0x11]  }
0x1d9: {  	[spmem:s4] =	stream.indirect.scatter.add.f32 [tilespmem:s10], [sflag:$0x7], $0x90, s19, s29, $0xb8;
	[tilespmem:$0x1F680] =	vst v63  }
0x1da: {  	_ =	swait.ge [sflag:s13], $0x3840  }
0x1db: {  	[sflag:s13] =	ssyncset.done $0x0  }
0x1dc: {  	[sflag:s13] =	ssyncadd.s32 $0xFFFFC7C0  }
0x1dd: {  	_ =	swait.ge [sflag:s14], $0x3840  }
0x1de: {  	[sflag:s14] =	ssyncset.done $0x0  }
0x1df: {  	s17 =	rddreg [dreg:$0x12];
	[sflag:s14] =	ssyncadd.s32 $0xFFFFC7C0  }
0x1e0: {  	[tilespmem:s10], [sflag:$0x3] =	stream.indirect.gather [hbm4b:s8+s29], $0x90, s17, s29, $0xb8;
	[tilespmem:$0x1F680] =	vst v63  }
0x1e1: {  	_ =	swait.ge [sflag:s9], $0x3840  }
0x1e2: {  	[sflag:s9] =	ssyncset.done $0x0  }
0x1e3: {  	s18 =	rddreg [dreg:$0x13];
	[sflag:s9] =	ssyncadd.s32 $0xFFFFC7C0  }
0x1e4: {  	[spmem:s3] =	stream.indirect.scatter.add.f32 [tilespmem:s30], [sflag:$0x4], $0x90, s18, s29, $0xb8;
	[tilespmem:$0x1F680] =	vst v63  }
0x1e5: {  	s19 =	rddreg [dreg:$0x14]  }
0x1e6: {  	[spmem:s4] =	stream.indirect.scatter.add.f32 [tilespmem:s30], [sflag:$0x6], $0x90, s19, s29, $0xb8;
	[tilespmem:$0x1F680] =	vst v63  }
0x1e7: {  	_ =	swait.ge [sflag:s26], $0x3840  }
0x1e8: {  	[sflag:s26] =	ssyncset.done $0x0  }
0x1e9: {  	[sflag:s26] =	ssyncadd.s32 $0xFFFFC7C0  }
0x1ea: {  	_ =	swait.ge [sflag:s28], $0x3840  }
0x1eb: {  	[sflag:s28] =	ssyncset.done $0x0  }
0x1ec: {  	s17 =	rddreg [dreg:$0x15];
	[sflag:s28] =	ssyncadd.s32 $0xFFFFC7C0  }
0x1ed: {  	[tilespmem:s30], [sflag:$0x2] =	stream.indirect.gather [hbm4b:s8+s29], $0x90, s17, s29, $0xb8;
	[tilespmem:$0x1F680] =	vst v63  }
0x1ee: {  	_ =	swait.ge [sflag:s11], $0x3840  }
0x1ef: {  	[sflag:s11] =	ssyncset.done $0x0  }
0x1f0: {  	s18 =	rddreg [dreg:$0x16];
	[sflag:s11] =	ssyncadd.s32 $0xFFFFC7C0  }
0x1f1: {  	[spmem:s3] =	stream.indirect.scatter.add.f32 [tilespmem:s10], [sflag:$0x5], $0x90, s18, s29, $0xb8;
	[tilespmem:$0x1F680] =	vst v63  }
0x1f2: {  	s19 =	rddreg [dreg:$0x17]  }
0x1f3: {  	[spmem:s4] =	stream.indirect.scatter.add.f32 [tilespmem:s10], [sflag:$0x7], $0x90, s19, s29, $0xb8;
	[tilespmem:$0x1F680] =	vst v63  }
0x1f4: {  	_ =	swait.ge [sflag:s13], $0x3840  }
0x1f5: {  	[sflag:s13] =	ssyncset.done $0x0  }
0x1f6: {  	[sflag:s13] =	ssyncadd.s32 $0xFFFFC7C0  }
0x1f7: {  	_ =	swait.ge [sflag:s14], $0x3840  }
0x1f8: {  	[sflag:s14] =	ssyncset.done $0x0  }
0x1f9: {  	s17 =	rddreg [dreg:$0x18];
	[sflag:s14] =	ssyncadd.s32 $0xFFFFC7C0  }
0x1fa: {  	[tilespmem:s10], [sflag:$0x3] =	stream.indirect.gather [hbm4b:s8+s29], $0x90, s17, s29, $0xb8;
	[tilespmem:$0x1F680] =	vst v63  }
0x1fb: {  	_ =	swait.ge [sflag:s9], $0x3840  }
0x1fc: {  	[sflag:s9] =	ssyncset.done $0x0  }
0x1fd: {  	s18 =	rddreg [dreg:$0x19];
	[sflag:s9] =	ssyncadd.s32 $0xFFFFC7C0  }
0x1fe: {  	[spmem:s3] =	stream.indirect.scatter.add.f32 [tilespmem:s30], [sflag:$0x4], $0x90, s18, s29, $0xb8;
	[tilespmem:$0x1F680] =	vst v63  }
0x1ff: {  	s19 =	rddreg [dreg:$0x1a]  }
0x200: {  	[spmem:s4] =	stream.indirect.scatter.add.f32 [tilespmem:s30], [sflag:$0x6], $0x90, s19, s29, $0xb8;
	[tilespmem:$0x1F680] =	vst v63  }
0x201: {  	_ =	swait.ge [sflag:s26], $0x3840  }
0x202: {  	[sflag:s26] =	ssyncset.done $0x0  }
0x203: {  	[sflag:s26] =	ssyncadd.s32 $0xFFFFC7C0  }
0x204: {  	_ =	swait.ge [sflag:s28], $0x3840  }
0x205: {  	[sflag:s28] =	ssyncset.done $0x0  }
0x206: {  	s17 =	rddreg [dreg:$0x1b];
	[sflag:s28] =	ssyncadd.s32 $0xFFFFC7C0  }
0x207: {  	[tilespmem:s30], [sflag:$0x2] =	stream.indirect.gather [hbm4b:s8+s29], $0x90, s17, s29, $0xb8;
	[tilespmem:$0x1F680] =	vst v63  }
0x208: {  	_ =	swait.ge [sflag:s11], $0x3840  }
0x209: {  	[sflag:s11] =	ssyncset.done $0x0  }
0x20a: {  	s18 =	rddreg [dreg:$0x1c];
	[sflag:s11] =	ssyncadd.s32 $0xFFFFC7C0  }
0x20b: {  	[spmem:s3] =	stream.indirect.scatter.add.f32 [tilespmem:s10], [sflag:$0x5], $0x90, s18, s29, $0xb8;
	[tilespmem:$0x1F680] =	vst v63  }
0x20c: {  	s19 =	rddreg [dreg:$0x1d]  }
0x20d: {  	[spmem:s4] =	stream.indirect.scatter.add.f32 [tilespmem:s10], [sflag:$0x7], $0x90, s19, s29, $0xb8;
	[tilespmem:$0x1F680] =	vst v63  }
0x20e: {  	_ =	swait.ge [sflag:s13], $0x3840  }
0x20f: {  	[sflag:s13] =	ssyncset.done $0x0  }
0x210: {  	[sflag:s13] =	ssyncadd.s32 $0xFFFFC7C0  }
0x211: {  	_ =	swait.ge [sflag:s14], $0x3840  }
0x212: {  	[sflag:s14] =	ssyncset.done $0x0  }
0x213: {  	s17 =	rddreg [dreg:$0x1e];
	[sflag:s14] =	ssyncadd.s32 $0xFFFFC7C0  }
0x214: {  	[tilespmem:s10], [sflag:$0x3] =	stream.indirect.gather [hbm4b:s8+s29], $0x90, s17, s29, $0xb8;
	[tilespmem:$0x1F680] =	vst v63  }
0x215: {  	_ =	swait.ge [sflag:s9], $0x3840  }
0x216: {  	s18 =	rddreg [dreg:$0x1f];
	[sflag:s9] =	ssyncset.done $0x0  }
0x217: {  	s19 =	sld [smem:$0x7D3];
	[sflag:s9] =	ssyncadd.s32 $0xFFFFC7C0  }
0x218: {  	[spmem:s3] =	stream.indirect.scatter.add.f32 [tilespmem:s30], [sflag:$0x4], $0x90, s18, s29, $0xb8;
	[tilespmem:$0x1F680] =	vst v63  }
0x219: {  	_ = 	snop  }
0x21a: {  	[spmem:s4] =	stream.indirect.scatter.add.f32 [tilespmem:s30], [sflag:$0x6], $0x90, s19, s29, $0xb8;
	[tilespmem:$0x1F680] =	vst v63  }
0x21b: {  	_ =	swait.ge [sflag:s26], $0x3840  }
0x21c: {  	[sflag:s26] =	ssyncset.done $0x0  }
0x21d: {  	[sflag:s26] =	ssyncadd.s32 $0xFFFFC7C0  }
0x21e: {  	_ =	swait.ge [sflag:s28], $0x3840  }
0x21f: {  	[sflag:s28] =	ssyncset.done $0x0  }
0x220: {  	[sflag:s28] =	ssyncadd.s32 $0xFFFFC7C0  }
0x221: {  	_ =	swait.ge [sflag:s15], $0x410  }
0x222: {  	[sflag:s15] =	ssyncset.done $0x0  }
0x223: {  	[sflag:s15] =	ssyncadd.s32 $0xFFFFFBF0  }
0x224: {  	_ =	swait.ge [sflag:s15], $0x410  }
0x225: {  	[sflag:s15] =	ssyncset.done $0x0  }
0x226: {  	[sflag:s15] =	ssyncadd.s32 $0xFFFFFBF0  }
0x227: {  	s21 =	sadd.s32 $0x14, s21;
	_ =	swait.ge [sflag:s15], $0x410  }
0x228: {  	s18 =	smin.u32 s21, $0xC62;
	[sflag:s15] =	ssyncset.done $0x0  }
0x229: {  	s16 =	smul.u32 $0x68, s18;
	[sflag:s15] =	ssyncadd.s32 $0xFFFFFBF0  }
0x22a: {  	[tilespmem:s30], [sflag:$0x2] =	stream.indirect.gather [hbm4b:s8+s29], $0x90, s31, s29, $0xb8;
	[tilespmem:$0x1F680] =	vst v63  }
0x22b: {  	s16 =	sshrl.u32 s16, $0x3;
	_ =	swait.ge [sflag:s11], $0x3840  }
0x22c: {  	s16 =	sadd.s32 $0x104, s16;
	[sflag:s11] =	ssyncset.done $0x0  }
0x22d: {  	s19 =	sadd.s32 s1, s16;
	[sflag:s11] =	ssyncadd.s32 $0xFFFFC7C0  }
0x22e: {  	[tilespmem:s22], [sflag:$0x1] =	stream.linear.gather [hbm4b:s19+s5], $0x410, $0x38;
	[tilespmem:$0x1F680] =	vst v63  }
0x22f: {  	s18 =	sadd.s32 s7, s16  }
0x230: {  	[tilespmem:s24], [sflag:$0x1] =	stream.linear.gather [hbm4b:s18+s5], $0x410, $0x38;
	[tilespmem:$0x1F680] =	vst v63  }
0x231: {  	s16 =	sadd.s32 s6, s16;
	s19 =	sld [smem:$0x7D4]  }
0x232: {  	[tilespmem:s25], [sflag:$0x1] =	stream.linear.gather [hbm4b:s16+s5], $0x410, $0x38;
	[tilespmem:$0x1F680] =	vst v63  }
0x233: {  	s18 =	sld [smem:$0x7D5]  }
0x234: {  	[spmem:s3] =	stream.indirect.scatter.add.f32 [tilespmem:s10], [sflag:$0x5], $0x90, s19, s29, $0xb8;
	[tilespmem:$0x1F680] =	vst v63  }
0x235: {  	_ = 	snop  }
0x236: {  	[spmem:s4] =	stream.indirect.scatter.add.f32 [tilespmem:s10], [sflag:$0x7], $0x90, s18, s29, $0xb8;
	[tilespmem:$0x1F680] =	vst v63  }
0x237: {  	_ =	swait.ge [sflag:s13], $0x3840  }
0x238: {  	[sflag:s13] =	ssyncset.done $0x0  }
0x239: {  	[sflag:s13] =	ssyncadd.s32 $0xFFFFC7C0  }
0x23a: {  	_ =	swait.ge [sflag:s14], $0x3840  }
0x23b: {  	s19 =	sld [smem:$0x7D6]  }
0x23c: {  	[sflag:s14] =	ssyncset.done $0x0  }
0x23d: {  	[sflag:s14] =	ssyncadd.s32 $0xFFFFC7C0  }
0x23e: {  	[tilespmem:s10], [sflag:$0x3] =	stream.indirect.gather [hbm4b:s8+s29], $0x90, s19, s29, $0xb8;
	[tilespmem:$0x1F680] =	vst v63  }
0x23f: {  	_ =	swait.ge [sflag:s9], $0x3840  }
0x240: {  	[sflag:s9] =	ssyncset.done $0x0  }
0x241: {  	[sflag:s9] =	ssyncadd.s32 $0xFFFFC7C0  }
0x242: {  	[spmem:s3] =	stream.indirect.scatter.add.f32 [tilespmem:s30], [sflag:$0x4], $0x90, s2, s29, $0xb8;
	[tilespmem:$0x1F680] =	vst v63  }
0x243: {  	_ = 	snop  }
0x244: {  	[spmem:s4] =	stream.indirect.scatter.add.f32 [tilespmem:s30], [sflag:$0x6], $0x90, s0, s29, $0xb8;
	[tilespmem:$0x1F680] =	vst v63  }
0x245: {  	_ =	swait.ge [sflag:s26], $0x3840  }
0x246: {  	[sflag:s26] =	ssyncset.done $0x0  }
0x247: {  	[sflag:s26] =	ssyncadd.s32 $0xFFFFC7C0  }
0x248: {  	_ =	swait.ge [sflag:s28], $0x3840  }
0x249: {  	s17 =	sld [smem:$0x7D7]  }
0x24a: {  	[sflag:s28] =	ssyncset.done $0x0  }
0x24b: {  	[sflag:s28] =	ssyncadd.s32 $0xFFFFC7C0  }
0x24c: {  	[tilespmem:s30], [sflag:$0x2] =	stream.indirect.gather [hbm4b:s8+s29], $0x90, s17, s29, $0xb8;
	[tilespmem:$0x1F680] =	vst v63  }
0x24d: {  	_ =	swait.ge [sflag:s11], $0x3840  }
0x24e: {  	s18 =	sld [smem:$0x7D8]  }
0x24f: {  	[sflag:s11] =	ssyncset.done $0x0  }
0x250: {  	s19 =	sld [smem:$0x7D9];
	[sflag:s11] =	ssyncadd.s32 $0xFFFFC7C0  }
0x251: {  	[spmem:s3] =	stream.indirect.scatter.add.f32 [tilespmem:s10], [sflag:$0x5], $0x90, s18, s29, $0xb8;
	[tilespmem:$0x1F680] =	vst v63  }
0x252: {  	_ = 	snop  }
0x253: {  	[spmem:s4] =	stream.indirect.scatter.add.f32 [tilespmem:s10], [sflag:$0x7], $0x90, s19, s29, $0xb8;
	[tilespmem:$0x1F680] =	vst v63  }
0x254: {  	_ =	swait.ge [sflag:s13], $0x3840  }
0x255: {  	[sflag:s13] =	ssyncset.done $0x0  }
0x256: {  	[sflag:s13] =	ssyncadd.s32 $0xFFFFC7C0  }
0x257: {  	_ =	swait.ge [sflag:s14], $0x3840  }
0x258: {  	s17 =	sld [smem:$0x7DA]  }
0x259: {  	[sflag:s14] =	ssyncset.done $0x0  }
0x25a: {  	[sflag:s14] =	ssyncadd.s32 $0xFFFFC7C0  }
0x25b: {  	[tilespmem:s10], [sflag:$0x3] =	stream.indirect.gather [hbm4b:s8+s29], $0x90, s17, s29, $0xb8;
	[tilespmem:$0x1F680] =	vst v63  }
0x25c: {  	_ =	swait.ge [sflag:s9], $0x3840  }
0x25d: {  	s18 =	sld [smem:$0x7DB]  }
0x25e: {  	[sflag:s9] =	ssyncset.done $0x0  }
0x25f: {  	s19 =	sld [smem:$0x7DC];
	[sflag:s9] =	ssyncadd.s32 $0xFFFFC7C0  }
0x260: {  	[spmem:s3] =	stream.indirect.scatter.add.f32 [tilespmem:s30], [sflag:$0x4], $0x90, s18, s29, $0xb8;
	[tilespmem:$0x1F680] =	vst v63  }
0x261: {  	_ = 	snop  }
0x262: {  	[spmem:s4] =	stream.indirect.scatter.add.f32 [tilespmem:s30], [sflag:$0x6], $0x90, s19, s29, $0xb8;
	[tilespmem:$0x1F680] =	vst v63  }
0x263: {  	_ =	swait.ge [sflag:s26], $0x3840  }
0x264: {  	[sflag:s26] =	ssyncset.done $0x0  }
0x265: {  	[sflag:s26] =	ssyncadd.s32 $0xFFFFC7C0  }
0x266: {  	_ =	swait.ge [sflag:s28], $0x3840  }
0x267: {  	s17 =	sld [smem:$0x7DD]  }
0x268: {  	[sflag:s28] =	ssyncset.done $0x0  }
0x269: {  	[sflag:s28] =	ssyncadd.s32 $0xFFFFC7C0  }
0x26a: {  	[tilespmem:s30], [sflag:$0x2] =	stream.indirect.gather [hbm4b:s8+s29], $0x90, s17, s29, $0xb8;
	[tilespmem:$0x1F680] =	vst v63  }
0x26b: {  	_ =	swait.ge [sflag:s11], $0x3840  }
0x26c: {  	s18 =	sld [smem:$0x7DE]  }
0x26d: {  	[sflag:s11] =	ssyncset.done $0x0  }
0x26e: {  	s19 =	sld [smem:$0x7E0];
	[sflag:s11] =	ssyncadd.s32 $0xFFFFC7C0  }
0x26f: {  	[spmem:s3] =	stream.indirect.scatter.add.f32 [tilespmem:s10], [sflag:$0x5], $0x90, s18, s29, $0xb8;
	[tilespmem:$0x1F680] =	vst v63  }
0x270: {  	_ = 	snop  }
0x271: {  	[spmem:s4] =	stream.indirect.scatter.add.f32 [tilespmem:s10], [sflag:$0x7], $0x90, s19, s29, $0xb8;
	[tilespmem:$0x1F680] =	vst v63  }
0x272: {  	_ =	swait.ge [sflag:s13], $0x3840  }
0x273: {  	[sflag:s13] =	ssyncset.done $0x0  }
0x274: {  	[sflag:s13] =	ssyncadd.s32 $0xFFFFC7C0  }
0x275: {  	_ =	swait.ge [sflag:s14], $0x3840  }
0x276: {  	s17 =	sld [smem:$0x7E1]  }
0x277: {  	[sflag:s14] =	ssyncset.done $0x0  }
0x278: {  	[sflag:s14] =	ssyncadd.s32 $0xFFFFC7C0  }
0x279: {  	[tilespmem:s10], [sflag:$0x3] =	stream.indirect.gather [hbm4b:s8+s29], $0x90, s17, s29, $0xb8;
	[tilespmem:$0x1F680] =	vst v63  }
0x27a: {  	_ =	swait.ge [sflag:s9], $0x3840  }
0x27b: {  	s18 =	sld [smem:$0x7E4]  }
0x27c: {  	[sflag:s9] =	ssyncset.done $0x0  }
0x27d: {  	s19 =	sld [smem:$0x7E5];
	[sflag:s9] =	ssyncadd.s32 $0xFFFFC7C0  }
0x27e: {  	[spmem:s3] =	stream.indirect.scatter.add.f32 [tilespmem:s30], [sflag:$0x4], $0x90, s18, s29, $0xb8;
	[tilespmem:$0x1F680] =	vst v63  }
0x27f: {  	_ = 	snop  }
0x280: {  	[spmem:s4] =	stream.indirect.scatter.add.f32 [tilespmem:s30], [sflag:$0x6], $0x90, s19, s29, $0xb8;
	[tilespmem:$0x1F680] =	vst v63  }
0x281: {  	_ =	swait.ge [sflag:s26], $0x3840  }
0x282: {  	[sflag:s26] =	ssyncset.done $0x0  }
0x283: {  	[sflag:s26] =	ssyncadd.s32 $0xFFFFC7C0  }
0x284: {  	_ =	swait.ge [sflag:s28], $0x3840  }
0x285: {  	s17 =	sld [smem:$0x7E7]  }
0x286: {  	[sflag:s28] =	ssyncset.done $0x0  }
0x287: {  	[sflag:s28] =	ssyncadd.s32 $0xFFFFC7C0  }
0x288: {  	[tilespmem:s30], [sflag:$0x2] =	stream.indirect.gather [hbm4b:s8+s29], $0x90, s17, s29, $0xb8;
	[tilespmem:$0x1F680] =	vst v63  }
0x289: {  	_ =	swait.ge [sflag:s11], $0x3840  }
0x28a: {  	s18 =	sld [smem:$0x7E8]  }
0x28b: {  	[sflag:s11] =	ssyncset.done $0x0  }
0x28c: {  	s19 =	sld [smem:$0x7EA];
	[sflag:s11] =	ssyncadd.s32 $0xFFFFC7C0  }
0x28d: {  	[spmem:s3] =	stream.indirect.scatter.add.f32 [tilespmem:s10], [sflag:$0x5], $0x90, s18, s29, $0xb8;
	[tilespmem:$0x1F680] =	vst v63  }
0x28e: {  	_ = 	snop  }
0x28f: {  	[spmem:s4] =	stream.indirect.scatter.add.f32 [tilespmem:s10], [sflag:$0x7], $0x90, s19, s29, $0xb8;
	[tilespmem:$0x1F680] =	vst v63  }
0x290: {  	_ =	swait.ge [sflag:s13], $0x3840  }
0x291: {  	[sflag:s13] =	ssyncset.done $0x0  }
0x292: {  	[sflag:s13] =	ssyncadd.s32 $0xFFFFC7C0  }
0x293: {  	_ =	swait.ge [sflag:s14], $0x3840  }
0x294: {  	s17 =	sld [smem:$0x7EC]  }
0x295: {  	[sflag:s14] =	ssyncset.done $0x0  }
0x296: {  	[sflag:s14] =	ssyncadd.s32 $0xFFFFC7C0  }
0x297: {  	[tilespmem:s10], [sflag:$0x3] =	stream.indirect.gather [hbm4b:s8+s29], $0x90, s17, s29, $0xb8;
	[tilespmem:$0x1F680] =	vst v63  }
0x298: {  	_ =	swait.ge [sflag:s9], $0x3840  }
0x299: {  	s18 =	sld [smem:$0x7EE]  }
0x29a: {  	[sflag:s9] =	ssyncset.done $0x0  }
0x29b: {  	s19 =	sld [smem:$0x7F0];
	[sflag:s9] =	ssyncadd.s32 $0xFFFFC7C0  }
0x29c: {  	[spmem:s3] =	stream.indirect.scatter.add.f32 [tilespmem:s30], [sflag:$0x4], $0x90, s18, s29, $0xb8;
	[tilespmem:$0x1F680] =	vst v63  }
0x29d: {  	_ = 	snop  }
0x29e: {  	[spmem:s4] =	stream.indirect.scatter.add.f32 [tilespmem:s30], [sflag:$0x6], $0x90, s19, s29, $0xb8;
	[tilespmem:$0x1F680] =	vst v63  }
0x29f: {  	_ =	swait.ge [sflag:s26], $0x3840  }
0x2a0: {  	[sflag:s26] =	ssyncset.done $0x0  }
0x2a1: {  	[sflag:s26] =	ssyncadd.s32 $0xFFFFC7C0  }
0x2a2: {  	_ =	swait.ge [sflag:s28], $0x3840  }
0x2a3: {  	s17 =	sld [smem:$0x7F2]  }
0x2a4: {  	[sflag:s28] =	ssyncset.done $0x0  }
0x2a5: {  	[sflag:s28] =	ssyncadd.s32 $0xFFFFC7C0  }
0x2a6: {  	[tilespmem:s30], [sflag:$0x2] =	stream.indirect.gather [hbm4b:s8+s29], $0x90, s17, s29, $0xb8;
	[tilespmem:$0x1F680] =	vst v63  }
0x2a7: {  	_ =	swait.ge [sflag:s11], $0x3840  }
0x2a8: {  	s18 =	sld [smem:$0x7F4]  }
0x2a9: {  	[sflag:s11] =	ssyncset.done $0x0  }
0x2aa: {  	s19 =	sld [smem:$0x7F5];
	[sflag:s11] =	ssyncadd.s32 $0xFFFFC7C0  }
0x2ab: {  	[spmem:s3] =	stream.indirect.scatter.add.f32 [tilespmem:s10], [sflag:$0x5], $0x90, s18, s29, $0xb8;
	[tilespmem:$0x1F680] =	vst v63  }
0x2ac: {  	_ = 	snop  }
0x2ad: {  	[spmem:s4] =	stream.indirect.scatter.add.f32 [tilespmem:s10], [sflag:$0x7], $0x90, s19, s29, $0xb8;
	[tilespmem:$0x1F680] =	vst v63  }
0x2ae: {  	_ =	swait.ge [sflag:s13], $0x3840  }
0x2af: {  	[sflag:s13] =	ssyncset.done $0x0  }
0x2b0: {  	[sflag:s13] =	ssyncadd.s32 $0xFFFFC7C0  }
0x2b1: {  	_ =	swait.ge [sflag:s14], $0x3840  }
0x2b2: {  	s17 =	sld [smem:$0x7F6]  }
0x2b3: {  	[sflag:s14] =	ssyncset.done $0x0  }
0x2b4: {  	[sflag:s14] =	ssyncadd.s32 $0xFFFFC7C0  }
0x2b5: {  	[tilespmem:s10], [sflag:$0x3] =	stream.indirect.gather [hbm4b:s8+s29], $0x90, s17, s29, $0xb8;
	[tilespmem:$0x1F680] =	vst v63  }
0x2b6: {  	_ =	swait.ge [sflag:s9], $0x3840  }
0x2b7: {  	s18 =	sld [smem:$0x7F8]  }
0x2b8: {  	[sflag:s9] =	ssyncset.done $0x0  }
0x2b9: {  	s19 =	sld [smem:$0x7FA];
	[sflag:s9] =	ssyncadd.s32 $0xFFFFC7C0  }
0x2ba: {  	[spmem:s3] =	stream.indirect.scatter.add.f32 [tilespmem:s30], [sflag:$0x4], $0x90, s18, s29, $0xb8;
	[tilespmem:$0x1F680] =	vst v63  }
0x2bb: {  	_ = 	snop  }
0x2bc: {  	[spmem:s4] =	stream.indirect.scatter.add.f32 [tilespmem:s30], [sflag:$0x6], $0x90, s19, s29, $0xb8;
	[tilespmem:$0x1F680] =	vst v63  }
0x2bd: {  	_ =	swait.ge [sflag:s11], $0x3840  }
0x2be: {  	s18 =	sld [smem:$0x7FB]  }
0x2bf: {  	[sflag:s11] =	ssyncset.done $0x0  }
0x2c0: {  	s19 =	sld [smem:$0x7FC];
	[sflag:s11] =	ssyncadd.s32 $0xFFFFC7C0  }
0x2c1: {  	[spmem:s3] =	stream.indirect.scatter.add.f32 [tilespmem:s10], [sflag:$0x5], $0x90, s18, s29, $0xb8;
	[tilespmem:$0x1F680] =	vst v63  }
0x2c2: {  	_ = 	snop  }
0x2c3: {  	[spmem:s4] =	stream.indirect.scatter.add.f32 [tilespmem:s10], [sflag:$0x7], $0x90, s19, s29, $0xb8;
	[tilespmem:$0x1F680] =	vst v63  }
0x2c4: {  	_ =	swait.ge [sflag:s26], $0x3840  }
0x2c5: {  	[sflag:s26] =	ssyncset.done $0x0  }
0x2c6: {  	[sflag:s26] =	ssyncadd.s32 $0xFFFFC7C0  }
0x2c7: {  	_ =	swait.ge [sflag:s28], $0x3840  }
0x2c8: {  	[sflag:s28] =	ssyncset.done $0x0  }
0x2c9: {  	[sflag:s28] =	ssyncadd.s32 $0xFFFFC7C0  }
0x2ca: {  	_ =	swait.ge [sflag:s15], $0x410  }
0x2cb: {  	[sflag:s15] =	ssyncset.done $0x0  }
0x2cc: {  	[sflag:s15] =	ssyncadd.s32 $0xFFFFFBF0  }
0x2cd: {  	_ =	swait.ge [sflag:s15], $0x410  }
0x2ce: {  	[sflag:s15] =	ssyncset.done $0x0  }
0x2cf: {  	[sflag:s15] =	ssyncadd.s32 $0xFFFFFBF0  }
0x2d0: {  	_ =	swait.ge [sflag:s15], $0x410  }
0x2d1: {  	[sflag:s15] =	ssyncset.done $0x0  }
0x2d2: {  	p0 =	sne.s32 s12, $0x410;
	[sflag:s15] =	ssyncadd.s32 $0xFFFFFBF0  }
0x2d3: {  	[tilespmem:s30], [sflag:$0x2] =	stream.indirect.gather [hbm4b:s8+s29], $0x90, s22, s29, $0xb8;
	[tilespmem:$0x1F680] =	vst v63  }
.Ltmp0:
0x2d4: {  	_ =	swait.ge [sflag:s13], $0x3840;
	(pc) =	sbr.rel @p0 .LBB2_2-.Ltmp0, $4  }
0x2d5: {  	[sflag:s13] =	ssyncset.done $0x0  }
0x2d6: {  	[sflag:s13] =	ssyncadd.s32 $0xFFFFC7C0  }
0x2d7: {  	_ =	swait.ge [sflag:s14], $0x3840  }
0x2d8: {  	s12 =	sadd.s32 $0x104, s12;
	s19 =	rddreg [dreg:$0x7];
	[sflag:s14] =	ssyncset.done $0x0  }
0x2d9: {  	[sflag:s14] =	ssyncadd.s32 $0xFFFFC7C0;
	s12 =	rddreg [dreg:$0x6];
	s16 =	sadd.s32 s20, s19  }
0x2da: {  	[tilespmem:s31], [sflag:$0x1] =	stream.linear.gather [hbm4b:s16+s5], $0x410, $0x38;
	[tilespmem:$0x1F680] =	vst v63  }
0x2db: {  	s18 =	rddreg [dreg:$0x5];
	s12 =	sadd.s32 s20, s12  }
0x2dc: {  	[tilespmem:s2], [sflag:$0x1] =	stream.linear.gather [hbm4b:s12+s5], $0x410, $0x38;
	[tilespmem:$0x1F680] =	vst v63  }
0x2dd: {  	s19 =	sadd.s32 s20, s18  }
0x2de: {  	[tilespmem:s0], [sflag:$0x1] =	stream.linear.gather [hbm4b:s19+s5], $0x410, $0x38;
	[tilespmem:$0x1F680] =	vst v63  }
0x2df: {  	s20 =	rddreg [dreg:$0x8]  }
0x2e0: {  	[tilespmem:s10], [sflag:$0x3] =	stream.indirect.gather [hbm4b:s8+s29], $0x90, s20, s29, $0xb8;
	[tilespmem:$0x1F680] =	vst v63  }
0x2e1: {  	_ =	swait.ge [sflag:s9], $0x3840  }
0x2e2: {  	[sflag:s9] =	ssyncset.done $0x0  }
0x2e3: {  	[sflag:s9] =	ssyncadd.s32 $0xFFFFC7C0  }
0x2e4: {  	[spmem:s3] =	stream.indirect.scatter.add.f32 [tilespmem:s30], [sflag:$0x4], $0x90, s24, s29, $0xb8;
	[tilespmem:$0x1F680] =	vst v63  }
0x2e5: {  	_ = 	snop  }
0x2e6: {  	[spmem:s4] =	stream.indirect.scatter.add.f32 [tilespmem:s30], [sflag:$0x6], $0x90, s25, s29, $0xb8;
	[tilespmem:$0x1F680] =	vst v63  }
0x2e7: {  	_ =	swait.ge [sflag:s26], $0x3840  }
0x2e8: {  	[sflag:s26] =	ssyncset.done $0x0  }
0x2e9: {  	[sflag:s26] =	ssyncadd.s32 $0xFFFFC7C0  }
0x2ea: {  	_ =	swait.ge [sflag:s28], $0x3840  }
0x2eb: {  	[sflag:s28] =	ssyncset.done $0x0  }
0x2ec: {  	s17 =	rddreg [dreg:$0x9];
	[sflag:s28] =	ssyncadd.s32 $0xFFFFC7C0  }
0x2ed: {  	[tilespmem:s30], [sflag:$0x2] =	stream.indirect.gather [hbm4b:s8+s29], $0x90, s17, s29, $0xb8;
	[tilespmem:$0x1F680] =	vst v63  }
0x2ee: {  	_ =	swait.ge [sflag:s11], $0x3840  }
0x2ef: {  	[sflag:s11] =	ssyncset.done $0x0  }
0x2f0: {  	s18 =	rddreg [dreg:$0xa];
	[sflag:s11] =	ssyncadd.s32 $0xFFFFC7C0  }
0x2f1: {  	[spmem:s3] =	stream.indirect.scatter.add.f32 [tilespmem:s10], [sflag:$0x5], $0x90, s18, s29, $0xb8;
	[tilespmem:$0x1F680] =	vst v63  }
0x2f2: {  	s19 =	rddreg [dreg:$0xb]  }
0x2f3: {  	[spmem:s4] =	stream.indirect.scatter.add.f32 [tilespmem:s10], [sflag:$0x7], $0x90, s19, s29, $0xb8;
	[tilespmem:$0x1F680] =	vst v63  }
0x2f4: {  	_ =	swait.ge [sflag:s13], $0x3840  }
0x2f5: {  	[sflag:s13] =	ssyncset.done $0x0  }
0x2f6: {  	[sflag:s13] =	ssyncadd.s32 $0xFFFFC7C0  }
0x2f7: {  	_ =	swait.ge [sflag:s14], $0x3840  }
0x2f8: {  	[sflag:s14] =	ssyncset.done $0x0  }
0x2f9: {  	s20 =	rddreg [dreg:$0xc];
	[sflag:s14] =	ssyncadd.s32 $0xFFFFC7C0  }
0x2fa: {  	[tilespmem:s10], [sflag:$0x3] =	stream.indirect.gather [hbm4b:s8+s29], $0x90, s20, s29, $0xb8;
	[tilespmem:$0x1F680] =	vst v63  }
0x2fb: {  	_ =	swait.ge [sflag:s9], $0x3840  }
0x2fc: {  	[sflag:s9] =	ssyncset.done $0x0  }
0x2fd: {  	s16 =	rddreg [dreg:$0xd];
	[sflag:s9] =	ssyncadd.s32 $0xFFFFC7C0  }
0x2fe: {  	[spmem:s3] =	stream.indirect.scatter.add.f32 [tilespmem:s30], [sflag:$0x4], $0x90, s16, s29, $0xb8;
	[tilespmem:$0x1F680] =	vst v63  }
0x2ff: {  	s17 =	rddreg [dreg:$0xe]  }
0x300: {  	[spmem:s4] =	stream.indirect.scatter.add.f32 [tilespmem:s30], [sflag:$0x6], $0x90, s17, s29, $0xb8;
	[tilespmem:$0x1F680] =	vst v63  }
0x301: {  	_ =	swait.ge [sflag:s26], $0x3840  }
0x302: {  	[sflag:s26] =	ssyncset.done $0x0  }
0x303: {  	[sflag:s26] =	ssyncadd.s32 $0xFFFFC7C0  }
0x304: {  	_ =	swait.ge [sflag:s28], $0x3840  }
0x305: {  	[sflag:s28] =	ssyncset.done $0x0  }
0x306: {  	s18 =	rddreg [dreg:$0xf];
	[sflag:s28] =	ssyncadd.s32 $0xFFFFC7C0  }
0x307: {  	[tilespmem:s30], [sflag:$0x2] =	stream.indirect.gather [hbm4b:s8+s29], $0x90, s18, s29, $0xb8;
	[tilespmem:$0x1F680] =	vst v63  }
0x308: {  	_ =	swait.ge [sflag:s11], $0x3840  }
0x309: {  	[sflag:s11] =	ssyncset.done $0x0  }
0x30a: {  	s19 =	rddreg [dreg:$0x10];
	[sflag:s11] =	ssyncadd.s32 $0xFFFFC7C0  }
0x30b: {  	[spmem:s3] =	stream.indirect.scatter.add.f32 [tilespmem:s10], [sflag:$0x5], $0x90, s19, s29, $0xb8;
	[tilespmem:$0x1F680] =	vst v63  }
0x30c: {  	s20 =	rddreg [dreg:$0x11]  }
0x30d: {  	[spmem:s4] =	stream.indirect.scatter.add.f32 [tilespmem:s10], [sflag:$0x7], $0x90, s20, s29, $0xb8;
	[tilespmem:$0x1F680] =	vst v63  }
0x30e: {  	_ =	swait.ge [sflag:s13], $0x3840  }
0x30f: {  	[sflag:s13] =	ssyncset.done $0x0  }
0x310: {  	[sflag:s13] =	ssyncadd.s32 $0xFFFFC7C0  }
0x311: {  	_ =	swait.ge [sflag:s14], $0x3840  }
0x312: {  	[sflag:s14] =	ssyncset.done $0x0  }
0x313: {  	s17 =	rddreg [dreg:$0x12];
	[sflag:s14] =	ssyncadd.s32 $0xFFFFC7C0  }
0x314: {  	[tilespmem:s10], [sflag:$0x3] =	stream.indirect.gather [hbm4b:s8+s29], $0x90, s17, s29, $0xb8;
	[tilespmem:$0x1F680] =	vst v63  }
0x315: {  	_ =	swait.ge [sflag:s9], $0x3840  }
0x316: {  	[sflag:s9] =	ssyncset.done $0x0  }
0x317: {  	s18 =	rddreg [dreg:$0x13];
	[sflag:s9] =	ssyncadd.s32 $0xFFFFC7C0  }
0x318: {  	[spmem:s3] =	stream.indirect.scatter.add.f32 [tilespmem:s30], [sflag:$0x4], $0x90, s18, s29, $0xb8;
	[tilespmem:$0x1F680] =	vst v63  }
0x319: {  	s19 =	rddreg [dreg:$0x14]  }
0x31a: {  	[spmem:s4] =	stream.indirect.scatter.add.f32 [tilespmem:s30], [sflag:$0x6], $0x90, s19, s29, $0xb8;
	[tilespmem:$0x1F680] =	vst v63  }
0x31b: {  	_ =	swait.ge [sflag:s26], $0x3840  }
0x31c: {  	[sflag:s26] =	ssyncset.done $0x0  }
0x31d: {  	[sflag:s26] =	ssyncadd.s32 $0xFFFFC7C0  }
0x31e: {  	_ =	swait.ge [sflag:s28], $0x3840  }
0x31f: {  	[sflag:s28] =	ssyncset.done $0x0  }
0x320: {  	s20 =	rddreg [dreg:$0x15];
	[sflag:s28] =	ssyncadd.s32 $0xFFFFC7C0  }
0x321: {  	[tilespmem:s30], [sflag:$0x2] =	stream.indirect.gather [hbm4b:s8+s29], $0x90, s20, s29, $0xb8;
	[tilespmem:$0x1F680] =	vst v63  }
0x322: {  	_ =	swait.ge [sflag:s11], $0x3840  }
0x323: {  	[sflag:s11] =	ssyncset.done $0x0  }
0x324: {  	s16 =	rddreg [dreg:$0x16];
	[sflag:s11] =	ssyncadd.s32 $0xFFFFC7C0  }
0x325: {  	[spmem:s3] =	stream.indirect.scatter.add.f32 [tilespmem:s10], [sflag:$0x5], $0x90, s16, s29, $0xb8;
	[tilespmem:$0x1F680] =	vst v63  }
0x326: {  	s17 =	rddreg [dreg:$0x17]  }
0x327: {  	[spmem:s4] =	stream.indirect.scatter.add.f32 [tilespmem:s10], [sflag:$0x7], $0x90, s17, s29, $0xb8;
	[tilespmem:$0x1F680] =	vst v63  }
0x328: {  	_ =	swait.ge [sflag:s13], $0x3840  }
0x329: {  	[sflag:s13] =	ssyncset.done $0x0  }
0x32a: {  	[sflag:s13] =	ssyncadd.s32 $0xFFFFC7C0  }
0x32b: {  	_ =	swait.ge [sflag:s14], $0x3840  }
0x32c: {  	[sflag:s14] =	ssyncset.done $0x0  }
0x32d: {  	s18 =	rddreg [dreg:$0x18];
	[sflag:s14] =	ssyncadd.s32 $0xFFFFC7C0  }
0x32e: {  	[tilespmem:s10], [sflag:$0x3] =	stream.indirect.gather [hbm4b:s8+s29], $0x90, s18, s29, $0xb8;
	[tilespmem:$0x1F680] =	vst v63  }
0x32f: {  	_ =	swait.ge [sflag:s9], $0x3840  }
0x330: {  	[sflag:s9] =	ssyncset.done $0x0  }
0x331: {  	s19 =	rddreg [dreg:$0x19];
	[sflag:s9] =	ssyncadd.s32 $0xFFFFC7C0  }
0x332: {  	[spmem:s3] =	stream.indirect.scatter.add.f32 [tilespmem:s30], [sflag:$0x4], $0x90, s19, s29, $0xb8;
	[tilespmem:$0x1F680] =	vst v63  }
0x333: {  	s20 =	rddreg [dreg:$0x1a]  }
0x334: {  	[spmem:s4] =	stream.indirect.scatter.add.f32 [tilespmem:s30], [sflag:$0x6], $0x90, s20, s29, $0xb8;
	[tilespmem:$0x1F680] =	vst v63  }
0x335: {  	_ =	swait.ge [sflag:s26], $0x3840  }
0x336: {  	[sflag:s26] =	ssyncset.done $0x0  }
0x337: {  	[sflag:s26] =	ssyncadd.s32 $0xFFFFC7C0  }
0x338: {  	_ =	swait.ge [sflag:s28], $0x3840  }
0x339: {  	[sflag:s28] =	ssyncset.done $0x0  }
0x33a: {  	s17 =	rddreg [dreg:$0x1b];
	[sflag:s28] =	ssyncadd.s32 $0xFFFFC7C0  }
0x33b: {  	[tilespmem:s30], [sflag:$0x2] =	stream.indirect.gather [hbm4b:s8+s29], $0x90, s17, s29, $0xb8;
	[tilespmem:$0x1F680] =	vst v63  }
0x33c: {  	_ =	swait.ge [sflag:s11], $0x3840  }
0x33d: {  	[sflag:s11] =	ssyncset.done $0x0  }
0x33e: {  	s18 =	rddreg [dreg:$0x1c];
	[sflag:s11] =	ssyncadd.s32 $0xFFFFC7C0  }
0x33f: {  	[spmem:s3] =	stream.indirect.scatter.add.f32 [tilespmem:s10], [sflag:$0x5], $0x90, s18, s29, $0xb8;
	[tilespmem:$0x1F680] =	vst v63  }
0x340: {  	s19 =	rddreg [dreg:$0x1d]  }
0x341: {  	[spmem:s4] =	stream.indirect.scatter.add.f32 [tilespmem:s10], [sflag:$0x7], $0x90, s19, s29, $0xb8;
	[tilespmem:$0x1F680] =	vst v63  }
0x342: {  	_ =	swait.ge [sflag:s13], $0x3840  }
0x343: {  	[sflag:s13] =	ssyncset.done $0x0  }
0x344: {  	[sflag:s13] =	ssyncadd.s32 $0xFFFFC7C0  }
0x345: {  	_ =	swait.ge [sflag:s14], $0x3840  }
0x346: {  	[sflag:s14] =	ssyncset.done $0x0  }
0x347: {  	s20 =	rddreg [dreg:$0x1e];
	[sflag:s14] =	ssyncadd.s32 $0xFFFFC7C0  }
0x348: {  	[tilespmem:s10], [sflag:$0x3] =	stream.indirect.gather [hbm4b:s8+s29], $0x90, s20, s29, $0xb8;
	[tilespmem:$0x1F680] =	vst v63  }
0x349: {  	_ =	swait.ge [sflag:s9], $0x3840  }
0x34a: {  	s16 =	rddreg [dreg:$0x1f];
	[sflag:s9] =	ssyncset.done $0x0  }
0x34b: {  	s17 =	sld [smem:$0x7D3];
	[sflag:s9] =	ssyncadd.s32 $0xFFFFC7C0  }
0x34c: {  	[spmem:s3] =	stream.indirect.scatter.add.f32 [tilespmem:s30], [sflag:$0x4], $0x90, s16, s29, $0xb8;
	[tilespmem:$0x1F680] =	vst v63  }
0x34d: {  	_ = 	snop  }
0x34e: {  	[spmem:s4] =	stream.indirect.scatter.add.f32 [tilespmem:s30], [sflag:$0x6], $0x90, s17, s29, $0xb8;
	[tilespmem:$0x1F680] =	vst v63  }
0x34f: {  	_ =	swait.ge [sflag:s26], $0x3840  }
0x350: {  	[sflag:s26] =	ssyncset.done $0x0  }
0x351: {  	[sflag:s26] =	ssyncadd.s32 $0xFFFFC7C0  }
0x352: {  	_ =	swait.ge [sflag:s28], $0x3840  }
0x353: {  	[sflag:s28] =	ssyncset.done $0x0  }
0x354: {  	[sflag:s28] =	ssyncadd.s32 $0xFFFFC7C0  }
0x355: {  	_ =	swait.ge [sflag:s15], $0x410  }
0x356: {  	[sflag:s15] =	ssyncset.done $0x0  }
0x357: {  	[sflag:s15] =	ssyncadd.s32 $0xFFFFFBF0  }
0x358: {  	_ =	swait.ge [sflag:s15], $0x410  }
0x359: {  	[sflag:s15] =	ssyncset.done $0x0  }
0x35a: {  	[sflag:s15] =	ssyncadd.s32 $0xFFFFFBF0  }
0x35b: {  	s18 =	sadd.s32 $0x14, s21;
	_ =	swait.ge [sflag:s15], $0x410  }
0x35c: {  	s12 =	smin.u32 s18, $0xC62;
	[sflag:s15] =	ssyncset.done $0x0  }
0x35d: {  	s12 =	smul.u32 $0x68, s12;
	[sflag:s15] =	ssyncadd.s32 $0xFFFFFBF0  }
0x35e: {  	[tilespmem:s30], [sflag:$0x2] =	stream.indirect.gather [hbm4b:s8+s29], $0x90, s31, s29, $0xb8;
	[tilespmem:$0x1F680] =	vst v63  }
0x35f: {  	s12 =	sshrl.u32 s12, $0x3;
	_ =	swait.ge [sflag:s11], $0x3840  }
0x360: {  	s12 =	sadd.s32 $0x104, s12;
	[sflag:s11] =	ssyncset.done $0x0  }
0x361: {  	s19 =	sadd.s32 s1, s12;
	[sflag:s11] =	ssyncadd.s32 $0xFFFFC7C0  }
0x362: {  	[tilespmem:s22], [sflag:$0x1] =	stream.linear.gather [hbm4b:s19+s5], $0x410, $0x38;
	[tilespmem:$0x1F680] =	vst v63  }
0x363: {  	s20 =	sadd.s32 s7, s12  }
0x364: {  	[tilespmem:s24], [sflag:$0x1] =	stream.linear.gather [hbm4b:s20+s5], $0x410, $0x38;
	[tilespmem:$0x1F680] =	vst v63  }
0x365: {  	s12 =	sadd.s32 s6, s12;
	s21 =	sld [smem:$0x7D4]  }
0x366: {  	[tilespmem:s25], [sflag:$0x1] =	stream.linear.gather [hbm4b:s12+s5], $0x410, $0x38;
	[tilespmem:$0x1F680] =	vst v63  }
0x367: {  	s17 =	sld [smem:$0x7D5]  }
0x368: {  	[spmem:s3] =	stream.indirect.scatter.add.f32 [tilespmem:s10], [sflag:$0x5], $0x90, s21, s29, $0xb8;
	[tilespmem:$0x1F680] =	vst v63  }
0x369: {  	_ = 	snop  }
0x36a: {  	[spmem:s4] =	stream.indirect.scatter.add.f32 [tilespmem:s10], [sflag:$0x7], $0x90, s17, s29, $0xb8;
	[tilespmem:$0x1F680] =	vst v63  }
0x36b: {  	_ =	swait.ge [sflag:s13], $0x3840  }
0x36c: {  	[sflag:s13] =	ssyncset.done $0x0  }
0x36d: {  	[sflag:s13] =	ssyncadd.s32 $0xFFFFC7C0  }
0x36e: {  	_ =	swait.ge [sflag:s14], $0x3840  }
0x36f: {  	s18 =	sld [smem:$0x7D6]  }
0x370: {  	[sflag:s14] =	ssyncset.done $0x0  }
0x371: {  	[sflag:s14] =	ssyncadd.s32 $0xFFFFC7C0  }
0x372: {  	[tilespmem:s10], [sflag:$0x3] =	stream.indirect.gather [hbm4b:s8+s29], $0x90, s18, s29, $0xb8;
	[tilespmem:$0x1F680] =	vst v63  }
0x373: {  	_ =	swait.ge [sflag:s9], $0x3840  }
0x374: {  	[sflag:s9] =	ssyncset.done $0x0  }
0x375: {  	[sflag:s9] =	ssyncadd.s32 $0xFFFFC7C0  }
0x376: {  	[spmem:s3] =	stream.indirect.scatter.add.f32 [tilespmem:s30], [sflag:$0x4], $0x90, s2, s29, $0xb8;
	[tilespmem:$0x1F680] =	vst v63  }
0x377: {  	_ = 	snop  }
0x378: {  	[spmem:s4] =	stream.indirect.scatter.add.f32 [tilespmem:s30], [sflag:$0x6], $0x90, s0, s29, $0xb8;
	[tilespmem:$0x1F680] =	vst v63  }
0x379: {  	_ =	swait.ge [sflag:s26], $0x3840  }
0x37a: {  	[sflag:s26] =	ssyncset.done $0x0  }
0x37b: {  	[sflag:s26] =	ssyncadd.s32 $0xFFFFC7C0  }
0x37c: {  	_ =	swait.ge [sflag:s28], $0x3840  }
0x37d: {  	s19 =	sld [smem:$0x7D7]  }
0x37e: {  	[sflag:s28] =	ssyncset.done $0x0  }
0x37f: {  	[sflag:s28] =	ssyncadd.s32 $0xFFFFC7C0  }
0x380: {  	[tilespmem:s30], [sflag:$0x2] =	stream.indirect.gather [hbm4b:s8+s29], $0x90, s19, s29, $0xb8;
	[tilespmem:$0x1F680] =	vst v63  }
0x381: {  	_ =	swait.ge [sflag:s11], $0x3840  }
0x382: {  	s20 =	sld [smem:$0x7D8]  }
0x383: {  	[sflag:s11] =	ssyncset.done $0x0  }
0x384: {  	s21 =	sld [smem:$0x7D9];
	[sflag:s11] =	ssyncadd.s32 $0xFFFFC7C0  }
0x385: {  	[spmem:s3] =	stream.indirect.scatter.add.f32 [tilespmem:s10], [sflag:$0x5], $0x90, s20, s29, $0xb8;
	[tilespmem:$0x1F680] =	vst v63  }
0x386: {  	_ = 	snop  }
0x387: {  	[spmem:s4] =	stream.indirect.scatter.add.f32 [tilespmem:s10], [sflag:$0x7], $0x90, s21, s29, $0xb8;
	[tilespmem:$0x1F680] =	vst v63  }
0x388: {  	_ =	swait.ge [sflag:s13], $0x3840  }
0x389: {  	[sflag:s13] =	ssyncset.done $0x0  }
0x38a: {  	[sflag:s13] =	ssyncadd.s32 $0xFFFFC7C0  }
0x38b: {  	_ =	swait.ge [sflag:s14], $0x3840  }
0x38c: {  	s16 =	sld [smem:$0x7DA]  }
0x38d: {  	[sflag:s14] =	ssyncset.done $0x0  }
0x38e: {  	[sflag:s14] =	ssyncadd.s32 $0xFFFFC7C0  }
0x38f: {  	[tilespmem:s10], [sflag:$0x3] =	stream.indirect.gather [hbm4b:s8+s29], $0x90, s16, s29, $0xb8;
	[tilespmem:$0x1F680] =	vst v63  }
0x390: {  	_ =	swait.ge [sflag:s9], $0x3840  }
0x391: {  	s17 =	sld [smem:$0x7DB]  }
0x392: {  	[sflag:s9] =	ssyncset.done $0x0  }
0x393: {  	s18 =	sld [smem:$0x7DC];
	[sflag:s9] =	ssyncadd.s32 $0xFFFFC7C0  }
0x394: {  	[spmem:s3] =	stream.indirect.scatter.add.f32 [tilespmem:s30], [sflag:$0x4], $0x90, s17, s29, $0xb8;
	[tilespmem:$0x1F680] =	vst v63  }
0x395: {  	_ = 	snop  }
0x396: {  	[spmem:s4] =	stream.indirect.scatter.add.f32 [tilespmem:s30], [sflag:$0x6], $0x90, s18, s29, $0xb8;
	[tilespmem:$0x1F680] =	vst v63  }
0x397: {  	_ =	swait.ge [sflag:s26], $0x3840  }
0x398: {  	[sflag:s26] =	ssyncset.done $0x0  }
0x399: {  	[sflag:s26] =	ssyncadd.s32 $0xFFFFC7C0  }
0x39a: {  	_ =	swait.ge [sflag:s28], $0x3840  }
0x39b: {  	s19 =	sld [smem:$0x7DD]  }
0x39c: {  	[sflag:s28] =	ssyncset.done $0x0  }
0x39d: {  	[sflag:s28] =	ssyncadd.s32 $0xFFFFC7C0  }
0x39e: {  	[tilespmem:s30], [sflag:$0x2] =	stream.indirect.gather [hbm4b:s8+s29], $0x90, s19, s29, $0xb8;
	[tilespmem:$0x1F680] =	vst v63  }
0x39f: {  	_ =	swait.ge [sflag:s11], $0x3840  }
0x3a0: {  	s20 =	sld [smem:$0x7DE]  }
0x3a1: {  	[sflag:s11] =	ssyncset.done $0x0  }
0x3a2: {  	s21 =	sld [smem:$0x7E0];
	[sflag:s11] =	ssyncadd.s32 $0xFFFFC7C0  }
0x3a3: {  	[spmem:s3] =	stream.indirect.scatter.add.f32 [tilespmem:s10], [sflag:$0x5], $0x90, s20, s29, $0xb8;
	[tilespmem:$0x1F680] =	vst v63  }
0x3a4: {  	_ = 	snop  }
0x3a5: {  	[spmem:s4] =	stream.indirect.scatter.add.f32 [tilespmem:s10], [sflag:$0x7], $0x90, s21, s29, $0xb8;
	[tilespmem:$0x1F680] =	vst v63  }
0x3a6: {  	_ =	swait.ge [sflag:s13], $0x3840  }
0x3a7: {  	[sflag:s13] =	ssyncset.done $0x0  }
0x3a8: {  	[sflag:s13] =	ssyncadd.s32 $0xFFFFC7C0  }
0x3a9: {  	_ =	swait.ge [sflag:s14], $0x3840  }
0x3aa: {  	s16 =	sld [smem:$0x7E1]  }
0x3ab: {  	[sflag:s14] =	ssyncset.done $0x0  }
0x3ac: {  	[sflag:s14] =	ssyncadd.s32 $0xFFFFC7C0  }
0x3ad: {  	[tilespmem:s10], [sflag:$0x3] =	stream.indirect.gather [hbm4b:s8+s29], $0x90, s16, s29, $0xb8;
	[tilespmem:$0x1F680] =	vst v63  }
0x3ae: {  	_ =	swait.ge [sflag:s9], $0x3840  }
0x3af: {  	s17 =	sld [smem:$0x7E4]  }
0x3b0: {  	[sflag:s9] =	ssyncset.done $0x0  }
0x3b1: {  	s18 =	sld [smem:$0x7E5];
	[sflag:s9] =	ssyncadd.s32 $0xFFFFC7C0  }
0x3b2: {  	[spmem:s3] =	stream.indirect.scatter.add.f32 [tilespmem:s30], [sflag:$0x4], $0x90, s17, s29, $0xb8;
	[tilespmem:$0x1F680] =	vst v63  }
0x3b3: {  	_ = 	snop  }
0x3b4: {  	[spmem:s4] =	stream.indirect.scatter.add.f32 [tilespmem:s30], [sflag:$0x6], $0x90, s18, s29, $0xb8;
	[tilespmem:$0x1F680] =	vst v63  }
0x3b5: {  	_ =	swait.ge [sflag:s26], $0x3840  }
0x3b6: {  	[sflag:s26] =	ssyncset.done $0x0  }
0x3b7: {  	[sflag:s26] =	ssyncadd.s32 $0xFFFFC7C0  }
0x3b8: {  	_ =	swait.ge [sflag:s28], $0x3840  }
0x3b9: {  	s19 =	sld [smem:$0x7E7]  }
0x3ba: {  	[sflag:s28] =	ssyncset.done $0x0  }
0x3bb: {  	[sflag:s28] =	ssyncadd.s32 $0xFFFFC7C0  }
0x3bc: {  	[tilespmem:s30], [sflag:$0x2] =	stream.indirect.gather [hbm4b:s8+s29], $0x90, s19, s29, $0xb8;
	[tilespmem:$0x1F680] =	vst v63  }
0x3bd: {  	_ =	swait.ge [sflag:s11], $0x3840  }
0x3be: {  	s20 =	sld [smem:$0x7E8]  }
0x3bf: {  	[sflag:s11] =	ssyncset.done $0x0  }
0x3c0: {  	s21 =	sld [smem:$0x7EA];
	[sflag:s11] =	ssyncadd.s32 $0xFFFFC7C0  }
0x3c1: {  	[spmem:s3] =	stream.indirect.scatter.add.f32 [tilespmem:s10], [sflag:$0x5], $0x90, s20, s29, $0xb8;
	[tilespmem:$0x1F680] =	vst v63  }
0x3c2: {  	_ = 	snop  }
0x3c3: {  	[spmem:s4] =	stream.indirect.scatter.add.f32 [tilespmem:s10], [sflag:$0x7], $0x90, s21, s29, $0xb8;
	[tilespmem:$0x1F680] =	vst v63  }
0x3c4: {  	_ =	swait.ge [sflag:s13], $0x3840  }
0x3c5: {  	[sflag:s13] =	ssyncset.done $0x0  }
0x3c6: {  	[sflag:s13] =	ssyncadd.s32 $0xFFFFC7C0  }
0x3c7: {  	_ =	swait.ge [sflag:s14], $0x3840  }
0x3c8: {  	s16 =	sld [smem:$0x7EC]  }
0x3c9: {  	[sflag:s14] =	ssyncset.done $0x0  }
0x3ca: {  	[sflag:s14] =	ssyncadd.s32 $0xFFFFC7C0  }
0x3cb: {  	[tilespmem:s10], [sflag:$0x3] =	stream.indirect.gather [hbm4b:s8+s29], $0x90, s16, s29, $0xb8;
	[tilespmem:$0x1F680] =	vst v63  }
0x3cc: {  	_ =	swait.ge [sflag:s9], $0x3840  }
0x3cd: {  	s17 =	sld [smem:$0x7EE]  }
0x3ce: {  	[sflag:s9] =	ssyncset.done $0x0  }
0x3cf: {  	s18 =	sld [smem:$0x7F0];
	[sflag:s9] =	ssyncadd.s32 $0xFFFFC7C0  }
0x3d0: {  	[spmem:s3] =	stream.indirect.scatter.add.f32 [tilespmem:s30], [sflag:$0x4], $0x90, s17, s29, $0xb8;
	[tilespmem:$0x1F680] =	vst v63  }
0x3d1: {  	_ = 	snop  }
0x3d2: {  	[spmem:s4] =	stream.indirect.scatter.add.f32 [tilespmem:s30], [sflag:$0x6], $0x90, s18, s29, $0xb8;
	[tilespmem:$0x1F680] =	vst v63  }
0x3d3: {  	_ =	swait.ge [sflag:s26], $0x3840  }
0x3d4: {  	[sflag:s26] =	ssyncset.done $0x0  }
0x3d5: {  	[sflag:s26] =	ssyncadd.s32 $0xFFFFC7C0  }
0x3d6: {  	_ =	swait.ge [sflag:s28], $0x3840  }
0x3d7: {  	s19 =	sld [smem:$0x7F2]  }
0x3d8: {  	[sflag:s28] =	ssyncset.done $0x0  }
0x3d9: {  	[sflag:s28] =	ssyncadd.s32 $0xFFFFC7C0  }
0x3da: {  	[tilespmem:s30], [sflag:$0x2] =	stream.indirect.gather [hbm4b:s8+s29], $0x90, s19, s29, $0xb8;
	[tilespmem:$0x1F680] =	vst v63  }
0x3db: {  	_ =	swait.ge [sflag:s11], $0x3840  }
0x3dc: {  	s20 =	sld [smem:$0x7F4]  }
0x3dd: {  	[sflag:s11] =	ssyncset.done $0x0  }
0x3de: {  	s21 =	sld [smem:$0x7F5];
	[sflag:s11] =	ssyncadd.s32 $0xFFFFC7C0  }
0x3df: {  	[spmem:s3] =	stream.indirect.scatter.add.f32 [tilespmem:s10], [sflag:$0x5], $0x90, s20, s29, $0xb8;
	[tilespmem:$0x1F680] =	vst v63  }
0x3e0: {  	_ = 	snop  }
0x3e1: {  	[spmem:s4] =	stream.indirect.scatter.add.f32 [tilespmem:s10], [sflag:$0x7], $0x90, s21, s29, $0xb8;
	[tilespmem:$0x1F680] =	vst v63  }
0x3e2: {  	_ =	swait.ge [sflag:s13], $0x3840  }
0x3e3: {  	[sflag:s13] =	ssyncset.done $0x0  }
0x3e4: {  	[sflag:s13] =	ssyncadd.s32 $0xFFFFC7C0  }
0x3e5: {  	_ =	swait.ge [sflag:s14], $0x3840  }
0x3e6: {  	s16 =	sld [smem:$0x7F6]  }
0x3e7: {  	[sflag:s14] =	ssyncset.done $0x0  }
0x3e8: {  	[sflag:s14] =	ssyncadd.s32 $0xFFFFC7C0  }
0x3e9: {  	[tilespmem:s10], [sflag:$0x3] =	stream.indirect.gather [hbm4b:s8+s29], $0x90, s16, s29, $0xb8;
	[tilespmem:$0x1F680] =	vst v63  }
0x3ea: {  	_ =	swait.ge [sflag:s9], $0x3840  }
0x3eb: {  	s17 =	sld [smem:$0x7F8]  }
0x3ec: {  	[sflag:s9] =	ssyncset.done $0x0  }
0x3ed: {  	s18 =	sld [smem:$0x7FA];
	[sflag:s9] =	ssyncadd.s32 $0xFFFFC7C0  }
0x3ee: {  	[spmem:s3] =	stream.indirect.scatter.add.f32 [tilespmem:s30], [sflag:$0x4], $0x90, s17, s29, $0xb8;
	[tilespmem:$0x1F680] =	vst v63  }
0x3ef: {  	_ = 	snop  }
0x3f0: {  	[spmem:s4] =	stream.indirect.scatter.add.f32 [tilespmem:s30], [sflag:$0x6], $0x90, s18, s29, $0xb8;
	[tilespmem:$0x1F680] =	vst v63  }
0x3f1: {  	_ =	swait.ge [sflag:s11], $0x3840  }
0x3f2: {  	s19 =	sld [smem:$0x7FB]  }
0x3f3: {  	[sflag:s11] =	ssyncset.done $0x0  }
0x3f4: {  	s20 =	sld [smem:$0x7FC];
	[sflag:s11] =	ssyncadd.s32 $0xFFFFC7C0  }
0x3f5: {  	[spmem:s3] =	stream.indirect.scatter.add.f32 [tilespmem:s10], [sflag:$0x5], $0x90, s19, s29, $0xb8;
	[tilespmem:$0x1F680] =	vst v63  }
0x3f6: {  	_ = 	snop  }
0x3f7: {  	[spmem:s4] =	stream.indirect.scatter.add.f32 [tilespmem:s10], [sflag:$0x7], $0x90, s20, s29, $0xb8;
	[tilespmem:$0x1F680] =	vst v63  }
0x3f8: {  	_ =	swait.ge [sflag:s26], $0x3840  }
0x3f9: {  	[sflag:s26] =	ssyncset.done $0x0  }
0x3fa: {  	[sflag:s26] =	ssyncadd.s32 $0xFFFFC7C0  }
0x3fb: {  	_ =	swait.ge [sflag:s28], $0x3840  }
0x3fc: {  	[sflag:s28] =	ssyncset.done $0x0  }
0x3fd: {  	[sflag:s28] =	ssyncadd.s32 $0xFFFFC7C0  }
0x3fe: {  	_ =	swait.ge [sflag:s15], $0x410  }
0x3ff: {  	[sflag:s15] =	ssyncset.done $0x0  }
0x400: {  	[sflag:s15] =	ssyncadd.s32 $0xFFFFFBF0  }
0x401: {  	_ =	swait.ge [sflag:s15], $0x410  }
0x402: {  	[sflag:s15] =	ssyncset.done $0x0  }
0x403: {  	[sflag:s15] =	ssyncadd.s32 $0xFFFFFBF0  }
0x404: {  	_ =	swait.ge [sflag:s15], $0x410  }
0x405: {  	[sflag:s15] =	ssyncset.done $0x0  }
0x406: {  	[sflag:s15] =	ssyncadd.s32 $0xFFFFFBF0  }
0x407: {  	[tilespmem:s30], [sflag:$0x2] =	stream.indirect.gather [hbm4b:s8+s29], $0x90, s22, s29, $0xb8;
	[tilespmem:$0x1F680] =	vst v63  }
0x408: {  	_ =	swait.ge [sflag:s13], $0x3840  }
0x409: {  	[sflag:s13] =	ssyncset.done $0x0  }
0x40a: {  	[sflag:s13] =	ssyncadd.s32 $0xFFFFC7C0  }
0x40b: {  	_ =	swait.ge [sflag:s14], $0x3840  }
0x40c: {  	[sflag:s14] =	ssyncset.done $0x0  }
0x40d: {  	[sflag:s14] =	ssyncadd.s32 $0xFFFFC7C0  }
0x40e: {  	_ =	swait.ge [sflag:s9], $0x3840  }
0x40f: {  	[sflag:s9] =	ssyncset.done $0x0  }
0x410: {  	[sflag:s9] =	ssyncadd.s32 $0xFFFFC7C0  }
0x411: {  	[bflag:$0x0] =	sbarrier.arrive $0xFFFF  }
0x412: {  	s16 =	sld [smem:$0x7FD]  }
0x413: {  	s17 =	sld [smem:$0x7F1]  }
0x414: {  	s18 =	sld [smem:$0x7D1];
	_ =	sdelay $0x1  }
0x415: {  	s21 =	sor.u32 $0x1C08, s16  }
0x416: {  	[hbm:s17], [sflag:s21] =	dma.local [spmem:s18], $0x2BF2  }
0x417: {  	_ =	swait.ge [sflag:s23], $0x2BF2  }
0x418: {  	s18 =	sld [smem:$0x7F3]  }
0x419: {  	s19 =	sld [smem:$0x7D2]  }
0x41a: {  	[sflag:s23] =	ssyncset.done $0x0  }
0x41b: {  	[sflag:s23] =	ssyncadd.s32 $0xFFFFD40E  }
0x41c: {  	[hbm:s18], [sflag:s21] =	dma.local [spmem:s19], $0x1C2  }
0x41d: {  	_ =	swait.ge [sflag:s23], $0x1C2  }
0x41e: {  	s20 =	sld [smem:$0x7D0]  }
0x41f: {  	s21 =	sld [smem:$0x7F7];
	_ =	sdelay $0x1  }
0x420: {  	s17 =	sadd.s32 $0x1, s20  }
0x421: {  	p0 =	sne.s32 s17, s21  }
.Ltmp1:
0x422: {  	_ = 	snop;
	(pc) =	sbr.rel @p0 .LBB2_1-.Ltmp1, $3  }
0x423: {  	_ =	sdelay $0x1  }
0x424: {  	[sflag:s23] =	ssyncset.done $0x0  }
0x425: {  	[sflag:s23] =	ssyncadd.s32 $0xFFFFFE3E  }
0x426: {  	_ =	sfence.sel $0x180000  }
0x427: {  	[bflag:$0x0] =	sbarrier.arrive $0xFFFF  }
0x428: {  	_ =	strace $0x90000047  }
0x429: {  	s0 =	stileid.u32;
	[bflag:$0x2] =	sbarrier.arrive $0xFFFF  }
0x42a: {  	p0 =	sne.s32 s0, $0x0;
	s0 =	rddreg [dreg:$0x4]  }
0x42b: {  	s0 =	sadd.s32 @!p0 $0x100000, s0  }
0x42c: {  	[sflag:s0] =	ssyncadd.tile.s32 @!p0 $0x1;
	_ =	shalt  }
.Lfunc_end2:
_tile_overlayer_lowered:
.L_overlay_start_2:
0x42d: {  	(tag) =	ssettag $0x2  }
0x42e: {  	s0 =	rddreg [dreg:$0x0];
	s2 =	stileid.u32  }
0x42f: {  	s1 =	rddreg [dreg:$0x1];
	p0 =	sne.s32 s2, $0x0  }
0x430: {  	s3 =	rddreg [dreg:$0x2];
	[bflag:$0x3] =	sbarrier.arrive $0xFFFF;
	s2 =	simm.s32 @!p0 $0x1C08  }
0x431: {  	[timem:s3], [sflag:s2] =	dma.local @!p0 [hbm:s0], s1  }
0x432: {  	s0 =	simm.s32 @!p0 $0x8  }
0x433: {  	_ =	swait.ge @!p0 [sflag:s0], s1  }
0x434: {  	s1 =	ssub.s32 @!p0 $0x0, s1;
	[sflag:s0] =	ssyncset.done @!p0 $0x0  }
0x435: {  	[sflag:s0] =	ssyncadd.s32 @!p0 s1  }
0x436: {  	[bflag:$0x3] =	sbarrier.arrive $0xFFFF  }
0x437: {  	_ =	shalt  }

</sc_bundles>
